<compile_context>
chip_gen: v7x
topology: tpu7x:2x2x1
jax: 0.10.2.dev20260603
libtpu: 0.0.44.dev20260713+nightly
codegen_flags: <defaults>
</compile_context>

<pallas_src>
import jax
import jax.numpy as jnp
from jax import lax
from jax.experimental import pallas as pl
from jax.experimental.pallas import tpu as pltpu
from jax.experimental.pallas import tpu_sc as plsc

N_NODES = 10000
D_IN = 128
HID = 256
OUT = 128

NC = 2
NS = 16
LN = 128
DUMMY = N_NODES
ACC_ROWS = 10240
ZCH = ACC_ROWS // NS // LN
NGT0 = 112
NGT1 = 48
NGTP = NGT0 + NGT1
IDX_ROWS = NS * NGTP + 16
EDGES_PAD = NS * NGTP * LN
NGH0 = NGT0 // 2


def _sc_mesh():
    return plsc.VectorSubcoreMesh(
        core_axis_name="c", subcore_axis_name="s", num_cores=NC, num_subcores=NS)


def _deg_body(dst_hbm, ones_hbm, zeros_hbm, out_hbm, didx, ones_v, acc,
              ssem):
    c = lax.axis_index("c")
    s = lax.axis_index("s")
    pltpu.sync_copy(zeros_hbm, acc.at[pl.ds(s * 640, 640)])
    pltpu.sync_copy(ones_hbm, ones_v)
    row0 = s * NGTP + c * NGT0
    pltpu.sync_copy(dst_hbm.at[pl.ds(row0, NGT0)], didx)
    plsc.subcore_barrier()
    K = 8

    @pl.loop(0, NGT0 // K - c * ((NGT0 - NGT1) // K))
    def _(g):
        cps = [
            pltpu.async_copy(ones_v, acc.at[didx.at[g * K + j]], ssem, add=True)
            for j in range(K)
        ]
        for cp in cps:
            cp.wait()

    plsc.subcore_barrier()
    pltpu.sync_copy(acc.at[pl.ds(s * 640, 640)],
                    out_hbm.at[c, pl.ds(s * 640, 640)])


def _deg_kernel(dst2d, ones16, zeros16):
    k = pl.kernel(
        _deg_body,
        out_type=jax.ShapeDtypeStruct((NC, ACC_ROWS, 16), jnp.float32),
        mesh=_sc_mesh(),
        compiler_params=pltpu.CompilerParams(use_tc_tiling_on_sc=False),
        scratch_types=[
            pltpu.VMEM((NGT0, LN), jnp.int32),
            pltpu.VMEM((LN, 16), jnp.float32),
            pltpu.VMEM_SHARED((ACC_ROWS, 16), jnp.float32),
            pltpu.SemaphoreType.DMA,
        ],
    )
    return k(dst2d, ones16, zeros16)


def _edge_body(y_hbm, src_hbm, dst_hbm, zeros_hbm, out_hbm,
               sidx, didx, buf0, buf1, acc, gsem, ssem):
    c = lax.axis_index("c")
    s = lax.axis_index("s")
    pltpu.sync_copy(zeros_hbm, buf0)
    for i in range(ZCH):
        pltpu.sync_copy(buf0, acc.at[pl.ds(s * 640 + i * LN, LN)])
    row0 = s * NGTP + c * NGT0
    ngh = NGH0 - c * ((NGT0 - NGT1) // 2)
    pairs = ngh // 2
    pltpu.sync_copy(src_hbm.at[pl.ds(row0, NGH0)], sidx)
    pltpu.sync_copy(dst_hbm.at[pl.ds(row0, NGH0)], didx)
    plsc.subcore_barrier()

    def fire_gather(k, buf):
        pltpu.async_copy(y_hbm.at[sidx.at[k]], buf, gsem)

    def fire_scatter(k, buf):
        pltpu.async_copy(buf, acc.at[didx.at[k]], ssem, add=True)

    def drain(sem, buf):
        pltpu.make_async_copy(y_hbm.at[pl.ds(0, LN)], buf, sem).wait()

    for h in range(2):
        if h:
            pltpu.sync_copy(src_hbm.at[pl.ds(row0 + ngh, NGH0)], sidx)
            pltpu.sync_copy(dst_hbm.at[pl.ds(row0 + ngh, NGH0)], didx)
        fire_gather(0, buf0)

        @pl.loop(0, pairs)
        def _(t):
            k0 = 2 * t
            k1 = k0 + 1
            fire_gather(k1, buf1)
            drain(gsem, buf0)
            fire_scatter(k0, buf0)
            drain(ssem, buf0)

            @pl.when(t < pairs - 1)
            def _():
                fire_gather(k0 + 2, buf0)

            drain(gsem, buf1)
            fire_scatter(k1, buf1)
            drain(ssem, buf1)

    plsc.subcore_barrier()
    pltpu.sync_copy(acc.at[pl.ds(s * 640, 640)],
                    out_hbm.at[c, pl.ds(s * 640, 640)])


def _edge_pass(y, src2d, dst2d, zeros128):
    k = pl.kernel(
        _edge_body,
        out_type=jax.ShapeDtypeStruct((NC, ACC_ROWS, 128), jnp.float32),
        mesh=_sc_mesh(),
        compiler_params=pltpu.CompilerParams(use_tc_tiling_on_sc=False),
        scratch_types=[
            pltpu.VMEM((NGH0, LN), jnp.int32),
            pltpu.VMEM((NGH0, LN), jnp.int32),
            pltpu.VMEM((LN, 128), jnp.float32),
            pltpu.VMEM((LN, 128), jnp.float32),
            pltpu.VMEM_SHARED((ACC_ROWS, 128), jnp.float32),
            pltpu.SemaphoreType.DMA,
            pltpu.SemaphoreType.DMA,
        ],
    )
    return k(y, src2d, dst2d, zeros128)[:, :N_NODES]


R = 1000
GRID = N_NODES // R


def _dinv_of(deg_ref):
    deg = deg_ref[0, :, 0:1] + deg_ref[1, :, 0:1] + 1.0
    return lax.rsqrt(deg)


def _t1_body(x_ref, deg_ref, w1_ref, wu1_ref, bu1_ref, wu2_ref, bu2_ref,
             y1_ref, hnode_ref, gsum_ref):
    i = pl.program_id(0)
    x = x_ref[...]
    dinv = _dinv_of(deg_ref)
    xw = jnp.dot(x, w1_ref[...], preferred_element_type=jnp.float32)
    y1 = xw * dinv
    y1_ref[0] = y1[:, :128]
    y1_ref[1] = y1[:, 128:]
    hu = jnp.maximum(
        jnp.dot(x, wu1_ref[...], preferred_element_type=jnp.float32) + bu1_ref[...],
        0.0)
    hnode = jnp.dot(hu, wu2_ref[...], preferred_element_type=jnp.float32) + bu2_ref[...]
    hnode_ref[...] = hnode
    part = jnp.sum(hnode, axis=0, keepdims=True)

    @pl.when(i == 0)
    def _():
        gsum_ref[...] = part

    @pl.when(i != 0)
    def _():
        gsum_ref[...] += part


def _t2_body(y1_ref, a1a_ref, a1b_ref, deg_ref, b1_ref, w2_ref, y2_ref):
    dinv = _dinv_of(deg_ref)
    ha = a1a_ref[0] + a1a_ref[1] + y1_ref[0]
    hb = a1b_ref[0] + a1b_ref[1] + y1_ref[1]
    h = jnp.concatenate([ha, hb], axis=1) * dinv + b1_ref[...]
    h = jnp.maximum(h, 0.0)
    y2_ref[...] = jnp.dot(h, w2_ref[...], preferred_element_type=jnp.float32) * dinv


def _t3_body(y2_ref, a2_ref, deg_ref, b2_ref, out_ref):
    dinv = _dinv_of(deg_ref)
    out = (a2_ref[0] + a2_ref[1] + y2_ref[...]) * dinv + b2_ref[...]
    out_ref[...] = jnp.maximum(out, 0.0)


def _full(shape):
    return pl.BlockSpec(shape, lambda i: tuple(0 for _ in shape))


def _rows(shape3=None):
    if shape3 is None:
        return pl.BlockSpec((R, 128), lambda i: (i, 0))
    return pl.BlockSpec(shape3, lambda i: (0, i, 0))


def kernel(x, edge_index, W1, b1, W2, b2, Wu1, bu1, Wu2, bu2):
    pad = IDX_ROWS * LN - edge_index.shape[1]
    src2d = jnp.concatenate(
        [edge_index[0], jnp.zeros((pad,), jnp.int32)]).reshape(IDX_ROWS, LN)
    dst2d = jnp.concatenate(
        [edge_index[1], jnp.full((pad,), DUMMY, jnp.int32)]).reshape(IDX_ROWS, LN)
    ones16 = jnp.ones((LN, 16), jnp.float32)
    zeros16 = jnp.zeros((640, 16), jnp.float32)
    zeros128 = jnp.zeros((LN, 128), jnp.float32)

    deg16 = _deg_kernel(dst2d, ones16, zeros16)[:, :N_NODES]

    t1 = pl.pallas_call(
        _t1_body,
        grid=(GRID,),
        in_specs=[
            _rows(), _rows((NC, R, 16)), _full((128, 256)), _full((128, 256)),
            _full((1, 256)), _full((256, 128)), _full((1, 128)),
        ],
        out_specs=[_rows((2, R, 128)), _rows(), _full((1, 128))],
        out_shape=[
            jax.ShapeDtypeStruct((2, N_NODES, 128), jnp.float32),
            jax.ShapeDtypeStruct((N_NODES, 128), jnp.float32),
            jax.ShapeDtypeStruct((1, 128), jnp.float32),
        ],
    )
    y1s, h_node, gsum = t1(x, deg16, W1, Wu1, bu1.reshape(1, 256), Wu2,
                           bu2.reshape(1, 128))

    acc1a = _edge_pass(y1s[0], src2d, dst2d, zeros128)
    acc1b = _edge_pass(y1s[1], src2d, dst2d, zeros128)

    t2 = pl.pallas_call(
        _t2_body,
        grid=(GRID,),
        in_specs=[
            _rows((2, R, 128)), _rows((NC, R, 128)), _rows((NC, R, 128)),
            _rows((NC, R, 16)), _full((1, 256)), _full((256, 128)),
        ],
        out_specs=_rows(),
        out_shape=jax.ShapeDtypeStruct((N_NODES, 128), jnp.float32),
    )
    y2 = t2(y1s, acc1a, acc1b, deg16, b1.reshape(1, 256), W2)

    acc2 = _edge_pass(y2, src2d, dst2d, zeros128)

    t3 = pl.pallas_call(
        _t3_body,
        grid=(GRID,),
        in_specs=[
            _rows(), _rows((NC, R, 128)), _rows((NC, R, 16)), _full((1, 128)),
        ],
        out_specs=_rows(),
        out_shape=jax.ShapeDtypeStruct((N_NODES, 128), jnp.float32),
    )
    h_gnn = t3(y2, acc2, deg16, b2.reshape(1, 128))

    h_graph = gsum[0] / N_NODES
    return (h_gnn, h_node, h_node, h_graph)

# --- scband reference (transcript-rebuilt; emitter-appended) ---
"""Pipeline reference for scband-model-24584392802405 (READ-ONLY COPY).

The authoritative reference and input builder live on the scoring server;
editing this copy changes nothing except your own understanding.
"""

import jax, jax.numpy as jnp
import numpy as np

N = 10000
E = 320000
D_IN = 128
HID = 256  # 2 * out_channels inside Encoder
OUT = 128  # num_hidden


def setup_inputs(seed: int = 0) -> dict:
    key = jax.random.key(seed)
    ks = jax.random.split(key, 12)
    x = jax.random.normal(ks[0], (N, D_IN), dtype=jnp.float32)
    edge_index = jax.random.randint(ks[1], (2, E), 0, N, dtype=jnp.int32)
    # Encoder (GCNConv x2) params
    W1 = jax.random.normal(ks[2], (D_IN, HID), dtype=jnp.float32) / np.sqrt(D_IN)
    b1 = jnp.zeros((HID,), dtype=jnp.float32)
    W2 = jax.random.normal(ks[3], (HID, OUT), dtype=jnp.float32) / np.sqrt(HID)
    b2 = jnp.zeros((OUT,), dtype=jnp.float32)
    # encoderII (UniGNN, approximated as 2-layer MLP + graph pooling) params
    Wu1 = jax.random.normal(ks[4], (D_IN, HID), dtype=jnp.float32) / np.sqrt(D_IN)
    bu1 = jnp.zeros((HID,), dtype=jnp.float32)
    Wu2 = jax.random.normal(ks[5], (HID, OUT), dtype=jnp.float32) / np.sqrt(HID)
    bu2 = jnp.zeros((OUT,), dtype=jnp.float32)
    return {"x": x, "edge_index": edge_index, "W1": W1, "b1": b1, "W2": W2, "b2": b2,
            "Wu1": Wu1, "bu1": bu1, "Wu2": Wu2, "bu2": bu2}


def _gcn_conv(x, src, dst, W, b):
    n = x.shape[0]
    deg = jnp.zeros((n,), x.dtype).at[dst].add(1.0)
    dinv = 1.0 / jnp.sqrt(jnp.maximum(deg, 1.0))
    norm = dinv[src] * dinv[dst]
    xw = x @ W
    msg = jnp.take(xw, src, axis=0) * norm[:, None]
    out = jnp.zeros_like(xw).at[dst].add(msg)
    return out + b


def reference(x, edge_index, W1, b1, W2, b2, Wu1, bu1, Wu2, bu2):
    n = x.shape[0]
    loop = jnp.arange(n, dtype=edge_index.dtype)
    src = jnp.concatenate([edge_index[0], loop])
    dst = jnp.concatenate([edge_index[1], loop])
    # encoderI: k=2 GCN layers with relu activation after each
    h = jax.nn.relu(_gcn_conv(x, src, dst, W1, b1))
    h_gnn = jax.nn.relu(_gcn_conv(h, src, dst, W2, b2))
    # encoderII: UniGNN(x) -> (node, sub, graph)
    hu = jax.nn.relu(x @ Wu1 + bu1)
    h_node = hu @ Wu2 + bu2
    h_sub = h_node
    h_graph = jnp.mean(h_node, axis=0)
    return (h_gnn, h_node, h_sub, h_graph)

if __name__ == "__main__":
    import jax
    _d = setup_inputs()
    print(jax.jit(kernel)(*tuple(_d.values())))

</pallas_src>

<mosaic_0001>
#map = affine_map<(d0, d1) -> (0, 0)>
#map1 = affine_map<(d0, d1) -> (0, 0, 0)>
module attributes {stable_mosaic.version = 14 : i64} {
  func.func @_edge_body(%arg0: i32, %arg1: i32, %arg2: memref<10000x128xf32, #tpu.memory_space<hbm>>, %arg3: memref<2576x128xi32, #tpu.memory_space<hbm>>, %arg4: memref<2576x128xi32, #tpu.memory_space<hbm>>, %arg5: memref<128x128xf32, #tpu.memory_space<hbm>>, %arg6: memref<2x10240x128xf32, #tpu.memory_space<hbm>>, %arg7: memref<56x128xi32, #tpu.memory_space<vmem>>, %arg8: memref<56x128xi32, #tpu.memory_space<vmem>>, %arg9: memref<128x128xf32, #tpu.memory_space<vmem>>, %arg10: memref<128x128xf32, #tpu.memory_space<vmem>>, %arg11: memref<10240x128xf32, #tpu.memory_space<vmem_shared>>, %arg12: memref<!tpu.dma_semaphore, #tpu.memory_space<semaphore_mem>>, %arg13: memref<!tpu.dma_semaphore, #tpu.memory_space<semaphore_mem>>) attributes {dimension_semantics = [#tpu.dimension_semantics<core_parallel>, #tpu.dimension_semantics<subcore_parallel>], iteration_bounds = array<i64: 2, 16>, scalar_prefetch = 0 : i64, scratch_operands = 7 : i64, tpu.core_type = #tpu.core_type<sc_vector_subcore>, window_params = [{transform_indices = #map}, {transform_indices = #map}, {transform_indices = #map}, {transform_indices = #map}, {transform_indices = #map1}]} {
    "tpu.region"() ({
      %run_scoped3A = tpu.sem_alloc : memref<!tpu.dma_semaphore, #tpu.memory_space<semaphore_mem>>
      tpu.enqueue_dma source(%arg5 : memref<128x128xf32, #tpu.memory_space<hbm>>) target(%arg9 : memref<128x128xf32, #tpu.memory_space<vmem>>) target_semaphore(%run_scoped3A : memref<!tpu.dma_semaphore, #tpu.memory_space<semaphore_mem>>)
      tpu.wait_dma2 semaphore(%run_scoped3A : memref<!tpu.dma_semaphore, #tpu.memory_space<semaphore_mem>>) src(%arg5 : memref<128x128xf32, #tpu.memory_space<hbm>>) dst(%arg9 : memref<128x128xf32, #tpu.memory_space<vmem>>)
      tpu.yield
    }) : () -> ()
    %mul3A = arith.constant 640 : i32
    %mul3A_0 = arith.muli %arg1, %mul3A : i32
    %add3A = arith.constant 0 : i32
    %add3A_1 = arith.addi %mul3A_0, %add3A : i32
    "tpu.region"() ({
      %run_scoped3A = tpu.sem_alloc : memref<!tpu.dma_semaphore, #tpu.memory_space<semaphore_mem>>
      %dma_start3A_100 = arith.constant 0 : i32
      %dma_start3A_101 = tpu.memref_slice %arg11[%add3A_1, %dma_start3A_100] : memref<10240x128xf32, #tpu.memory_space<vmem_shared>> -> memref<128x128xf32, #tpu.memory_space<vmem_shared>>
      %dma_start3A_102 = arith.constant 0 : i32
      %dma_start3A_103 = tpu.memref_slice %arg11[%add3A_1, %dma_start3A_102] : memref<10240x128xf32, #tpu.memory_space<vmem_shared>> -> memref<128x128xf32, #tpu.memory_space<vmem_shared>>
      tpu.enqueue_dma source(%arg9 : memref<128x128xf32, #tpu.memory_space<vmem>>) target(%dma_start3A_103 : memref<128x128xf32, #tpu.memory_space<vmem_shared>>) target_semaphore(%run_scoped3A : memref<!tpu.dma_semaphore, #tpu.memory_space<semaphore_mem>>)
      %dma_wait3A = arith.constant 0 : i32
      %dma_wait3A_104 = tpu.memref_slice %arg11[%add3A_1, %dma_wait3A] : memref<10240x128xf32, #tpu.memory_space<vmem_shared>> -> memref<128x128xf32, #tpu.memory_space<vmem_shared>>
      %dma_wait3A_105 = arith.constant 0 : i32
      %dma_wait3A_106 = tpu.memref_slice %arg11[%add3A_1, %dma_wait3A_105] : memref<10240x128xf32, #tpu.memory_space<vmem_shared>> -> memref<128x128xf32, #tpu.memory_space<vmem_shared>>
      tpu.wait_dma2 semaphore(%run_scoped3A : memref<!tpu.dma_semaphore, #tpu.memory_space<semaphore_mem>>) src(%arg9 : memref<128x128xf32, #tpu.memory_space<vmem>>) dst(%dma_wait3A_106 : memref<128x128xf32, #tpu.memory_space<vmem_shared>>)
      tpu.yield
    }) : () -> ()
    %mul3A_2 = arith.constant 640 : i32
    %mul3A_3 = arith.muli %arg1, %mul3A_2 : i32
    %add3A_4 = arith.constant 128 : i32
    %add3A_5 = arith.addi %mul3A_3, %add3A_4 : i32
    "tpu.region"() ({
      %run_scoped3A = tpu.sem_alloc : memref<!tpu.dma_semaphore, #tpu.memory_space<semaphore_mem>>
      %dma_start3A_100 = arith.constant 0 : i32
      %dma_start3A_101 = tpu.memref_slice %arg11[%add3A_5, %dma_start3A_100] : memref<10240x128xf32, #tpu.memory_space<vmem_shared>> -> memref<128x128xf32, #tpu.memory_space<vmem_shared>>
      %dma_start3A_102 = arith.constant 0 : i32
      %dma_start3A_103 = tpu.memref_slice %arg11[%add3A_5, %dma_start3A_102] : memref<10240x128xf32, #tpu.memory_space<vmem_shared>> -> memref<128x128xf32, #tpu.memory_space<vmem_shared>>
      tpu.enqueue_dma source(%arg9 : memref<128x128xf32, #tpu.memory_space<vmem>>) target(%dma_start3A_103 : memref<128x128xf32, #tpu.memory_space<vmem_shared>>) target_semaphore(%run_scoped3A : memref<!tpu.dma_semaphore, #tpu.memory_space<semaphore_mem>>)
      %dma_wait3A = arith.constant 0 : i32
      %dma_wait3A_104 = tpu.memref_slice %arg11[%add3A_5, %dma_wait3A] : memref<10240x128xf32, #tpu.memory_space<vmem_shared>> -> memref<128x128xf32, #tpu.memory_space<vmem_shared>>
      %dma_wait3A_105 = arith.constant 0 : i32
      %dma_wait3A_106 = tpu.memref_slice %arg11[%add3A_5, %dma_wait3A_105] : memref<10240x128xf32, #tpu.memory_space<vmem_shared>> -> memref<128x128xf32, #tpu.memory_space<vmem_shared>>
      tpu.wait_dma2 semaphore(%run_scoped3A : memref<!tpu.dma_semaphore, #tpu.memory_space<semaphore_mem>>) src(%arg9 : memref<128x128xf32, #tpu.memory_space<vmem>>) dst(%dma_wait3A_106 : memref<128x128xf32, #tpu.memory_space<vmem_shared>>)
      tpu.yield
    }) : () -> ()
    %mul3A_6 = arith.constant 640 : i32
    %mul3A_7 = arith.muli %arg1, %mul3A_6 : i32
    %add3A_8 = arith.constant 256 : i32
    %add3A_9 = arith.addi %mul3A_7, %add3A_8 : i32
    "tpu.region"() ({
      %run_scoped3A = tpu.sem_alloc : memref<!tpu.dma_semaphore, #tpu.memory_space<semaphore_mem>>
      %dma_start3A_100 = arith.constant 0 : i32
      %dma_start3A_101 = tpu.memref_slice %arg11[%add3A_9, %dma_start3A_100] : memref<10240x128xf32, #tpu.memory_space<vmem_shared>> -> memref<128x128xf32, #tpu.memory_space<vmem_shared>>
      %dma_start3A_102 = arith.constant 0 : i32
      %dma_start3A_103 = tpu.memref_slice %arg11[%add3A_9, %dma_start3A_102] : memref<10240x128xf32, #tpu.memory_space<vmem_shared>> -> memref<128x128xf32, #tpu.memory_space<vmem_shared>>
      tpu.enqueue_dma source(%arg9 : memref<128x128xf32, #tpu.memory_space<vmem>>) target(%dma_start3A_103 : memref<128x128xf32, #tpu.memory_space<vmem_shared>>) target_semaphore(%run_scoped3A : memref<!tpu.dma_semaphore, #tpu.memory_space<semaphore_mem>>)
      %dma_wait3A = arith.constant 0 : i32
      %dma_wait3A_104 = tpu.memref_slice %arg11[%add3A_9, %dma_wait3A] : memref<10240x128xf32, #tpu.memory_space<vmem_shared>> -> memref<128x128xf32, #tpu.memory_space<vmem_shared>>
      %dma_wait3A_105 = arith.constant 0 : i32
      %dma_wait3A_106 = tpu.memref_slice %arg11[%add3A_9, %dma_wait3A_105] : memref<10240x128xf32, #tpu.memory_space<vmem_shared>> -> memref<128x128xf32, #tpu.memory_space<vmem_shared>>
      tpu.wait_dma2 semaphore(%run_scoped3A : memref<!tpu.dma_semaphore, #tpu.memory_space<semaphore_mem>>) src(%arg9 : memref<128x128xf32, #tpu.memory_space<vmem>>) dst(%dma_wait3A_106 : memref<128x128xf32, #tpu.memory_space<vmem_shared>>)
      tpu.yield
    }) : () -> ()
    %mul3A_10 = arith.constant 640 : i32
    %mul3A_11 = arith.muli %arg1, %mul3A_10 : i32
    %add3A_12 = arith.constant 384 : i32
    %add3A_13 = arith.addi %mul3A_11, %add3A_12 : i32
    "tpu.region"() ({
      %run_scoped3A = tpu.sem_alloc : memref<!tpu.dma_semaphore, #tpu.memory_space<semaphore_mem>>
      %dma_start3A_100 = arith.constant 0 : i32
      %dma_start3A_101 = tpu.memref_slice %arg11[%add3A_13, %dma_start3A_100] : memref<10240x128xf32, #tpu.memory_space<vmem_shared>> -> memref<128x128xf32, #tpu.memory_space<vmem_shared>>
      %dma_start3A_102 = arith.constant 0 : i32
      %dma_start3A_103 = tpu.memref_slice %arg11[%add3A_13, %dma_start3A_102] : memref<10240x128xf32, #tpu.memory_space<vmem_shared>> -> memref<128x128xf32, #tpu.memory_space<vmem_shared>>
      tpu.enqueue_dma source(%arg9 : memref<128x128xf32, #tpu.memory_space<vmem>>) target(%dma_start3A_103 : memref<128x128xf32, #tpu.memory_space<vmem_shared>>) target_semaphore(%run_scoped3A : memref<!tpu.dma_semaphore, #tpu.memory_space<semaphore_mem>>)
      %dma_wait3A = arith.constant 0 : i32
      %dma_wait3A_104 = tpu.memref_slice %arg11[%add3A_13, %dma_wait3A] : memref<10240x128xf32, #tpu.memory_space<vmem_shared>> -> memref<128x128xf32, #tpu.memory_space<vmem_shared>>
      %dma_wait3A_105 = arith.constant 0 : i32
      %dma_wait3A_106 = tpu.memref_slice %arg11[%add3A_13, %dma_wait3A_105] : memref<10240x128xf32, #tpu.memory_space<vmem_shared>> -> memref<128x128xf32, #tpu.memory_space<vmem_shared>>
      tpu.wait_dma2 semaphore(%run_scoped3A : memref<!tpu.dma_semaphore, #tpu.memory_space<semaphore_mem>>) src(%arg9 : memref<128x128xf32, #tpu.memory_space<vmem>>) dst(%dma_wait3A_106 : memref<128x128xf32, #tpu.memory_space<vmem_shared>>)
      tpu.yield
    }) : () -> ()
    %mul3A_14 = arith.constant 640 : i32
    %mul3A_15 = arith.muli %arg1, %mul3A_14 : i32
    %add3A_16 = arith.constant 512 : i32
    %add3A_17 = arith.addi %mul3A_15, %add3A_16 : i32
    "tpu.region"() ({
      %run_scoped3A = tpu.sem_alloc : memref<!tpu.dma_semaphore, #tpu.memory_space<semaphore_mem>>
      %dma_start3A_100 = arith.constant 0 : i32
      %dma_start3A_101 = tpu.memref_slice %arg11[%add3A_17, %dma_start3A_100] : memref<10240x128xf32, #tpu.memory_space<vmem_shared>> -> memref<128x128xf32, #tpu.memory_space<vmem_shared>>
      %dma_start3A_102 = arith.constant 0 : i32
      %dma_start3A_103 = tpu.memref_slice %arg11[%add3A_17, %dma_start3A_102] : memref<10240x128xf32, #tpu.memory_space<vmem_shared>> -> memref<128x128xf32, #tpu.memory_space<vmem_shared>>
      tpu.enqueue_dma source(%arg9 : memref<128x128xf32, #tpu.memory_space<vmem>>) target(%dma_start3A_103 : memref<128x128xf32, #tpu.memory_space<vmem_shared>>) target_semaphore(%run_scoped3A : memref<!tpu.dma_semaphore, #tpu.memory_space<semaphore_mem>>)
      %dma_wait3A = arith.constant 0 : i32
      %dma_wait3A_104 = tpu.memref_slice %arg11[%add3A_17, %dma_wait3A] : memref<10240x128xf32, #tpu.memory_space<vmem_shared>> -> memref<128x128xf32, #tpu.memory_space<vmem_shared>>
      %dma_wait3A_105 = arith.constant 0 : i32
      %dma_wait3A_106 = tpu.memref_slice %arg11[%add3A_17, %dma_wait3A_105] : memref<10240x128xf32, #tpu.memory_space<vmem_shared>> -> memref<128x128xf32, #tpu.memory_space<vmem_shared>>
      tpu.wait_dma2 semaphore(%run_scoped3A : memref<!tpu.dma_semaphore, #tpu.memory_space<semaphore_mem>>) src(%arg9 : memref<128x128xf32, #tpu.memory_space<vmem>>) dst(%dma_wait3A_106 : memref<128x128xf32, #tpu.memory_space<vmem_shared>>)
      tpu.yield
    }) : () -> ()
    %mul3A_18 = arith.constant 160 : i32
    %mul3A_19 = arith.muli %arg1, %mul3A_18 : i32
    %mul3A_20 = arith.constant 112 : i32
    %mul3A_21 = arith.muli %arg0, %mul3A_20 : i32
    %add3A_22 = arith.addi %mul3A_19, %mul3A_21 : i32
    %mul3A_23 = arith.constant 32 : i32
    %mul3A_24 = arith.muli %arg0, %mul3A_23 : i32
    %sub3A = arith.constant 56 : i32
    %sub3A_25 = arith.subi %sub3A, %mul3A_24 : i32
    %jit3A = arith.constant 2 : i32
    %div3A = arith.divsi %sub3A_25, %jit3A : i32
    %sign3A = arith.constant 0 : i32
    %sign3A_26 = arith.cmpi sgt, %sub3A_25, %sign3A : i32
    %sign3A_27 = arith.extui %sign3A_26 : i1 to i32
    %sign3A_28 = arith.constant 0 : i32
    %sign3A_29 = arith.cmpi slt, %sub3A_25, %sign3A_28 : i32
    %sign3A_30 = arith.extui %sign3A_29 : i1 to i32
    %sign3A_31 = arith.subi %sign3A_27, %sign3A_30 : i32
    %sign3A_32 = arith.constant 0 : i32
    %sign3A_33 = arith.cmpi sgt, %jit3A, %sign3A_32 : i32
    %sign3A_34 = arith.extui %sign3A_33 : i1 to i32
    %sign3A_35 = arith.constant 0 : i32
    %sign3A_36 = arith.cmpi slt, %jit3A, %sign3A_35 : i32
    %sign3A_37 = arith.extui %sign3A_36 : i1 to i32
    %sign3A_38 = arith.subi %sign3A_34, %sign3A_37 : i32
    %ne3A = arith.cmpi ne, %sign3A_31, %sign3A_38 : i32
    %rem3A = arith.remsi %sub3A_25, %jit3A : i32
    %ne3A_39 = arith.constant 0 : i32
    %ne3A_40 = arith.cmpi ne, %rem3A, %ne3A_39 : i32
    %and3A = arith.andi %ne3A, %ne3A_40 : i1
    %sub3A_41 = arith.constant 1 : i32
    %sub3A_42 = arith.subi %div3A, %sub3A_41 : i32
    %select_n3A = arith.select %and3A, %sub3A_42, %div3A : i32
    "tpu.region"() ({
      %run_scoped3A = tpu.sem_alloc : memref<!tpu.dma_semaphore, #tpu.memory_space<semaphore_mem>>
      %dma_start3A_100 = arith.constant 0 : i32
      %dma_start3A_101 = tpu.memref_slice %arg3[%add3A_22, %dma_start3A_100] : memref<2576x128xi32, #tpu.memory_space<hbm>> -> memref<56x128xi32, #tpu.memory_space<hbm>>
      %dma_start3A_102 = arith.constant 0 : i32
      %dma_start3A_103 = tpu.memref_slice %arg3[%add3A_22, %dma_start3A_102] : memref<2576x128xi32, #tpu.memory_space<hbm>> -> memref<56x128xi32, #tpu.memory_space<hbm>>
      tpu.enqueue_dma source(%dma_start3A_103 : memref<56x128xi32, #tpu.memory_space<hbm>>) target(%arg7 : memref<56x128xi32, #tpu.memory_space<vmem>>) target_semaphore(%run_scoped3A : memref<!tpu.dma_semaphore, #tpu.memory_space<semaphore_mem>>)
      %dma_wait3A = arith.constant 0 : i32
      %dma_wait3A_104 = tpu.memref_slice %arg3[%add3A_22, %dma_wait3A] : memref<2576x128xi32, #tpu.memory_space<hbm>> -> memref<56x128xi32, #tpu.memory_space<hbm>>
      %dma_wait3A_105 = arith.constant 0 : i32
      %dma_wait3A_106 = tpu.memref_slice %arg3[%add3A_22, %dma_wait3A_105] : memref<2576x128xi32, #tpu.memory_space<hbm>> -> memref<56x128xi32, #tpu.memory_space<hbm>>
      tpu.wait_dma2 semaphore(%run_scoped3A : memref<!tpu.dma_semaphore, #tpu.memory_space<semaphore_mem>>) src(%dma_wait3A_106 : memref<56x128xi32, #tpu.memory_space<hbm>>) dst(%arg7 : memref<56x128xi32, #tpu.memory_space<vmem>>)
      tpu.yield
    }) : () -> ()
    "tpu.region"() ({
      %run_scoped3A = tpu.sem_alloc : memref<!tpu.dma_semaphore, #tpu.memory_space<semaphore_mem>>
      %dma_start3A_100 = arith.constant 0 : i32
      %dma_start3A_101 = tpu.memref_slice %arg4[%add3A_22, %dma_start3A_100] : memref<2576x128xi32, #tpu.memory_space<hbm>> -> memref<56x128xi32, #tpu.memory_space<hbm>>
      %dma_start3A_102 = arith.constant 0 : i32
      %dma_start3A_103 = tpu.memref_slice %arg4[%add3A_22, %dma_start3A_102] : memref<2576x128xi32, #tpu.memory_space<hbm>> -> memref<56x128xi32, #tpu.memory_space<hbm>>
      tpu.enqueue_dma source(%dma_start3A_103 : memref<56x128xi32, #tpu.memory_space<hbm>>) target(%arg8 : memref<56x128xi32, #tpu.memory_space<vmem>>) target_semaphore(%run_scoped3A : memref<!tpu.dma_semaphore, #tpu.memory_space<semaphore_mem>>)
      %dma_wait3A = arith.constant 0 : i32
      %dma_wait3A_104 = tpu.memref_slice %arg4[%add3A_22, %dma_wait3A] : memref<2576x128xi32, #tpu.memory_space<hbm>> -> memref<56x128xi32, #tpu.memory_space<hbm>>
      %dma_wait3A_105 = arith.constant 0 : i32
      %dma_wait3A_106 = tpu.memref_slice %arg4[%add3A_22, %dma_wait3A_105] : memref<2576x128xi32, #tpu.memory_space<hbm>> -> memref<56x128xi32, #tpu.memory_space<hbm>>
      tpu.wait_dma2 semaphore(%run_scoped3A : memref<!tpu.dma_semaphore, #tpu.memory_space<semaphore_mem>>) src(%dma_wait3A_106 : memref<56x128xi32, #tpu.memory_space<hbm>>) dst(%arg8 : memref<56x128xi32, #tpu.memory_space<vmem>>)
      tpu.yield
    }) : () -> ()
    %barrier3A = arith.constant 0 : index
    tpu.barrier barrier_id(%barrier3A)
    %dma_start3A = arith.constant 0 : i32
    %dma_start3A_43 = arith.constant 0 : i32
    %dma_start3A_44 = tpu.memref_slice %arg7[%dma_start3A, %dma_start3A_43] : memref<56x128xi32, #tpu.memory_space<vmem>> -> memref<1x128xi32, #tpu.memory_space<vmem>>
    %dma_start3A_45 = tpu.memref_squeeze %dma_start3A_44 : memref<1x128xi32, #tpu.memory_space<vmem>> -> memref<128xi32, #tpu.memory_space<vmem>>
    %dma_start3A_46 = arith.constant 0 : i32
    %dma_start3A_47 = arith.constant 0 : i32
    %dma_start3A_48 = tpu.memref_slice %arg2[%dma_start3A_46, %dma_start3A_47] : memref<10000x128xf32, #tpu.memory_space<hbm>> -> memref<10000x128xf32, #tpu.memory_space<hbm>>
    tpu.enqueue_indirect_dma source(%dma_start3A_48 : memref<10000x128xf32, #tpu.memory_space<hbm>>) target(%arg9 : memref<128x128xf32, #tpu.memory_space<vmem>>) offsets(%dma_start3A_45 : memref<128xi32, #tpu.memory_space<vmem>>) semaphore(%arg12 : memref<!tpu.dma_semaphore, #tpu.memory_space<semaphore_mem>>)
    %sub3A_49 = arith.constant 0 : i32
    %sub3A_50 = arith.subi %select_n3A, %sub3A_49 : i32
    %sub3A_51 = arith.constant 1 : i32
    %sub3A_52 = arith.constant 1 : i32
    %sub3A_53 = arith.subi %sub3A_51, %sub3A_52 : i32
    %add3A_54 = arith.addi %sub3A_50, %sub3A_53 : i32
    %div3A_55 = arith.constant 1 : i32
    %div3A_56 = arith.divsi %add3A_54, %div3A_55 : i32
    %while3A = arith.constant 1 : i32
    %while3A_57 = arith.constant 0 : i32
    %while3A_58 = arith.constant 0 : i32
    %while3A_59 = arith.subi %div3A_56, %while3A_58 : i32
    %while3A_60 = arith.addi %while3A_58, %while3A_59 : i32
    %while3A_61 = arith.constant 1 : i32
    %while3A_62 = arith.divsi %while3A_59, %while3A_61 : i32
    %while3A_63 = arith.muli %while3A_62, %while3A_61 : i32
    %while3A_64 = arith.addi %while3A_58, %while3A_63 : i32
    %while3A_65 = arith.constant 1 : i32
    scf.for %while3A_100 = %while3A_58 to %while3A_64 step %while3A_65  : i32 {
      %mul3A_101 = arith.muli %while3A_100, %while3A : i32
      %add3A_102 = arith.addi %while3A_57, %mul3A_101 : i32
      %mul3A_103 = arith.constant 2 : i32
      %mul3A_104 = arith.muli %mul3A_103, %add3A_102 : i32
      %add3A_105 = arith.constant 1 : i32
      %add3A_106 = arith.addi %mul3A_104, %add3A_105 : i32
      %dma_start3A_107 = arith.constant 0 : i32
      %dma_start3A_108 = tpu.memref_slice %arg7[%add3A_106, %dma_start3A_107] : memref<56x128xi32, #tpu.memory_space<vmem>> -> memref<1x128xi32, #tpu.memory_space<vmem>>
      %dma_start3A_109 = tpu.memref_squeeze %dma_start3A_108 : memref<1x128xi32, #tpu.memory_space<vmem>> -> memref<128xi32, #tpu.memory_space<vmem>>
      %dma_start3A_110 = arith.constant 0 : i32
      %dma_start3A_111 = arith.constant 0 : i32
      %dma_start3A_112 = tpu.memref_slice %arg2[%dma_start3A_110, %dma_start3A_111] : memref<10000x128xf32, #tpu.memory_space<hbm>> -> memref<10000x128xf32, #tpu.memory_space<hbm>>
      tpu.enqueue_indirect_dma source(%dma_start3A_112 : memref<10000x128xf32, #tpu.memory_space<hbm>>) target(%arg10 : memref<128x128xf32, #tpu.memory_space<vmem>>) offsets(%dma_start3A_109 : memref<128xi32, #tpu.memory_space<vmem>>) semaphore(%arg12 : memref<!tpu.dma_semaphore, #tpu.memory_space<semaphore_mem>>)
      %dma_wait3A = arith.constant 0 : i32
      %dma_wait3A_113 = arith.constant 0 : i32
      %dma_wait3A_114 = tpu.memref_slice %arg2[%dma_wait3A, %dma_wait3A_113] : memref<10000x128xf32, #tpu.memory_space<hbm>> -> memref<128x128xf32, #tpu.memory_space<hbm>>
      %dma_wait3A_115 = arith.constant 0 : i32
      %dma_wait3A_116 = arith.constant 0 : i32
      %dma_wait3A_117 = tpu.memref_slice %arg2[%dma_wait3A_115, %dma_wait3A_116] : memref<10000x128xf32, #tpu.memory_space<hbm>> -> memref<128x128xf32, #tpu.memory_space<hbm>>
      tpu.wait_dma2 semaphore(%arg12 : memref<!tpu.dma_semaphore, #tpu.memory_space<semaphore_mem>>) src(%dma_wait3A_117 : memref<128x128xf32, #tpu.memory_space<hbm>>) dst(%arg9 : memref<128x128xf32, #tpu.memory_space<vmem>>)
      %dma_start3A_118 = arith.constant 0 : i32
      %dma_start3A_119 = tpu.memref_slice %arg8[%mul3A_104, %dma_start3A_118] : memref<56x128xi32, #tpu.memory_space<vmem>> -> memref<1x128xi32, #tpu.memory_space<vmem>>
      %dma_start3A_120 = tpu.memref_squeeze %dma_start3A_119 : memref<1x128xi32, #tpu.memory_space<vmem>> -> memref<128xi32, #tpu.memory_space<vmem>>
      %dma_start3A_121 = arith.constant 0 : i32
      %dma_start3A_122 = arith.constant 0 : i32
      %dma_start3A_123 = tpu.memref_slice %arg11[%dma_start3A_121, %dma_start3A_122] : memref<10240x128xf32, #tpu.memory_space<vmem_shared>> -> memref<10240x128xf32, #tpu.memory_space<vmem_shared>>
      tpu.enqueue_indirect_dma source(%arg9 : memref<128x128xf32, #tpu.memory_space<vmem>>) target(%dma_start3A_123 : memref<10240x128xf32, #tpu.memory_space<vmem_shared>>) offsets(%dma_start3A_120 : memref<128xi32, #tpu.memory_space<vmem>>) semaphore(%arg13 : memref<!tpu.dma_semaphore, #tpu.memory_space<semaphore_mem>>) {add = true}
      %dma_wait3A_124 = arith.constant 0 : i32
      %dma_wait3A_125 = arith.constant 0 : i32
      %dma_wait3A_126 = tpu.memref_slice %arg2[%dma_wait3A_124, %dma_wait3A_125] : memref<10000x128xf32, #tpu.memory_space<hbm>> -> memref<128x128xf32, #tpu.memory_space<hbm>>
      %dma_wait3A_127 = arith.constant 0 : i32
      %dma_wait3A_128 = arith.constant 0 : i32
      %dma_wait3A_129 = tpu.memref_slice %arg2[%dma_wait3A_127, %dma_wait3A_128] : memref<10000x128xf32, #tpu.memory_space<hbm>> -> memref<128x128xf32, #tpu.memory_space<hbm>>
      tpu.wait_dma2 semaphore(%arg13 : memref<!tpu.dma_semaphore, #tpu.memory_space<semaphore_mem>>) src(%dma_wait3A_129 : memref<128x128xf32, #tpu.memory_space<hbm>>) dst(%arg9 : memref<128x128xf32, #tpu.memory_space<vmem>>)
      %sub3A_130 = arith.constant 1 : i32
      %sub3A_131 = arith.subi %select_n3A, %sub3A_130 : i32
      %lt3A = arith.cmpi slt, %add3A_102, %sub3A_131 : i32
      %convert_element_type3A = arith.extui %lt3A : i1 to i32
      %cond3A = arith.constant 0 : i32
      %cond3A_132 = arith.cmpi ne, %convert_element_type3A, %cond3A : i32
      scf.if %cond3A_132 {
        %add3A_151 = arith.constant 2 : i32
        %add3A_152 = arith.addi %mul3A_104, %add3A_151 : i32
        %dma_start3A_153 = arith.constant 0 : i32
        %dma_start3A_154 = tpu.memref_slice %arg7[%add3A_152, %dma_start3A_153] : memref<56x128xi32, #tpu.memory_space<vmem>> -> memref<1x128xi32, #tpu.memory_space<vmem>>
        %dma_start3A_155 = tpu.memref_squeeze %dma_start3A_154 : memref<1x128xi32, #tpu.memory_space<vmem>> -> memref<128xi32, #tpu.memory_space<vmem>>
        %dma_start3A_156 = arith.constant 0 : i32
        %dma_start3A_157 = arith.constant 0 : i32
        %dma_start3A_158 = tpu.memref_slice %arg2[%dma_start3A_156, %dma_start3A_157] : memref<10000x128xf32, #tpu.memory_space<hbm>> -> memref<10000x128xf32, #tpu.memory_space<hbm>>
        tpu.enqueue_indirect_dma source(%dma_start3A_158 : memref<10000x128xf32, #tpu.memory_space<hbm>>) target(%arg9 : memref<128x128xf32, #tpu.memory_space<vmem>>) offsets(%dma_start3A_155 : memref<128xi32, #tpu.memory_space<vmem>>) semaphore(%arg12 : memref<!tpu.dma_semaphore, #tpu.memory_space<semaphore_mem>>)
      } else {
      }
      %dma_wait3A_133 = arith.constant 0 : i32
      %dma_wait3A_134 = arith.constant 0 : i32
      %dma_wait3A_135 = tpu.memref_slice %arg2[%dma_wait3A_133, %dma_wait3A_134] : memref<10000x128xf32, #tpu.memory_space<hbm>> -> memref<128x128xf32, #tpu.memory_space<hbm>>
      %dma_wait3A_136 = arith.constant 0 : i32
      %dma_wait3A_137 = arith.constant 0 : i32
      %dma_wait3A_138 = tpu.memref_slice %arg2[%dma_wait3A_136, %dma_wait3A_137] : memref<10000x128xf32, #tpu.memory_space<hbm>> -> memref<128x128xf32, #tpu.memory_space<hbm>>
      tpu.wait_dma2 semaphore(%arg12 : memref<!tpu.dma_semaphore, #tpu.memory_space<semaphore_mem>>) src(%dma_wait3A_138 : memref<128x128xf32, #tpu.memory_space<hbm>>) dst(%arg10 : memref<128x128xf32, #tpu.memory_space<vmem>>)
      %dma_start3A_139 = arith.constant 0 : i32
      %dma_start3A_140 = tpu.memref_slice %arg8[%add3A_106, %dma_start3A_139] : memref<56x128xi32, #tpu.memory_space<vmem>> -> memref<1x128xi32, #tpu.memory_space<vmem>>
      %dma_start3A_141 = tpu.memref_squeeze %dma_start3A_140 : memref<1x128xi32, #tpu.memory_space<vmem>> -> memref<128xi32, #tpu.memory_space<vmem>>
      %dma_start3A_142 = arith.constant 0 : i32
      %dma_start3A_143 = arith.constant 0 : i32
      %dma_start3A_144 = tpu.memref_slice %arg11[%dma_start3A_142, %dma_start3A_143] : memref<10240x128xf32, #tpu.memory_space<vmem_shared>> -> memref<10240x128xf32, #tpu.memory_space<vmem_shared>>
      tpu.enqueue_indirect_dma source(%arg10 : memref<128x128xf32, #tpu.memory_space<vmem>>) target(%dma_start3A_144 : memref<10240x128xf32, #tpu.memory_space<vmem_shared>>) offsets(%dma_start3A_141 : memref<128xi32, #tpu.memory_space<vmem>>) semaphore(%arg13 : memref<!tpu.dma_semaphore, #tpu.memory_space<semaphore_mem>>) {add = true}
      %dma_wait3A_145 = arith.constant 0 : i32
      %dma_wait3A_146 = arith.constant 0 : i32
      %dma_wait3A_147 = tpu.memref_slice %arg2[%dma_wait3A_145, %dma_wait3A_146] : memref<10000x128xf32, #tpu.memory_space<hbm>> -> memref<128x128xf32, #tpu.memory_space<hbm>>
      %dma_wait3A_148 = arith.constant 0 : i32
      %dma_wait3A_149 = arith.constant 0 : i32
      %dma_wait3A_150 = tpu.memref_slice %arg2[%dma_wait3A_148, %dma_wait3A_149] : memref<10000x128xf32, #tpu.memory_space<hbm>> -> memref<128x128xf32, #tpu.memory_space<hbm>>
      tpu.wait_dma2 semaphore(%arg13 : memref<!tpu.dma_semaphore, #tpu.memory_space<semaphore_mem>>) src(%dma_wait3A_150 : memref<128x128xf32, #tpu.memory_space<hbm>>) dst(%arg10 : memref<128x128xf32, #tpu.memory_space<vmem>>)
    }
    %while3A_66 = arith.constant 1 : i32
    scf.for %while3A_100 = %while3A_64 to %while3A_60 step %while3A_66  : i32 {
      %mul3A_101 = arith.muli %while3A_100, %while3A : i32
      %add3A_102 = arith.addi %while3A_57, %mul3A_101 : i32
      %mul3A_103 = arith.constant 2 : i32
      %mul3A_104 = arith.muli %mul3A_103, %add3A_102 : i32
      %add3A_105 = arith.constant 1 : i32
      %add3A_106 = arith.addi %mul3A_104, %add3A_105 : i32
      %dma_start3A_107 = arith.constant 0 : i32
      %dma_start3A_108 = tpu.memref_slice %arg7[%add3A_106, %dma_start3A_107] : memref<56x128xi32, #tpu.memory_space<vmem>> -> memref<1x128xi32, #tpu.memory_space<vmem>>
      %dma_start3A_109 = tpu.memref_squeeze %dma_start3A_108 : memref<1x128xi32, #tpu.memory_space<vmem>> -> memref<128xi32, #tpu.memory_space<vmem>>
      %dma_start3A_110 = arith.constant 0 : i32
      %dma_start3A_111 = arith.constant 0 : i32
      %dma_start3A_112 = tpu.memref_slice %arg2[%dma_start3A_110, %dma_start3A_111] : memref<10000x128xf32, #tpu.memory_space<hbm>> -> memref<10000x128xf32, #tpu.memory_space<hbm>>
      tpu.enqueue_indirect_dma source(%dma_start3A_112 : memref<10000x128xf32, #tpu.memory_space<hbm>>) target(%arg10 : memref<128x128xf32, #tpu.memory_space<vmem>>) offsets(%dma_start3A_109 : memref<128xi32, #tpu.memory_space<vmem>>) semaphore(%arg12 : memref<!tpu.dma_semaphore, #tpu.memory_space<semaphore_mem>>)
      %dma_wait3A = arith.constant 0 : i32
      %dma_wait3A_113 = arith.constant 0 : i32
      %dma_wait3A_114 = tpu.memref_slice %arg2[%dma_wait3A, %dma_wait3A_113] : memref<10000x128xf32, #tpu.memory_space<hbm>> -> memref<128x128xf32, #tpu.memory_space<hbm>>
      %dma_wait3A_115 = arith.constant 0 : i32
      %dma_wait3A_116 = arith.constant 0 : i32
      %dma_wait3A_117 = tpu.memref_slice %arg2[%dma_wait3A_115, %dma_wait3A_116] : memref<10000x128xf32, #tpu.memory_space<hbm>> -> memref<128x128xf32, #tpu.memory_space<hbm>>
      tpu.wait_dma2 semaphore(%arg12 : memref<!tpu.dma_semaphore, #tpu.memory_space<semaphore_mem>>) src(%dma_wait3A_117 : memref<128x128xf32, #tpu.memory_space<hbm>>) dst(%arg9 : memref<128x128xf32, #tpu.memory_space<vmem>>)
      %dma_start3A_118 = arith.constant 0 : i32
      %dma_start3A_119 = tpu.memref_slice %arg8[%mul3A_104, %dma_start3A_118] : memref<56x128xi32, #tpu.memory_space<vmem>> -> memref<1x128xi32, #tpu.memory_space<vmem>>
      %dma_start3A_120 = tpu.memref_squeeze %dma_start3A_119 : memref<1x128xi32, #tpu.memory_space<vmem>> -> memref<128xi32, #tpu.memory_space<vmem>>
      %dma_start3A_121 = arith.constant 0 : i32
      %dma_start3A_122 = arith.constant 0 : i32
      %dma_start3A_123 = tpu.memref_slice %arg11[%dma_start3A_121, %dma_start3A_122] : memref<10240x128xf32, #tpu.memory_space<vmem_shared>> -> memref<10240x128xf32, #tpu.memory_space<vmem_shared>>
      tpu.enqueue_indirect_dma source(%arg9 : memref<128x128xf32, #tpu.memory_space<vmem>>) target(%dma_start3A_123 : memref<10240x128xf32, #tpu.memory_space<vmem_shared>>) offsets(%dma_start3A_120 : memref<128xi32, #tpu.memory_space<vmem>>) semaphore(%arg13 : memref<!tpu.dma_semaphore, #tpu.memory_space<semaphore_mem>>) {add = true}
      %dma_wait3A_124 = arith.constant 0 : i32
      %dma_wait3A_125 = arith.constant 0 : i32
      %dma_wait3A_126 = tpu.memref_slice %arg2[%dma_wait3A_124, %dma_wait3A_125] : memref<10000x128xf32, #tpu.memory_space<hbm>> -> memref<128x128xf32, #tpu.memory_space<hbm>>
      %dma_wait3A_127 = arith.constant 0 : i32
      %dma_wait3A_128 = arith.constant 0 : i32
      %dma_wait3A_129 = tpu.memref_slice %arg2[%dma_wait3A_127, %dma_wait3A_128] : memref<10000x128xf32, #tpu.memory_space<hbm>> -> memref<128x128xf32, #tpu.memory_space<hbm>>
      tpu.wait_dma2 semaphore(%arg13 : memref<!tpu.dma_semaphore, #tpu.memory_space<semaphore_mem>>) src(%dma_wait3A_129 : memref<128x128xf32, #tpu.memory_space<hbm>>) dst(%arg9 : memref<128x128xf32, #tpu.memory_space<vmem>>)
      %sub3A_130 = arith.constant 1 : i32
      %sub3A_131 = arith.subi %select_n3A, %sub3A_130 : i32
      %lt3A = arith.cmpi slt, %add3A_102, %sub3A_131 : i32
      %convert_element_type3A = arith.extui %lt3A : i1 to i32
      %cond3A = arith.constant 0 : i32
      %cond3A_132 = arith.cmpi ne, %convert_element_type3A, %cond3A : i32
      scf.if %cond3A_132 {
        %add3A_151 = arith.constant 2 : i32
        %add3A_152 = arith.addi %mul3A_104, %add3A_151 : i32
        %dma_start3A_153 = arith.constant 0 : i32
        %dma_start3A_154 = tpu.memref_slice %arg7[%add3A_152, %dma_start3A_153] : memref<56x128xi32, #tpu.memory_space<vmem>> -> memref<1x128xi32, #tpu.memory_space<vmem>>
        %dma_start3A_155 = tpu.memref_squeeze %dma_start3A_154 : memref<1x128xi32, #tpu.memory_space<vmem>> -> memref<128xi32, #tpu.memory_space<vmem>>
        %dma_start3A_156 = arith.constant 0 : i32
        %dma_start3A_157 = arith.constant 0 : i32
        %dma_start3A_158 = tpu.memref_slice %arg2[%dma_start3A_156, %dma_start3A_157] : memref<10000x128xf32, #tpu.memory_space<hbm>> -> memref<10000x128xf32, #tpu.memory_space<hbm>>
        tpu.enqueue_indirect_dma source(%dma_start3A_158 : memref<10000x128xf32, #tpu.memory_space<hbm>>) target(%arg9 : memref<128x128xf32, #tpu.memory_space<vmem>>) offsets(%dma_start3A_155 : memref<128xi32, #tpu.memory_space<vmem>>) semaphore(%arg12 : memref<!tpu.dma_semaphore, #tpu.memory_space<semaphore_mem>>)
      } else {
      }
      %dma_wait3A_133 = arith.constant 0 : i32
      %dma_wait3A_134 = arith.constant 0 : i32
      %dma_wait3A_135 = tpu.memref_slice %arg2[%dma_wait3A_133, %dma_wait3A_134] : memref<10000x128xf32, #tpu.memory_space<hbm>> -> memref<128x128xf32, #tpu.memory_space<hbm>>
      %dma_wait3A_136 = arith.constant 0 : i32
      %dma_wait3A_137 = arith.constant 0 : i32
      %dma_wait3A_138 = tpu.memref_slice %arg2[%dma_wait3A_136, %dma_wait3A_137] : memref<10000x128xf32, #tpu.memory_space<hbm>> -> memref<128x128xf32, #tpu.memory_space<hbm>>
      tpu.wait_dma2 semaphore(%arg12 : memref<!tpu.dma_semaphore, #tpu.memory_space<semaphore_mem>>) src(%dma_wait3A_138 : memref<128x128xf32, #tpu.memory_space<hbm>>) dst(%arg10 : memref<128x128xf32, #tpu.memory_space<vmem>>)
      %dma_start3A_139 = arith.constant 0 : i32
      %dma_start3A_140 = tpu.memref_slice %arg8[%add3A_106, %dma_start3A_139] : memref<56x128xi32, #tpu.memory_space<vmem>> -> memref<1x128xi32, #tpu.memory_space<vmem>>
      %dma_start3A_141 = tpu.memref_squeeze %dma_start3A_140 : memref<1x128xi32, #tpu.memory_space<vmem>> -> memref<128xi32, #tpu.memory_space<vmem>>
      %dma_start3A_142 = arith.constant 0 : i32
      %dma_start3A_143 = arith.constant 0 : i32
      %dma_start3A_144 = tpu.memref_slice %arg11[%dma_start3A_142, %dma_start3A_143] : memref<10240x128xf32, #tpu.memory_space<vmem_shared>> -> memref<10240x128xf32, #tpu.memory_space<vmem_shared>>
      tpu.enqueue_indirect_dma source(%arg10 : memref<128x128xf32, #tpu.memory_space<vmem>>) target(%dma_start3A_144 : memref<10240x128xf32, #tpu.memory_space<vmem_shared>>) offsets(%dma_start3A_141 : memref<128xi32, #tpu.memory_space<vmem>>) semaphore(%arg13 : memref<!tpu.dma_semaphore, #tpu.memory_space<semaphore_mem>>) {add = true}
      %dma_wait3A_145 = arith.constant 0 : i32
      %dma_wait3A_146 = arith.constant 0 : i32
      %dma_wait3A_147 = tpu.memref_slice %arg2[%dma_wait3A_145, %dma_wait3A_146] : memref<10000x128xf32, #tpu.memory_space<hbm>> -> memref<128x128xf32, #tpu.memory_space<hbm>>
      %dma_wait3A_148 = arith.constant 0 : i32
      %dma_wait3A_149 = arith.constant 0 : i32
      %dma_wait3A_150 = tpu.memref_slice %arg2[%dma_wait3A_148, %dma_wait3A_149] : memref<10000x128xf32, #tpu.memory_space<hbm>> -> memref<128x128xf32, #tpu.memory_space<hbm>>
      tpu.wait_dma2 semaphore(%arg13 : memref<!tpu.dma_semaphore, #tpu.memory_space<semaphore_mem>>) src(%dma_wait3A_150 : memref<128x128xf32, #tpu.memory_space<hbm>>) dst(%arg10 : memref<128x128xf32, #tpu.memory_space<vmem>>)
    }
    %add3A_67 = arith.addi %add3A_22, %sub3A_25 : i32
    "tpu.region"() ({
      %run_scoped3A = tpu.sem_alloc : memref<!tpu.dma_semaphore, #tpu.memory_space<semaphore_mem>>
      %dma_start3A_100 = arith.constant 0 : i32
      %dma_start3A_101 = tpu.memref_slice %arg3[%add3A_67, %dma_start3A_100] : memref<2576x128xi32, #tpu.memory_space<hbm>> -> memref<56x128xi32, #tpu.memory_space<hbm>>
      %dma_start3A_102 = arith.constant 0 : i32
      %dma_start3A_103 = tpu.memref_slice %arg3[%add3A_67, %dma_start3A_102] : memref<2576x128xi32, #tpu.memory_space<hbm>> -> memref<56x128xi32, #tpu.memory_space<hbm>>
      tpu.enqueue_dma source(%dma_start3A_103 : memref<56x128xi32, #tpu.memory_space<hbm>>) target(%arg7 : memref<56x128xi32, #tpu.memory_space<vmem>>) target_semaphore(%run_scoped3A : memref<!tpu.dma_semaphore, #tpu.memory_space<semaphore_mem>>)
      %dma_wait3A = arith.constant 0 : i32
      %dma_wait3A_104 = tpu.memref_slice %arg3[%add3A_67, %dma_wait3A] : memref<2576x128xi32, #tpu.memory_space<hbm>> -> memref<56x128xi32, #tpu.memory_space<hbm>>
      %dma_wait3A_105 = arith.constant 0 : i32
      %dma_wait3A_106 = tpu.memref_slice %arg3[%add3A_67, %dma_wait3A_105] : memref<2576x128xi32, #tpu.memory_space<hbm>> -> memref<56x128xi32, #tpu.memory_space<hbm>>
      tpu.wait_dma2 semaphore(%run_scoped3A : memref<!tpu.dma_semaphore, #tpu.memory_space<semaphore_mem>>) src(%dma_wait3A_106 : memref<56x128xi32, #tpu.memory_space<hbm>>) dst(%arg7 : memref<56x128xi32, #tpu.memory_space<vmem>>)
      tpu.yield
    }) : () -> ()
    %add3A_68 = arith.addi %add3A_22, %sub3A_25 : i32
    "tpu.region"() ({
      %run_scoped3A = tpu.sem_alloc : memref<!tpu.dma_semaphore, #tpu.memory_space<semaphore_mem>>
      %dma_start3A_100 = arith.constant 0 : i32
      %dma_start3A_101 = tpu.memref_slice %arg4[%add3A_68, %dma_start3A_100] : memref<2576x128xi32, #tpu.memory_space<hbm>> -> memref<56x128xi32, #tpu.memory_space<hbm>>
      %dma_start3A_102 = arith.constant 0 : i32
      %dma_start3A_103 = tpu.memref_slice %arg4[%add3A_68, %dma_start3A_102] : memref<2576x128xi32, #tpu.memory_space<hbm>> -> memref<56x128xi32, #tpu.memory_space<hbm>>
      tpu.enqueue_dma source(%dma_start3A_103 : memref<56x128xi32, #tpu.memory_space<hbm>>) target(%arg8 : memref<56x128xi32, #tpu.memory_space<vmem>>) target_semaphore(%run_scoped3A : memref<!tpu.dma_semaphore, #tpu.memory_space<semaphore_mem>>)
      %dma_wait3A = arith.constant 0 : i32
      %dma_wait3A_104 = tpu.memref_slice %arg4[%add3A_68, %dma_wait3A] : memref<2576x128xi32, #tpu.memory_space<hbm>> -> memref<56x128xi32, #tpu.memory_space<hbm>>
      %dma_wait3A_105 = arith.constant 0 : i32
      %dma_wait3A_106 = tpu.memref_slice %arg4[%add3A_68, %dma_wait3A_105] : memref<2576x128xi32, #tpu.memory_space<hbm>> -> memref<56x128xi32, #tpu.memory_space<hbm>>
      tpu.wait_dma2 semaphore(%run_scoped3A : memref<!tpu.dma_semaphore, #tpu.memory_space<semaphore_mem>>) src(%dma_wait3A_106 : memref<56x128xi32, #tpu.memory_space<hbm>>) dst(%arg8 : memref<56x128xi32, #tpu.memory_space<vmem>>)
      tpu.yield
    }) : () -> ()
    %dma_start3A_69 = arith.constant 0 : i32
    %dma_start3A_70 = arith.constant 0 : i32
    %dma_start3A_71 = tpu.memref_slice %arg7[%dma_start3A_69, %dma_start3A_70] : memref<56x128xi32, #tpu.memory_space<vmem>> -> memref<1x128xi32, #tpu.memory_space<vmem>>
    %dma_start3A_72 = tpu.memref_squeeze %dma_start3A_71 : memref<1x128xi32, #tpu.memory_space<vmem>> -> memref<128xi32, #tpu.memory_space<vmem>>
    %dma_start3A_73 = arith.constant 0 : i32
    %dma_start3A_74 = arith.constant 0 : i32
    %dma_start3A_75 = tpu.memref_slice %arg2[%dma_start3A_73, %dma_start3A_74] : memref<10000x128xf32, #tpu.memory_space<hbm>> -> memref<10000x128xf32, #tpu.memory_space<hbm>>
    tpu.enqueue_indirect_dma source(%dma_start3A_75 : memref<10000x128xf32, #tpu.memory_space<hbm>>) target(%arg9 : memref<128x128xf32, #tpu.memory_space<vmem>>) offsets(%dma_start3A_72 : memref<128xi32, #tpu.memory_space<vmem>>) semaphore(%arg12 : memref<!tpu.dma_semaphore, #tpu.memory_space<semaphore_mem>>)
    %sub3A_76 = arith.constant 0 : i32
    %sub3A_77 = arith.subi %select_n3A, %sub3A_76 : i32
    %sub3A_78 = arith.constant 1 : i32
    %sub3A_79 = arith.constant 1 : i32
    %sub3A_80 = arith.subi %sub3A_78, %sub3A_79 : i32
    %add3A_81 = arith.addi %sub3A_77, %sub3A_80 : i32
    %div3A_82 = arith.constant 1 : i32
    %div3A_83 = arith.divsi %add3A_81, %div3A_82 : i32
    %while3A_84 = arith.constant 1 : i32
    %while3A_85 = arith.constant 0 : i32
    %while3A_86 = arith.constant 0 : i32
    %while3A_87 = arith.subi %div3A_83, %while3A_86 : i32
    %while3A_88 = arith.addi %while3A_86, %while3A_87 : i32
    %while3A_89 = arith.constant 1 : i32
    %while3A_90 = arith.divsi %while3A_87, %while3A_89 : i32
    %while3A_91 = arith.muli %while3A_90, %while3A_89 : i32
    %while3A_92 = arith.addi %while3A_86, %while3A_91 : i32
    %while3A_93 = arith.constant 1 : i32
    scf.for %while3A_100 = %while3A_86 to %while3A_92 step %while3A_93  : i32 {
      %mul3A_101 = arith.muli %while3A_100, %while3A_84 : i32
      %add3A_102 = arith.addi %while3A_85, %mul3A_101 : i32
      %mul3A_103 = arith.constant 2 : i32
      %mul3A_104 = arith.muli %mul3A_103, %add3A_102 : i32
      %add3A_105 = arith.constant 1 : i32
      %add3A_106 = arith.addi %mul3A_104, %add3A_105 : i32
      %dma_start3A_107 = arith.constant 0 : i32
      %dma_start3A_108 = tpu.memref_slice %arg7[%add3A_106, %dma_start3A_107] : memref<56x128xi32, #tpu.memory_space<vmem>> -> memref<1x128xi32, #tpu.memory_space<vmem>>
      %dma_start3A_109 = tpu.memref_squeeze %dma_start3A_108 : memref<1x128xi32, #tpu.memory_space<vmem>> -> memref<128xi32, #tpu.memory_space<vmem>>
      %dma_start3A_110 = arith.constant 0 : i32
      %dma_start3A_111 = arith.constant 0 : i32
      %dma_start3A_112 = tpu.memref_slice %arg2[%dma_start3A_110, %dma_start3A_111] : memref<10000x128xf32, #tpu.memory_space<hbm>> -> memref<10000x128xf32, #tpu.memory_space<hbm>>
      tpu.enqueue_indirect_dma source(%dma_start3A_112 : memref<10000x128xf32, #tpu.memory_space<hbm>>) target(%arg10 : memref<128x128xf32, #tpu.memory_space<vmem>>) offsets(%dma_start3A_109 : memref<128xi32, #tpu.memory_space<vmem>>) semaphore(%arg12 : memref<!tpu.dma_semaphore, #tpu.memory_space<semaphore_mem>>)
      %dma_wait3A = arith.constant 0 : i32
      %dma_wait3A_113 = arith.constant 0 : i32
      %dma_wait3A_114 = tpu.memref_slice %arg2[%dma_wait3A, %dma_wait3A_113] : memref<10000x128xf32, #tpu.memory_space<hbm>> -> memref<128x128xf32, #tpu.memory_space<hbm>>
      %dma_wait3A_115 = arith.constant 0 : i32
      %dma_wait3A_116 = arith.constant 0 : i32
      %dma_wait3A_117 = tpu.memref_slice %arg2[%dma_wait3A_115, %dma_wait3A_116] : memref<10000x128xf32, #tpu.memory_space<hbm>> -> memref<128x128xf32, #tpu.memory_space<hbm>>
      tpu.wait_dma2 semaphore(%arg12 : memref<!tpu.dma_semaphore, #tpu.memory_space<semaphore_mem>>) src(%dma_wait3A_117 : memref<128x128xf32, #tpu.memory_space<hbm>>) dst(%arg9 : memref<128x128xf32, #tpu.memory_space<vmem>>)
      %dma_start3A_118 = arith.constant 0 : i32
      %dma_start3A_119 = tpu.memref_slice %arg8[%mul3A_104, %dma_start3A_118] : memref<56x128xi32, #tpu.memory_space<vmem>> -> memref<1x128xi32, #tpu.memory_space<vmem>>
      %dma_start3A_120 = tpu.memref_squeeze %dma_start3A_119 : memref<1x128xi32, #tpu.memory_space<vmem>> -> memref<128xi32, #tpu.memory_space<vmem>>
      %dma_start3A_121 = arith.constant 0 : i32
      %dma_start3A_122 = arith.constant 0 : i32
      %dma_start3A_123 = tpu.memref_slice %arg11[%dma_start3A_121, %dma_start3A_122] : memref<10240x128xf32, #tpu.memory_space<vmem_shared>> -> memref<10240x128xf32, #tpu.memory_space<vmem_shared>>
      tpu.enqueue_indirect_dma source(%arg9 : memref<128x128xf32, #tpu.memory_space<vmem>>) target(%dma_start3A_123 : memref<10240x128xf32, #tpu.memory_space<vmem_shared>>) offsets(%dma_start3A_120 : memref<128xi32, #tpu.memory_space<vmem>>) semaphore(%arg13 : memref<!tpu.dma_semaphore, #tpu.memory_space<semaphore_mem>>) {add = true}
      %dma_wait3A_124 = arith.constant 0 : i32
      %dma_wait3A_125 = arith.constant 0 : i32
      %dma_wait3A_126 = tpu.memref_slice %arg2[%dma_wait3A_124, %dma_wait3A_125] : memref<10000x128xf32, #tpu.memory_space<hbm>> -> memref<128x128xf32, #tpu.memory_space<hbm>>
      %dma_wait3A_127 = arith.constant 0 : i32
      %dma_wait3A_128 = arith.constant 0 : i32
      %dma_wait3A_129 = tpu.memref_slice %arg2[%dma_wait3A_127, %dma_wait3A_128] : memref<10000x128xf32, #tpu.memory_space<hbm>> -> memref<128x128xf32, #tpu.memory_space<hbm>>
      tpu.wait_dma2 semaphore(%arg13 : memref<!tpu.dma_semaphore, #tpu.memory_space<semaphore_mem>>) src(%dma_wait3A_129 : memref<128x128xf32, #tpu.memory_space<hbm>>) dst(%arg9 : memref<128x128xf32, #tpu.memory_space<vmem>>)
      %sub3A_130 = arith.constant 1 : i32
      %sub3A_131 = arith.subi %select_n3A, %sub3A_130 : i32
      %lt3A = arith.cmpi slt, %add3A_102, %sub3A_131 : i32
      %convert_element_type3A = arith.extui %lt3A : i1 to i32
      %cond3A = arith.constant 0 : i32
      %cond3A_132 = arith.cmpi ne, %convert_element_type3A, %cond3A : i32
      scf.if %cond3A_132 {
        %add3A_151 = arith.constant 2 : i32
        %add3A_152 = arith.addi %mul3A_104, %add3A_151 : i32
        %dma_start3A_153 = arith.constant 0 : i32
        %dma_start3A_154 = tpu.memref_slice %arg7[%add3A_152, %dma_start3A_153] : memref<56x128xi32, #tpu.memory_space<vmem>> -> memref<1x128xi32, #tpu.memory_space<vmem>>
        %dma_start3A_155 = tpu.memref_squeeze %dma_start3A_154 : memref<1x128xi32, #tpu.memory_space<vmem>> -> memref<128xi32, #tpu.memory_space<vmem>>
        %dma_start3A_156 = arith.constant 0 : i32
        %dma_start3A_157 = arith.constant 0 : i32
        %dma_start3A_158 = tpu.memref_slice %arg2[%dma_start3A_156, %dma_start3A_157] : memref<10000x128xf32, #tpu.memory_space<hbm>> -> memref<10000x128xf32, #tpu.memory_space<hbm>>
        tpu.enqueue_indirect_dma source(%dma_start3A_158 : memref<10000x128xf32, #tpu.memory_space<hbm>>) target(%arg9 : memref<128x128xf32, #tpu.memory_space<vmem>>) offsets(%dma_start3A_155 : memref<128xi32, #tpu.memory_space<vmem>>) semaphore(%arg12 : memref<!tpu.dma_semaphore, #tpu.memory_space<semaphore_mem>>)
      } else {
      }
      %dma_wait3A_133 = arith.constant 0 : i32
      %dma_wait3A_134 = arith.constant 0 : i32
      %dma_wait3A_135 = tpu.memref_slice %arg2[%dma_wait3A_133, %dma_wait3A_134] : memref<10000x128xf32, #tpu.memory_space<hbm>> -> memref<128x128xf32, #tpu.memory_space<hbm>>
      %dma_wait3A_136 = arith.constant 0 : i32
      %dma_wait3A_137 = arith.constant 0 : i32
      %dma_wait3A_138 = tpu.memref_slice %arg2[%dma_wait3A_136, %dma_wait3A_137] : memref<10000x128xf32, #tpu.memory_space<hbm>> -> memref<128x128xf32, #tpu.memory_space<hbm>>
      tpu.wait_dma2 semaphore(%arg12 : memref<!tpu.dma_semaphore, #tpu.memory_space<semaphore_mem>>) src(%dma_wait3A_138 : memref<128x128xf32, #tpu.memory_space<hbm>>) dst(%arg10 : memref<128x128xf32, #tpu.memory_space<vmem>>)
      %dma_start3A_139 = arith.constant 0 : i32
      %dma_start3A_140 = tpu.memref_slice %arg8[%add3A_106, %dma_start3A_139] : memref<56x128xi32, #tpu.memory_space<vmem>> -> memref<1x128xi32, #tpu.memory_space<vmem>>
      %dma_start3A_141 = tpu.memref_squeeze %dma_start3A_140 : memref<1x128xi32, #tpu.memory_space<vmem>> -> memref<128xi32, #tpu.memory_space<vmem>>
      %dma_start3A_142 = arith.constant 0 : i32
      %dma_start3A_143 = arith.constant 0 : i32
      %dma_start3A_144 = tpu.memref_slice %arg11[%dma_start3A_142, %dma_start3A_143] : memref<10240x128xf32, #tpu.memory_space<vmem_shared>> -> memref<10240x128xf32, #tpu.memory_space<vmem_shared>>
      tpu.enqueue_indirect_dma source(%arg10 : memref<128x128xf32, #tpu.memory_space<vmem>>) target(%dma_start3A_144 : memref<10240x128xf32, #tpu.memory_space<vmem_shared>>) offsets(%dma_start3A_141 : memref<128xi32, #tpu.memory_space<vmem>>) semaphore(%arg13 : memref<!tpu.dma_semaphore, #tpu.memory_space<semaphore_mem>>) {add = true}
      %dma_wait3A_145 = arith.constant 0 : i32
      %dma_wait3A_146 = arith.constant 0 : i32
      %dma_wait3A_147 = tpu.memref_slice %arg2[%dma_wait3A_145, %dma_wait3A_146] : memref<10000x128xf32, #tpu.memory_space<hbm>> -> memref<128x128xf32, #tpu.memory_space<hbm>>
      %dma_wait3A_148 = arith.constant 0 : i32
      %dma_wait3A_149 = arith.constant 0 : i32
      %dma_wait3A_150 = tpu.memref_slice %arg2[%dma_wait3A_148, %dma_wait3A_149] : memref<10000x128xf32, #tpu.memory_space<hbm>> -> memref<128x128xf32, #tpu.memory_space<hbm>>
      tpu.wait_dma2 semaphore(%arg13 : memref<!tpu.dma_semaphore, #tpu.memory_space<semaphore_mem>>) src(%dma_wait3A_150 : memref<128x128xf32, #tpu.memory_space<hbm>>) dst(%arg10 : memref<128x128xf32, #tpu.memory_space<vmem>>)
    }
    %while3A_94 = arith.constant 1 : i32
    scf.for %while3A_100 = %while3A_92 to %while3A_88 step %while3A_94  : i32 {
      %mul3A_101 = arith.muli %while3A_100, %while3A_84 : i32
      %add3A_102 = arith.addi %while3A_85, %mul3A_101 : i32
      %mul3A_103 = arith.constant 2 : i32
      %mul3A_104 = arith.muli %mul3A_103, %add3A_102 : i32
      %add3A_105 = arith.constant 1 : i32
      %add3A_106 = arith.addi %mul3A_104, %add3A_105 : i32
      %dma_start3A_107 = arith.constant 0 : i32
      %dma_start3A_108 = tpu.memref_slice %arg7[%add3A_106, %dma_start3A_107] : memref<56x128xi32, #tpu.memory_space<vmem>> -> memref<1x128xi32, #tpu.memory_space<vmem>>
      %dma_start3A_109 = tpu.memref_squeeze %dma_start3A_108 : memref<1x128xi32, #tpu.memory_space<vmem>> -> memref<128xi32, #tpu.memory_space<vmem>>
      %dma_start3A_110 = arith.constant 0 : i32
      %dma_start3A_111 = arith.constant 0 : i32
      %dma_start3A_112 = tpu.memref_slice %arg2[%dma_start3A_110, %dma_start3A_111] : memref<10000x128xf32, #tpu.memory_space<hbm>> -> memref<10000x128xf32, #tpu.memory_space<hbm>>
      tpu.enqueue_indirect_dma source(%dma_start3A_112 : memref<10000x128xf32, #tpu.memory_space<hbm>>) target(%arg10 : memref<128x128xf32, #tpu.memory_space<vmem>>) offsets(%dma_start3A_109 : memref<128xi32, #tpu.memory_space<vmem>>) semaphore(%arg12 : memref<!tpu.dma_semaphore, #tpu.memory_space<semaphore_mem>>)
      %dma_wait3A = arith.constant 0 : i32
      %dma_wait3A_113 = arith.constant 0 : i32
      %dma_wait3A_114 = tpu.memref_slice %arg2[%dma_wait3A, %dma_wait3A_113] : memref<10000x128xf32, #tpu.memory_space<hbm>> -> memref<128x128xf32, #tpu.memory_space<hbm>>
      %dma_wait3A_115 = arith.constant 0 : i32
      %dma_wait3A_116 = arith.constant 0 : i32
      %dma_wait3A_117 = tpu.memref_slice %arg2[%dma_wait3A_115, %dma_wait3A_116] : memref<10000x128xf32, #tpu.memory_space<hbm>> -> memref<128x128xf32, #tpu.memory_space<hbm>>
      tpu.wait_dma2 semaphore(%arg12 : memref<!tpu.dma_semaphore, #tpu.memory_space<semaphore_mem>>) src(%dma_wait3A_117 : memref<128x128xf32, #tpu.memory_space<hbm>>) dst(%arg9 : memref<128x128xf32, #tpu.memory_space<vmem>>)
      %dma_start3A_118 = arith.constant 0 : i32
      %dma_start3A_119 = tpu.memref_slice %arg8[%mul3A_104, %dma_start3A_118] : memref<56x128xi32, #tpu.memory_space<vmem>> -> memref<1x128xi32, #tpu.memory_space<vmem>>
      %dma_start3A_120 = tpu.memref_squeeze %dma_start3A_119 : memref<1x128xi32, #tpu.memory_space<vmem>> -> memref<128xi32, #tpu.memory_space<vmem>>
      %dma_start3A_121 = arith.constant 0 : i32
      %dma_start3A_122 = arith.constant 0 : i32
      %dma_start3A_123 = tpu.memref_slice %arg11[%dma_start3A_121, %dma_start3A_122] : memref<10240x128xf32, #tpu.memory_space<vmem_shared>> -> memref<10240x128xf32, #tpu.memory_space<vmem_shared>>
      tpu.enqueue_indirect_dma source(%arg9 : memref<128x128xf32, #tpu.memory_space<vmem>>) target(%dma_start3A_123 : memref<10240x128xf32, #tpu.memory_space<vmem_shared>>) offsets(%dma_start3A_120 : memref<128xi32, #tpu.memory_space<vmem>>) semaphore(%arg13 : memref<!tpu.dma_semaphore, #tpu.memory_space<semaphore_mem>>) {add = true}
      %dma_wait3A_124 = arith.constant 0 : i32
      %dma_wait3A_125 = arith.constant 0 : i32
      %dma_wait3A_126 = tpu.memref_slice %arg2[%dma_wait3A_124, %dma_wait3A_125] : memref<10000x128xf32, #tpu.memory_space<hbm>> -> memref<128x128xf32, #tpu.memory_space<hbm>>
      %dma_wait3A_127 = arith.constant 0 : i32
      %dma_wait3A_128 = arith.constant 0 : i32
      %dma_wait3A_129 = tpu.memref_slice %arg2[%dma_wait3A_127, %dma_wait3A_128] : memref<10000x128xf32, #tpu.memory_space<hbm>> -> memref<128x128xf32, #tpu.memory_space<hbm>>
      tpu.wait_dma2 semaphore(%arg13 : memref<!tpu.dma_semaphore, #tpu.memory_space<semaphore_mem>>) src(%dma_wait3A_129 : memref<128x128xf32, #tpu.memory_space<hbm>>) dst(%arg9 : memref<128x128xf32, #tpu.memory_space<vmem>>)
      %sub3A_130 = arith.constant 1 : i32
      %sub3A_131 = arith.subi %select_n3A, %sub3A_130 : i32
      %lt3A = arith.cmpi slt, %add3A_102, %sub3A_131 : i32
      %convert_element_type3A = arith.extui %lt3A : i1 to i32
      %cond3A = arith.constant 0 : i32
      %cond3A_132 = arith.cmpi ne, %convert_element_type3A, %cond3A : i32
      scf.if %cond3A_132 {
        %add3A_151 = arith.constant 2 : i32
        %add3A_152 = arith.addi %mul3A_104, %add3A_151 : i32
        %dma_start3A_153 = arith.constant 0 : i32
        %dma_start3A_154 = tpu.memref_slice %arg7[%add3A_152, %dma_start3A_153] : memref<56x128xi32, #tpu.memory_space<vmem>> -> memref<1x128xi32, #tpu.memory_space<vmem>>
        %dma_start3A_155 = tpu.memref_squeeze %dma_start3A_154 : memref<1x128xi32, #tpu.memory_space<vmem>> -> memref<128xi32, #tpu.memory_space<vmem>>
        %dma_start3A_156 = arith.constant 0 : i32
        %dma_start3A_157 = arith.constant 0 : i32
        %dma_start3A_158 = tpu.memref_slice %arg2[%dma_start3A_156, %dma_start3A_157] : memref<10000x128xf32, #tpu.memory_space<hbm>> -> memref<10000x128xf32, #tpu.memory_space<hbm>>
        tpu.enqueue_indirect_dma source(%dma_start3A_158 : memref<10000x128xf32, #tpu.memory_space<hbm>>) target(%arg9 : memref<128x128xf32, #tpu.memory_space<vmem>>) offsets(%dma_start3A_155 : memref<128xi32, #tpu.memory_space<vmem>>) semaphore(%arg12 : memref<!tpu.dma_semaphore, #tpu.memory_space<semaphore_mem>>)
      } else {
      }
      %dma_wait3A_133 = arith.constant 0 : i32
      %dma_wait3A_134 = arith.constant 0 : i32
      %dma_wait3A_135 = tpu.memref_slice %arg2[%dma_wait3A_133, %dma_wait3A_134] : memref<10000x128xf32, #tpu.memory_space<hbm>> -> memref<128x128xf32, #tpu.memory_space<hbm>>
      %dma_wait3A_136 = arith.constant 0 : i32
      %dma_wait3A_137 = arith.constant 0 : i32
      %dma_wait3A_138 = tpu.memref_slice %arg2[%dma_wait3A_136, %dma_wait3A_137] : memref<10000x128xf32, #tpu.memory_space<hbm>> -> memref<128x128xf32, #tpu.memory_space<hbm>>
      tpu.wait_dma2 semaphore(%arg12 : memref<!tpu.dma_semaphore, #tpu.memory_space<semaphore_mem>>) src(%dma_wait3A_138 : memref<128x128xf32, #tpu.memory_space<hbm>>) dst(%arg10 : memref<128x128xf32, #tpu.memory_space<vmem>>)
      %dma_start3A_139 = arith.constant 0 : i32
      %dma_start3A_140 = tpu.memref_slice %arg8[%add3A_106, %dma_start3A_139] : memref<56x128xi32, #tpu.memory_space<vmem>> -> memref<1x128xi32, #tpu.memory_space<vmem>>
      %dma_start3A_141 = tpu.memref_squeeze %dma_start3A_140 : memref<1x128xi32, #tpu.memory_space<vmem>> -> memref<128xi32, #tpu.memory_space<vmem>>
      %dma_start3A_142 = arith.constant 0 : i32
      %dma_start3A_143 = arith.constant 0 : i32
      %dma_start3A_144 = tpu.memref_slice %arg11[%dma_start3A_142, %dma_start3A_143] : memref<10240x128xf32, #tpu.memory_space<vmem_shared>> -> memref<10240x128xf32, #tpu.memory_space<vmem_shared>>
      tpu.enqueue_indirect_dma source(%arg10 : memref<128x128xf32, #tpu.memory_space<vmem>>) target(%dma_start3A_144 : memref<10240x128xf32, #tpu.memory_space<vmem_shared>>) offsets(%dma_start3A_141 : memref<128xi32, #tpu.memory_space<vmem>>) semaphore(%arg13 : memref<!tpu.dma_semaphore, #tpu.memory_space<semaphore_mem>>) {add = true}
      %dma_wait3A_145 = arith.constant 0 : i32
      %dma_wait3A_146 = arith.constant 0 : i32
      %dma_wait3A_147 = tpu.memref_slice %arg2[%dma_wait3A_145, %dma_wait3A_146] : memref<10000x128xf32, #tpu.memory_space<hbm>> -> memref<128x128xf32, #tpu.memory_space<hbm>>
      %dma_wait3A_148 = arith.constant 0 : i32
      %dma_wait3A_149 = arith.constant 0 : i32
      %dma_wait3A_150 = tpu.memref_slice %arg2[%dma_wait3A_148, %dma_wait3A_149] : memref<10000x128xf32, #tpu.memory_space<hbm>> -> memref<128x128xf32, #tpu.memory_space<hbm>>
      tpu.wait_dma2 semaphore(%arg13 : memref<!tpu.dma_semaphore, #tpu.memory_space<semaphore_mem>>) src(%dma_wait3A_150 : memref<128x128xf32, #tpu.memory_space<hbm>>) dst(%arg10 : memref<128x128xf32, #tpu.memory_space<vmem>>)
    }
    %barrier3A_95 = arith.constant 0 : index
    tpu.barrier barrier_id(%barrier3A_95)
    %mul3A_96 = arith.constant 640 : i32
    %mul3A_97 = arith.muli %arg1, %mul3A_96 : i32
    %mul3A_98 = arith.constant 640 : i32
    %mul3A_99 = arith.muli %arg1, %mul3A_98 : i32
    "tpu.region"() ({
      %run_scoped3A = tpu.sem_alloc : memref<!tpu.dma_semaphore, #tpu.memory_space<semaphore_mem>>
      %dma_start3A_100 = arith.constant 0 : i32
      %dma_start3A_101 = tpu.memref_slice %arg6[%arg0, %mul3A_99, %dma_start3A_100] : memref<2x10240x128xf32, #tpu.memory_space<hbm>> -> memref<1x640x128xf32, #tpu.memory_space<hbm>>
      %dma_start3A_102 = tpu.memref_squeeze %dma_start3A_101 : memref<1x640x128xf32, #tpu.memory_space<hbm>> -> memref<640x128xf32, #tpu.memory_space<hbm>>
      %dma_start3A_103 = arith.constant 0 : i32
      %dma_start3A_104 = tpu.memref_slice %arg11[%mul3A_97, %dma_start3A_103] : memref<10240x128xf32, #tpu.memory_space<vmem_shared>> -> memref<640x128xf32, #tpu.memory_space<vmem_shared>>
      tpu.enqueue_dma source(%dma_start3A_104 : memref<640x128xf32, #tpu.memory_space<vmem_shared>>) target(%dma_start3A_102 : memref<640x128xf32, #tpu.memory_space<hbm>>) target_semaphore(%run_scoped3A : memref<!tpu.dma_semaphore, #tpu.memory_space<semaphore_mem>>)
      %dma_wait3A = arith.constant 0 : i32
      %dma_wait3A_105 = tpu.memref_slice %arg6[%arg0, %mul3A_99, %dma_wait3A] : memref<2x10240x128xf32, #tpu.memory_space<hbm>> -> memref<1x640x128xf32, #tpu.memory_space<hbm>>
      %dma_wait3A_106 = tpu.memref_squeeze %dma_wait3A_105 : memref<1x640x128xf32, #tpu.memory_space<hbm>> -> memref<640x128xf32, #tpu.memory_space<hbm>>
      %dma_wait3A_107 = arith.constant 0 : i32
      %dma_wait3A_108 = tpu.memref_slice %arg11[%mul3A_97, %dma_wait3A_107] : memref<10240x128xf32, #tpu.memory_space<vmem_shared>> -> memref<640x128xf32, #tpu.memory_space<vmem_shared>>
      tpu.wait_dma2 semaphore(%run_scoped3A : memref<!tpu.dma_semaphore, #tpu.memory_space<semaphore_mem>>) src(%dma_wait3A_108 : memref<640x128xf32, #tpu.memory_space<vmem_shared>>) dst(%dma_wait3A_106 : memref<640x128xf32, #tpu.memory_space<hbm>>)
      tpu.yield
    }) : () -> ()
    return
  }
}

#map = affine_map<(d0, d1) -> (0, 0)>
#map1 = affine_map<(d0, d1) -> (0, 0, 0)>
module attributes {stable_mosaic.version = 14 : i64} {
  func.func @_edge_body(%arg0: i32, %arg1: i32, %arg2: memref<10000x128xf32, #tpu.memory_space<hbm>>, %arg3: memref<2576x128xi32, #tpu.memory_space<hbm>>, %arg4: memref<2576x128xi32, #tpu.memory_space<hbm>>, %arg5: memref<128x128xf32, #tpu.memory_space<hbm>>, %arg6: memref<2x10240x128xf32, #tpu.memory_space<hbm>>, %arg7: memref<56x128xi32, #tpu.memory_space<vmem>>, %arg8: memref<56x128xi32, #tpu.memory_space<vmem>>, %arg9: memref<128x128xf32, #tpu.memory_space<vmem>>, %arg10: memref<128x128xf32, #tpu.memory_space<vmem>>, %arg11: memref<10240x128xf32, #tpu.memory_space<vmem_shared>>, %arg12: memref<!tpu.dma_semaphore, #tpu.memory_space<semaphore_mem>>, %arg13: memref<!tpu.dma_semaphore, #tpu.memory_space<semaphore_mem>>) attributes {dimension_semantics = [#tpu.dimension_semantics<core_parallel>, #tpu.dimension_semantics<subcore_parallel>], iteration_bounds = array<i64: 2, 16>, scalar_prefetch = 0 : i64, scratch_operands = 7 : i64, tpu.core_type = #tpu.core_type<sc_vector_subcore>, window_params = [{transform_indices = #map}, {transform_indices = #map}, {transform_indices = #map}, {transform_indices = #map}, {transform_indices = #map1}]} {
    "tpu.region"() ({
      %run_scoped3A = tpu.sem_alloc : memref<!tpu.dma_semaphore, #tpu.memory_space<semaphore_mem>>
      tpu.enqueue_dma source(%arg5 : memref<128x128xf32, #tpu.memory_space<hbm>>) target(%arg9 : memref<128x128xf32, #tpu.memory_space<vmem>>) target_semaphore(%run_scoped3A : memref<!tpu.dma_semaphore, #tpu.memory_space<semaphore_mem>>)
      tpu.wait_dma2 semaphore(%run_scoped3A : memref<!tpu.dma_semaphore, #tpu.memory_space<semaphore_mem>>) src(%arg5 : memref<128x128xf32, #tpu.memory_space<hbm>>) dst(%arg9 : memref<128x128xf32, #tpu.memory_space<vmem>>)
      tpu.yield
    }) : () -> ()
    %mul3A = arith.constant 640 : i32
    %mul3A_0 = arith.muli %arg1, %mul3A : i32
    %add3A = arith.constant 0 : i32
    %add3A_1 = arith.addi %mul3A_0, %add3A : i32
    "tpu.region"() ({
      %run_scoped3A = tpu.sem_alloc : memref<!tpu.dma_semaphore, #tpu.memory_space<semaphore_mem>>
      %dma_start3A_100 = arith.constant 0 : i32
      %dma_start3A_101 = tpu.memref_slice %arg11[%add3A_1, %dma_start3A_100] : memref<10240x128xf32, #tpu.memory_space<vmem_shared>> -> memref<128x128xf32, #tpu.memory_space<vmem_shared>>
      %dma_start3A_102 = arith.constant 0 : i32
      %dma_start3A_103 = tpu.memref_slice %arg11[%add3A_1, %dma_start3A_102] : memref<10240x128xf32, #tpu.memory_space<vmem_shared>> -> memref<128x128xf32, #tpu.memory_space<vmem_shared>>
      tpu.enqueue_dma source(%arg9 : memref<128x128xf32, #tpu.memory_space<vmem>>) target(%dma_start3A_103 : memref<128x128xf32, #tpu.memory_space<vmem_shared>>) target_semaphore(%run_scoped3A : memref<!tpu.dma_semaphore, #tpu.memory_space<semaphore_mem>>)
      %dma_wait3A = arith.constant 0 : i32
      %dma_wait3A_104 = tpu.memref_slice %arg11[%add3A_1, %dma_wait3A] : memref<10240x128xf32, #tpu.memory_space<vmem_shared>> -> memref<128x128xf32, #tpu.memory_space<vmem_shared>>
      %dma_wait3A_105 = arith.constant 0 : i32
      %dma_wait3A_106 = tpu.memref_slice %arg11[%add3A_1, %dma_wait3A_105] : memref<10240x128xf32, #tpu.memory_space<vmem_shared>> -> memref<128x128xf32, #tpu.memory_space<vmem_shared>>
      tpu.wait_dma2 semaphore(%run_scoped3A : memref<!tpu.dma_semaphore, #tpu.memory_space<semaphore_mem>>) src(%arg9 : memref<128x128xf32, #tpu.memory_space<vmem>>) dst(%dma_wait3A_106 : memref<128x128xf32, #tpu.memory_space<vmem_shared>>)
      tpu.yield
    }) : () -> ()
    %mul3A_2 = arith.constant 640 : i32
    %mul3A_3 = arith.muli %arg1, %mul3A_2 : i32
    %add3A_4 = arith.constant 128 : i32
    %add3A_5 = arith.addi %mul3A_3, %add3A_4 : i32
    "tpu.region"() ({
      %run_scoped3A = tpu.sem_alloc : memref<!tpu.dma_semaphore, #tpu.memory_space<semaphore_mem>>
      %dma_start3A_100 = arith.constant 0 : i32
      %dma_start3A_101 = tpu.memref_slice %arg11[%add3A_5, %dma_start3A_100] : memref<10240x128xf32, #tpu.memory_space<vmem_shared>> -> memref<128x128xf32, #tpu.memory_space<vmem_shared>>
      %dma_start3A_102 = arith.constant 0 : i32
      %dma_start3A_103 = tpu.memref_slice %arg11[%add3A_5, %dma_start3A_102] : memref<10240x128xf32, #tpu.memory_space<vmem_shared>> -> memref<128x128xf32, #tpu.memory_space<vmem_shared>>
      tpu.enqueue_dma source(%arg9 : memref<128x128xf32, #tpu.memory_space<vmem>>) target(%dma_start3A_103 : memref<128x128xf32, #tpu.memory_space<vmem_shared>>) target_semaphore(%run_scoped3A : memref<!tpu.dma_semaphore, #tpu.memory_space<semaphore_mem>>)
      %dma_wait3A = arith.constant 0 : i32
      %dma_wait3A_104 = tpu.memref_slice %arg11[%add3A_5, %dma_wait3A] : memref<10240x128xf32, #tpu.memory_space<vmem_shared>> -> memref<128x128xf32, #tpu.memory_space<vmem_shared>>
      %dma_wait3A_105 = arith.constant 0 : i32
      %dma_wait3A_106 = tpu.memref_slice %arg11[%add3A_5, %dma_wait3A_105] : memref<10240x128xf32, #tpu.memory_space<vmem_shared>> -> memref<128x128xf32, #tpu.memory_space<vmem_shared>>
      tpu.wait_dma2 semaphore(%run_scoped3A : memref<!tpu.dma_semaphore, #tpu.memory_space<semaphore_mem>>) src(%arg9 : memref<128x128xf32, #tpu.memory_space<vmem>>) dst(%dma_wait3A_106 : memref<128x128xf32, #tpu.memory_space<vmem_shared>>)
      tpu.yield
    }) : () -> ()
    %mul3A_6 = arith.constant 640 : i32
    %mul3A_7 = arith.muli %arg1, %mul3A_6 : i32
    %add3A_8 = arith.constant 256 : i32
    %add3A_9 = arith.addi %mul3A_7, %add3A_8 : i32
    "tpu.region"() ({
      %run_scoped3A = tpu.sem_alloc : memref<!tpu.dma_semaphore, #tpu.memory_space<semaphore_mem>>
      %dma_start3A_100 = arith.constant 0 : i32
      %dma_start3A_101 = tpu.memref_slice %arg11[%add3A_9, %dma_start3A_100] : memref<10240x128xf32, #tpu.memory_space<vmem_shared>> -> memref<128x128xf32, #tpu.memory_space<vmem_shared>>
      %dma_start3A_102 = arith.constant 0 : i32
      %dma_start3A_103 = tpu.memref_slice %arg11[%add3A_9, %dma_start3A_102] : memref<10240x128xf32, #tpu.memory_space<vmem_shared>> -> memref<128x128xf32, #tpu.memory_space<vmem_shared>>
      tpu.enqueue_dma source(%arg9 : memref<128x128xf32, #tpu.memory_space<vmem>>) target(%dma_start3A_103 : memref<128x128xf32, #tpu.memory_space<vmem_shared>>) target_semaphore(%run_scoped3A : memref<!tpu.dma_semaphore, #tpu.memory_space<semaphore_mem>>)
      %dma_wait3A = arith.constant 0 : i32
      %dma_wait3A_104 = tpu.memref_slice %arg11[%add3A_9, %dma_wait3A] : memref<10240x128xf32, #tpu.memory_space<vmem_shared>> -> memref<128x128xf32, #tpu.memory_space<vmem_shared>>
      %dma_wait3A_105 = arith.constant 0 : i32
      %dma_wait3A_106 = tpu.memref_slice %arg11[%add3A_9, %dma_wait3A_105] : memref<10240x128xf32, #tpu.memory_space<vmem_shared>> -> memref<128x128xf32, #tpu.memory_space<vmem_shared>>
      tpu.wait_dma2 semaphore(%run_scoped3A : memref<!tpu.dma_semaphore, #tpu.memory_space<semaphore_mem>>) src(%arg9 : memref<128x128xf32, #tpu.memory_space<vmem>>) dst(%dma_wait3A_106 : memref<128x128xf32, #tpu.memory_space<vmem_shared>>)
      tpu.yield
    }) : () -> ()
    %mul3A_10 = arith.constant 640 : i32
    %mul3A_11 = arith.muli %arg1, %mul3A_10 : i32
    %add3A_12 = arith.constant 384 : i32
    %add3A_13 = arith.addi %mul3A_11, %add3A_12 : i32
    "tpu.region"() ({
      %run_scoped3A = tpu.sem_alloc : memref<!tpu.dma_semaphore, #tpu.memory_space<semaphore_mem>>
      %dma_start3A_100 = arith.constant 0 : i32
      %dma_start3A_101 = tpu.memref_slice %arg11[%add3A_13, %dma_start3A_100] : memref<10240x128xf32, #tpu.memory_space<vmem_shared>> -> memref<128x128xf32, #tpu.memory_space<vmem_shared>>
      %dma_start3A_102 = arith.constant 0 : i32
      %dma_start3A_103 = tpu.memref_slice %arg11[%add3A_13, %dma_start3A_102] : memref<10240x128xf32, #tpu.memory_space<vmem_shared>> -> memref<128x128xf32, #tpu.memory_space<vmem_shared>>
      tpu.enqueue_dma source(%arg9 : memref<128x128xf32, #tpu.memory_space<vmem>>) target(%dma_start3A_103 : memref<128x128xf32, #tpu.memory_space<vmem_shared>>) target_semaphore(%run_scoped3A : memref<!tpu.dma_semaphore, #tpu.memory_space<semaphore_mem>>)
      %dma_wait3A = arith.constant 0 : i32
      %dma_wait3A_104 = tpu.memref_slice %arg11[%add3A_13, %dma_wait3A] : memref<10240x128xf32, #tpu.memory_space<vmem_shared>> -> memref<128x128xf32, #tpu.memory_space<vmem_shared>>
      %dma_wait3A_105 = arith.constant 0 : i32
      %dma_wait3A_106 = tpu.memref_slice %arg11[%add3A_13, %dma_wait3A_105] : memref<10240x128xf32, #tpu.memory_space<vmem_shared>> -> memref<128x128xf32, #tpu.memory_space<vmem_shared>>
      tpu.wait_dma2 semaphore(%run_scoped3A : memref<!tpu.dma_semaphore, #tpu.memory_space<semaphore_mem>>) src(%arg9 : memref<128x128xf32, #tpu.memory_space<vmem>>) dst(%dma_wait3A_106 : memref<128x128xf32, #tpu.memory_space<vmem_shared>>)
      tpu.yield
    }) : () -> ()
    %mul3A_14 = arith.constant 640 : i32
    %mul3A_15 = arith.muli %arg1, %mul3A_14 : i32
    %add3A_16 = arith.constant 512 : i32
    %add3A_17 = arith.addi %mul3A_15, %add3A_16 : i32
    "tpu.region"() ({
      %run_scoped3A = tpu.sem_alloc : memref<!tpu.dma_semaphore, #tpu.memory_space<semaphore_mem>>
      %dma_start3A_100 = arith.constant 0 : i32
      %dma_start3A_101 = tpu.memref_slice %arg11[%add3A_17, %dma_start3A_100] : memref<10240x128xf32, #tpu.memory_space<vmem_shared>> -> memref<128x128xf32, #tpu.memory_space<vmem_shared>>
      %dma_start3A_102 = arith.constant 0 : i32
      %dma_start3A_103 = tpu.memref_slice %arg11[%add3A_17, %dma_start3A_102] : memref<10240x128xf32, #tpu.memory_space<vmem_shared>> -> memref<128x128xf32, #tpu.memory_space<vmem_shared>>
      tpu.enqueue_dma source(%arg9 : memref<128x128xf32, #tpu.memory_space<vmem>>) target(%dma_start3A_103 : memref<128x128xf32, #tpu.memory_space<vmem_shared>>) target_semaphore(%run_scoped3A : memref<!tpu.dma_semaphore, #tpu.memory_space<semaphore_mem>>)
      %dma_wait3A = arith.constant 0 : i32
      %dma_wait3A_104 = tpu.memref_slice %arg11[%add3A_17, %dma_wait3A] : memref<10240x128xf32, #tpu.memory_space<vmem_shared>> -> memref<128x128xf32, #tpu.memory_space<vmem_shared>>
      %dma_wait3A_105 = arith.constant 0 : i32
      %dma_wait3A_106 = tpu.memref_slice %arg11[%add3A_17, %dma_wait3A_105] : memref<10240x128xf32, #tpu.memory_space<vmem_shared>> -> memref<128x128xf32, #tpu.memory_space<vmem_shared>>
      tpu.wait_dma2 semaphore(%run_scoped3A : memref<!tpu.dma_semaphore, #tpu.memory_space<semaphore_mem>>) src(%arg9 : memref<128x128xf32, #tpu.memory_space<vmem>>) dst(%dma_wait3A_106 : memref<128x128xf32, #tpu.memory_space<vmem_shared>>)
      tpu.yield
    }) : () -> ()
    %mul3A_18 = arith.constant 160 : i32
    %mul3A_19 = arith.muli %arg1, %mul3A_18 : i32
    %mul3A_20 = arith.constant 112 : i32
    %mul3A_21 = arith.muli %arg0, %mul3A_20 : i32
    %add3A_22 = arith.addi %mul3A_19, %mul3A_21 : i32
    %mul3A_23 = arith.constant 32 : i32
    %mul3A_24 = arith.muli %arg0, %mul3A_23 : i32
    %sub3A = arith.constant 56 : i32
    %sub3A_25 = arith.subi %sub3A, %mul3A_24 : i32
    %jit3A = arith.constant 2 : i32
    %div3A = arith.divsi %sub3A_25, %jit3A : i32
    %sign3A = arith.constant 0 : i32
    %sign3A_26 = arith.cmpi sgt, %sub3A_25, %sign3A : i32
    %sign3A_27 = arith.extui %sign3A_26 : i1 to i32
    %sign3A_28 = arith.constant 0 : i32
    %sign3A_29 = arith.cmpi slt, %sub3A_25, %sign3A_28 : i32
    %sign3A_30 = arith.extui %sign3A_29 : i1 to i32
    %sign3A_31 = arith.subi %sign3A_27, %sign3A_30 : i32
    %sign3A_32 = arith.constant 0 : i32
    %sign3A_33 = arith.cmpi sgt, %jit3A, %sign3A_32 : i32
    %sign3A_34 = arith.extui %sign3A_33 : i1 to i32
    %sign3A_35 = arith.constant 0 : i32
    %sign3A_36 = arith.cmpi slt, %jit3A, %sign3A_35 : i32
    %sign3A_37 = arith.extui %sign3A_36 : i1 to i32
    %sign3A_38 = arith.subi %sign3A_34, %sign3A_37 : i32
    %ne3A = arith.cmpi ne, %sign3A_31, %sign3A_38 : i32
    %rem3A = arith.remsi %sub3A_25, %jit3A : i32
    %ne3A_39 = arith.constant 0 : i32
    %ne3A_40 = arith.cmpi ne, %rem3A, %ne3A_39 : i32
    %and3A = arith.andi %ne3A, %ne3A_40 : i1
    %sub3A_41 = arith.constant 1 : i32
    %sub3A_42 = arith.subi %div3A, %sub3A_41 : i32
    %select_n3A = arith.select %and3A, %sub3A_42, %div3A : i32
    "tpu.region"() ({
      %run_scoped3A = tpu.sem_alloc : memref<!tpu.dma_semaphore, #tpu.memory_space<semaphore_mem>>
      %dma_start3A_100 = arith.constant 0 : i32
      %dma_start3A_101 = tpu.memref_slice %arg3[%add3A_22, %dma_start3A_100] : memref<2576x128xi32, #tpu.memory_space<hbm>> -> memref<56x128xi32, #tpu.memory_space<hbm>>
      %dma_start3A_102 = arith.constant 0 : i32
      %dma_start3A_103 = tpu.memref_slice %arg3[%add3A_22, %dma_start3A_102] : memref<2576x128xi32, #tpu.memory_space<hbm>> -> memref<56x128xi32, #tpu.memory_space<hbm>>
      tpu.enqueue_dma source(%dma_start3A_103 : memref<56x128xi32, #tpu.memory_space<hbm>>) target(%arg7 : memref<56x128xi32, #tpu.memory_space<vmem>>) target_semaphore(%run_scoped3A : memref<!tpu.dma_semaphore, #tpu.memory_space<semaphore_mem>>)
      %dma_wait3A = arith.constant 0 : i32
      %dma_wait3A_104 = tpu.memref_slice %arg3[%add3A_22, %dma_wait3A] : memref<2576x128xi32, #tpu.memory_space<hbm>> -> memref<56x128xi32, #tpu.memory_space<hbm>>
      %dma_wait3A_105 = arith.constant 0 : i32
      %dma_wait3A_106 = tpu.memref_slice %arg3[%add3A_22, %dma_wait3A_105] : memref<2576x128xi32, #tpu.memory_space<hbm>> -> memref<56x128xi32, #tpu.memory_space<hbm>>
      tpu.wait_dma2 semaphore(%run_scoped3A : memref<!tpu.dma_semaphore, #tpu.memory_space<semaphore_mem>>) src(%dma_wait3A_106 : memref<56x128xi32, #tpu.memory_space<hbm>>) dst(%arg7 : memref<56x128xi32, #tpu.memory_space<vmem>>)
      tpu.yield
    }) : () -> ()
    "tpu.region"() ({
      %run_scoped3A = tpu.sem_alloc : memref<!tpu.dma_semaphore, #tpu.memory_space<semaphore_mem>>
      %dma_start3A_100 = arith.constant 0 : i32
      %dma_start3A_101 = tpu.memref_slice %arg4[%add3A_22, %dma_start3A_100] : memref<2576x128xi32, #tpu.memory_space<hbm>> -> memref<56x128xi32, #tpu.memory_space<hbm>>
      %dma_start3A_102 = arith.constant 0 : i32
      %dma_start3A_103 = tpu.memref_slice %arg4[%add3A_22, %dma_start3A_102] : memref<2576x128xi32, #tpu.memory_space<hbm>> -> memref<56x128xi32, #tpu.memory_space<hbm>>
      tpu.enqueue_dma source(%dma_start3A_103 : memref<56x128xi32, #tpu.memory_space<hbm>>) target(%arg8 : memref<56x128xi32, #tpu.memory_space<vmem>>) target_semaphore(%run_scoped3A : memref<!tpu.dma_semaphore, #tpu.memory_space<semaphore_mem>>)
      %dma_wait3A = arith.constant 0 : i32
      %dma_wait3A_104 = tpu.memref_slice %arg4[%add3A_22, %dma_wait3A] : memref<2576x128xi32, #tpu.memory_space<hbm>> -> memref<56x128xi32, #tpu.memory_space<hbm>>
      %dma_wait3A_105 = arith.constant 0 : i32
      %dma_wait3A_106 = tpu.memref_slice %arg4[%add3A_22, %dma_wait3A_105] : memref<2576x128xi32, #tpu.memory_space<hbm>> -> memref<56x128xi32, #tpu.memory_space<hbm>>
      tpu.wait_dma2 semaphore(%run_scoped3A : memref<!tpu.dma_semaphore, #tpu.memory_space<semaphore_mem>>) src(%dma_wait3A_106 : memref<56x128xi32, #tpu.memory_space<hbm>>) dst(%arg8 : memref<56x128xi32, #tpu.memory_space<vmem>>)
      tpu.yield
    }) : () -> ()
    %barrier3A = arith.constant 0 : index
    tpu.barrier barrier_id(%barrier3A)
    %dma_start3A = arith.constant 0 : i32
    %dma_start3A_43 = arith.constant 0 : i32
    %dma_start3A_44 = tpu.memref_slice %arg7[%dma_start3A, %dma_start3A_43] : memref<56x128xi32, #tpu.memory_space<vmem>> -> memref<1x128xi32, #tpu.memory_space<vmem>>
    %dma_start3A_45 = tpu.memref_squeeze %dma_start3A_44 : memref<1x128xi32, #tpu.memory_space<vmem>> -> memref<128xi32, #tpu.memory_space<vmem>>
    %dma_start3A_46 = arith.constant 0 : i32
    %dma_start3A_47 = arith.constant 0 : i32
    %dma_start3A_48 = tpu.memref_slice %arg2[%dma_start3A_46, %dma_start3A_47] : memref<10000x128xf32, #tpu.memory_space<hbm>> -> memref<10000x128xf32, #tpu.memory_space<hbm>>
    tpu.enqueue_indirect_dma source(%dma_start3A_48 : memref<10000x128xf32, #tpu.memory_space<hbm>>) target(%arg9 : memref<128x128xf32, #tpu.memory_space<vmem>>) offsets(%dma_start3A_45 : memref<128xi32, #tpu.memory_space<vmem>>) semaphore(%arg12 : memref<!tpu.dma_semaphore, #tpu.memory_space<semaphore_mem>>)
    %sub3A_49 = arith.constant 0 : i32
    %sub3A_50 = arith.subi %select_n3A, %sub3A_49 : i32
    %sub3A_51 = arith.constant 1 : i32
    %sub3A_52 = arith.constant 1 : i32
    %sub3A_53 = arith.subi %sub3A_51, %sub3A_52 : i32
    %add3A_54 = arith.addi %sub3A_50, %sub3A_53 : i32
    %div3A_55 = arith.constant 1 : i32
    %div3A_56 = arith.divsi %add3A_54, %div3A_55 : i32
    %while3A = arith.constant 1 : i32
    %while3A_57 = arith.constant 0 : i32
    %while3A_58 = arith.constant 0 : i32
    %while3A_59 = arith.subi %div3A_56, %while3A_58 : i32
    %while3A_60 = arith.addi %while3A_58, %while3A_59 : i32
    %while3A_61 = arith.constant 1 : i32
    %while3A_62 = arith.divsi %while3A_59, %while3A_61 : i32
    %while3A_63 = arith.muli %while3A_62, %while3A_61 : i32
    %while3A_64 = arith.addi %while3A_58, %while3A_63 : i32
    %while3A_65 = arith.constant 1 : i32
    scf.for %while3A_100 = %while3A_58 to %while3A_64 step %while3A_65  : i32 {
      %mul3A_101 = arith.muli %while3A_100, %while3A : i32
      %add3A_102 = arith.addi %while3A_57, %mul3A_101 : i32
      %mul3A_103 = arith.constant 2 : i32
      %mul3A_104 = arith.muli %mul3A_103, %add3A_102 : i32
      %add3A_105 = arith.constant 1 : i32
      %add3A_106 = arith.addi %mul3A_104, %add3A_105 : i32
      %dma_start3A_107 = arith.constant 0 : i32
      %dma_start3A_108 = tpu.memref_slice %arg7[%add3A_106, %dma_start3A_107] : memref<56x128xi32, #tpu.memory_space<vmem>> -> memref<1x128xi32, #tpu.memory_space<vmem>>
      %dma_start3A_109 = tpu.memref_squeeze %dma_start3A_108 : memref<1x128xi32, #tpu.memory_space<vmem>> -> memref<128xi32, #tpu.memory_space<vmem>>
      %dma_start3A_110 = arith.constant 0 : i32
      %dma_start3A_111 = arith.constant 0 : i32
      %dma_start3A_112 = tpu.memref_slice %arg2[%dma_start3A_110, %dma_start3A_111] : memref<10000x128xf32, #tpu.memory_space<hbm>> -> memref<10000x128xf32, #tpu.memory_space<hbm>>
      tpu.enqueue_indirect_dma source(%dma_start3A_112 : memref<10000x128xf32, #tpu.memory_space<hbm>>) target(%arg10 : memref<128x128xf32, #tpu.memory_space<vmem>>) offsets(%dma_start3A_109 : memref<128xi32, #tpu.memory_space<vmem>>) semaphore(%arg12 : memref<!tpu.dma_semaphore, #tpu.memory_space<semaphore_mem>>)
      %dma_wait3A = arith.constant 0 : i32
      %dma_wait3A_113 = arith.constant 0 : i32
      %dma_wait3A_114 = tpu.memref_slice %arg2[%dma_wait3A, %dma_wait3A_113] : memref<10000x128xf32, #tpu.memory_space<hbm>> -> memref<128x128xf32, #tpu.memory_space<hbm>>
      %dma_wait3A_115 = arith.constant 0 : i32
      %dma_wait3A_116 = arith.constant 0 : i32
      %dma_wait3A_117 = tpu.memref_slice %arg2[%dma_wait3A_115, %dma_wait3A_116] : memref<10000x128xf32, #tpu.memory_space<hbm>> -> memref<128x128xf32, #tpu.memory_space<hbm>>
      tpu.wait_dma2 semaphore(%arg12 : memref<!tpu.dma_semaphore, #tpu.memory_space<semaphore_mem>>) src(%dma_wait3A_117 : memref<128x128xf32, #tpu.memory_space<hbm>>) dst(%arg9 : memref<128x128xf32, #tpu.memory_space<vmem>>)
      %dma_start3A_118 = arith.constant 0 : i32
      %dma_start3A_119 = tpu.memref_slice %arg8[%mul3A_104, %dma_start3A_118] : memref<56x128xi32, #tpu.memory_space<vmem>> -> memref<1x128xi32, #tpu.memory_space<vmem>>
      %dma_start3A_120 = tpu.memref_squeeze %dma_start3A_119 : memref<1x128xi32, #tpu.memory_space<vmem>> -> memref<128xi32, #tpu.memory_space<vmem>>
      %dma_start3A_121 = arith.constant 0 : i32
      %dma_start3A_122 = arith.constant 0 : i32
      %dma_start3A_123 = tpu.memref_slice %arg11[%dma_start3A_121, %dma_start3A_122] : memref<10240x128xf32, #tpu.memory_space<vmem_shared>> -> memref<10240x128xf32, #tpu.memory_space<vmem_shared>>
      tpu.enqueue_indirect_dma source(%arg9 : memref<128x128xf32, #tpu.memory_space<vmem>>) target(%dma_start3A_123 : memref<10240x128xf32, #tpu.memory_space<vmem_shared>>) offsets(%dma_start3A_120 : memref<128xi32, #tpu.memory_space<vmem>>) semaphore(%arg13 : memref<!tpu.dma_semaphore, #tpu.memory_space<semaphore_mem>>) {add = true}
      %dma_wait3A_124 = arith.constant 0 : i32
      %dma_wait3A_125 = arith.constant 0 : i32
      %dma_wait3A_126 = tpu.memref_slice %arg2[%dma_wait3A_124, %dma_wait3A_125] : memref<10000x128xf32, #tpu.memory_space<hbm>> -> memref<128x128xf32, #tpu.memory_space<hbm>>
      %dma_wait3A_127 = arith.constant 0 : i32
      %dma_wait3A_128 = arith.constant 0 : i32
      %dma_wait3A_129 = tpu.memref_slice %arg2[%dma_wait3A_127, %dma_wait3A_128] : memref<10000x128xf32, #tpu.memory_space<hbm>> -> memref<128x128xf32, #tpu.memory_space<hbm>>
      tpu.wait_dma2 semaphore(%arg13 : memref<!tpu.dma_semaphore, #tpu.memory_space<semaphore_mem>>) src(%dma_wait3A_129 : memref<128x128xf32, #tpu.memory_space<hbm>>) dst(%arg9 : memref<128x128xf32, #tpu.memory_space<vmem>>)
      %sub3A_130 = arith.constant 1 : i32
      %sub3A_131 = arith.subi %select_n3A, %sub3A_130 : i32
      %lt3A = arith.cmpi slt, %add3A_102, %sub3A_131 : i32
      %convert_element_type3A = arith.extui %lt3A : i1 to i32
      %cond3A = arith.constant 0 : i32
      %cond3A_132 = arith.cmpi ne, %convert_element_type3A, %cond3A : i32
      scf.if %cond3A_132 {
        %add3A_151 = arith.constant 2 : i32
        %add3A_152 = arith.addi %mul3A_104, %add3A_151 : i32
        %dma_start3A_153 = arith.constant 0 : i32
        %dma_start3A_154 = tpu.memref_slice %arg7[%add3A_152, %dma_start3A_153] : memref<56x128xi32, #tpu.memory_space<vmem>> -> memref<1x128xi32, #tpu.memory_space<vmem>>
        %dma_start3A_155 = tpu.memref_squeeze %dma_start3A_154 : memref<1x128xi32, #tpu.memory_space<vmem>> -> memref<128xi32, #tpu.memory_space<vmem>>
        %dma_start3A_156 = arith.constant 0 : i32
        %dma_start3A_157 = arith.constant 0 : i32
        %dma_start3A_158 = tpu.memref_slice %arg2[%dma_start3A_156, %dma_start3A_157] : memref<10000x128xf32, #tpu.memory_space<hbm>> -> memref<10000x128xf32, #tpu.memory_space<hbm>>
        tpu.enqueue_indirect_dma source(%dma_start3A_158 : memref<10000x128xf32, #tpu.memory_space<hbm>>) target(%arg9 : memref<128x128xf32, #tpu.memory_space<vmem>>) offsets(%dma_start3A_155 : memref<128xi32, #tpu.memory_space<vmem>>) semaphore(%arg12 : memref<!tpu.dma_semaphore, #tpu.memory_space<semaphore_mem>>)
      } else {
      }
      %dma_wait3A_133 = arith.constant 0 : i32
      %dma_wait3A_134 = arith.constant 0 : i32
      %dma_wait3A_135 = tpu.memref_slice %arg2[%dma_wait3A_133, %dma_wait3A_134] : memref<10000x128xf32, #tpu.memory_space<hbm>> -> memref<128x128xf32, #tpu.memory_space<hbm>>
      %dma_wait3A_136 = arith.constant 0 : i32
      %dma_wait3A_137 = arith.constant 0 : i32
      %dma_wait3A_138 = tpu.memref_slice %arg2[%dma_wait3A_136, %dma_wait3A_137] : memref<10000x128xf32, #tpu.memory_space<hbm>> -> memref<128x128xf32, #tpu.memory_space<hbm>>
      tpu.wait_dma2 semaphore(%arg12 : memref<!tpu.dma_semaphore, #tpu.memory_space<semaphore_mem>>) src(%dma_wait3A_138 : memref<128x128xf32, #tpu.memory_space<hbm>>) dst(%arg10 : memref<128x128xf32, #tpu.memory_space<vmem>>)
      %dma_start3A_139 = arith.constant 0 : i32
      %dma_start3A_140 = tpu.memref_slice %arg8[%add3A_106, %dma_start3A_139] : memref<56x128xi32, #tpu.memory_space<vmem>> -> memref<1x128xi32, #tpu.memory_space<vmem>>
      %dma_start3A_141 = tpu.memref_squeeze %dma_start3A_140 : memref<1x128xi32, #tpu.memory_space<vmem>> -> memref<128xi32, #tpu.memory_space<vmem>>
      %dma_start3A_142 = arith.constant 0 : i32
      %dma_start3A_143 = arith.constant 0 : i32
      %dma_start3A_144 = tpu.memref_slice %arg11[%dma_start3A_142, %dma_start3A_143] : memref<10240x128xf32, #tpu.memory_space<vmem_shared>> -> memref<10240x128xf32, #tpu.memory_space<vmem_shared>>
      tpu.enqueue_indirect_dma source(%arg10 : memref<128x128xf32, #tpu.memory_space<vmem>>) target(%dma_start3A_144 : memref<10240x128xf32, #tpu.memory_space<vmem_shared>>) offsets(%dma_start3A_141 : memref<128xi32, #tpu.memory_space<vmem>>) semaphore(%arg13 : memref<!tpu.dma_semaphore, #tpu.memory_space<semaphore_mem>>) {add = true}
      %dma_wait3A_145 = arith.constant 0 : i32
      %dma_wait3A_146 = arith.constant 0 : i32
      %dma_wait3A_147 = tpu.memref_slice %arg2[%dma_wait3A_145, %dma_wait3A_146] : memref<10000x128xf32, #tpu.memory_space<hbm>> -> memref<128x128xf32, #tpu.memory_space<hbm>>
      %dma_wait3A_148 = arith.constant 0 : i32
      %dma_wait3A_149 = arith.constant 0 : i32
      %dma_wait3A_150 = tpu.memref_slice %arg2[%dma_wait3A_148, %dma_wait3A_149] : memref<10000x128xf32, #tpu.memory_space<hbm>> -> memref<128x128xf32, #tpu.memory_space<hbm>>
      tpu.wait_dma2 semaphore(%arg13 : memref<!tpu.dma_semaphore, #tpu.memory_space<semaphore_mem>>) src(%dma_wait3A_150 : memref<128x128xf32, #tpu.memory_space<hbm>>) dst(%arg10 : memref<128x128xf32, #tpu.memory_space<vmem>>)
    }
    %while3A_66 = arith.constant 1 : i32
    scf.for %while3A_100 = %while3A_64 to %while3A_60 step %while3A_66  : i32 {
      %mul3A_101 = arith.muli %while3A_100, %while3A : i32
      %add3A_102 = arith.addi %while3A_57, %mul3A_101 : i32
      %mul3A_103 = arith.constant 2 : i32
      %mul3A_104 = arith.muli %mul3A_103, %add3A_102 : i32
      %add3A_105 = arith.constant 1 : i32
      %add3A_106 = arith.addi %mul3A_104, %add3A_105 : i32
      %dma_start3A_107 = arith.constant 0 : i32
      %dma_start3A_108 = tpu.memref_slice %arg7[%add3A_106, %dma_start3A_107] : memref<56x128xi32, #tpu.memory_space<vmem>> -> memref<1x128xi32, #tpu.memory_space<vmem>>
      %dma_start3A_109 = tpu.memref_squeeze %dma_start3A_108 : memref<1x128xi32, #tpu.memory_space<vmem>> -> memref<128xi32, #tpu.memory_space<vmem>>
      %dma_start3A_110 = arith.constant 0 : i32
      %dma_start3A_111 = arith.constant 0 : i32
      %dma_start3A_112 = tpu.memref_slice %arg2[%dma_start3A_110, %dma_start3A_111] : memref<10000x128xf32, #tpu.memory_space<hbm>> -> memref<10000x128xf32, #tpu.memory_space<hbm>>
      tpu.enqueue_indirect_dma source(%dma_start3A_112 : memref<10000x128xf32, #tpu.memory_space<hbm>>) target(%arg10 : memref<128x128xf32, #tpu.memory_space<vmem>>) offsets(%dma_start3A_109 : memref<128xi32, #tpu.memory_space<vmem>>) semaphore(%arg12 : memref<!tpu.dma_semaphore, #tpu.memory_space<semaphore_mem>>)
      %dma_wait3A = arith.constant 0 : i32
      %dma_wait3A_113 = arith.constant 0 : i32
      %dma_wait3A_114 = tpu.memref_slice %arg2[%dma_wait3A, %dma_wait3A_113] : memref<10000x128xf32, #tpu.memory_space<hbm>> -> memref<128x128xf32, #tpu.memory_space<hbm>>
      %dma_wait3A_115 = arith.constant 0 : i32
      %dma_wait3A_116 = arith.constant 0 : i32
      %dma_wait3A_117 = tpu.memref_slice %arg2[%dma_wait3A_115, %dma_wait3A_116] : memref<10000x128xf32, #tpu.memory_space<hbm>> -> memref<128x128xf32, #tpu.memory_space<hbm>>
      tpu.wait_dma2 semaphore(%arg12 : memref<!tpu.dma_semaphore, #tpu.memory_space<semaphore_mem>>) src(%dma_wait3A_117 : memref<128x128xf32, #tpu.memory_space<hbm>>) dst(%arg9 : memref<128x128xf32, #tpu.memory_space<vmem>>)
      %dma_start3A_118 = arith.constant 0 : i32
      %dma_start3A_119 = tpu.memref_slice %arg8[%mul3A_104, %dma_start3A_118] : memref<56x128xi32, #tpu.memory_space<vmem>> -> memref<1x128xi32, #tpu.memory_space<vmem>>
      %dma_start3A_120 = tpu.memref_squeeze %dma_start3A_119 : memref<1x128xi32, #tpu.memory_space<vmem>> -> memref<128xi32, #tpu.memory_space<vmem>>
      %dma_start3A_121 = arith.constant 0 : i32
      %dma_start3A_122 = arith.constant 0 : i32
      %dma_start3A_123 = tpu.memref_slice %arg11[%dma_start3A_121, %dma_start3A_122] : memref<10240x128xf32, #tpu.memory_space<vmem_shared>> -> memref<10240x128xf32, #tpu.memory_space<vmem_shared>>
      tpu.enqueue_indirect_dma source(%arg9 : memref<128x128xf32, #tpu.memory_space<vmem>>) target(%dma_start3A_123 : memref<10240x128xf32, #tpu.memory_space<vmem_shared>>) offsets(%dma_start3A_120 : memref<128xi32, #tpu.memory_space<vmem>>) semaphore(%arg13 : memref<!tpu.dma_semaphore, #tpu.memory_space<semaphore_mem>>) {add = true}
      %dma_wait3A_124 = arith.constant 0 : i32
      %dma_wait3A_125 = arith.constant 0 : i32
      %dma_wait3A_126 = tpu.memref_slice %arg2[%dma_wait3A_124, %dma_wait3A_125] : memref<10000x128xf32, #tpu.memory_space<hbm>> -> memref<128x128xf32, #tpu.memory_space<hbm>>
      %dma_wait3A_127 = arith.constant 0 : i32
      %dma_wait3A_128 = arith.constant 0 : i32
      %dma_wait3A_129 = tpu.memref_slice %arg2[%dma_wait3A_127, %dma_wait3A_128] : memref<10000x128xf32, #tpu.memory_space<hbm>> -> memref<128x128xf32, #tpu.memory_space<hbm>>
      tpu.wait_dma2 semaphore(%arg13 : memref<!tpu.dma_semaphore, #tpu.memory_space<semaphore_mem>>) src(%dma_wait3A_129 : memref<128x128xf32, #tpu.memory_space<hbm>>) dst(%arg9 : memref<128x128xf32, #tpu.memory_space<vmem>>)
      %sub3A_130 = arith.constant 1 : i32
      %sub3A_131 = arith.subi %select_n3A, %sub3A_130 : i32
      %lt3A = arith.cmpi slt, %add3A_102, %sub3A_131 : i32
      %convert_element_type3A = arith.extui %lt3A : i1 to i32
      %cond3A = arith.constant 0 : i32
      %cond3A_132 = arith.cmpi ne, %convert_element_type3A, %cond3A : i32
      scf.if %cond3A_132 {
        %add3A_151 = arith.constant 2 : i32
        %add3A_152 = arith.addi %mul3A_104, %add3A_151 : i32
        %dma_start3A_153 = arith.constant 0 : i32
        %dma_start3A_154 = tpu.memref_slice %arg7[%add3A_152, %dma_start3A_153] : memref<56x128xi32, #tpu.memory_space<vmem>> -> memref<1x128xi32, #tpu.memory_space<vmem>>
        %dma_start3A_155 = tpu.memref_squeeze %dma_start3A_154 : memref<1x128xi32, #tpu.memory_space<vmem>> -> memref<128xi32, #tpu.memory_space<vmem>>
        %dma_start3A_156 = arith.constant 0 : i32
        %dma_start3A_157 = arith.constant 0 : i32
        %dma_start3A_158 = tpu.memref_slice %arg2[%dma_start3A_156, %dma_start3A_157] : memref<10000x128xf32, #tpu.memory_space<hbm>> -> memref<10000x128xf32, #tpu.memory_space<hbm>>
        tpu.enqueue_indirect_dma source(%dma_start3A_158 : memref<10000x128xf32, #tpu.memory_space<hbm>>) target(%arg9 : memref<128x128xf32, #tpu.memory_space<vmem>>) offsets(%dma_start3A_155 : memref<128xi32, #tpu.memory_space<vmem>>) semaphore(%arg12 : memref<!tpu.dma_semaphore, #tpu.memory_space<semaphore_mem>>)
      } else {
      }
      %dma_wait3A_133 = arith.constant 0 : i32
      %dma_wait3A_134 = arith.constant 0 : i32
      %dma_wait3A_135 = tpu.memref_slice %arg2[%dma_wait3A_133, %dma_wait3A_134] : memref<10000x128xf32, #tpu.memory_space<hbm>> -> memref<128x128xf32, #tpu.memory_space<hbm>>
      %dma_wait3A_136 = arith.constant 0 : i32
      %dma_wait3A_137 = arith.constant 0 : i32
      %dma_wait3A_138 = tpu.memref_slice %arg2[%dma_wait3A_136, %dma_wait3A_137] : memref<10000x128xf32, #tpu.memory_space<hbm>> -> memref<128x128xf32, #tpu.memory_space<hbm>>
      tpu.wait_dma2 semaphore(%arg12 : memref<!tpu.dma_semaphore, #tpu.memory_space<semaphore_mem>>) src(%dma_wait3A_138 : memref<128x128xf32, #tpu.memory_space<hbm>>) dst(%arg10 : memref<128x128xf32, #tpu.memory_space<vmem>>)
      %dma_start3A_139 = arith.constant 0 : i32
      %dma_start3A_140 = tpu.memref_slice %arg8[%add3A_106, %dma_start3A_139] : memref<56x128xi32, #tpu.memory_space<vmem>> -> memref<1x128xi32, #tpu.memory_space<vmem>>
      %dma_start3A_141 = tpu.memref_squeeze %dma_start3A_140 : memref<1x128xi32, #tpu.memory_space<vmem>> -> memref<128xi32, #tpu.memory_space<vmem>>
      %dma_start3A_142 = arith.constant 0 : i32
      %dma_start3A_143 = arith.constant 0 : i32
      %dma_start3A_144 = tpu.memref_slice %arg11[%dma_start3A_142, %dma_start3A_143] : memref<10240x128xf32, #tpu.memory_space<vmem_shared>> -> memref<10240x128xf32, #tpu.memory_space<vmem_shared>>
      tpu.enqueue_indirect_dma source(%arg10 : memref<128x128xf32, #tpu.memory_space<vmem>>) target(%dma_start3A_144 : memref<10240x128xf32, #tpu.memory_space<vmem_shared>>) offsets(%dma_start3A_141 : memref<128xi32, #tpu.memory_space<vmem>>) semaphore(%arg13 : memref<!tpu.dma_semaphore, #tpu.memory_space<semaphore_mem>>) {add = true}
      %dma_wait3A_145 = arith.constant 0 : i32
      %dma_wait3A_146 = arith.constant 0 : i32
      %dma_wait3A_147 = tpu.memref_slice %arg2[%dma_wait3A_145, %dma_wait3A_146] : memref<10000x128xf32, #tpu.memory_space<hbm>> -> memref<128x128xf32, #tpu.memory_space<hbm>>
      %dma_wait3A_148 = arith.constant 0 : i32
      %dma_wait3A_149 = arith.constant 0 : i32
      %dma_wait3A_150 = tpu.memref_slice %arg2[%dma_wait3A_148, %dma_wait3A_149] : memref<10000x128xf32, #tpu.memory_space<hbm>> -> memref<128x128xf32, #tpu.memory_space<hbm>>
      tpu.wait_dma2 semaphore(%arg13 : memref<!tpu.dma_semaphore, #tpu.memory_space<semaphore_mem>>) src(%dma_wait3A_150 : memref<128x128xf32, #tpu.memory_space<hbm>>) dst(%arg10 : memref<128x128xf32, #tpu.memory_space<vmem>>)
    }
    %add3A_67 = arith.addi %add3A_22, %sub3A_25 : i32
    "tpu.region"() ({
      %run_scoped3A = tpu.sem_alloc : memref<!tpu.dma_semaphore, #tpu.memory_space<semaphore_mem>>
      %dma_start3A_100 = arith.constant 0 : i32
      %dma_start3A_101 = tpu.memref_slice %arg3[%add3A_67, %dma_start3A_100] : memref<2576x128xi32, #tpu.memory_space<hbm>> -> memref<56x128xi32, #tpu.memory_space<hbm>>
      %dma_start3A_102 = arith.constant 0 : i32
      %dma_start3A_103 = tpu.memref_slice %arg3[%add3A_67, %dma_start3A_102] : memref<2576x128xi32, #tpu.memory_space<hbm>> -> memref<56x128xi32, #tpu.memory_space<hbm>>
      tpu.enqueue_dma source(%dma_start3A_103 : memref<56x128xi32, #tpu.memory_space<hbm>>) target(%arg7 : memref<56x128xi32, #tpu.memory_space<vmem>>) target_semaphore(%run_scoped3A : memref<!tpu.dma_semaphore, #tpu.memory_space<semaphore_mem>>)
      %dma_wait3A = arith.constant 0 : i32
      %dma_wait3A_104 = tpu.memref_slice %arg3[%add3A_67, %dma_wait3A] : memref<2576x128xi32, #tpu.memory_space<hbm>> -> memref<56x128xi32, #tpu.memory_space<hbm>>
      %dma_wait3A_105 = arith.constant 0 : i32
      %dma_wait3A_106 = tpu.memref_slice %arg3[%add3A_67, %dma_wait3A_105] : memref<2576x128xi32, #tpu.memory_space<hbm>> -> memref<56x128xi32, #tpu.memory_space<hbm>>
      tpu.wait_dma2 semaphore(%run_scoped3A : memref<!tpu.dma_semaphore, #tpu.memory_space<semaphore_mem>>) src(%dma_wait3A_106 : memref<56x128xi32, #tpu.memory_space<hbm>>) dst(%arg7 : memref<56x128xi32, #tpu.memory_space<vmem>>)
      tpu.yield
    }) : () -> ()
    %add3A_68 = arith.addi %add3A_22, %sub3A_25 : i32
    "tpu.region"() ({
      %run_scoped3A = tpu.sem_alloc : memref<!tpu.dma_semaphore, #tpu.memory_space<semaphore_mem>>
      %dma_start3A_100 = arith.constant 0 : i32
      %dma_start3A_101 = tpu.memref_slice %arg4[%add3A_68, %dma_start3A_100] : memref<2576x128xi32, #tpu.memory_space<hbm>> -> memref<56x128xi32, #tpu.memory_space<hbm>>
      %dma_start3A_102 = arith.constant 0 : i32
      %dma_start3A_103 = tpu.memref_slice %arg4[%add3A_68, %dma_start3A_102] : memref<2576x128xi32, #tpu.memory_space<hbm>> -> memref<56x128xi32, #tpu.memory_space<hbm>>
      tpu.enqueue_dma source(%dma_start3A_103 : memref<56x128xi32, #tpu.memory_space<hbm>>) target(%arg8 : memref<56x128xi32, #tpu.memory_space<vmem>>) target_semaphore(%run_scoped3A : memref<!tpu.dma_semaphore, #tpu.memory_space<semaphore_mem>>)
      %dma_wait3A = arith.constant 0 : i32
      %dma_wait3A_104 = tpu.memref_slice %arg4[%add3A_68, %dma_wait3A] : memref<2576x128xi32, #tpu.memory_space<hbm>> -> memref<56x128xi32, #tpu.memory_space<hbm>>
      %dma_wait3A_105 = arith.constant 0 : i32
      %dma_wait3A_106 = tpu.memref_slice %arg4[%add3A_68, %dma_wait3A_105] : memref<2576x128xi32, #tpu.memory_space<hbm>> -> memref<56x128xi32, #tpu.memory_space<hbm>>
      tpu.wait_dma2 semaphore(%run_scoped3A : memref<!tpu.dma_semaphore, #tpu.memory_space<semaphore_mem>>) src(%dma_wait3A_106 : memref<56x128xi32, #tpu.memory_space<hbm>>) dst(%arg8 : memref<56x128xi32, #tpu.memory_space<vmem>>)
      tpu.yield
    }) : () -> ()
    %dma_start3A_69 = arith.constant 0 : i32
    %dma_start3A_70 = arith.constant 0 : i32
    %dma_start3A_71 = tpu.memref_slice %arg7[%dma_start3A_69, %dma_start3A_70] : memref<56x128xi32, #tpu.memory_space<vmem>> -> memref<1x128xi32, #tpu.memory_space<vmem>>
    %dma_start3A_72 = tpu.memref_squeeze %dma_start3A_71 : memref<1x128xi32, #tpu.memory_space<vmem>> -> memref<128xi32, #tpu.memory_space<vmem>>
    %dma_start3A_73 = arith.constant 0 : i32
    %dma_start3A_74 = arith.constant 0 : i32
    %dma_start3A_75 = tpu.memref_slice %arg2[%dma_start3A_73, %dma_start3A_74] : memref<10000x128xf32, #tpu.memory_space<hbm>> -> memref<10000x128xf32, #tpu.memory_space<hbm>>
    tpu.enqueue_indirect_dma source(%dma_start3A_75 : memref<10000x128xf32, #tpu.memory_space<hbm>>) target(%arg9 : memref<128x128xf32, #tpu.memory_space<vmem>>) offsets(%dma_start3A_72 : memref<128xi32, #tpu.memory_space<vmem>>) semaphore(%arg12 : memref<!tpu.dma_semaphore, #tpu.memory_space<semaphore_mem>>)
    %sub3A_76 = arith.constant 0 : i32
    %sub3A_77 = arith.subi %select_n3A, %sub3A_76 : i32
    %sub3A_78 = arith.constant 1 : i32
    %sub3A_79 = arith.constant 1 : i32
    %sub3A_80 = arith.subi %sub3A_78, %sub3A_79 : i32
    %add3A_81 = arith.addi %sub3A_77, %sub3A_80 : i32
    %div3A_82 = arith.constant 1 : i32
    %div3A_83 = arith.divsi %add3A_81, %div3A_82 : i32
    %while3A_84 = arith.constant 1 : i32
    %while3A_85 = arith.constant 0 : i32
    %while3A_86 = arith.constant 0 : i32
    %while3A_87 = arith.subi %div3A_83, %while3A_86 : i32
    %while3A_88 = arith.addi %while3A_86, %while3A_87 : i32
    %while3A_89 = arith.constant 1 : i32
    %while3A_90 = arith.divsi %while3A_87, %while3A_89 : i32
    %while3A_91 = arith.muli %while3A_90, %while3A_89 : i32
    %while3A_92 = arith.addi %while3A_86, %while3A_91 : i32
    %while3A_93 = arith.constant 1 : i32
    scf.for %while3A_100 = %while3A_86 to %while3A_92 step %while3A_93  : i32 {
      %mul3A_101 = arith.muli %while3A_100, %while3A_84 : i32
      %add3A_102 = arith.addi %while3A_85, %mul3A_101 : i32
      %mul3A_103 = arith.constant 2 : i32
      %mul3A_104 = arith.muli %mul3A_103, %add3A_102 : i32
      %add3A_105 = arith.constant 1 : i32
      %add3A_106 = arith.addi %mul3A_104, %add3A_105 : i32
      %dma_start3A_107 = arith.constant 0 : i32
      %dma_start3A_108 = tpu.memref_slice %arg7[%add3A_106, %dma_start3A_107] : memref<56x128xi32, #tpu.memory_space<vmem>> -> memref<1x128xi32, #tpu.memory_space<vmem>>
      %dma_start3A_109 = tpu.memref_squeeze %dma_start3A_108 : memref<1x128xi32, #tpu.memory_space<vmem>> -> memref<128xi32, #tpu.memory_space<vmem>>
      %dma_start3A_110 = arith.constant 0 : i32
      %dma_start3A_111 = arith.constant 0 : i32
      %dma_start3A_112 = tpu.memref_slice %arg2[%dma_start3A_110, %dma_start3A_111] : memref<10000x128xf32, #tpu.memory_space<hbm>> -> memref<10000x128xf32, #tpu.memory_space<hbm>>
      tpu.enqueue_indirect_dma source(%dma_start3A_112 : memref<10000x128xf32, #tpu.memory_space<hbm>>) target(%arg10 : memref<128x128xf32, #tpu.memory_space<vmem>>) offsets(%dma_start3A_109 : memref<128xi32, #tpu.memory_space<vmem>>) semaphore(%arg12 : memref<!tpu.dma_semaphore, #tpu.memory_space<semaphore_mem>>)
      %dma_wait3A = arith.constant 0 : i32
      %dma_wait3A_113 = arith.constant 0 : i32
      %dma_wait3A_114 = tpu.memref_slice %arg2[%dma_wait3A, %dma_wait3A_113] : memref<10000x128xf32, #tpu.memory_space<hbm>> -> memref<128x128xf32, #tpu.memory_space<hbm>>
      %dma_wait3A_115 = arith.constant 0 : i32
      %dma_wait3A_116 = arith.constant 0 : i32
      %dma_wait3A_117 = tpu.memref_slice %arg2[%dma_wait3A_115, %dma_wait3A_116] : memref<10000x128xf32, #tpu.memory_space<hbm>> -> memref<128x128xf32, #tpu.memory_space<hbm>>
      tpu.wait_dma2 semaphore(%arg12 : memref<!tpu.dma_semaphore, #tpu.memory_space<semaphore_mem>>) src(%dma_wait3A_117 : memref<128x128xf32, #tpu.memory_space<hbm>>) dst(%arg9 : memref<128x128xf32, #tpu.memory_space<vmem>>)
      %dma_start3A_118 = arith.constant 0 : i32
      %dma_start3A_119 = tpu.memref_slice %arg8[%mul3A_104, %dma_start3A_118] : memref<56x128xi32, #tpu.memory_space<vmem>> -> memref<1x128xi32, #tpu.memory_space<vmem>>
      %dma_start3A_120 = tpu.memref_squeeze %dma_start3A_119 : memref<1x128xi32, #tpu.memory_space<vmem>> -> memref<128xi32, #tpu.memory_space<vmem>>
      %dma_start3A_121 = arith.constant 0 : i32
      %dma_start3A_122 = arith.constant 0 : i32
      %dma_start3A_123 = tpu.memref_slice %arg11[%dma_start3A_121, %dma_start3A_122] : memref<10240x128xf32, #tpu.memory_space<vmem_shared>> -> memref<10240x128xf32, #tpu.memory_space<vmem_shared>>
      tpu.enqueue_indirect_dma source(%arg9 : memref<128x128xf32, #tpu.memory_space<vmem>>) target(%dma_start3A_123 : memref<10240x128xf32, #tpu.memory_space<vmem_shared>>) offsets(%dma_start3A_120 : memref<128xi32, #tpu.memory_space<vmem>>) semaphore(%arg13 : memref<!tpu.dma_semaphore, #tpu.memory_space<semaphore_mem>>) {add = true}
      %dma_wait3A_124 = arith.constant 0 : i32
      %dma_wait3A_125 = arith.constant 0 : i32
      %dma_wait3A_126 = tpu.memref_slice %arg2[%dma_wait3A_124, %dma_wait3A_125] : memref<10000x128xf32, #tpu.memory_space<hbm>> -> memref<128x128xf32, #tpu.memory_space<hbm>>
      %dma_wait3A_127 = arith.constant 0 : i32
      %dma_wait3A_128 = arith.constant 0 : i32
      %dma_wait3A_129 = tpu.memref_slice %arg2[%dma_wait3A_127, %dma_wait3A_128] : memref<10000x128xf32, #tpu.memory_space<hbm>> -> memref<128x128xf32, #tpu.memory_space<hbm>>
      tpu.wait_dma2 semaphore(%arg13 : memref<!tpu.dma_semaphore, #tpu.memory_space<semaphore_mem>>) src(%dma_wait3A_129 : memref<128x128xf32, #tpu.memory_space<hbm>>) dst(%arg9 : memref<128x128xf32, #tpu.memory_space<vmem>>)
      %sub3A_130 = arith.constant 1 : i32
      %sub3A_131 = arith.subi %select_n3A, %sub3A_130 : i32
      %lt3A = arith.cmpi slt, %add3A_102, %sub3A_131 : i32
      %convert_element_type3A = arith.extui %lt3A : i1 to i32
      %cond3A = arith.constant 0 : i32
      %cond3A_132 = arith.cmpi ne, %convert_element_type3A, %cond3A : i32
      scf.if %cond3A_132 {
        %add3A_151 = arith.constant 2 : i32
        %add3A_152 = arith.addi %mul3A_104, %add3A_151 : i32
        %dma_start3A_153 = arith.constant 0 : i32
        %dma_start3A_154 = tpu.memref_slice %arg7[%add3A_152, %dma_start3A_153] : memref<56x128xi32, #tpu.memory_space<vmem>> -> memref<1x128xi32, #tpu.memory_space<vmem>>
        %dma_start3A_155 = tpu.memref_squeeze %dma_start3A_154 : memref<1x128xi32, #tpu.memory_space<vmem>> -> memref<128xi32, #tpu.memory_space<vmem>>
        %dma_start3A_156 = arith.constant 0 : i32
        %dma_start3A_157 = arith.constant 0 : i32
        %dma_start3A_158 = tpu.memref_slice %arg2[%dma_start3A_156, %dma_start3A_157] : memref<10000x128xf32, #tpu.memory_space<hbm>> -> memref<10000x128xf32, #tpu.memory_space<hbm>>
        tpu.enqueue_indirect_dma source(%dma_start3A_158 : memref<10000x128xf32, #tpu.memory_space<hbm>>) target(%arg9 : memref<128x128xf32, #tpu.memory_space<vmem>>) offsets(%dma_start3A_155 : memref<128xi32, #tpu.memory_space<vmem>>) semaphore(%arg12 : memref<!tpu.dma_semaphore, #tpu.memory_space<semaphore_mem>>)
      } else {
      }
      %dma_wait3A_133 = arith.constant 0 : i32
      %dma_wait3A_134 = arith.constant 0 : i32
      %dma_wait3A_135 = tpu.memref_slice %arg2[%dma_wait3A_133, %dma_wait3A_134] : memref<10000x128xf32, #tpu.memory_space<hbm>> -> memref<128x128xf32, #tpu.memory_space<hbm>>
      %dma_wait3A_136 = arith.constant 0 : i32
      %dma_wait3A_137 = arith.constant 0 : i32
      %dma_wait3A_138 = tpu.memref_slice %arg2[%dma_wait3A_136, %dma_wait3A_137] : memref<10000x128xf32, #tpu.memory_space<hbm>> -> memref<128x128xf32, #tpu.memory_space<hbm>>
      tpu.wait_dma2 semaphore(%arg12 : memref<!tpu.dma_semaphore, #tpu.memory_space<semaphore_mem>>) src(%dma_wait3A_138 : memref<128x128xf32, #tpu.memory_space<hbm>>) dst(%arg10 : memref<128x128xf32, #tpu.memory_space<vmem>>)
      %dma_start3A_139 = arith.constant 0 : i32
      %dma_start3A_140 = tpu.memref_slice %arg8[%add3A_106, %dma_start3A_139] : memref<56x128xi32, #tpu.memory_space<vmem>> -> memref<1x128xi32, #tpu.memory_space<vmem>>
      %dma_start3A_141 = tpu.memref_squeeze %dma_start3A_140 : memref<1x128xi32, #tpu.memory_space<vmem>> -> memref<128xi32, #tpu.memory_space<vmem>>
      %dma_start3A_142 = arith.constant 0 : i32
      %dma_start3A_143 = arith.constant 0 : i32
      %dma_start3A_144 = tpu.memref_slice %arg11[%dma_start3A_142, %dma_start3A_143] : memref<10240x128xf32, #tpu.memory_space<vmem_shared>> -> memref<10240x128xf32, #tpu.memory_space<vmem_shared>>
      tpu.enqueue_indirect_dma source(%arg10 : memref<128x128xf32, #tpu.memory_space<vmem>>) target(%dma_start3A_144 : memref<10240x128xf32, #tpu.memory_space<vmem_shared>>) offsets(%dma_start3A_141 : memref<128xi32, #tpu.memory_space<vmem>>) semaphore(%arg13 : memref<!tpu.dma_semaphore, #tpu.memory_space<semaphore_mem>>) {add = true}
      %dma_wait3A_145 = arith.constant 0 : i32
      %dma_wait3A_146 = arith.constant 0 : i32
      %dma_wait3A_147 = tpu.memref_slice %arg2[%dma_wait3A_145, %dma_wait3A_146] : memref<10000x128xf32, #tpu.memory_space<hbm>> -> memref<128x128xf32, #tpu.memory_space<hbm>>
      %dma_wait3A_148 = arith.constant 0 : i32
      %dma_wait3A_149 = arith.constant 0 : i32
      %dma_wait3A_150 = tpu.memref_slice %arg2[%dma_wait3A_148, %dma_wait3A_149] : memref<10000x128xf32, #tpu.memory_space<hbm>> -> memref<128x128xf32, #tpu.memory_space<hbm>>
      tpu.wait_dma2 semaphore(%arg13 : memref<!tpu.dma_semaphore, #tpu.memory_space<semaphore_mem>>) src(%dma_wait3A_150 : memref<128x128xf32, #tpu.memory_space<hbm>>) dst(%arg10 : memref<128x128xf32, #tpu.memory_space<vmem>>)
    }
    %while3A_94 = arith.constant 1 : i32
    scf.for %while3A_100 = %while3A_92 to %while3A_88 step %while3A_94  : i32 {
      %mul3A_101 = arith.muli %while3A_100, %while3A_84 : i32
      %add3A_102 = arith.addi %while3A_85, %mul3A_101 : i32
      %mul3A_103 = arith.constant 2 : i32
      %mul3A_104 = arith.muli %mul3A_103, %add3A_102 : i32
      %add3A_105 = arith.constant 1 : i32
      %add3A_106 = arith.addi %mul3A_104, %add3A_105 : i32
      %dma_start3A_107 = arith.constant 0 : i32
      %dma_start3A_108 = tpu.memref_slice %arg7[%add3A_106, %dma_start3A_107] : memref<56x128xi32, #tpu.memory_space<vmem>> -> memref<1x128xi32, #tpu.memory_space<vmem>>
      %dma_start3A_109 = tpu.memref_squeeze %dma_start3A_108 : memref<1x128xi32, #tpu.memory_space<vmem>> -> memref<128xi32, #tpu.memory_space<vmem>>
      %dma_start3A_110 = arith.constant 0 : i32
      %dma_start3A_111 = arith.constant 0 : i32
      %dma_start3A_112 = tpu.memref_slice %arg2[%dma_start3A_110, %dma_start3A_111] : memref<10000x128xf32, #tpu.memory_space<hbm>> -> memref<10000x128xf32, #tpu.memory_space<hbm>>
      tpu.enqueue_indirect_dma source(%dma_start3A_112 : memref<10000x128xf32, #tpu.memory_space<hbm>>) target(%arg10 : memref<128x128xf32, #tpu.memory_space<vmem>>) offsets(%dma_start3A_109 : memref<128xi32, #tpu.memory_space<vmem>>) semaphore(%arg12 : memref<!tpu.dma_semaphore, #tpu.memory_space<semaphore_mem>>)
      %dma_wait3A = arith.constant 0 : i32
      %dma_wait3A_113 = arith.constant 0 : i32
      %dma_wait3A_114 = tpu.memref_slice %arg2[%dma_wait3A, %dma_wait3A_113] : memref<10000x128xf32, #tpu.memory_space<hbm>> -> memref<128x128xf32, #tpu.memory_space<hbm>>
      %dma_wait3A_115 = arith.constant 0 : i32
      %dma_wait3A_116 = arith.constant 0 : i32
      %dma_wait3A_117 = tpu.memref_slice %arg2[%dma_wait3A_115, %dma_wait3A_116] : memref<10000x128xf32, #tpu.memory_space<hbm>> -> memref<128x128xf32, #tpu.memory_space<hbm>>
      tpu.wait_dma2 semaphore(%arg12 : memref<!tpu.dma_semaphore, #tpu.memory_space<semaphore_mem>>) src(%dma_wait3A_117 : memref<128x128xf32, #tpu.memory_space<hbm>>) dst(%arg9 : memref<128x128xf32, #tpu.memory_space<vmem>>)
      %dma_start3A_118 = arith.constant 0 : i32
      %dma_start3A_119 = tpu.memref_slice %arg8[%mul3A_104, %dma_start3A_118] : memref<56x128xi32, #tpu.memory_space<vmem>> -> memref<1x128xi32, #tpu.memory_space<vmem>>
      %dma_start3A_120 = tpu.memref_squeeze %dma_start3A_119 : memref<1x128xi32, #tpu.memory_space<vmem>> -> memref<128xi32, #tpu.memory_space<vmem>>
      %dma_start3A_121 = arith.constant 0 : i32
      %dma_start3A_122 = arith.constant 0 : i32
      %dma_start3A_123 = tpu.memref_slice %arg11[%dma_start3A_121, %dma_start3A_122] : memref<10240x128xf32, #tpu.memory_space<vmem_shared>> -> memref<10240x128xf32, #tpu.memory_space<vmem_shared>>
      tpu.enqueue_indirect_dma source(%arg9 : memref<128x128xf32, #tpu.memory_space<vmem>>) target(%dma_start3A_123 : memref<10240x128xf32, #tpu.memory_space<vmem_shared>>) offsets(%dma_start3A_120 : memref<128xi32, #tpu.memory_space<vmem>>) semaphore(%arg13 : memref<!tpu.dma_semaphore, #tpu.memory_space<semaphore_mem>>) {add = true}
      %dma_wait3A_124 = arith.constant 0 : i32
      %dma_wait3A_125 = arith.constant 0 : i32
      %dma_wait3A_126 = tpu.memref_slice %arg2[%dma_wait3A_124, %dma_wait3A_125] : memref<10000x128xf32, #tpu.memory_space<hbm>> -> memref<128x128xf32, #tpu.memory_space<hbm>>
      %dma_wait3A_127 = arith.constant 0 : i32
      %dma_wait3A_128 = arith.constant 0 : i32
      %dma_wait3A_129 = tpu.memref_slice %arg2[%dma_wait3A_127, %dma_wait3A_128] : memref<10000x128xf32, #tpu.memory_space<hbm>> -> memref<128x128xf32, #tpu.memory_space<hbm>>
      tpu.wait_dma2 semaphore(%arg13 : memref<!tpu.dma_semaphore, #tpu.memory_space<semaphore_mem>>) src(%dma_wait3A_129 : memref<128x128xf32, #tpu.memory_space<hbm>>) dst(%arg9 : memref<128x128xf32, #tpu.memory_space<vmem>>)
      %sub3A_130 = arith.constant 1 : i32
      %sub3A_131 = arith.subi %select_n3A, %sub3A_130 : i32
      %lt3A = arith.cmpi slt, %add3A_102, %sub3A_131 : i32
      %convert_element_type3A = arith.extui %lt3A : i1 to i32
      %cond3A = arith.constant 0 : i32
      %cond3A_132 = arith.cmpi ne, %convert_element_type3A, %cond3A : i32
      scf.if %cond3A_132 {
        %add3A_151 = arith.constant 2 : i32
        %add3A_152 = arith.addi %mul3A_104, %add3A_151 : i32
        %dma_start3A_153 = arith.constant 0 : i32
        %dma_start3A_154 = tpu.memref_slice %arg7[%add3A_152, %dma_start3A_153] : memref<56x128xi32, #tpu.memory_space<vmem>> -> memref<1x128xi32, #tpu.memory_space<vmem>>
        %dma_start3A_155 = tpu.memref_squeeze %dma_start3A_154 : memref<1x128xi32, #tpu.memory_space<vmem>> -> memref<128xi32, #tpu.memory_space<vmem>>
        %dma_start3A_156 = arith.constant 0 : i32
        %dma_start3A_157 = arith.constant 0 : i32
        %dma_start3A_158 = tpu.memref_slice %arg2[%dma_start3A_156, %dma_start3A_157] : memref<10000x128xf32, #tpu.memory_space<hbm>> -> memref<10000x128xf32, #tpu.memory_space<hbm>>
        tpu.enqueue_indirect_dma source(%dma_start3A_158 : memref<10000x128xf32, #tpu.memory_space<hbm>>) target(%arg9 : memref<128x128xf32, #tpu.memory_space<vmem>>) offsets(%dma_start3A_155 : memref<128xi32, #tpu.memory_space<vmem>>) semaphore(%arg12 : memref<!tpu.dma_semaphore, #tpu.memory_space<semaphore_mem>>)
      } else {
      }
      %dma_wait3A_133 = arith.constant 0 : i32
      %dma_wait3A_134 = arith.constant 0 : i32
      %dma_wait3A_135 = tpu.memref_slice %arg2[%dma_wait3A_133, %dma_wait3A_134] : memref<10000x128xf32, #tpu.memory_space<hbm>> -> memref<128x128xf32, #tpu.memory_space<hbm>>
      %dma_wait3A_136 = arith.constant 0 : i32
      %dma_wait3A_137 = arith.constant 0 : i32
      %dma_wait3A_138 = tpu.memref_slice %arg2[%dma_wait3A_136, %dma_wait3A_137] : memref<10000x128xf32, #tpu.memory_space<hbm>> -> memref<128x128xf32, #tpu.memory_space<hbm>>
      tpu.wait_dma2 semaphore(%arg12 : memref<!tpu.dma_semaphore, #tpu.memory_space<semaphore_mem>>) src(%dma_wait3A_138 : memref<128x128xf32, #tpu.memory_space<hbm>>) dst(%arg10 : memref<128x128xf32, #tpu.memory_space<vmem>>)
      %dma_start3A_139 = arith.constant 0 : i32
      %dma_start3A_140 = tpu.memref_slice %arg8[%add3A_106, %dma_start3A_139] : memref<56x128xi32, #tpu.memory_space<vmem>> -> memref<1x128xi32, #tpu.memory_space<vmem>>
      %dma_start3A_141 = tpu.memref_squeeze %dma_start3A_140 : memref<1x128xi32, #tpu.memory_space<vmem>> -> memref<128xi32, #tpu.memory_space<vmem>>
      %dma_start3A_142 = arith.constant 0 : i32
      %dma_start3A_143 = arith.constant 0 : i32
      %dma_start3A_144 = tpu.memref_slice %arg11[%dma_start3A_142, %dma_start3A_143] : memref<10240x128xf32, #tpu.memory_space<vmem_shared>> -> memref<10240x128xf32, #tpu.memory_space<vmem_shared>>
      tpu.enqueue_indirect_dma source(%arg10 : memref<128x128xf32, #tpu.memory_space<vmem>>) target(%dma_start3A_144 : memref<10240x128xf32, #tpu.memory_space<vmem_shared>>) offsets(%dma_start3A_141 : memref<128xi32, #tpu.memory_space<vmem>>) semaphore(%arg13 : memref<!tpu.dma_semaphore, #tpu.memory_space<semaphore_mem>>) {add = true}
      %dma_wait3A_145 = arith.constant 0 : i32
      %dma_wait3A_146 = arith.constant 0 : i32
      %dma_wait3A_147 = tpu.memref_slice %arg2[%dma_wait3A_145, %dma_wait3A_146] : memref<10000x128xf32, #tpu.memory_space<hbm>> -> memref<128x128xf32, #tpu.memory_space<hbm>>
      %dma_wait3A_148 = arith.constant 0 : i32
      %dma_wait3A_149 = arith.constant 0 : i32
      %dma_wait3A_150 = tpu.memref_slice %arg2[%dma_wait3A_148, %dma_wait3A_149] : memref<10000x128xf32, #tpu.memory_space<hbm>> -> memref<128x128xf32, #tpu.memory_space<hbm>>
      tpu.wait_dma2 semaphore(%arg13 : memref<!tpu.dma_semaphore, #tpu.memory_space<semaphore_mem>>) src(%dma_wait3A_150 : memref<128x128xf32, #tpu.memory_space<hbm>>) dst(%arg10 : memref<128x128xf32, #tpu.memory_space<vmem>>)
    }
    %barrier3A_95 = arith.constant 0 : index
    tpu.barrier barrier_id(%barrier3A_95)
    %mul3A_96 = arith.constant 640 : i32
    %mul3A_97 = arith.muli %arg1, %mul3A_96 : i32
    %mul3A_98 = arith.constant 640 : i32
    %mul3A_99 = arith.muli %arg1, %mul3A_98 : i32
    "tpu.region"() ({
      %run_scoped3A = tpu.sem_alloc : memref<!tpu.dma_semaphore, #tpu.memory_space<semaphore_mem>>
      %dma_start3A_100 = arith.constant 0 : i32
      %dma_start3A_101 = tpu.memref_slice %arg6[%arg0, %mul3A_99, %dma_start3A_100] : memref<2x10240x128xf32, #tpu.memory_space<hbm>> -> memref<1x640x128xf32, #tpu.memory_space<hbm>>
      %dma_start3A_102 = tpu.memref_squeeze %dma_start3A_101 : memref<1x640x128xf32, #tpu.memory_space<hbm>> -> memref<640x128xf32, #tpu.memory_space<hbm>>
      %dma_start3A_103 = arith.constant 0 : i32
      %dma_start3A_104 = tpu.memref_slice %arg11[%mul3A_97, %dma_start3A_103] : memref<10240x128xf32, #tpu.memory_space<vmem_shared>> -> memref<640x128xf32, #tpu.memory_space<vmem_shared>>
      tpu.enqueue_dma source(%dma_start3A_104 : memref<640x128xf32, #tpu.memory_space<vmem_shared>>) target(%dma_start3A_102 : memref<640x128xf32, #tpu.memory_space<hbm>>) target_semaphore(%run_scoped3A : memref<!tpu.dma_semaphore, #tpu.memory_space<semaphore_mem>>)
      %dma_wait3A = arith.constant 0 : i32
      %dma_wait3A_105 = tpu.memref_slice %arg6[%arg0, %mul3A_99, %dma_wait3A] : memref<2x10240x128xf32, #tpu.memory_space<hbm>> -> memref<1x640x128xf32, #tpu.memory_space<hbm>>
      %dma_wait3A_106 = tpu.memref_squeeze %dma_wait3A_105 : memref<1x640x128xf32, #tpu.memory_space<hbm>> -> memref<640x128xf32, #tpu.memory_space<hbm>>
      %dma_wait3A_107 = arith.constant 0 : i32
      %dma_wait3A_108 = tpu.memref_slice %arg11[%mul3A_97, %dma_wait3A_107] : memref<10240x128xf32, #tpu.memory_space<vmem_shared>> -> memref<640x128xf32, #tpu.memory_space<vmem_shared>>
      tpu.wait_dma2 semaphore(%run_scoped3A : memref<!tpu.dma_semaphore, #tpu.memory_space<semaphore_mem>>) src(%dma_wait3A_108 : memref<640x128xf32, #tpu.memory_space<vmem_shared>>) dst(%dma_wait3A_106 : memref<640x128xf32, #tpu.memory_space<hbm>>)
      tpu.yield
    }) : () -> ()
    return
  }
}

#map = affine_map<(d0, d1) -> (0, 0)>
#map1 = affine_map<(d0, d1) -> (0, 0, 0)>
module attributes {stable_mosaic.version = 14 : i64} {
  func.func @_deg_body(%arg0: i32, %arg1: i32, %arg2: memref<2576x128xi32, #tpu.memory_space<hbm>>, %arg3: memref<128x16xf32, #tpu.memory_space<hbm>>, %arg4: memref<640x16xf32, #tpu.memory_space<hbm>>, %arg5: memref<2x10240x16xf32, #tpu.memory_space<hbm>>, %arg6: memref<112x128xi32, #tpu.memory_space<vmem>>, %arg7: memref<128x16xf32, #tpu.memory_space<vmem>>, %arg8: memref<10240x16xf32, #tpu.memory_space<vmem_shared>>, %arg9: memref<!tpu.dma_semaphore, #tpu.memory_space<semaphore_mem>>) attributes {dimension_semantics = [#tpu.dimension_semantics<core_parallel>, #tpu.dimension_semantics<subcore_parallel>], iteration_bounds = array<i64: 2, 16>, scalar_prefetch = 0 : i64, scratch_operands = 4 : i64, tpu.core_type = #tpu.core_type<sc_vector_subcore>, window_params = [{transform_indices = #map}, {transform_indices = #map}, {transform_indices = #map}, {transform_indices = #map1}]} {
    %mul3A = arith.constant 640 : i32
    %mul3A_0 = arith.muli %arg1, %mul3A : i32
    "tpu.region"() ({
      %run_scoped3A = tpu.sem_alloc : memref<!tpu.dma_semaphore, #tpu.memory_space<semaphore_mem>>
      %dma_start3A = arith.constant 0 : i32
      %dma_start3A_30 = tpu.memref_slice %arg8[%mul3A_0, %dma_start3A] : memref<10240x16xf32, #tpu.memory_space<vmem_shared>> -> memref<640x16xf32, #tpu.memory_space<vmem_shared>>
      tpu.enqueue_dma source(%arg4 : memref<640x16xf32, #tpu.memory_space<hbm>>) target(%dma_start3A_30 : memref<640x16xf32, #tpu.memory_space<vmem_shared>>) target_semaphore(%run_scoped3A : memref<!tpu.dma_semaphore, #tpu.memory_space<semaphore_mem>>)
      %dma_wait3A = arith.constant 0 : i32
      %dma_wait3A_31 = tpu.memref_slice %arg8[%mul3A_0, %dma_wait3A] : memref<10240x16xf32, #tpu.memory_space<vmem_shared>> -> memref<640x16xf32, #tpu.memory_space<vmem_shared>>
      tpu.wait_dma2 semaphore(%run_scoped3A : memref<!tpu.dma_semaphore, #tpu.memory_space<semaphore_mem>>) src(%arg4 : memref<640x16xf32, #tpu.memory_space<hbm>>) dst(%dma_wait3A_31 : memref<640x16xf32, #tpu.memory_space<vmem_shared>>)
      tpu.yield
    }) : () -> ()
    "tpu.region"() ({
      %run_scoped3A = tpu.sem_alloc : memref<!tpu.dma_semaphore, #tpu.memory_space<semaphore_mem>>
      tpu.enqueue_dma source(%arg3 : memref<128x16xf32, #tpu.memory_space<hbm>>) target(%arg7 : memref<128x16xf32, #tpu.memory_space<vmem>>) target_semaphore(%run_scoped3A : memref<!tpu.dma_semaphore, #tpu.memory_space<semaphore_mem>>)
      tpu.wait_dma2 semaphore(%run_scoped3A : memref<!tpu.dma_semaphore, #tpu.memory_space<semaphore_mem>>) src(%arg3 : memref<128x16xf32, #tpu.memory_space<hbm>>) dst(%arg7 : memref<128x16xf32, #tpu.memory_space<vmem>>)
      tpu.yield
    }) : () -> ()
    %mul3A_1 = arith.constant 160 : i32
    %mul3A_2 = arith.muli %arg1, %mul3A_1 : i32
    %mul3A_3 = arith.constant 112 : i32
    %mul3A_4 = arith.muli %arg0, %mul3A_3 : i32
    %add3A = arith.addi %mul3A_2, %mul3A_4 : i32
    "tpu.region"() ({
      %run_scoped3A = tpu.sem_alloc : memref<!tpu.dma_semaphore, #tpu.memory_space<semaphore_mem>>
      %dma_start3A = arith.constant 0 : i32
      %dma_start3A_30 = tpu.memref_slice %arg2[%add3A, %dma_start3A] : memref<2576x128xi32, #tpu.memory_space<hbm>> -> memref<112x128xi32, #tpu.memory_space<hbm>>
      %dma_start3A_31 = arith.constant 0 : i32
      %dma_start3A_32 = tpu.memref_slice %arg2[%add3A, %dma_start3A_31] : memref<2576x128xi32, #tpu.memory_space<hbm>> -> memref<112x128xi32, #tpu.memory_space<hbm>>
      tpu.enqueue_dma source(%dma_start3A_32 : memref<112x128xi32, #tpu.memory_space<hbm>>) target(%arg6 : memref<112x128xi32, #tpu.memory_space<vmem>>) target_semaphore(%run_scoped3A : memref<!tpu.dma_semaphore, #tpu.memory_space<semaphore_mem>>)
      %dma_wait3A = arith.constant 0 : i32
      %dma_wait3A_33 = tpu.memref_slice %arg2[%add3A, %dma_wait3A] : memref<2576x128xi32, #tpu.memory_space<hbm>> -> memref<112x128xi32, #tpu.memory_space<hbm>>
      %dma_wait3A_34 = arith.constant 0 : i32
      %dma_wait3A_35 = tpu.memref_slice %arg2[%add3A, %dma_wait3A_34] : memref<2576x128xi32, #tpu.memory_space<hbm>> -> memref<112x128xi32, #tpu.memory_space<hbm>>
      tpu.wait_dma2 semaphore(%run_scoped3A : memref<!tpu.dma_semaphore, #tpu.memory_space<semaphore_mem>>) src(%dma_wait3A_35 : memref<112x128xi32, #tpu.memory_space<hbm>>) dst(%arg6 : memref<112x128xi32, #tpu.memory_space<vmem>>)
      tpu.yield
    }) : () -> ()
    %barrier3A = arith.constant 0 : index
    tpu.barrier barrier_id(%barrier3A)
    %mul3A_5 = arith.constant 8 : i32
    %mul3A_6 = arith.muli %arg0, %mul3A_5 : i32
    %sub3A = arith.constant 14 : i32
    %sub3A_7 = arith.subi %sub3A, %mul3A_6 : i32
    %sub3A_8 = arith.constant 0 : i32
    %sub3A_9 = arith.subi %sub3A_7, %sub3A_8 : i32
    %sub3A_10 = arith.constant 1 : i32
    %sub3A_11 = arith.constant 1 : i32
    %sub3A_12 = arith.subi %sub3A_10, %sub3A_11 : i32
    %add3A_13 = arith.addi %sub3A_9, %sub3A_12 : i32
    %div3A = arith.constant 1 : i32
    %div3A_14 = arith.divsi %add3A_13, %div3A : i32
    %while3A = arith.constant 1 : i32
    %while3A_15 = arith.constant 0 : i32
    %while3A_16 = arith.constant 0 : i32
    %while3A_17 = arith.subi %div3A_14, %while3A_16 : i32
    %while3A_18 = arith.addi %while3A_16, %while3A_17 : i32
    %while3A_19 = arith.constant 1 : i32
    %while3A_20 = arith.divsi %while3A_17, %while3A_19 : i32
    %while3A_21 = arith.muli %while3A_20, %while3A_19 : i32
    %while3A_22 = arith.addi %while3A_16, %while3A_21 : i32
    %while3A_23 = arith.constant 1 : i32
    scf.for %while3A_30 = %while3A_16 to %while3A_22 step %while3A_23  : i32 {
      %mul3A_31 = arith.muli %while3A_30, %while3A : i32
      %add3A_32 = arith.addi %while3A_15, %mul3A_31 : i32
      %mul3A_33 = arith.constant 8 : i32
      %mul3A_34 = arith.muli %add3A_32, %mul3A_33 : i32
      %add3A_35 = arith.constant 0 : i32
      %add3A_36 = arith.addi %mul3A_34, %add3A_35 : i32
      %dma_start3A = arith.constant 0 : i32
      %dma_start3A_37 = tpu.memref_slice %arg6[%add3A_36, %dma_start3A] : memref<112x128xi32, #tpu.memory_space<vmem>> -> memref<1x128xi32, #tpu.memory_space<vmem>>
      %dma_start3A_38 = tpu.memref_squeeze %dma_start3A_37 : memref<1x128xi32, #tpu.memory_space<vmem>> -> memref<128xi32, #tpu.memory_space<vmem>>
      %dma_start3A_39 = arith.constant 0 : i32
      %dma_start3A_40 = arith.constant 0 : i32
      %dma_start3A_41 = tpu.memref_slice %arg8[%dma_start3A_39, %dma_start3A_40] : memref<10240x16xf32, #tpu.memory_space<vmem_shared>> -> memref<10240x16xf32, #tpu.memory_space<vmem_shared>>
      tpu.enqueue_indirect_dma source(%arg7 : memref<128x16xf32, #tpu.memory_space<vmem>>) target(%dma_start3A_41 : memref<10240x16xf32, #tpu.memory_space<vmem_shared>>) offsets(%dma_start3A_38 : memref<128xi32, #tpu.memory_space<vmem>>) semaphore(%arg9 : memref<!tpu.dma_semaphore, #tpu.memory_space<semaphore_mem>>) {add = true}
      %mul3A_42 = arith.constant 8 : i32
      %mul3A_43 = arith.muli %add3A_32, %mul3A_42 : i32
      %add3A_44 = arith.constant 1 : i32
      %add3A_45 = arith.addi %mul3A_43, %add3A_44 : i32
      %dma_start3A_46 = arith.constant 0 : i32
      %dma_start3A_47 = tpu.memref_slice %arg6[%add3A_45, %dma_start3A_46] : memref<112x128xi32, #tpu.memory_space<vmem>> -> memref<1x128xi32, #tpu.memory_space<vmem>>
      %dma_start3A_48 = tpu.memref_squeeze %dma_start3A_47 : memref<1x128xi32, #tpu.memory_space<vmem>> -> memref<128xi32, #tpu.memory_space<vmem>>
      %dma_start3A_49 = arith.constant 0 : i32
      %dma_start3A_50 = arith.constant 0 : i32
      %dma_start3A_51 = tpu.memref_slice %arg8[%dma_start3A_49, %dma_start3A_50] : memref<10240x16xf32, #tpu.memory_space<vmem_shared>> -> memref<10240x16xf32, #tpu.memory_space<vmem_shared>>
      tpu.enqueue_indirect_dma source(%arg7 : memref<128x16xf32, #tpu.memory_space<vmem>>) target(%dma_start3A_51 : memref<10240x16xf32, #tpu.memory_space<vmem_shared>>) offsets(%dma_start3A_48 : memref<128xi32, #tpu.memory_space<vmem>>) semaphore(%arg9 : memref<!tpu.dma_semaphore, #tpu.memory_space<semaphore_mem>>) {add = true}
      %mul3A_52 = arith.constant 8 : i32
      %mul3A_53 = arith.muli %add3A_32, %mul3A_52 : i32
      %add3A_54 = arith.constant 2 : i32
      %add3A_55 = arith.addi %mul3A_53, %add3A_54 : i32
      %dma_start3A_56 = arith.constant 0 : i32
      %dma_start3A_57 = tpu.memref_slice %arg6[%add3A_55, %dma_start3A_56] : memref<112x128xi32, #tpu.memory_space<vmem>> -> memref<1x128xi32, #tpu.memory_space<vmem>>
      %dma_start3A_58 = tpu.memref_squeeze %dma_start3A_57 : memref<1x128xi32, #tpu.memory_space<vmem>> -> memref<128xi32, #tpu.memory_space<vmem>>
      %dma_start3A_59 = arith.constant 0 : i32
      %dma_start3A_60 = arith.constant 0 : i32
      %dma_start3A_61 = tpu.memref_slice %arg8[%dma_start3A_59, %dma_start3A_60] : memref<10240x16xf32, #tpu.memory_space<vmem_shared>> -> memref<10240x16xf32, #tpu.memory_space<vmem_shared>>
      tpu.enqueue_indirect_dma source(%arg7 : memref<128x16xf32, #tpu.memory_space<vmem>>) target(%dma_start3A_61 : memref<10240x16xf32, #tpu.memory_space<vmem_shared>>) offsets(%dma_start3A_58 : memref<128xi32, #tpu.memory_space<vmem>>) semaphore(%arg9 : memref<!tpu.dma_semaphore, #tpu.memory_space<semaphore_mem>>) {add = true}
      %mul3A_62 = arith.constant 8 : i32
      %mul3A_63 = arith.muli %add3A_32, %mul3A_62 : i32
      %add3A_64 = arith.constant 3 : i32
      %add3A_65 = arith.addi %mul3A_63, %add3A_64 : i32
      %dma_start3A_66 = arith.constant 0 : i32
      %dma_start3A_67 = tpu.memref_slice %arg6[%add3A_65, %dma_start3A_66] : memref<112x128xi32, #tpu.memory_space<vmem>> -> memref<1x128xi32, #tpu.memory_space<vmem>>
      %dma_start3A_68 = tpu.memref_squeeze %dma_start3A_67 : memref<1x128xi32, #tpu.memory_space<vmem>> -> memref<128xi32, #tpu.memory_space<vmem>>
      %dma_start3A_69 = arith.constant 0 : i32
      %dma_start3A_70 = arith.constant 0 : i32
      %dma_start3A_71 = tpu.memref_slice %arg8[%dma_start3A_69, %dma_start3A_70] : memref<10240x16xf32, #tpu.memory_space<vmem_shared>> -> memref<10240x16xf32, #tpu.memory_space<vmem_shared>>
      tpu.enqueue_indirect_dma source(%arg7 : memref<128x16xf32, #tpu.memory_space<vmem>>) target(%dma_start3A_71 : memref<10240x16xf32, #tpu.memory_space<vmem_shared>>) offsets(%dma_start3A_68 : memref<128xi32, #tpu.memory_space<vmem>>) semaphore(%arg9 : memref<!tpu.dma_semaphore, #tpu.memory_space<semaphore_mem>>) {add = true}
      %mul3A_72 = arith.constant 8 : i32
      %mul3A_73 = arith.muli %add3A_32, %mul3A_72 : i32
      %add3A_74 = arith.constant 4 : i32
      %add3A_75 = arith.addi %mul3A_73, %add3A_74 : i32
      %dma_start3A_76 = arith.constant 0 : i32
      %dma_start3A_77 = tpu.memref_slice %arg6[%add3A_75, %dma_start3A_76] : memref<112x128xi32, #tpu.memory_space<vmem>> -> memref<1x128xi32, #tpu.memory_space<vmem>>
      %dma_start3A_78 = tpu.memref_squeeze %dma_start3A_77 : memref<1x128xi32, #tpu.memory_space<vmem>> -> memref<128xi32, #tpu.memory_space<vmem>>
      %dma_start3A_79 = arith.constant 0 : i32
      %dma_start3A_80 = arith.constant 0 : i32
      %dma_start3A_81 = tpu.memref_slice %arg8[%dma_start3A_79, %dma_start3A_80] : memref<10240x16xf32, #tpu.memory_space<vmem_shared>> -> memref<10240x16xf32, #tpu.memory_space<vmem_shared>>
      tpu.enqueue_indirect_dma source(%arg7 : memref<128x16xf32, #tpu.memory_space<vmem>>) target(%dma_start3A_81 : memref<10240x16xf32, #tpu.memory_space<vmem_shared>>) offsets(%dma_start3A_78 : memref<128xi32, #tpu.memory_space<vmem>>) semaphore(%arg9 : memref<!tpu.dma_semaphore, #tpu.memory_space<semaphore_mem>>) {add = true}
      %mul3A_82 = arith.constant 8 : i32
      %mul3A_83 = arith.muli %add3A_32, %mul3A_82 : i32
      %add3A_84 = arith.constant 5 : i32
      %add3A_85 = arith.addi %mul3A_83, %add3A_84 : i32
      %dma_start3A_86 = arith.constant 0 : i32
      %dma_start3A_87 = tpu.memref_slice %arg6[%add3A_85, %dma_start3A_86] : memref<112x128xi32, #tpu.memory_space<vmem>> -> memref<1x128xi32, #tpu.memory_space<vmem>>
      %dma_start3A_88 = tpu.memref_squeeze %dma_start3A_87 : memref<1x128xi32, #tpu.memory_space<vmem>> -> memref<128xi32, #tpu.memory_space<vmem>>
      %dma_start3A_89 = arith.constant 0 : i32
      %dma_start3A_90 = arith.constant 0 : i32
      %dma_start3A_91 = tpu.memref_slice %arg8[%dma_start3A_89, %dma_start3A_90] : memref<10240x16xf32, #tpu.memory_space<vmem_shared>> -> memref<10240x16xf32, #tpu.memory_space<vmem_shared>>
      tpu.enqueue_indirect_dma source(%arg7 : memref<128x16xf32, #tpu.memory_space<vmem>>) target(%dma_start3A_91 : memref<10240x16xf32, #tpu.memory_space<vmem_shared>>) offsets(%dma_start3A_88 : memref<128xi32, #tpu.memory_space<vmem>>) semaphore(%arg9 : memref<!tpu.dma_semaphore, #tpu.memory_space<semaphore_mem>>) {add = true}
      %mul3A_92 = arith.constant 8 : i32
      %mul3A_93 = arith.muli %add3A_32, %mul3A_92 : i32
      %add3A_94 = arith.constant 6 : i32
      %add3A_95 = arith.addi %mul3A_93, %add3A_94 : i32
      %dma_start3A_96 = arith.constant 0 : i32
      %dma_start3A_97 = tpu.memref_slice %arg6[%add3A_95, %dma_start3A_96] : memref<112x128xi32, #tpu.memory_space<vmem>> -> memref<1x128xi32, #tpu.memory_space<vmem>>
      %dma_start3A_98 = tpu.memref_squeeze %dma_start3A_97 : memref<1x128xi32, #tpu.memory_space<vmem>> -> memref<128xi32, #tpu.memory_space<vmem>>
      %dma_start3A_99 = arith.constant 0 : i32
      %dma_start3A_100 = arith.constant 0 : i32
      %dma_start3A_101 = tpu.memref_slice %arg8[%dma_start3A_99, %dma_start3A_100] : memref<10240x16xf32, #tpu.memory_space<vmem_shared>> -> memref<10240x16xf32, #tpu.memory_space<vmem_shared>>
      tpu.enqueue_indirect_dma source(%arg7 : memref<128x16xf32, #tpu.memory_space<vmem>>) target(%dma_start3A_101 : memref<10240x16xf32, #tpu.memory_space<vmem_shared>>) offsets(%dma_start3A_98 : memref<128xi32, #tpu.memory_space<vmem>>) semaphore(%arg9 : memref<!tpu.dma_semaphore, #tpu.memory_space<semaphore_mem>>) {add = true}
      %mul3A_102 = arith.constant 8 : i32
      %mul3A_103 = arith.muli %add3A_32, %mul3A_102 : i32
      %add3A_104 = arith.constant 7 : i32
      %add3A_105 = arith.addi %mul3A_103, %add3A_104 : i32
      %dma_start3A_106 = arith.constant 0 : i32
      %dma_start3A_107 = tpu.memref_slice %arg6[%add3A_105, %dma_start3A_106] : memref<112x128xi32, #tpu.memory_space<vmem>> -> memref<1x128xi32, #tpu.memory_space<vmem>>
      %dma_start3A_108 = tpu.memref_squeeze %dma_start3A_107 : memref<1x128xi32, #tpu.memory_space<vmem>> -> memref<128xi32, #tpu.memory_space<vmem>>
      %dma_start3A_109 = arith.constant 0 : i32
      %dma_start3A_110 = arith.constant 0 : i32
      %dma_start3A_111 = tpu.memref_slice %arg8[%dma_start3A_109, %dma_start3A_110] : memref<10240x16xf32, #tpu.memory_space<vmem_shared>> -> memref<10240x16xf32, #tpu.memory_space<vmem_shared>>
      tpu.enqueue_indirect_dma source(%arg7 : memref<128x16xf32, #tpu.memory_space<vmem>>) target(%dma_start3A_111 : memref<10240x16xf32, #tpu.memory_space<vmem_shared>>) offsets(%dma_start3A_108 : memref<128xi32, #tpu.memory_space<vmem>>) semaphore(%arg9 : memref<!tpu.dma_semaphore, #tpu.memory_space<semaphore_mem>>) {add = true}
      %dma_wait3A = arith.constant 0 : i32
      %dma_wait3A_112 = tpu.memref_slice %arg6[%add3A_36, %dma_wait3A] : memref<112x128xi32, #tpu.memory_space<vmem>> -> memref<1x128xi32, #tpu.memory_space<vmem>>
      %dma_wait3A_113 = tpu.memref_squeeze %dma_wait3A_112 : memref<1x128xi32, #tpu.memory_space<vmem>> -> memref<128xi32, #tpu.memory_space<vmem>>
      %dma_wait3A_114 = arith.constant 0 : i32
      %dma_wait3A_115 = arith.constant 0 : i32
      %dma_wait3A_116 = tpu.memref_slice %arg8[%dma_wait3A_114, %dma_wait3A_115] : memref<10240x16xf32, #tpu.memory_space<vmem_shared>> -> memref<10240x16xf32, #tpu.memory_space<vmem_shared>>
      tpu.wait_indirect_dma semaphore(%arg9 : memref<!tpu.dma_semaphore, #tpu.memory_space<semaphore_mem>>) src(%arg7 : memref<128x16xf32, #tpu.memory_space<vmem>>) dst(%dma_wait3A_116 : memref<10240x16xf32, #tpu.memory_space<vmem_shared>>)
      %dma_wait3A_117 = arith.constant 0 : i32
      %dma_wait3A_118 = tpu.memref_slice %arg6[%add3A_45, %dma_wait3A_117] : memref<112x128xi32, #tpu.memory_space<vmem>> -> memref<1x128xi32, #tpu.memory_space<vmem>>
      %dma_wait3A_119 = tpu.memref_squeeze %dma_wait3A_118 : memref<1x128xi32, #tpu.memory_space<vmem>> -> memref<128xi32, #tpu.memory_space<vmem>>
      %dma_wait3A_120 = arith.constant 0 : i32
      %dma_wait3A_121 = arith.constant 0 : i32
      %dma_wait3A_122 = tpu.memref_slice %arg8[%dma_wait3A_120, %dma_wait3A_121] : memref<10240x16xf32, #tpu.memory_space<vmem_shared>> -> memref<10240x16xf32, #tpu.memory_space<vmem_shared>>
      tpu.wait_indirect_dma semaphore(%arg9 : memref<!tpu.dma_semaphore, #tpu.memory_space<semaphore_mem>>) src(%arg7 : memref<128x16xf32, #tpu.memory_space<vmem>>) dst(%dma_wait3A_122 : memref<10240x16xf32, #tpu.memory_space<vmem_shared>>)
      %dma_wait3A_123 = arith.constant 0 : i32
      %dma_wait3A_124 = tpu.memref_slice %arg6[%add3A_55, %dma_wait3A_123] : memref<112x128xi32, #tpu.memory_space<vmem>> -> memref<1x128xi32, #tpu.memory_space<vmem>>
      %dma_wait3A_125 = tpu.memref_squeeze %dma_wait3A_124 : memref<1x128xi32, #tpu.memory_space<vmem>> -> memref<128xi32, #tpu.memory_space<vmem>>
      %dma_wait3A_126 = arith.constant 0 : i32
      %dma_wait3A_127 = arith.constant 0 : i32
      %dma_wait3A_128 = tpu.memref_slice %arg8[%dma_wait3A_126, %dma_wait3A_127] : memref<10240x16xf32, #tpu.memory_space<vmem_shared>> -> memref<10240x16xf32, #tpu.memory_space<vmem_shared>>
      tpu.wait_indirect_dma semaphore(%arg9 : memref<!tpu.dma_semaphore, #tpu.memory_space<semaphore_mem>>) src(%arg7 : memref<128x16xf32, #tpu.memory_space<vmem>>) dst(%dma_wait3A_128 : memref<10240x16xf32, #tpu.memory_space<vmem_shared>>)
      %dma_wait3A_129 = arith.constant 0 : i32
      %dma_wait3A_130 = tpu.memref_slice %arg6[%add3A_65, %dma_wait3A_129] : memref<112x128xi32, #tpu.memory_space<vmem>> -> memref<1x128xi32, #tpu.memory_space<vmem>>
      %dma_wait3A_131 = tpu.memref_squeeze %dma_wait3A_130 : memref<1x128xi32, #tpu.memory_space<vmem>> -> memref<128xi32, #tpu.memory_space<vmem>>
      %dma_wait3A_132 = arith.constant 0 : i32
      %dma_wait3A_133 = arith.constant 0 : i32
      %dma_wait3A_134 = tpu.memref_slice %arg8[%dma_wait3A_132, %dma_wait3A_133] : memref<10240x16xf32, #tpu.memory_space<vmem_shared>> -> memref<10240x16xf32, #tpu.memory_space<vmem_shared>>
      tpu.wait_indirect_dma semaphore(%arg9 : memref<!tpu.dma_semaphore, #tpu.memory_space<semaphore_mem>>) src(%arg7 : memref<128x16xf32, #tpu.memory_space<vmem>>) dst(%dma_wait3A_134 : memref<10240x16xf32, #tpu.memory_space<vmem_shared>>)
      %dma_wait3A_135 = arith.constant 0 : i32
      %dma_wait3A_136 = tpu.memref_slice %arg6[%add3A_75, %dma_wait3A_135] : memref<112x128xi32, #tpu.memory_space<vmem>> -> memref<1x128xi32, #tpu.memory_space<vmem>>
      %dma_wait3A_137 = tpu.memref_squeeze %dma_wait3A_136 : memref<1x128xi32, #tpu.memory_space<vmem>> -> memref<128xi32, #tpu.memory_space<vmem>>
      %dma_wait3A_138 = arith.constant 0 : i32
      %dma_wait3A_139 = arith.constant 0 : i32
      %dma_wait3A_140 = tpu.memref_slice %arg8[%dma_wait3A_138, %dma_wait3A_139] : memref<10240x16xf32, #tpu.memory_space<vmem_shared>> -> memref<10240x16xf32, #tpu.memory_space<vmem_shared>>
      tpu.wait_indirect_dma semaphore(%arg9 : memref<!tpu.dma_semaphore, #tpu.memory_space<semaphore_mem>>) src(%arg7 : memref<128x16xf32, #tpu.memory_space<vmem>>) dst(%dma_wait3A_140 : memref<10240x16xf32, #tpu.memory_space<vmem_shared>>)
      %dma_wait3A_141 = arith.constant 0 : i32
      %dma_wait3A_142 = tpu.memref_slice %arg6[%add3A_85, %dma_wait3A_141] : memref<112x128xi32, #tpu.memory_space<vmem>> -> memref<1x128xi32, #tpu.memory_space<vmem>>
      %dma_wait3A_143 = tpu.memref_squeeze %dma_wait3A_142 : memref<1x128xi32, #tpu.memory_space<vmem>> -> memref<128xi32, #tpu.memory_space<vmem>>
      %dma_wait3A_144 = arith.constant 0 : i32
      %dma_wait3A_145 = arith.constant 0 : i32
      %dma_wait3A_146 = tpu.memref_slice %arg8[%dma_wait3A_144, %dma_wait3A_145] : memref<10240x16xf32, #tpu.memory_space<vmem_shared>> -> memref<10240x16xf32, #tpu.memory_space<vmem_shared>>
      tpu.wait_indirect_dma semaphore(%arg9 : memref<!tpu.dma_semaphore, #tpu.memory_space<semaphore_mem>>) src(%arg7 : memref<128x16xf32, #tpu.memory_space<vmem>>) dst(%dma_wait3A_146 : memref<10240x16xf32, #tpu.memory_space<vmem_shared>>)
      %dma_wait3A_147 = arith.constant 0 : i32
      %dma_wait3A_148 = tpu.memref_slice %arg6[%add3A_95, %dma_wait3A_147] : memref<112x128xi32, #tpu.memory_space<vmem>> -> memref<1x128xi32, #tpu.memory_space<vmem>>
      %dma_wait3A_149 = tpu.memref_squeeze %dma_wait3A_148 : memref<1x128xi32, #tpu.memory_space<vmem>> -> memref<128xi32, #tpu.memory_space<vmem>>
      %dma_wait3A_150 = arith.constant 0 : i32
      %dma_wait3A_151 = arith.constant 0 : i32
      %dma_wait3A_152 = tpu.memref_slice %arg8[%dma_wait3A_150, %dma_wait3A_151] : memref<10240x16xf32, #tpu.memory_space<vmem_shared>> -> memref<10240x16xf32, #tpu.memory_space<vmem_shared>>
      tpu.wait_indirect_dma semaphore(%arg9 : memref<!tpu.dma_semaphore, #tpu.memory_space<semaphore_mem>>) src(%arg7 : memref<128x16xf32, #tpu.memory_space<vmem>>) dst(%dma_wait3A_152 : memref<10240x16xf32, #tpu.memory_space<vmem_shared>>)
      %dma_wait3A_153 = arith.constant 0 : i32
      %dma_wait3A_154 = tpu.memref_slice %arg6[%add3A_105, %dma_wait3A_153] : memref<112x128xi32, #tpu.memory_space<vmem>> -> memref<1x128xi32, #tpu.memory_space<vmem>>
      %dma_wait3A_155 = tpu.memref_squeeze %dma_wait3A_154 : memref<1x128xi32, #tpu.memory_space<vmem>> -> memref<128xi32, #tpu.memory_space<vmem>>
      %dma_wait3A_156 = arith.constant 0 : i32
      %dma_wait3A_157 = arith.constant 0 : i32
      %dma_wait3A_158 = tpu.memref_slice %arg8[%dma_wait3A_156, %dma_wait3A_157] : memref<10240x16xf32, #tpu.memory_space<vmem_shared>> -> memref<10240x16xf32, #tpu.memory_space<vmem_shared>>
      tpu.wait_indirect_dma semaphore(%arg9 : memref<!tpu.dma_semaphore, #tpu.memory_space<semaphore_mem>>) src(%arg7 : memref<128x16xf32, #tpu.memory_space<vmem>>) dst(%dma_wait3A_158 : memref<10240x16xf32, #tpu.memory_space<vmem_shared>>)
    }
    %while3A_24 = arith.constant 1 : i32
    scf.for %while3A_30 = %while3A_22 to %while3A_18 step %while3A_24  : i32 {
      %mul3A_31 = arith.muli %while3A_30, %while3A : i32
      %add3A_32 = arith.addi %while3A_15, %mul3A_31 : i32
      %mul3A_33 = arith.constant 8 : i32
      %mul3A_34 = arith.muli %add3A_32, %mul3A_33 : i32
      %add3A_35 = arith.constant 0 : i32
      %add3A_36 = arith.addi %mul3A_34, %add3A_35 : i32
      %dma_start3A = arith.constant 0 : i32
      %dma_start3A_37 = tpu.memref_slice %arg6[%add3A_36, %dma_start3A] : memref<112x128xi32, #tpu.memory_space<vmem>> -> memref<1x128xi32, #tpu.memory_space<vmem>>
      %dma_start3A_38 = tpu.memref_squeeze %dma_start3A_37 : memref<1x128xi32, #tpu.memory_space<vmem>> -> memref<128xi32, #tpu.memory_space<vmem>>
      %dma_start3A_39 = arith.constant 0 : i32
      %dma_start3A_40 = arith.constant 0 : i32
      %dma_start3A_41 = tpu.memref_slice %arg8[%dma_start3A_39, %dma_start3A_40] : memref<10240x16xf32, #tpu.memory_space<vmem_shared>> -> memref<10240x16xf32, #tpu.memory_space<vmem_shared>>
      tpu.enqueue_indirect_dma source(%arg7 : memref<128x16xf32, #tpu.memory_space<vmem>>) target(%dma_start3A_41 : memref<10240x16xf32, #tpu.memory_space<vmem_shared>>) offsets(%dma_start3A_38 : memref<128xi32, #tpu.memory_space<vmem>>) semaphore(%arg9 : memref<!tpu.dma_semaphore, #tpu.memory_space<semaphore_mem>>) {add = true}
      %mul3A_42 = arith.constant 8 : i32
      %mul3A_43 = arith.muli %add3A_32, %mul3A_42 : i32
      %add3A_44 = arith.constant 1 : i32
      %add3A_45 = arith.addi %mul3A_43, %add3A_44 : i32
      %dma_start3A_46 = arith.constant 0 : i32
      %dma_start3A_47 = tpu.memref_slice %arg6[%add3A_45, %dma_start3A_46] : memref<112x128xi32, #tpu.memory_space<vmem>> -> memref<1x128xi32, #tpu.memory_space<vmem>>
      %dma_start3A_48 = tpu.memref_squeeze %dma_start3A_47 : memref<1x128xi32, #tpu.memory_space<vmem>> -> memref<128xi32, #tpu.memory_space<vmem>>
      %dma_start3A_49 = arith.constant 0 : i32
      %dma_start3A_50 = arith.constant 0 : i32
      %dma_start3A_51 = tpu.memref_slice %arg8[%dma_start3A_49, %dma_start3A_50] : memref<10240x16xf32, #tpu.memory_space<vmem_shared>> -> memref<10240x16xf32, #tpu.memory_space<vmem_shared>>
      tpu.enqueue_indirect_dma source(%arg7 : memref<128x16xf32, #tpu.memory_space<vmem>>) target(%dma_start3A_51 : memref<10240x16xf32, #tpu.memory_space<vmem_shared>>) offsets(%dma_start3A_48 : memref<128xi32, #tpu.memory_space<vmem>>) semaphore(%arg9 : memref<!tpu.dma_semaphore, #tpu.memory_space<semaphore_mem>>) {add = true}
      %mul3A_52 = arith.constant 8 : i32
      %mul3A_53 = arith.muli %add3A_32, %mul3A_52 : i32
      %add3A_54 = arith.constant 2 : i32
      %add3A_55 = arith.addi %mul3A_53, %add3A_54 : i32
      %dma_start3A_56 = arith.constant 0 : i32
      %dma_start3A_57 = tpu.memref_slice %arg6[%add3A_55, %dma_start3A_56] : memref<112x128xi32, #tpu.memory_space<vmem>> -> memref<1x128xi32, #tpu.memory_space<vmem>>
      %dma_start3A_58 = tpu.memref_squeeze %dma_start3A_57 : memref<1x128xi32, #tpu.memory_space<vmem>> -> memref<128xi32, #tpu.memory_space<vmem>>
      %dma_start3A_59 = arith.constant 0 : i32
      %dma_start3A_60 = arith.constant 0 : i32
      %dma_start3A_61 = tpu.memref_slice %arg8[%dma_start3A_59, %dma_start3A_60] : memref<10240x16xf32, #tpu.memory_space<vmem_shared>> -> memref<10240x16xf32, #tpu.memory_space<vmem_shared>>
      tpu.enqueue_indirect_dma source(%arg7 : memref<128x16xf32, #tpu.memory_space<vmem>>) target(%dma_start3A_61 : memref<10240x16xf32, #tpu.memory_space<vmem_shared>>) offsets(%dma_start3A_58 : memref<128xi32, #tpu.memory_space<vmem>>) semaphore(%arg9 : memref<!tpu.dma_semaphore, #tpu.memory_space<semaphore_mem>>) {add = true}
      %mul3A_62 = arith.constant 8 : i32
      %mul3A_63 = arith.muli %add3A_32, %mul3A_62 : i32
      %add3A_64 = arith.constant 3 : i32
      %add3A_65 = arith.addi %mul3A_63, %add3A_64 : i32
      %dma_start3A_66 = arith.constant 0 : i32
      %dma_start3A_67 = tpu.memref_slice %arg6[%add3A_65, %dma_start3A_66] : memref<112x128xi32, #tpu.memory_space<vmem>> -> memref<1x128xi32, #tpu.memory_space<vmem>>
      %dma_start3A_68 = tpu.memref_squeeze %dma_start3A_67 : memref<1x128xi32, #tpu.memory_space<vmem>> -> memref<128xi32, #tpu.memory_space<vmem>>
      %dma_start3A_69 = arith.constant 0 : i32
      %dma_start3A_70 = arith.constant 0 : i32
      %dma_start3A_71 = tpu.memref_slice %arg8[%dma_start3A_69, %dma_start3A_70] : memref<10240x16xf32, #tpu.memory_space<vmem_shared>> -> memref<10240x16xf32, #tpu.memory_space<vmem_shared>>
      tpu.enqueue_indirect_dma source(%arg7 : memref<128x16xf32, #tpu.memory_space<vmem>>) target(%dma_start3A_71 : memref<10240x16xf32, #tpu.memory_space<vmem_shared>>) offsets(%dma_start3A_68 : memref<128xi32, #tpu.memory_space<vmem>>) semaphore(%arg9 : memref<!tpu.dma_semaphore, #tpu.memory_space<semaphore_mem>>) {add = true}
      %mul3A_72 = arith.constant 8 : i32
      %mul3A_73 = arith.muli %add3A_32, %mul3A_72 : i32
      %add3A_74 = arith.constant 4 : i32
      %add3A_75 = arith.addi %mul3A_73, %add3A_74 : i32
      %dma_start3A_76 = arith.constant 0 : i32
      %dma_start3A_77 = tpu.memref_slice %arg6[%add3A_75, %dma_start3A_76] : memref<112x128xi32, #tpu.memory_space<vmem>> -> memref<1x128xi32, #tpu.memory_space<vmem>>
      %dma_start3A_78 = tpu.memref_squeeze %dma_start3A_77 : memref<1x128xi32, #tpu.memory_space<vmem>> -> memref<128xi32, #tpu.memory_space<vmem>>
      %dma_start3A_79 = arith.constant 0 : i32
      %dma_start3A_80 = arith.constant 0 : i32
      %dma_start3A_81 = tpu.memref_slice %arg8[%dma_start3A_79, %dma_start3A_80] : memref<10240x16xf32, #tpu.memory_space<vmem_shared>> -> memref<10240x16xf32, #tpu.memory_space<vmem_shared>>
      tpu.enqueue_indirect_dma source(%arg7 : memref<128x16xf32, #tpu.memory_space<vmem>>) target(%dma_start3A_81 : memref<10240x16xf32, #tpu.memory_space<vmem_shared>>) offsets(%dma_start3A_78 : memref<128xi32, #tpu.memory_space<vmem>>) semaphore(%arg9 : memref<!tpu.dma_semaphore, #tpu.memory_space<semaphore_mem>>) {add = true}
      %mul3A_82 = arith.constant 8 : i32
      %mul3A_83 = arith.muli %add3A_32, %mul3A_82 : i32
      %add3A_84 = arith.constant 5 : i32
      %add3A_85 = arith.addi %mul3A_83, %add3A_84 : i32
      %dma_start3A_86 = arith.constant 0 : i32
      %dma_start3A_87 = tpu.memref_slice %arg6[%add3A_85, %dma_start3A_86] : memref<112x128xi32, #tpu.memory_space<vmem>> -> memref<1x128xi32, #tpu.memory_space<vmem>>
      %dma_start3A_88 = tpu.memref_squeeze %dma_start3A_87 : memref<1x128xi32, #tpu.memory_space<vmem>> -> memref<128xi32, #tpu.memory_space<vmem>>
      %dma_start3A_89 = arith.constant 0 : i32
      %dma_start3A_90 = arith.constant 0 : i32
      %dma_start3A_91 = tpu.memref_slice %arg8[%dma_start3A_89, %dma_start3A_90] : memref<10240x16xf32, #tpu.memory_space<vmem_shared>> -> memref<10240x16xf32, #tpu.memory_space<vmem_shared>>
      tpu.enqueue_indirect_dma source(%arg7 : memref<128x16xf32, #tpu.memory_space<vmem>>) target(%dma_start3A_91 : memref<10240x16xf32, #tpu.memory_space<vmem_shared>>) offsets(%dma_start3A_88 : memref<128xi32, #tpu.memory_space<vmem>>) semaphore(%arg9 : memref<!tpu.dma_semaphore, #tpu.memory_space<semaphore_mem>>) {add = true}
      %mul3A_92 = arith.constant 8 : i32
      %mul3A_93 = arith.muli %add3A_32, %mul3A_92 : i32
      %add3A_94 = arith.constant 6 : i32
      %add3A_95 = arith.addi %mul3A_93, %add3A_94 : i32
      %dma_start3A_96 = arith.constant 0 : i32
      %dma_start3A_97 = tpu.memref_slice %arg6[%add3A_95, %dma_start3A_96] : memref<112x128xi32, #tpu.memory_space<vmem>> -> memref<1x128xi32, #tpu.memory_space<vmem>>
      %dma_start3A_98 = tpu.memref_squeeze %dma_start3A_97 : memref<1x128xi32, #tpu.memory_space<vmem>> -> memref<128xi32, #tpu.memory_space<vmem>>
      %dma_start3A_99 = arith.constant 0 : i32
      %dma_start3A_100 = arith.constant 0 : i32
      %dma_start3A_101 = tpu.memref_slice %arg8[%dma_start3A_99, %dma_start3A_100] : memref<10240x16xf32, #tpu.memory_space<vmem_shared>> -> memref<10240x16xf32, #tpu.memory_space<vmem_shared>>
      tpu.enqueue_indirect_dma source(%arg7 : memref<128x16xf32, #tpu.memory_space<vmem>>) target(%dma_start3A_101 : memref<10240x16xf32, #tpu.memory_space<vmem_shared>>) offsets(%dma_start3A_98 : memref<128xi32, #tpu.memory_space<vmem>>) semaphore(%arg9 : memref<!tpu.dma_semaphore, #tpu.memory_space<semaphore_mem>>) {add = true}
      %mul3A_102 = arith.constant 8 : i32
      %mul3A_103 = arith.muli %add3A_32, %mul3A_102 : i32
      %add3A_104 = arith.constant 7 : i32
      %add3A_105 = arith.addi %mul3A_103, %add3A_104 : i32
      %dma_start3A_106 = arith.constant 0 : i32
      %dma_start3A_107 = tpu.memref_slice %arg6[%add3A_105, %dma_start3A_106] : memref<112x128xi32, #tpu.memory_space<vmem>> -> memref<1x128xi32, #tpu.memory_space<vmem>>
      %dma_start3A_108 = tpu.memref_squeeze %dma_start3A_107 : memref<1x128xi32, #tpu.memory_space<vmem>> -> memref<128xi32, #tpu.memory_space<vmem>>
      %dma_start3A_109 = arith.constant 0 : i32
      %dma_start3A_110 = arith.constant 0 : i32
      %dma_start3A_111 = tpu.memref_slice %arg8[%dma_start3A_109, %dma_start3A_110] : memref<10240x16xf32, #tpu.memory_space<vmem_shared>> -> memref<10240x16xf32, #tpu.memory_space<vmem_shared>>
      tpu.enqueue_indirect_dma source(%arg7 : memref<128x16xf32, #tpu.memory_space<vmem>>) target(%dma_start3A_111 : memref<10240x16xf32, #tpu.memory_space<vmem_shared>>) offsets(%dma_start3A_108 : memref<128xi32, #tpu.memory_space<vmem>>) semaphore(%arg9 : memref<!tpu.dma_semaphore, #tpu.memory_space<semaphore_mem>>) {add = true}
      %dma_wait3A = arith.constant 0 : i32
      %dma_wait3A_112 = tpu.memref_slice %arg6[%add3A_36, %dma_wait3A] : memref<112x128xi32, #tpu.memory_space<vmem>> -> memref<1x128xi32, #tpu.memory_space<vmem>>
      %dma_wait3A_113 = tpu.memref_squeeze %dma_wait3A_112 : memref<1x128xi32, #tpu.memory_space<vmem>> -> memref<128xi32, #tpu.memory_space<vmem>>
      %dma_wait3A_114 = arith.constant 0 : i32
      %dma_wait3A_115 = arith.constant 0 : i32
      %dma_wait3A_116 = tpu.memref_slice %arg8[%dma_wait3A_114, %dma_wait3A_115] : memref<10240x16xf32, #tpu.memory_space<vmem_shared>> -> memref<10240x16xf32, #tpu.memory_space<vmem_shared>>
      tpu.wait_indirect_dma semaphore(%arg9 : memref<!tpu.dma_semaphore, #tpu.memory_space<semaphore_mem>>) src(%arg7 : memref<128x16xf32, #tpu.memory_space<vmem>>) dst(%dma_wait3A_116 : memref<10240x16xf32, #tpu.memory_space<vmem_shared>>)
      %dma_wait3A_117 = arith.constant 0 : i32
      %dma_wait3A_118 = tpu.memref_slice %arg6[%add3A_45, %dma_wait3A_117] : memref<112x128xi32, #tpu.memory_space<vmem>> -> memref<1x128xi32, #tpu.memory_space<vmem>>
      %dma_wait3A_119 = tpu.memref_squeeze %dma_wait3A_118 : memref<1x128xi32, #tpu.memory_space<vmem>> -> memref<128xi32, #tpu.memory_space<vmem>>
      %dma_wait3A_120 = arith.constant 0 : i32
      %dma_wait3A_121 = arith.constant 0 : i32
      %dma_wait3A_122 = tpu.memref_slice %arg8[%dma_wait3A_120, %dma_wait3A_121] : memref<10240x16xf32, #tpu.memory_space<vmem_shared>> -> memref<10240x16xf32, #tpu.memory_space<vmem_shared>>
      tpu.wait_indirect_dma semaphore(%arg9 : memref<!tpu.dma_semaphore, #tpu.memory_space<semaphore_mem>>) src(%arg7 : memref<128x16xf32, #tpu.memory_space<vmem>>) dst(%dma_wait3A_122 : memref<10240x16xf32, #tpu.memory_space<vmem_shared>>)
      %dma_wait3A_123 = arith.constant 0 : i32
      %dma_wait3A_124 = tpu.memref_slice %arg6[%add3A_55, %dma_wait3A_123] : memref<112x128xi32, #tpu.memory_space<vmem>> -> memref<1x128xi32, #tpu.memory_space<vmem>>
      %dma_wait3A_125 = tpu.memref_squeeze %dma_wait3A_124 : memref<1x128xi32, #tpu.memory_space<vmem>> -> memref<128xi32, #tpu.memory_space<vmem>>
      %dma_wait3A_126 = arith.constant 0 : i32
      %dma_wait3A_127 = arith.constant 0 : i32
      %dma_wait3A_128 = tpu.memref_slice %arg8[%dma_wait3A_126, %dma_wait3A_127] : memref<10240x16xf32, #tpu.memory_space<vmem_shared>> -> memref<10240x16xf32, #tpu.memory_space<vmem_shared>>
      tpu.wait_indirect_dma semaphore(%arg9 : memref<!tpu.dma_semaphore, #tpu.memory_space<semaphore_mem>>) src(%arg7 : memref<128x16xf32, #tpu.memory_space<vmem>>) dst(%dma_wait3A_128 : memref<10240x16xf32, #tpu.memory_space<vmem_shared>>)
      %dma_wait3A_129 = arith.constant 0 : i32
      %dma_wait3A_130 = tpu.memref_slice %arg6[%add3A_65, %dma_wait3A_129] : memref<112x128xi32, #tpu.memory_space<vmem>> -> memref<1x128xi32, #tpu.memory_space<vmem>>
      %dma_wait3A_131 = tpu.memref_squeeze %dma_wait3A_130 : memref<1x128xi32, #tpu.memory_space<vmem>> -> memref<128xi32, #tpu.memory_space<vmem>>
      %dma_wait3A_132 = arith.constant 0 : i32
      %dma_wait3A_133 = arith.constant 0 : i32
      %dma_wait3A_134 = tpu.memref_slice %arg8[%dma_wait3A_132, %dma_wait3A_133] : memref<10240x16xf32, #tpu.memory_space<vmem_shared>> -> memref<10240x16xf32, #tpu.memory_space<vmem_shared>>
      tpu.wait_indirect_dma semaphore(%arg9 : memref<!tpu.dma_semaphore, #tpu.memory_space<semaphore_mem>>) src(%arg7 : memref<128x16xf32, #tpu.memory_space<vmem>>) dst(%dma_wait3A_134 : memref<10240x16xf32, #tpu.memory_space<vmem_shared>>)
      %dma_wait3A_135 = arith.constant 0 : i32
      %dma_wait3A_136 = tpu.memref_slice %arg6[%add3A_75, %dma_wait3A_135] : memref<112x128xi32, #tpu.memory_space<vmem>> -> memref<1x128xi32, #tpu.memory_space<vmem>>
      %dma_wait3A_137 = tpu.memref_squeeze %dma_wait3A_136 : memref<1x128xi32, #tpu.memory_space<vmem>> -> memref<128xi32, #tpu.memory_space<vmem>>
      %dma_wait3A_138 = arith.constant 0 : i32
      %dma_wait3A_139 = arith.constant 0 : i32
      %dma_wait3A_140 = tpu.memref_slice %arg8[%dma_wait3A_138, %dma_wait3A_139] : memref<10240x16xf32, #tpu.memory_space<vmem_shared>> -> memref<10240x16xf32, #tpu.memory_space<vmem_shared>>
      tpu.wait_indirect_dma semaphore(%arg9 : memref<!tpu.dma_semaphore, #tpu.memory_space<semaphore_mem>>) src(%arg7 : memref<128x16xf32, #tpu.memory_space<vmem>>) dst(%dma_wait3A_140 : memref<10240x16xf32, #tpu.memory_space<vmem_shared>>)
      %dma_wait3A_141 = arith.constant 0 : i32
      %dma_wait3A_142 = tpu.memref_slice %arg6[%add3A_85, %dma_wait3A_141] : memref<112x128xi32, #tpu.memory_space<vmem>> -> memref<1x128xi32, #tpu.memory_space<vmem>>
      %dma_wait3A_143 = tpu.memref_squeeze %dma_wait3A_142 : memref<1x128xi32, #tpu.memory_space<vmem>> -> memref<128xi32, #tpu.memory_space<vmem>>
      %dma_wait3A_144 = arith.constant 0 : i32
      %dma_wait3A_145 = arith.constant 0 : i32
      %dma_wait3A_146 = tpu.memref_slice %arg8[%dma_wait3A_144, %dma_wait3A_145] : memref<10240x16xf32, #tpu.memory_space<vmem_shared>> -> memref<10240x16xf32, #tpu.memory_space<vmem_shared>>
      tpu.wait_indirect_dma semaphore(%arg9 : memref<!tpu.dma_semaphore, #tpu.memory_space<semaphore_mem>>) src(%arg7 : memref<128x16xf32, #tpu.memory_space<vmem>>) dst(%dma_wait3A_146 : memref<10240x16xf32, #tpu.memory_space<vmem_shared>>)
      %dma_wait3A_147 = arith.constant 0 : i32
      %dma_wait3A_148 = tpu.memref_slice %arg6[%add3A_95, %dma_wait3A_147] : memref<112x128xi32, #tpu.memory_space<vmem>> -> memref<1x128xi32, #tpu.memory_space<vmem>>
      %dma_wait3A_149 = tpu.memref_squeeze %dma_wait3A_148 : memref<1x128xi32, #tpu.memory_space<vmem>> -> memref<128xi32, #tpu.memory_space<vmem>>
      %dma_wait3A_150 = arith.constant 0 : i32
      %dma_wait3A_151 = arith.constant 0 : i32
      %dma_wait3A_152 = tpu.memref_slice %arg8[%dma_wait3A_150, %dma_wait3A_151] : memref<10240x16xf32, #tpu.memory_space<vmem_shared>> -> memref<10240x16xf32, #tpu.memory_space<vmem_shared>>
      tpu.wait_indirect_dma semaphore(%arg9 : memref<!tpu.dma_semaphore, #tpu.memory_space<semaphore_mem>>) src(%arg7 : memref<128x16xf32, #tpu.memory_space<vmem>>) dst(%dma_wait3A_152 : memref<10240x16xf32, #tpu.memory_space<vmem_shared>>)
      %dma_wait3A_153 = arith.constant 0 : i32
      %dma_wait3A_154 = tpu.memref_slice %arg6[%add3A_105, %dma_wait3A_153] : memref<112x128xi32, #tpu.memory_space<vmem>> -> memref<1x128xi32, #tpu.memory_space<vmem>>
      %dma_wait3A_155 = tpu.memref_squeeze %dma_wait3A_154 : memref<1x128xi32, #tpu.memory_space<vmem>> -> memref<128xi32, #tpu.memory_space<vmem>>
      %dma_wait3A_156 = arith.constant 0 : i32
      %dma_wait3A_157 = arith.constant 0 : i32
      %dma_wait3A_158 = tpu.memref_slice %arg8[%dma_wait3A_156, %dma_wait3A_157] : memref<10240x16xf32, #tpu.memory_space<vmem_shared>> -> memref<10240x16xf32, #tpu.memory_space<vmem_shared>>
      tpu.wait_indirect_dma semaphore(%arg9 : memref<!tpu.dma_semaphore, #tpu.memory_space<semaphore_mem>>) src(%arg7 : memref<128x16xf32, #tpu.memory_space<vmem>>) dst(%dma_wait3A_158 : memref<10240x16xf32, #tpu.memory_space<vmem_shared>>)
    }
    %barrier3A_25 = arith.constant 0 : index
    tpu.barrier barrier_id(%barrier3A_25)
    %mul3A_26 = arith.constant 640 : i32
    %mul3A_27 = arith.muli %arg1, %mul3A_26 : i32
    %mul3A_28 = arith.constant 640 : i32
    %mul3A_29 = arith.muli %arg1, %mul3A_28 : i32
    "tpu.region"() ({
      %run_scoped3A = tpu.sem_alloc : memref<!tpu.dma_semaphore, #tpu.memory_space<semaphore_mem>>
      %dma_start3A = arith.constant 0 : i32
      %dma_start3A_30 = tpu.memref_slice %arg5[%arg0, %mul3A_29, %dma_start3A] : memref<2x10240x16xf32, #tpu.memory_space<hbm>> -> memref<1x640x16xf32, #tpu.memory_space<hbm>>
      %dma_start3A_31 = tpu.memref_squeeze %dma_start3A_30 : memref<1x640x16xf32, #tpu.memory_space<hbm>> -> memref<640x16xf32, #tpu.memory_space<hbm>>
      %dma_start3A_32 = arith.constant 0 : i32
      %dma_start3A_33 = tpu.memref_slice %arg8[%mul3A_27, %dma_start3A_32] : memref<10240x16xf32, #tpu.memory_space<vmem_shared>> -> memref<640x16xf32, #tpu.memory_space<vmem_shared>>
      tpu.enqueue_dma source(%dma_start3A_33 : memref<640x16xf32, #tpu.memory_space<vmem_shared>>) target(%dma_start3A_31 : memref<640x16xf32, #tpu.memory_space<hbm>>) target_semaphore(%run_scoped3A : memref<!tpu.dma_semaphore, #tpu.memory_space<semaphore_mem>>)
      %dma_wait3A = arith.constant 0 : i32
      %dma_wait3A_34 = tpu.memref_slice %arg5[%arg0, %mul3A_29, %dma_wait3A] : memref<2x10240x16xf32, #tpu.memory_space<hbm>> -> memref<1x640x16xf32, #tpu.memory_space<hbm>>
      %dma_wait3A_35 = tpu.memref_squeeze %dma_wait3A_34 : memref<1x640x16xf32, #tpu.memory_space<hbm>> -> memref<640x16xf32, #tpu.memory_space<hbm>>
      %dma_wait3A_36 = arith.constant 0 : i32
      %dma_wait3A_37 = tpu.memref_slice %arg8[%mul3A_27, %dma_wait3A_36] : memref<10240x16xf32, #tpu.memory_space<vmem_shared>> -> memref<640x16xf32, #tpu.memory_space<vmem_shared>>
      tpu.wait_dma2 semaphore(%run_scoped3A : memref<!tpu.dma_semaphore, #tpu.memory_space<semaphore_mem>>) src(%dma_wait3A_37 : memref<640x16xf32, #tpu.memory_space<vmem_shared>>) dst(%dma_wait3A_35 : memref<640x16xf32, #tpu.memory_space<hbm>>)
      tpu.yield
    }) : () -> ()
    return
  }
}

#map = affine_map<(d0, d1) -> (0, 0)>
#map1 = affine_map<(d0, d1) -> (0, 0, 0)>
module attributes {stable_mosaic.version = 14 : i64} {
  func.func @_edge_body(%arg0: i32, %arg1: i32, %arg2: memref<10000x128xf32, #tpu.memory_space<hbm>>, %arg3: memref<2576x128xi32, #tpu.memory_space<hbm>>, %arg4: memref<2576x128xi32, #tpu.memory_space<hbm>>, %arg5: memref<128x128xf32, #tpu.memory_space<hbm>>, %arg6: memref<2x10240x128xf32, #tpu.memory_space<hbm>>, %arg7: memref<56x128xi32, #tpu.memory_space<vmem>>, %arg8: memref<56x128xi32, #tpu.memory_space<vmem>>, %arg9: memref<128x128xf32, #tpu.memory_space<vmem>>, %arg10: memref<128x128xf32, #tpu.memory_space<vmem>>, %arg11: memref<10240x128xf32, #tpu.memory_space<vmem_shared>>, %arg12: memref<!tpu.dma_semaphore, #tpu.memory_space<semaphore_mem>>, %arg13: memref<!tpu.dma_semaphore, #tpu.memory_space<semaphore_mem>>) attributes {dimension_semantics = [#tpu.dimension_semantics<core_parallel>, #tpu.dimension_semantics<subcore_parallel>], iteration_bounds = array<i64: 2, 16>, scalar_prefetch = 0 : i64, scratch_operands = 7 : i64, tpu.core_type = #tpu.core_type<sc_vector_subcore>, window_params = [{transform_indices = #map}, {transform_indices = #map}, {transform_indices = #map}, {transform_indices = #map}, {transform_indices = #map1}]} {
    "tpu.region"() ({
      %run_scoped3A = tpu.sem_alloc : memref<!tpu.dma_semaphore, #tpu.memory_space<semaphore_mem>>
      tpu.enqueue_dma source(%arg5 : memref<128x128xf32, #tpu.memory_space<hbm>>) target(%arg9 : memref<128x128xf32, #tpu.memory_space<vmem>>) target_semaphore(%run_scoped3A : memref<!tpu.dma_semaphore, #tpu.memory_space<semaphore_mem>>)
      tpu.wait_dma2 semaphore(%run_scoped3A : memref<!tpu.dma_semaphore, #tpu.memory_space<semaphore_mem>>) src(%arg5 : memref<128x128xf32, #tpu.memory_space<hbm>>) dst(%arg9 : memref<128x128xf32, #tpu.memory_space<vmem>>)
      tpu.yield
    }) : () -> ()
    %mul3A = arith.constant 640 : i32
    %mul3A_0 = arith.muli %arg1, %mul3A : i32
    %add3A = arith.constant 0 : i32
    %add3A_1 = arith.addi %mul3A_0, %add3A : i32
    "tpu.region"() ({
      %run_scoped3A = tpu.sem_alloc : memref<!tpu.dma_semaphore, #tpu.memory_space<semaphore_mem>>
      %dma_start3A_100 = arith.constant 0 : i32
      %dma_start3A_101 = tpu.memref_slice %arg11[%add3A_1, %dma_start3A_100] : memref<10240x128xf32, #tpu.memory_space<vmem_shared>> -> memref<128x128xf32, #tpu.memory_space<vmem_shared>>
      %dma_start3A_102 = arith.constant 0 : i32
      %dma_start3A_103 = tpu.memref_slice %arg11[%add3A_1, %dma_start3A_102] : memref<10240x128xf32, #tpu.memory_space<vmem_shared>> -> memref<128x128xf32, #tpu.memory_space<vmem_shared>>
      tpu.enqueue_dma source(%arg9 : memref<128x128xf32, #tpu.memory_space<vmem>>) target(%dma_start3A_103 : memref<128x128xf32, #tpu.memory_space<vmem_shared>>) target_semaphore(%run_scoped3A : memref<!tpu.dma_semaphore, #tpu.memory_space<semaphore_mem>>)
      %dma_wait3A = arith.constant 0 : i32
      %dma_wait3A_104 = tpu.memref_slice %arg11[%add3A_1, %dma_wait3A] : memref<10240x128xf32, #tpu.memory_space<vmem_shared>> -> memref<128x128xf32, #tpu.memory_space<vmem_shared>>
      %dma_wait3A_105 = arith.constant 0 : i32
      %dma_wait3A_106 = tpu.memref_slice %arg11[%add3A_1, %dma_wait3A_105] : memref<10240x128xf32, #tpu.memory_space<vmem_shared>> -> memref<128x128xf32, #tpu.memory_space<vmem_shared>>
      tpu.wait_dma2 semaphore(%run_scoped3A : memref<!tpu.dma_semaphore, #tpu.memory_space<semaphore_mem>>) src(%arg9 : memref<128x128xf32, #tpu.memory_space<vmem>>) dst(%dma_wait3A_106 : memref<128x128xf32, #tpu.memory_space<vmem_shared>>)
      tpu.yield
    }) : () -> ()
    %mul3A_2 = arith.constant 640 : i32
    %mul3A_3 = arith.muli %arg1, %mul3A_2 : i32
    %add3A_4 = arith.constant 128 : i32
    %add3A_5 = arith.addi %mul3A_3, %add3A_4 : i32
    "tpu.region"() ({
      %run_scoped3A = tpu.sem_alloc : memref<!tpu.dma_semaphore, #tpu.memory_space<semaphore_mem>>
      %dma_start3A_100 = arith.constant 0 : i32
      %dma_start3A_101 = tpu.memref_slice %arg11[%add3A_5, %dma_start3A_100] : memref<10240x128xf32, #tpu.memory_space<vmem_shared>> -> memref<128x128xf32, #tpu.memory_space<vmem_shared>>
      %dma_start3A_102 = arith.constant 0 : i32
      %dma_start3A_103 = tpu.memref_slice %arg11[%add3A_5, %dma_start3A_102] : memref<10240x128xf32, #tpu.memory_space<vmem_shared>> -> memref<128x128xf32, #tpu.memory_space<vmem_shared>>
      tpu.enqueue_dma source(%arg9 : memref<128x128xf32, #tpu.memory_space<vmem>>) target(%dma_start3A_103 : memref<128x128xf32, #tpu.memory_space<vmem_shared>>) target_semaphore(%run_scoped3A : memref<!tpu.dma_semaphore, #tpu.memory_space<semaphore_mem>>)
      %dma_wait3A = arith.constant 0 : i32
      %dma_wait3A_104 = tpu.memref_slice %arg11[%add3A_5, %dma_wait3A] : memref<10240x128xf32, #tpu.memory_space<vmem_shared>> -> memref<128x128xf32, #tpu.memory_space<vmem_shared>>
      %dma_wait3A_105 = arith.constant 0 : i32
      %dma_wait3A_106 = tpu.memref_slice %arg11[%add3A_5, %dma_wait3A_105] : memref<10240x128xf32, #tpu.memory_space<vmem_shared>> -> memref<128x128xf32, #tpu.memory_space<vmem_shared>>
      tpu.wait_dma2 semaphore(%run_scoped3A : memref<!tpu.dma_semaphore, #tpu.memory_space<semaphore_mem>>) src(%arg9 : memref<128x128xf32, #tpu.memory_space<vmem>>) dst(%dma_wait3A_106 : memref<128x128xf32, #tpu.memory_space<vmem_shared>>)
      tpu.yield
    }) : () -> ()
    %mul3A_6 = arith.constant 640 : i32
    %mul3A_7 = arith.muli %arg1, %mul3A_6 : i32
    %add3A_8 = arith.constant 256 : i32
    %add3A_9 = arith.addi %mul3A_7, %add3A_8 : i32
    "tpu.region"() ({
      %run_scoped3A = tpu.sem_alloc : memref<!tpu.dma_semaphore, #tpu.memory_space<semaphore_mem>>
      %dma_start3A_100 = arith.constant 0 : i32
      %dma_start3A_101 = tpu.memref_slice %arg11[%add3A_9, %dma_start3A_100] : memref<10240x128xf32, #tpu.memory_space<vmem_shared>> -> memref<128x128xf32, #tpu.memory_space<vmem_shared>>
      %dma_start3A_102 = arith.constant 0 : i32
      %dma_start3A_103 = tpu.memref_slice %arg11[%add3A_9, %dma_start3A_102] : memref<10240x128xf32, #tpu.memory_space<vmem_shared>> -> memref<128x128xf32, #tpu.memory_space<vmem_shared>>
      tpu.enqueue_dma source(%arg9 : memref<128x128xf32, #tpu.memory_space<vmem>>) target(%dma_start3A_103 : memref<128x128xf32, #tpu.memory_space<vmem_shared>>) target_semaphore(%run_scoped3A : memref<!tpu.dma_semaphore, #tpu.memory_space<semaphore_mem>>)
      %dma_wait3A = arith.constant 0 : i32
      %dma_wait3A_104 = tpu.memref_slice %arg11[%add3A_9, %dma_wait3A] : memref<10240x128xf32, #tpu.memory_space<vmem_shared>> -> memref<128x128xf32, #tpu.memory_space<vmem_shared>>
      %dma_wait3A_105 = arith.constant 0 : i32
      %dma_wait3A_106 = tpu.memref_slice %arg11[%add3A_9, %dma_wait3A_105] : memref<10240x128xf32, #tpu.memory_space<vmem_shared>> -> memref<128x128xf32, #tpu.memory_space<vmem_shared>>
      tpu.wait_dma2 semaphore(%run_scoped3A : memref<!tpu.dma_semaphore, #tpu.memory_space<semaphore_mem>>) src(%arg9 : memref<128x128xf32, #tpu.memory_space<vmem>>) dst(%dma_wait3A_106 : memref<128x128xf32, #tpu.memory_space<vmem_shared>>)
      tpu.yield
    }) : () -> ()
    %mul3A_10 = arith.constant 640 : i32
    %mul3A_11 = arith.muli %arg1, %mul3A_10 : i32
    %add3A_12 = arith.constant 384 : i32
    %add3A_13 = arith.addi %mul3A_11, %add3A_12 : i32
    "tpu.region"() ({
      %run_scoped3A = tpu.sem_alloc : memref<!tpu.dma_semaphore, #tpu.memory_space<semaphore_mem>>
      %dma_start3A_100 = arith.constant 0 : i32
      %dma_start3A_101 = tpu.memref_slice %arg11[%add3A_13, %dma_start3A_100] : memref<10240x128xf32, #tpu.memory_space<vmem_shared>> -> memref<128x128xf32, #tpu.memory_space<vmem_shared>>
      %dma_start3A_102 = arith.constant 0 : i32
      %dma_start3A_103 = tpu.memref_slice %arg11[%add3A_13, %dma_start3A_102] : memref<10240x128xf32, #tpu.memory_space<vmem_shared>> -> memref<128x128xf32, #tpu.memory_space<vmem_shared>>
      tpu.enqueue_dma source(%arg9 : memref<128x128xf32, #tpu.memory_space<vmem>>) target(%dma_start3A_103 : memref<128x128xf32, #tpu.memory_space<vmem_shared>>) target_semaphore(%run_scoped3A : memref<!tpu.dma_semaphore, #tpu.memory_space<semaphore_mem>>)
      %dma_wait3A = arith.constant 0 : i32
      %dma_wait3A_104 = tpu.memref_slice %arg11[%add3A_13, %dma_wait3A] : memref<10240x128xf32, #tpu.memory_space<vmem_shared>> -> memref<128x128xf32, #tpu.memory_space<vmem_shared>>
      %dma_wait3A_105 = arith.constant 0 : i32
      %dma_wait3A_106 = tpu.memref_slice %arg11[%add3A_13, %dma_wait3A_105] : memref<10240x128xf32, #tpu.memory_space<vmem_shared>> -> memref<128x128xf32, #tpu.memory_space<vmem_shared>>
      tpu.wait_dma2 semaphore(%run_scoped3A : memref<!tpu.dma_semaphore, #tpu.memory_space<semaphore_mem>>) src(%arg9 : memref<128x128xf32, #tpu.memory_space<vmem>>) dst(%dma_wait3A_106 : memref<128x128xf32, #tpu.memory_space<vmem_shared>>)
      tpu.yield
    }) : () -> ()
    %mul3A_14 = arith.constant 640 : i32
    %mul3A_15 = arith.muli %arg1, %mul3A_14 : i32
    %add3A_16 = arith.constant 512 : i32
    %add3A_17 = arith.addi %mul3A_15, %add3A_16 : i32
    "tpu.region"() ({
      %run_scoped3A = tpu.sem_alloc : memref<!tpu.dma_semaphore, #tpu.memory_space<semaphore_mem>>
      %dma_start3A_100 = arith.constant 0 : i32
      %dma_start3A_101 = tpu.memref_slice %arg11[%add3A_17, %dma_start3A_100] : memref<10240x128xf32, #tpu.memory_space<vmem_shared>> -> memref<128x128xf32, #tpu.memory_space<vmem_shared>>
      %dma_start3A_102 = arith.constant 0 : i32
      %dma_start3A_103 = tpu.memref_slice %arg11[%add3A_17, %dma_start3A_102] : memref<10240x128xf32, #tpu.memory_space<vmem_shared>> -> memref<128x128xf32, #tpu.memory_space<vmem_shared>>
      tpu.enqueue_dma source(%arg9 : memref<128x128xf32, #tpu.memory_space<vmem>>) target(%dma_start3A_103 : memref<128x128xf32, #tpu.memory_space<vmem_shared>>) target_semaphore(%run_scoped3A : memref<!tpu.dma_semaphore, #tpu.memory_space<semaphore_mem>>)
      %dma_wait3A = arith.constant 0 : i32
      %dma_wait3A_104 = tpu.memref_slice %arg11[%add3A_17, %dma_wait3A] : memref<10240x128xf32, #tpu.memory_space<vmem_shared>> -> memref<128x128xf32, #tpu.memory_space<vmem_shared>>
      %dma_wait3A_105 = arith.constant 0 : i32
      %dma_wait3A_106 = tpu.memref_slice %arg11[%add3A_17, %dma_wait3A_105] : memref<10240x128xf32, #tpu.memory_space<vmem_shared>> -> memref<128x128xf32, #tpu.memory_space<vmem_shared>>
      tpu.wait_dma2 semaphore(%run_scoped3A : memref<!tpu.dma_semaphore, #tpu.memory_space<semaphore_mem>>) src(%arg9 : memref<128x128xf32, #tpu.memory_space<vmem>>) dst(%dma_wait3A_106 : memref<128x128xf32, #tpu.memory_space<vmem_shared>>)
      tpu.yield
    }) : () -> ()
    %mul3A_18 = arith.constant 160 : i32
    %mul3A_19 = arith.muli %arg1, %mul3A_18 : i32
    %mul3A_20 = arith.constant 112 : i32
    %mul3A_21 = arith.muli %arg0, %mul3A_20 : i32
    %add3A_22 = arith.addi %mul3A_19, %mul3A_21 : i32
    %mul3A_23 = arith.constant 32 : i32
    %mul3A_24 = arith.muli %arg0, %mul3A_23 : i32
    %sub3A = arith.constant 56 : i32
    %sub3A_25 = arith.subi %sub3A, %mul3A_24 : i32
    %jit3A = arith.constant 2 : i32
    %div3A = arith.divsi %sub3A_25, %jit3A : i32
    %sign3A = arith.constant 0 : i32
    %sign3A_26 = arith.cmpi sgt, %sub3A_25, %sign3A : i32
    %sign3A_27 = arith.extui %sign3A_26 : i1 to i32
    %sign3A_28 = arith.constant 0 : i32
    %sign3A_29 = arith.cmpi slt, %sub3A_25, %sign3A_28 : i32
    %sign3A_30 = arith.extui %sign3A_29 : i1 to i32
    %sign3A_31 = arith.subi %sign3A_27, %sign3A_30 : i32
    %sign3A_32 = arith.constant 0 : i32
    %sign3A_33 = arith.cmpi sgt, %jit3A, %sign3A_32 : i32
    %sign3A_34 = arith.extui %sign3A_33 : i1 to i32
    %sign3A_35 = arith.constant 0 : i32
    %sign3A_36 = arith.cmpi slt, %jit3A, %sign3A_35 : i32
    %sign3A_37 = arith.extui %sign3A_36 : i1 to i32
    %sign3A_38 = arith.subi %sign3A_34, %sign3A_37 : i32
    %ne3A = arith.cmpi ne, %sign3A_31, %sign3A_38 : i32
    %rem3A = arith.remsi %sub3A_25, %jit3A : i32
    %ne3A_39 = arith.constant 0 : i32
    %ne3A_40 = arith.cmpi ne, %rem3A, %ne3A_39 : i32
    %and3A = arith.andi %ne3A, %ne3A_40 : i1
    %sub3A_41 = arith.constant 1 : i32
    %sub3A_42 = arith.subi %div3A, %sub3A_41 : i32
    %select_n3A = arith.select %and3A, %sub3A_42, %div3A : i32
    "tpu.region"() ({
      %run_scoped3A = tpu.sem_alloc : memref<!tpu.dma_semaphore, #tpu.memory_space<semaphore_mem>>
      %dma_start3A_100 = arith.constant 0 : i32
      %dma_start3A_101 = tpu.memref_slice %arg3[%add3A_22, %dma_start3A_100] : memref<2576x128xi32, #tpu.memory_space<hbm>> -> memref<56x128xi32, #tpu.memory_space<hbm>>
      %dma_start3A_102 = arith.constant 0 : i32
      %dma_start3A_103 = tpu.memref_slice %arg3[%add3A_22, %dma_start3A_102] : memref<2576x128xi32, #tpu.memory_space<hbm>> -> memref<56x128xi32, #tpu.memory_space<hbm>>
      tpu.enqueue_dma source(%dma_start3A_103 : memref<56x128xi32, #tpu.memory_space<hbm>>) target(%arg7 : memref<56x128xi32, #tpu.memory_space<vmem>>) target_semaphore(%run_scoped3A : memref<!tpu.dma_semaphore, #tpu.memory_space<semaphore_mem>>)
      %dma_wait3A = arith.constant 0 : i32
      %dma_wait3A_104 = tpu.memref_slice %arg3[%add3A_22, %dma_wait3A] : memref<2576x128xi32, #tpu.memory_space<hbm>> -> memref<56x128xi32, #tpu.memory_space<hbm>>
      %dma_wait3A_105 = arith.constant 0 : i32
      %dma_wait3A_106 = tpu.memref_slice %arg3[%add3A_22, %dma_wait3A_105] : memref<2576x128xi32, #tpu.memory_space<hbm>> -> memref<56x128xi32, #tpu.memory_space<hbm>>
      tpu.wait_dma2 semaphore(%run_scoped3A : memref<!tpu.dma_semaphore, #tpu.memory_space<semaphore_mem>>) src(%dma_wait3A_106 : memref<56x128xi32, #tpu.memory_space<hbm>>) dst(%arg7 : memref<56x128xi32, #tpu.memory_space<vmem>>)
      tpu.yield
    }) : () -> ()
    "tpu.region"() ({
      %run_scoped3A = tpu.sem_alloc : memref<!tpu.dma_semaphore, #tpu.memory_space<semaphore_mem>>
      %dma_start3A_100 = arith.constant 0 : i32
      %dma_start3A_101 = tpu.memref_slice %arg4[%add3A_22, %dma_start3A_100] : memref<2576x128xi32, #tpu.memory_space<hbm>> -> memref<56x128xi32, #tpu.memory_space<hbm>>
      %dma_start3A_102 = arith.constant 0 : i32
      %dma_start3A_103 = tpu.memref_slice %arg4[%add3A_22, %dma_start3A_102] : memref<2576x128xi32, #tpu.memory_space<hbm>> -> memref<56x128xi32, #tpu.memory_space<hbm>>
      tpu.enqueue_dma source(%dma_start3A_103 : memref<56x128xi32, #tpu.memory_space<hbm>>) target(%arg8 : memref<56x128xi32, #tpu.memory_space<vmem>>) target_semaphore(%run_scoped3A : memref<!tpu.dma_semaphore, #tpu.memory_space<semaphore_mem>>)
      %dma_wait3A = arith.constant 0 : i32
      %dma_wait3A_104 = tpu.memref_slice %arg4[%add3A_22, %dma_wait3A] : memref<2576x128xi32, #tpu.memory_space<hbm>> -> memref<56x128xi32, #tpu.memory_space<hbm>>
      %dma_wait3A_105 = arith.constant 0 : i32
      %dma_wait3A_106 = tpu.memref_slice %arg4[%add3A_22, %dma_wait3A_105] : memref<2576x128xi32, #tpu.memory_space<hbm>> -> memref<56x128xi32, #tpu.memory_space<hbm>>
      tpu.wait_dma2 semaphore(%run_scoped3A : memref<!tpu.dma_semaphore, #tpu.memory_space<semaphore_mem>>) src(%dma_wait3A_106 : memref<56x128xi32, #tpu.memory_space<hbm>>) dst(%arg8 : memref<56x128xi32, #tpu.memory_space<vmem>>)
      tpu.yield
    }) : () -> ()
    %barrier3A = arith.constant 0 : index
    tpu.barrier barrier_id(%barrier3A)
    %dma_start3A = arith.constant 0 : i32
    %dma_start3A_43 = arith.constant 0 : i32
    %dma_start3A_44 = tpu.memref_slice %arg7[%dma_start3A, %dma_start3A_43] : memref<56x128xi32, #tpu.memory_space<vmem>> -> memref<1x128xi32, #tpu.memory_space<vmem>>
    %dma_start3A_45 = tpu.memref_squeeze %dma_start3A_44 : memref<1x128xi32, #tpu.memory_space<vmem>> -> memref<128xi32, #tpu.memory_space<vmem>>
    %dma_start3A_46 = arith.constant 0 : i32
    %dma_start3A_47 = arith.constant 0 : i32
    %dma_start3A_48 = tpu.memref_slice %arg2[%dma_start3A_46, %dma_start3A_47] : memref<10000x128xf32, #tpu.memory_space<hbm>> -> memref<10000x128xf32, #tpu.memory_space<hbm>>
    tpu.enqueue_indirect_dma source(%dma_start3A_48 : memref<10000x128xf32, #tpu.memory_space<hbm>>) target(%arg9 : memref<128x128xf32, #tpu.memory_space<vmem>>) offsets(%dma_start3A_45 : memref<128xi32, #tpu.memory_space<vmem>>) semaphore(%arg12 : memref<!tpu.dma_semaphore, #tpu.memory_space<semaphore_mem>>)
    %sub3A_49 = arith.constant 0 : i32
    %sub3A_50 = arith.subi %select_n3A, %sub3A_49 : i32
    %sub3A_51 = arith.constant 1 : i32
    %sub3A_52 = arith.constant 1 : i32
    %sub3A_53 = arith.subi %sub3A_51, %sub3A_52 : i32
    %add3A_54 = arith.addi %sub3A_50, %sub3A_53 : i32
    %div3A_55 = arith.constant 1 : i32
    %div3A_56 = arith.divsi %add3A_54, %div3A_55 : i32
    %while3A = arith.constant 1 : i32
    %while3A_57 = arith.constant 0 : i32
    %while3A_58 = arith.constant 0 : i32
    %while3A_59 = arith.subi %div3A_56, %while3A_58 : i32
    %while3A_60 = arith.addi %while3A_58, %while3A_59 : i32
    %while3A_61 = arith.constant 1 : i32
    %while3A_62 = arith.divsi %while3A_59, %while3A_61 : i32
    %while3A_63 = arith.muli %while3A_62, %while3A_61 : i32
    %while3A_64 = arith.addi %while3A_58, %while3A_63 : i32
    %while3A_65 = arith.constant 1 : i32
    scf.for %while3A_100 = %while3A_58 to %while3A_64 step %while3A_65  : i32 {
      %mul3A_101 = arith.muli %while3A_100, %while3A : i32
      %add3A_102 = arith.addi %while3A_57, %mul3A_101 : i32
      %mul3A_103 = arith.constant 2 : i32
      %mul3A_104 = arith.muli %mul3A_103, %add3A_102 : i32
      %add3A_105 = arith.constant 1 : i32
      %add3A_106 = arith.addi %mul3A_104, %add3A_105 : i32
      %dma_start3A_107 = arith.constant 0 : i32
      %dma_start3A_108 = tpu.memref_slice %arg7[%add3A_106, %dma_start3A_107] : memref<56x128xi32, #tpu.memory_space<vmem>> -> memref<1x128xi32, #tpu.memory_space<vmem>>
      %dma_start3A_109 = tpu.memref_squeeze %dma_start3A_108 : memref<1x128xi32, #tpu.memory_space<vmem>> -> memref<128xi32, #tpu.memory_space<vmem>>
      %dma_start3A_110 = arith.constant 0 : i32
      %dma_start3A_111 = arith.constant 0 : i32
      %dma_start3A_112 = tpu.memref_slice %arg2[%dma_start3A_110, %dma_start3A_111] : memref<10000x128xf32, #tpu.memory_space<hbm>> -> memref<10000x128xf32, #tpu.memory_space<hbm>>
      tpu.enqueue_indirect_dma source(%dma_start3A_112 : memref<10000x128xf32, #tpu.memory_space<hbm>>) target(%arg10 : memref<128x128xf32, #tpu.memory_space<vmem>>) offsets(%dma_start3A_109 : memref<128xi32, #tpu.memory_space<vmem>>) semaphore(%arg12 : memref<!tpu.dma_semaphore, #tpu.memory_space<semaphore_mem>>)
      %dma_wait3A = arith.constant 0 : i32
      %dma_wait3A_113 = arith.constant 0 : i32
      %dma_wait3A_114 = tpu.memref_slice %arg2[%dma_wait3A, %dma_wait3A_113] : memref<10000x128xf32, #tpu.memory_space<hbm>> -> memref<128x128xf32, #tpu.memory_space<hbm>>
      %dma_wait3A_115 = arith.constant 0 : i32
      %dma_wait3A_116 = arith.constant 0 : i32
      %dma_wait3A_117 = tpu.memref_slice %arg2[%dma_wait3A_115, %dma_wait3A_116] : memref<10000x128xf32, #tpu.memory_space<hbm>> -> memref<128x128xf32, #tpu.memory_space<hbm>>
      tpu.wait_dma2 semaphore(%arg12 : memref<!tpu.dma_semaphore, #tpu.memory_space<semaphore_mem>>) src(%dma_wait3A_117 : memref<128x128xf32, #tpu.memory_space<hbm>>) dst(%arg9 : memref<128x128xf32, #tpu.memory_space<vmem>>)
      %dma_start3A_118 = arith.constant 0 : i32
      %dma_start3A_119 = tpu.memref_slice %arg8[%mul3A_104, %dma_start3A_118] : memref<56x128xi32, #tpu.memory_space<vmem>> -> memref<1x128xi32, #tpu.memory_space<vmem>>
      %dma_start3A_120 = tpu.memref_squeeze %dma_start3A_119 : memref<1x128xi32, #tpu.memory_space<vmem>> -> memref<128xi32, #tpu.memory_space<vmem>>
      %dma_start3A_121 = arith.constant 0 : i32
      %dma_start3A_122 = arith.constant 0 : i32
      %dma_start3A_123 = tpu.memref_slice %arg11[%dma_start3A_121, %dma_start3A_122] : memref<10240x128xf32, #tpu.memory_space<vmem_shared>> -> memref<10240x128xf32, #tpu.memory_space<vmem_shared>>
      tpu.enqueue_indirect_dma source(%arg9 : memref<128x128xf32, #tpu.memory_space<vmem>>) target(%dma_start3A_123 : memref<10240x128xf32, #tpu.memory_space<vmem_shared>>) offsets(%dma_start3A_120 : memref<128xi32, #tpu.memory_space<vmem>>) semaphore(%arg13 : memref<!tpu.dma_semaphore, #tpu.memory_space<semaphore_mem>>) {add = true}
      %dma_wait3A_124 = arith.constant 0 : i32
      %dma_wait3A_125 = arith.constant 0 : i32
      %dma_wait3A_126 = tpu.memref_slice %arg2[%dma_wait3A_124, %dma_wait3A_125] : memref<10000x128xf32, #tpu.memory_space<hbm>> -> memref<128x128xf32, #tpu.memory_space<hbm>>
      %dma_wait3A_127 = arith.constant 0 : i32
      %dma_wait3A_128 = arith.constant 0 : i32
      %dma_wait3A_129 = tpu.memref_slice %arg2[%dma_wait3A_127, %dma_wait3A_128] : memref<10000x128xf32, #tpu.memory_space<hbm>> -> memref<128x128xf32, #tpu.memory_space<hbm>>
      tpu.wait_dma2 semaphore(%arg13 : memref<!tpu.dma_semaphore, #tpu.memory_space<semaphore_mem>>) src(%dma_wait3A_129 : memref<128x128xf32, #tpu.memory_space<hbm>>) dst(%arg9 : memref<128x128xf32, #tpu.memory_space<vmem>>)
      %sub3A_130 = arith.constant 1 : i32
      %sub3A_131 = arith.subi %select_n3A, %sub3A_130 : i32
      %lt3A = arith.cmpi slt, %add3A_102, %sub3A_131 : i32
      %convert_element_type3A = arith.extui %lt3A : i1 to i32
      %cond3A = arith.constant 0 : i32
      %cond3A_132 = arith.cmpi ne, %convert_element_type3A, %cond3A : i32
      scf.if %cond3A_132 {
        %add3A_151 = arith.constant 2 : i32
        %add3A_152 = arith.addi %mul3A_104, %add3A_151 : i32
        %dma_start3A_153 = arith.constant 0 : i32
        %dma_start3A_154 = tpu.memref_slice %arg7[%add3A_152, %dma_start3A_153] : memref<56x128xi32, #tpu.memory_space<vmem>> -> memref<1x128xi32, #tpu.memory_space<vmem>>
        %dma_start3A_155 = tpu.memref_squeeze %dma_start3A_154 : memref<1x128xi32, #tpu.memory_space<vmem>> -> memref<128xi32, #tpu.memory_space<vmem>>
        %dma_start3A_156 = arith.constant 0 : i32
        %dma_start3A_157 = arith.constant 0 : i32
        %dma_start3A_158 = tpu.memref_slice %arg2[%dma_start3A_156, %dma_start3A_157] : memref<10000x128xf32, #tpu.memory_space<hbm>> -> memref<10000x128xf32, #tpu.memory_space<hbm>>
        tpu.enqueue_indirect_dma source(%dma_start3A_158 : memref<10000x128xf32, #tpu.memory_space<hbm>>) target(%arg9 : memref<128x128xf32, #tpu.memory_space<vmem>>) offsets(%dma_start3A_155 : memref<128xi32, #tpu.memory_space<vmem>>) semaphore(%arg12 : memref<!tpu.dma_semaphore, #tpu.memory_space<semaphore_mem>>)
      } else {
      }
      %dma_wait3A_133 = arith.constant 0 : i32
      %dma_wait3A_134 = arith.constant 0 : i32
      %dma_wait3A_135 = tpu.memref_slice %arg2[%dma_wait3A_133, %dma_wait3A_134] : memref<10000x128xf32, #tpu.memory_space<hbm>> -> memref<128x128xf32, #tpu.memory_space<hbm>>
      %dma_wait3A_136 = arith.constant 0 : i32
      %dma_wait3A_137 = arith.constant 0 : i32
      %dma_wait3A_138 = tpu.memref_slice %arg2[%dma_wait3A_136, %dma_wait3A_137] : memref<10000x128xf32, #tpu.memory_space<hbm>> -> memref<128x128xf32, #tpu.memory_space<hbm>>
      tpu.wait_dma2 semaphore(%arg12 : memref<!tpu.dma_semaphore, #tpu.memory_space<semaphore_mem>>) src(%dma_wait3A_138 : memref<128x128xf32, #tpu.memory_space<hbm>>) dst(%arg10 : memref<128x128xf32, #tpu.memory_space<vmem>>)
      %dma_start3A_139 = arith.constant 0 : i32
      %dma_start3A_140 = tpu.memref_slice %arg8[%add3A_106, %dma_start3A_139] : memref<56x128xi32, #tpu.memory_space<vmem>> -> memref<1x128xi32, #tpu.memory_space<vmem>>
      %dma_start3A_141 = tpu.memref_squeeze %dma_start3A_140 : memref<1x128xi32, #tpu.memory_space<vmem>> -> memref<128xi32, #tpu.memory_space<vmem>>
      %dma_start3A_142 = arith.constant 0 : i32
      %dma_start3A_143 = arith.constant 0 : i32
      %dma_start3A_144 = tpu.memref_slice %arg11[%dma_start3A_142, %dma_start3A_143] : memref<10240x128xf32, #tpu.memory_space<vmem_shared>> -> memref<10240x128xf32, #tpu.memory_space<vmem_shared>>
      tpu.enqueue_indirect_dma source(%arg10 : memref<128x128xf32, #tpu.memory_space<vmem>>) target(%dma_start3A_144 : memref<10240x128xf32, #tpu.memory_space<vmem_shared>>) offsets(%dma_start3A_141 : memref<128xi32, #tpu.memory_space<vmem>>) semaphore(%arg13 : memref<!tpu.dma_semaphore, #tpu.memory_space<semaphore_mem>>) {add = true}
      %dma_wait3A_145 = arith.constant 0 : i32
      %dma_wait3A_146 = arith.constant 0 : i32
      %dma_wait3A_147 = tpu.memref_slice %arg2[%dma_wait3A_145, %dma_wait3A_146] : memref<10000x128xf32, #tpu.memory_space<hbm>> -> memref<128x128xf32, #tpu.memory_space<hbm>>
      %dma_wait3A_148 = arith.constant 0 : i32
      %dma_wait3A_149 = arith.constant 0 : i32
      %dma_wait3A_150 = tpu.memref_slice %arg2[%dma_wait3A_148, %dma_wait3A_149] : memref<10000x128xf32, #tpu.memory_space<hbm>> -> memref<128x128xf32, #tpu.memory_space<hbm>>
      tpu.wait_dma2 semaphore(%arg13 : memref<!tpu.dma_semaphore, #tpu.memory_space<semaphore_mem>>) src(%dma_wait3A_150 : memref<128x128xf32, #tpu.memory_space<hbm>>) dst(%arg10 : memref<128x128xf32, #tpu.memory_space<vmem>>)
    }
    %while3A_66 = arith.constant 1 : i32
    scf.for %while3A_100 = %while3A_64 to %while3A_60 step %while3A_66  : i32 {
      %mul3A_101 = arith.muli %while3A_100, %while3A : i32
      %add3A_102 = arith.addi %while3A_57, %mul3A_101 : i32
      %mul3A_103 = arith.constant 2 : i32
      %mul3A_104 = arith.muli %mul3A_103, %add3A_102 : i32
      %add3A_105 = arith.constant 1 : i32
      %add3A_106 = arith.addi %mul3A_104, %add3A_105 : i32
      %dma_start3A_107 = arith.constant 0 : i32
      %dma_start3A_108 = tpu.memref_slice %arg7[%add3A_106, %dma_start3A_107] : memref<56x128xi32, #tpu.memory_space<vmem>> -> memref<1x128xi32, #tpu.memory_space<vmem>>
      %dma_start3A_109 = tpu.memref_squeeze %dma_start3A_108 : memref<1x128xi32, #tpu.memory_space<vmem>> -> memref<128xi32, #tpu.memory_space<vmem>>
      %dma_start3A_110 = arith.constant 0 : i32
      %dma_start3A_111 = arith.constant 0 : i32
      %dma_start3A_112 = tpu.memref_slice %arg2[%dma_start3A_110, %dma_start3A_111] : memref<10000x128xf32, #tpu.memory_space<hbm>> -> memref<10000x128xf32, #tpu.memory_space<hbm>>
      tpu.enqueue_indirect_dma source(%dma_start3A_112 : memref<10000x128xf32, #tpu.memory_space<hbm>>) target(%arg10 : memref<128x128xf32, #tpu.memory_space<vmem>>) offsets(%dma_start3A_109 : memref<128xi32, #tpu.memory_space<vmem>>) semaphore(%arg12 : memref<!tpu.dma_semaphore, #tpu.memory_space<semaphore_mem>>)
      %dma_wait3A = arith.constant 0 : i32
      %dma_wait3A_113 = arith.constant 0 : i32
      %dma_wait3A_114 = tpu.memref_slice %arg2[%dma_wait3A, %dma_wait3A_113] : memref<10000x128xf32, #tpu.memory_space<hbm>> -> memref<128x128xf32, #tpu.memory_space<hbm>>
      %dma_wait3A_115 = arith.constant 0 : i32
      %dma_wait3A_116 = arith.constant 0 : i32
      %dma_wait3A_117 = tpu.memref_slice %arg2[%dma_wait3A_115, %dma_wait3A_116] : memref<10000x128xf32, #tpu.memory_space<hbm>> -> memref<128x128xf32, #tpu.memory_space<hbm>>
      tpu.wait_dma2 semaphore(%arg12 : memref<!tpu.dma_semaphore, #tpu.memory_space<semaphore_mem>>) src(%dma_wait3A_117 : memref<128x128xf32, #tpu.memory_space<hbm>>) dst(%arg9 : memref<128x128xf32, #tpu.memory_space<vmem>>)
      %dma_start3A_118 = arith.constant 0 : i32
      %dma_start3A_119 = tpu.memref_slice %arg8[%mul3A_104, %dma_start3A_118] : memref<56x128xi32, #tpu.memory_space<vmem>> -> memref<1x128xi32, #tpu.memory_space<vmem>>
      %dma_start3A_120 = tpu.memref_squeeze %dma_start3A_119 : memref<1x128xi32, #tpu.memory_space<vmem>> -> memref<128xi32, #tpu.memory_space<vmem>>
      %dma_start3A_121 = arith.constant 0 : i32
      %dma_start3A_122 = arith.constant 0 : i32
      %dma_start3A_123 = tpu.memref_slice %arg11[%dma_start3A_121, %dma_start3A_122] : memref<10240x128xf32, #tpu.memory_space<vmem_shared>> -> memref<10240x128xf32, #tpu.memory_space<vmem_shared>>
      tpu.enqueue_indirect_dma source(%arg9 : memref<128x128xf32, #tpu.memory_space<vmem>>) target(%dma_start3A_123 : memref<10240x128xf32, #tpu.memory_space<vmem_shared>>) offsets(%dma_start3A_120 : memref<128xi32, #tpu.memory_space<vmem>>) semaphore(%arg13 : memref<!tpu.dma_semaphore, #tpu.memory_space<semaphore_mem>>) {add = true}
      %dma_wait3A_124 = arith.constant 0 : i32
      %dma_wait3A_125 = arith.constant 0 : i32
      %dma_wait3A_126 = tpu.memref_slice %arg2[%dma_wait3A_124, %dma_wait3A_125] : memref<10000x128xf32, #tpu.memory_space<hbm>> -> memref<128x128xf32, #tpu.memory_space<hbm>>
      %dma_wait3A_127 = arith.constant 0 : i32
      %dma_wait3A_128 = arith.constant 0 : i32
      %dma_wait3A_129 = tpu.memref_slice %arg2[%dma_wait3A_127, %dma_wait3A_128] : memref<10000x128xf32, #tpu.memory_space<hbm>> -> memref<128x128xf32, #tpu.memory_space<hbm>>
      tpu.wait_dma2 semaphore(%arg13 : memref<!tpu.dma_semaphore, #tpu.memory_space<semaphore_mem>>) src(%dma_wait3A_129 : memref<128x128xf32, #tpu.memory_space<hbm>>) dst(%arg9 : memref<128x128xf32, #tpu.memory_space<vmem>>)
      %sub3A_130 = arith.constant 1 : i32
      %sub3A_131 = arith.subi %select_n3A, %sub3A_130 : i32
      %lt3A = arith.cmpi slt, %add3A_102, %sub3A_131 : i32
      %convert_element_type3A = arith.extui %lt3A : i1 to i32
      %cond3A = arith.constant 0 : i32
      %cond3A_132 = arith.cmpi ne, %convert_element_type3A, %cond3A : i32
      scf.if %cond3A_132 {
        %add3A_151 = arith.constant 2 : i32
        %add3A_152 = arith.addi %mul3A_104, %add3A_151 : i32
        %dma_start3A_153 = arith.constant 0 : i32
        %dma_start3A_154 = tpu.memref_slice %arg7[%add3A_152, %dma_start3A_153] : memref<56x128xi32, #tpu.memory_space<vmem>> -> memref<1x128xi32, #tpu.memory_space<vmem>>
        %dma_start3A_155 = tpu.memref_squeeze %dma_start3A_154 : memref<1x128xi32, #tpu.memory_space<vmem>> -> memref<128xi32, #tpu.memory_space<vmem>>
        %dma_start3A_156 = arith.constant 0 : i32
        %dma_start3A_157 = arith.constant 0 : i32
        %dma_start3A_158 = tpu.memref_slice %arg2[%dma_start3A_156, %dma_start3A_157] : memref<10000x128xf32, #tpu.memory_space<hbm>> -> memref<10000x128xf32, #tpu.memory_space<hbm>>
        tpu.enqueue_indirect_dma source(%dma_start3A_158 : memref<10000x128xf32, #tpu.memory_space<hbm>>) target(%arg9 : memref<128x128xf32, #tpu.memory_space<vmem>>) offsets(%dma_start3A_155 : memref<128xi32, #tpu.memory_space<vmem>>) semaphore(%arg12 : memref<!tpu.dma_semaphore, #tpu.memory_space<semaphore_mem>>)
      } else {
      }
      %dma_wait3A_133 = arith.constant 0 : i32
      %dma_wait3A_134 = arith.constant 0 : i32
      %dma_wait3A_135 = tpu.memref_slice %arg2[%dma_wait3A_133, %dma_wait3A_134] : memref<10000x128xf32, #tpu.memory_space<hbm>> -> memref<128x128xf32, #tpu.memory_space<hbm>>
      %dma_wait3A_136 = arith.constant 0 : i32
      %dma_wait3A_137 = arith.constant 0 : i32
      %dma_wait3A_138 = tpu.memref_slice %arg2[%dma_wait3A_136, %dma_wait3A_137] : memref<10000x128xf32, #tpu.memory_space<hbm>> -> memref<128x128xf32, #tpu.memory_space<hbm>>
      tpu.wait_dma2 semaphore(%arg12 : memref<!tpu.dma_semaphore, #tpu.memory_space<semaphore_mem>>) src(%dma_wait3A_138 : memref<128x128xf32, #tpu.memory_space<hbm>>) dst(%arg10 : memref<128x128xf32, #tpu.memory_space<vmem>>)
      %dma_start3A_139 = arith.constant 0 : i32
      %dma_start3A_140 = tpu.memref_slice %arg8[%add3A_106, %dma_start3A_139] : memref<56x128xi32, #tpu.memory_space<vmem>> -> memref<1x128xi32, #tpu.memory_space<vmem>>
      %dma_start3A_141 = tpu.memref_squeeze %dma_start3A_140 : memref<1x128xi32, #tpu.memory_space<vmem>> -> memref<128xi32, #tpu.memory_space<vmem>>
      %dma_start3A_142 = arith.constant 0 : i32
      %dma_start3A_143 = arith.constant 0 : i32
      %dma_start3A_144 = tpu.memref_slice %arg11[%dma_start3A_142, %dma_start3A_143] : memref<10240x128xf32, #tpu.memory_space<vmem_shared>> -> memref<10240x128xf32, #tpu.memory_space<vmem_shared>>
      tpu.enqueue_indirect_dma source(%arg10 : memref<128x128xf32, #tpu.memory_space<vmem>>) target(%dma_start3A_144 : memref<10240x128xf32, #tpu.memory_space<vmem_shared>>) offsets(%dma_start3A_141 : memref<128xi32, #tpu.memory_space<vmem>>) semaphore(%arg13 : memref<!tpu.dma_semaphore, #tpu.memory_space<semaphore_mem>>) {add = true}
      %dma_wait3A_145 = arith.constant 0 : i32
      %dma_wait3A_146 = arith.constant 0 : i32
      %dma_wait3A_147 = tpu.memref_slice %arg2[%dma_wait3A_145, %dma_wait3A_146] : memref<10000x128xf32, #tpu.memory_space<hbm>> -> memref<128x128xf32, #tpu.memory_space<hbm>>
      %dma_wait3A_148 = arith.constant 0 : i32
      %dma_wait3A_149 = arith.constant 0 : i32
      %dma_wait3A_150 = tpu.memref_slice %arg2[%dma_wait3A_148, %dma_wait3A_149] : memref<10000x128xf32, #tpu.memory_space<hbm>> -> memref<128x128xf32, #tpu.memory_space<hbm>>
      tpu.wait_dma2 semaphore(%arg13 : memref<!tpu.dma_semaphore, #tpu.memory_space<semaphore_mem>>) src(%dma_wait3A_150 : memref<128x128xf32, #tpu.memory_space<hbm>>) dst(%arg10 : memref<128x128xf32, #tpu.memory_space<vmem>>)
    }
    %add3A_67 = arith.addi %add3A_22, %sub3A_25 : i32
    "tpu.region"() ({
      %run_scoped3A = tpu.sem_alloc : memref<!tpu.dma_semaphore, #tpu.memory_space<semaphore_mem>>
      %dma_start3A_100 = arith.constant 0 : i32
      %dma_start3A_101 = tpu.memref_slice %arg3[%add3A_67, %dma_start3A_100] : memref<2576x128xi32, #tpu.memory_space<hbm>> -> memref<56x128xi32, #tpu.memory_space<hbm>>
      %dma_start3A_102 = arith.constant 0 : i32
      %dma_start3A_103 = tpu.memref_slice %arg3[%add3A_67, %dma_start3A_102] : memref<2576x128xi32, #tpu.memory_space<hbm>> -> memref<56x128xi32, #tpu.memory_space<hbm>>
      tpu.enqueue_dma source(%dma_start3A_103 : memref<56x128xi32, #tpu.memory_space<hbm>>) target(%arg7 : memref<56x128xi32, #tpu.memory_space<vmem>>) target_semaphore(%run_scoped3A : memref<!tpu.dma_semaphore, #tpu.memory_space<semaphore_mem>>)
      %dma_wait3A = arith.constant 0 : i32
      %dma_wait3A_104 = tpu.memref_slice %arg3[%add3A_67, %dma_wait3A] : memref<2576x128xi32, #tpu.memory_space<hbm>> -> memref<56x128xi32, #tpu.memory_space<hbm>>
      %dma_wait3A_105 = arith.constant 0 : i32
      %dma_wait3A_106 = tpu.memref_slice %arg3[%add3A_67, %dma_wait3A_105] : memref<2576x128xi32, #tpu.memory_space<hbm>> -> memref<56x128xi32, #tpu.memory_space<hbm>>
      tpu.wait_dma2 semaphore(%run_scoped3A : memref<!tpu.dma_semaphore, #tpu.memory_space<semaphore_mem>>) src(%dma_wait3A_106 : memref<56x128xi32, #tpu.memory_space<hbm>>) dst(%arg7 : memref<56x128xi32, #tpu.memory_space<vmem>>)
      tpu.yield
    }) : () -> ()
    %add3A_68 = arith.addi %add3A_22, %sub3A_25 : i32
    "tpu.region"() ({
      %run_scoped3A = tpu.sem_alloc : memref<!tpu.dma_semaphore, #tpu.memory_space<semaphore_mem>>
      %dma_start3A_100 = arith.constant 0 : i32
      %dma_start3A_101 = tpu.memref_slice %arg4[%add3A_68, %dma_start3A_100] : memref<2576x128xi32, #tpu.memory_space<hbm>> -> memref<56x128xi32, #tpu.memory_space<hbm>>
      %dma_start3A_102 = arith.constant 0 : i32
      %dma_start3A_103 = tpu.memref_slice %arg4[%add3A_68, %dma_start3A_102] : memref<2576x128xi32, #tpu.memory_space<hbm>> -> memref<56x128xi32, #tpu.memory_space<hbm>>
      tpu.enqueue_dma source(%dma_start3A_103 : memref<56x128xi32, #tpu.memory_space<hbm>>) target(%arg8 : memref<56x128xi32, #tpu.memory_space<vmem>>) target_semaphore(%run_scoped3A : memref<!tpu.dma_semaphore, #tpu.memory_space<semaphore_mem>>)
      %dma_wait3A = arith.constant 0 : i32
      %dma_wait3A_104 = tpu.memref_slice %arg4[%add3A_68, %dma_wait3A] : memref<2576x128xi32, #tpu.memory_space<hbm>> -> memref<56x128xi32, #tpu.memory_space<hbm>>
      %dma_wait3A_105 = arith.constant 0 : i32
      %dma_wait3A_106 = tpu.memref_slice %arg4[%add3A_68, %dma_wait3A_105] : memref<2576x128xi32, #tpu.memory_space<hbm>> -> memref<56x128xi32, #tpu.memory_space<hbm>>
      tpu.wait_dma2 semaphore(%run_scoped3A : memref<!tpu.dma_semaphore, #tpu.memory_space<semaphore_mem>>) src(%dma_wait3A_106 : memref<56x128xi32, #tpu.memory_space<hbm>>) dst(%arg8 : memref<56x128xi32, #tpu.memory_space<vmem>>)
      tpu.yield
    }) : () -> ()
    %dma_start3A_69 = arith.constant 0 : i32
    %dma_start3A_70 = arith.constant 0 : i32
    %dma_start3A_71 = tpu.memref_slice %arg7[%dma_start3A_69, %dma_start3A_70] : memref<56x128xi32, #tpu.memory_space<vmem>> -> memref<1x128xi32, #tpu.memory_space<vmem>>
    %dma_start3A_72 = tpu.memref_squeeze %dma_start3A_71 : memref<1x128xi32, #tpu.memory_space<vmem>> -> memref<128xi32, #tpu.memory_space<vmem>>
    %dma_start3A_73 = arith.constant 0 : i32
    %dma_start3A_74 = arith.constant 0 : i32
    %dma_start3A_75 = tpu.memref_slice %arg2[%dma_start3A_73, %dma_start3A_74] : memref<10000x128xf32, #tpu.memory_space<hbm>> -> memref<10000x128xf32, #tpu.memory_space<hbm>>
    tpu.enqueue_indirect_dma source(%dma_start3A_75 : memref<10000x128xf32, #tpu.memory_space<hbm>>) target(%arg9 : memref<128x128xf32, #tpu.memory_space<vmem>>) offsets(%dma_start3A_72 : memref<128xi32, #tpu.memory_space<vmem>>) semaphore(%arg12 : memref<!tpu.dma_semaphore, #tpu.memory_space<semaphore_mem>>)
    %sub3A_76 = arith.constant 0 : i32
    %sub3A_77 = arith.subi %select_n3A, %sub3A_76 : i32
    %sub3A_78 = arith.constant 1 : i32
    %sub3A_79 = arith.constant 1 : i32
    %sub3A_80 = arith.subi %sub3A_78, %sub3A_79 : i32
    %add3A_81 = arith.addi %sub3A_77, %sub3A_80 : i32
    %div3A_82 = arith.constant 1 : i32
    %div3A_83 = arith.divsi %add3A_81, %div3A_82 : i32
    %while3A_84 = arith.constant 1 : i32
    %while3A_85 = arith.constant 0 : i32
    %while3A_86 = arith.constant 0 : i32
    %while3A_87 = arith.subi %div3A_83, %while3A_86 : i32
    %while3A_88 = arith.addi %while3A_86, %while3A_87 : i32
    %while3A_89 = arith.constant 1 : i32
    %while3A_90 = arith.divsi %while3A_87, %while3A_89 : i32
    %while3A_91 = arith.muli %while3A_90, %while3A_89 : i32
    %while3A_92 = arith.addi %while3A_86, %while3A_91 : i32
    %while3A_93 = arith.constant 1 : i32
    scf.for %while3A_100 = %while3A_86 to %while3A_92 step %while3A_93  : i32 {
      %mul3A_101 = arith.muli %while3A_100, %while3A_84 : i32
      %add3A_102 = arith.addi %while3A_85, %mul3A_101 : i32
      %mul3A_103 = arith.constant 2 : i32
      %mul3A_104 = arith.muli %mul3A_103, %add3A_102 : i32
      %add3A_105 = arith.constant 1 : i32
      %add3A_106 = arith.addi %mul3A_104, %add3A_105 : i32
      %dma_start3A_107 = arith.constant 0 : i32
      %dma_start3A_108 = tpu.memref_slice %arg7[%add3A_106, %dma_start3A_107] : memref<56x128xi32, #tpu.memory_space<vmem>> -> memref<1x128xi32, #tpu.memory_space<vmem>>
      %dma_start3A_109 = tpu.memref_squeeze %dma_start3A_108 : memref<1x128xi32, #tpu.memory_space<vmem>> -> memref<128xi32, #tpu.memory_space<vmem>>
      %dma_start3A_110 = arith.constant 0 : i32
      %dma_start3A_111 = arith.constant 0 : i32
      %dma_start3A_112 = tpu.memref_slice %arg2[%dma_start3A_110, %dma_start3A_111] : memref<10000x128xf32, #tpu.memory_space<hbm>> -> memref<10000x128xf32, #tpu.memory_space<hbm>>
      tpu.enqueue_indirect_dma source(%dma_start3A_112 : memref<10000x128xf32, #tpu.memory_space<hbm>>) target(%arg10 : memref<128x128xf32, #tpu.memory_space<vmem>>) offsets(%dma_start3A_109 : memref<128xi32, #tpu.memory_space<vmem>>) semaphore(%arg12 : memref<!tpu.dma_semaphore, #tpu.memory_space<semaphore_mem>>)
      %dma_wait3A = arith.constant 0 : i32
      %dma_wait3A_113 = arith.constant 0 : i32
      %dma_wait3A_114 = tpu.memref_slice %arg2[%dma_wait3A, %dma_wait3A_113] : memref<10000x128xf32, #tpu.memory_space<hbm>> -> memref<128x128xf32, #tpu.memory_space<hbm>>
      %dma_wait3A_115 = arith.constant 0 : i32
      %dma_wait3A_116 = arith.constant 0 : i32
      %dma_wait3A_117 = tpu.memref_slice %arg2[%dma_wait3A_115, %dma_wait3A_116] : memref<10000x128xf32, #tpu.memory_space<hbm>> -> memref<128x128xf32, #tpu.memory_space<hbm>>
      tpu.wait_dma2 semaphore(%arg12 : memref<!tpu.dma_semaphore, #tpu.memory_space<semaphore_mem>>) src(%dma_wait3A_117 : memref<128x128xf32, #tpu.memory_space<hbm>>) dst(%arg9 : memref<128x128xf32, #tpu.memory_space<vmem>>)
      %dma_start3A_118 = arith.constant 0 : i32
      %dma_start3A_119 = tpu.memref_slice %arg8[%mul3A_104, %dma_start3A_118] : memref<56x128xi32, #tpu.memory_space<vmem>> -> memref<1x128xi32, #tpu.memory_space<vmem>>
      %dma_start3A_120 = tpu.memref_squeeze %dma_start3A_119 : memref<1x128xi32, #tpu.memory_space<vmem>> -> memref<128xi32, #tpu.memory_space<vmem>>
      %dma_start3A_121 = arith.constant 0 : i32
      %dma_start3A_122 = arith.constant 0 : i32
      %dma_start3A_123 = tpu.memref_slice %arg11[%dma_start3A_121, %dma_start3A_122] : memref<10240x128xf32, #tpu.memory_space<vmem_shared>> -> memref<10240x128xf32, #tpu.memory_space<vmem_shared>>
      tpu.enqueue_indirect_dma source(%arg9 : memref<128x128xf32, #tpu.memory_space<vmem>>) target(%dma_start3A_123 : memref<10240x128xf32, #tpu.memory_space<vmem_shared>>) offsets(%dma_start3A_120 : memref<128xi32, #tpu.memory_space<vmem>>) semaphore(%arg13 : memref<!tpu.dma_semaphore, #tpu.memory_space<semaphore_mem>>) {add = true}
      %dma_wait3A_124 = arith.constant 0 : i32
      %dma_wait3A_125 = arith.constant 0 : i32
      %dma_wait3A_126 = tpu.memref_slice %arg2[%dma_wait3A_124, %dma_wait3A_125] : memref<10000x128xf32, #tpu.memory_space<hbm>> -> memref<128x128xf32, #tpu.memory_space<hbm>>
      %dma_wait3A_127 = arith.constant 0 : i32
      %dma_wait3A_128 = arith.constant 0 : i32
      %dma_wait3A_129 = tpu.memref_slice %arg2[%dma_wait3A_127, %dma_wait3A_128] : memref<10000x128xf32, #tpu.memory_space<hbm>> -> memref<128x128xf32, #tpu.memory_space<hbm>>
      tpu.wait_dma2 semaphore(%arg13 : memref<!tpu.dma_semaphore, #tpu.memory_space<semaphore_mem>>) src(%dma_wait3A_129 : memref<128x128xf32, #tpu.memory_space<hbm>>) dst(%arg9 : memref<128x128xf32, #tpu.memory_space<vmem>>)
      %sub3A_130 = arith.constant 1 : i32
      %sub3A_131 = arith.subi %select_n3A, %sub3A_130 : i32
      %lt3A = arith.cmpi slt, %add3A_102, %sub3A_131 : i32
      %convert_element_type3A = arith.extui %lt3A : i1 to i32
      %cond3A = arith.constant 0 : i32
      %cond3A_132 = arith.cmpi ne, %convert_element_type3A, %cond3A : i32
      scf.if %cond3A_132 {
        %add3A_151 = arith.constant 2 : i32
        %add3A_152 = arith.addi %mul3A_104, %add3A_151 : i32
        %dma_start3A_153 = arith.constant 0 : i32
        %dma_start3A_154 = tpu.memref_slice %arg7[%add3A_152, %dma_start3A_153] : memref<56x128xi32, #tpu.memory_space<vmem>> -> memref<1x128xi32, #tpu.memory_space<vmem>>
        %dma_start3A_155 = tpu.memref_squeeze %dma_start3A_154 : memref<1x128xi32, #tpu.memory_space<vmem>> -> memref<128xi32, #tpu.memory_space<vmem>>
        %dma_start3A_156 = arith.constant 0 : i32
        %dma_start3A_157 = arith.constant 0 : i32
        %dma_start3A_158 = tpu.memref_slice %arg2[%dma_start3A_156, %dma_start3A_157] : memref<10000x128xf32, #tpu.memory_space<hbm>> -> memref<10000x128xf32, #tpu.memory_space<hbm>>
        tpu.enqueue_indirect_dma source(%dma_start3A_158 : memref<10000x128xf32, #tpu.memory_space<hbm>>) target(%arg9 : memref<128x128xf32, #tpu.memory_space<vmem>>) offsets(%dma_start3A_155 : memref<128xi32, #tpu.memory_space<vmem>>) semaphore(%arg12 : memref<!tpu.dma_semaphore, #tpu.memory_space<semaphore_mem>>)
      } else {
      }
      %dma_wait3A_133 = arith.constant 0 : i32
      %dma_wait3A_134 = arith.constant 0 : i32
      %dma_wait3A_135 = tpu.memref_slice %arg2[%dma_wait3A_133, %dma_wait3A_134] : memref<10000x128xf32, #tpu.memory_space<hbm>> -> memref<128x128xf32, #tpu.memory_space<hbm>>
      %dma_wait3A_136 = arith.constant 0 : i32
      %dma_wait3A_137 = arith.constant 0 : i32
      %dma_wait3A_138 = tpu.memref_slice %arg2[%dma_wait3A_136, %dma_wait3A_137] : memref<10000x128xf32, #tpu.memory_space<hbm>> -> memref<128x128xf32, #tpu.memory_space<hbm>>
      tpu.wait_dma2 semaphore(%arg12 : memref<!tpu.dma_semaphore, #tpu.memory_space<semaphore_mem>>) src(%dma_wait3A_138 : memref<128x128xf32, #tpu.memory_space<hbm>>) dst(%arg10 : memref<128x128xf32, #tpu.memory_space<vmem>>)
      %dma_start3A_139 = arith.constant 0 : i32
      %dma_start3A_140 = tpu.memref_slice %arg8[%add3A_106, %dma_start3A_139] : memref<56x128xi32, #tpu.memory_space<vmem>> -> memref<1x128xi32, #tpu.memory_space<vmem>>
      %dma_start3A_141 = tpu.memref_squeeze %dma_start3A_140 : memref<1x128xi32, #tpu.memory_space<vmem>> -> memref<128xi32, #tpu.memory_space<vmem>>
      %dma_start3A_142 = arith.constant 0 : i32
      %dma_start3A_143 = arith.constant 0 : i32
      %dma_start3A_144 = tpu.memref_slice %arg11[%dma_start3A_142, %dma_start3A_143] : memref<10240x128xf32, #tpu.memory_space<vmem_shared>> -> memref<10240x128xf32, #tpu.memory_space<vmem_shared>>
      tpu.enqueue_indirect_dma source(%arg10 : memref<128x128xf32, #tpu.memory_space<vmem>>) target(%dma_start3A_144 : memref<10240x128xf32, #tpu.memory_space<vmem_shared>>) offsets(%dma_start3A_141 : memref<128xi32, #tpu.memory_space<vmem>>) semaphore(%arg13 : memref<!tpu.dma_semaphore, #tpu.memory_space<semaphore_mem>>) {add = true}
      %dma_wait3A_145 = arith.constant 0 : i32
      %dma_wait3A_146 = arith.constant 0 : i32
      %dma_wait3A_147 = tpu.memref_slice %arg2[%dma_wait3A_145, %dma_wait3A_146] : memref<10000x128xf32, #tpu.memory_space<hbm>> -> memref<128x128xf32, #tpu.memory_space<hbm>>
      %dma_wait3A_148 = arith.constant 0 : i32
      %dma_wait3A_149 = arith.constant 0 : i32
      %dma_wait3A_150 = tpu.memref_slice %arg2[%dma_wait3A_148, %dma_wait3A_149] : memref<10000x128xf32, #tpu.memory_space<hbm>> -> memref<128x128xf32, #tpu.memory_space<hbm>>
      tpu.wait_dma2 semaphore(%arg13 : memref<!tpu.dma_semaphore, #tpu.memory_space<semaphore_mem>>) src(%dma_wait3A_150 : memref<128x128xf32, #tpu.memory_space<hbm>>) dst(%arg10 : memref<128x128xf32, #tpu.memory_space<vmem>>)
    }
    %while3A_94 = arith.constant 1 : i32
    scf.for %while3A_100 = %while3A_92 to %while3A_88 step %while3A_94  : i32 {
      %mul3A_101 = arith.muli %while3A_100, %while3A_84 : i32
      %add3A_102 = arith.addi %while3A_85, %mul3A_101 : i32
      %mul3A_103 = arith.constant 2 : i32
      %mul3A_104 = arith.muli %mul3A_103, %add3A_102 : i32
      %add3A_105 = arith.constant 1 : i32
      %add3A_106 = arith.addi %mul3A_104, %add3A_105 : i32
      %dma_start3A_107 = arith.constant 0 : i32
      %dma_start3A_108 = tpu.memref_slice %arg7[%add3A_106, %dma_start3A_107] : memref<56x128xi32, #tpu.memory_space<vmem>> -> memref<1x128xi32, #tpu.memory_space<vmem>>
      %dma_start3A_109 = tpu.memref_squeeze %dma_start3A_108 : memref<1x128xi32, #tpu.memory_space<vmem>> -> memref<128xi32, #tpu.memory_space<vmem>>
      %dma_start3A_110 = arith.constant 0 : i32
      %dma_start3A_111 = arith.constant 0 : i32
      %dma_start3A_112 = tpu.memref_slice %arg2[%dma_start3A_110, %dma_start3A_111] : memref<10000x128xf32, #tpu.memory_space<hbm>> -> memref<10000x128xf32, #tpu.memory_space<hbm>>
      tpu.enqueue_indirect_dma source(%dma_start3A_112 : memref<10000x128xf32, #tpu.memory_space<hbm>>) target(%arg10 : memref<128x128xf32, #tpu.memory_space<vmem>>) offsets(%dma_start3A_109 : memref<128xi32, #tpu.memory_space<vmem>>) semaphore(%arg12 : memref<!tpu.dma_semaphore, #tpu.memory_space<semaphore_mem>>)
      %dma_wait3A = arith.constant 0 : i32
      %dma_wait3A_113 = arith.constant 0 : i32
      %dma_wait3A_114 = tpu.memref_slice %arg2[%dma_wait3A, %dma_wait3A_113] : memref<10000x128xf32, #tpu.memory_space<hbm>> -> memref<128x128xf32, #tpu.memory_space<hbm>>
      %dma_wait3A_115 = arith.constant 0 : i32
      %dma_wait3A_116 = arith.constant 0 : i32
      %dma_wait3A_117 = tpu.memref_slice %arg2[%dma_wait3A_115, %dma_wait3A_116] : memref<10000x128xf32, #tpu.memory_space<hbm>> -> memref<128x128xf32, #tpu.memory_space<hbm>>
      tpu.wait_dma2 semaphore(%arg12 : memref<!tpu.dma_semaphore, #tpu.memory_space<semaphore_mem>>) src(%dma_wait3A_117 : memref<128x128xf32, #tpu.memory_space<hbm>>) dst(%arg9 : memref<128x128xf32, #tpu.memory_space<vmem>>)
      %dma_start3A_118 = arith.constant 0 : i32
      %dma_start3A_119 = tpu.memref_slice %arg8[%mul3A_104, %dma_start3A_118] : memref<56x128xi32, #tpu.memory_space<vmem>> -> memref<1x128xi32, #tpu.memory_space<vmem>>
      %dma_start3A_120 = tpu.memref_squeeze %dma_start3A_119 : memref<1x128xi32, #tpu.memory_space<vmem>> -> memref<128xi32, #tpu.memory_space<vmem>>
      %dma_start3A_121 = arith.constant 0 : i32
      %dma_start3A_122 = arith.constant 0 : i32
      %dma_start3A_123 = tpu.memref_slice %arg11[%dma_start3A_121, %dma_start3A_122] : memref<10240x128xf32, #tpu.memory_space<vmem_shared>> -> memref<10240x128xf32, #tpu.memory_space<vmem_shared>>
      tpu.enqueue_indirect_dma source(%arg9 : memref<128x128xf32, #tpu.memory_space<vmem>>) target(%dma_start3A_123 : memref<10240x128xf32, #tpu.memory_space<vmem_shared>>) offsets(%dma_start3A_120 : memref<128xi32, #tpu.memory_space<vmem>>) semaphore(%arg13 : memref<!tpu.dma_semaphore, #tpu.memory_space<semaphore_mem>>) {add = true}
      %dma_wait3A_124 = arith.constant 0 : i32
      %dma_wait3A_125 = arith.constant 0 : i32
      %dma_wait3A_126 = tpu.memref_slice %arg2[%dma_wait3A_124, %dma_wait3A_125] : memref<10000x128xf32, #tpu.memory_space<hbm>> -> memref<128x128xf32, #tpu.memory_space<hbm>>
      %dma_wait3A_127 = arith.constant 0 : i32
      %dma_wait3A_128 = arith.constant 0 : i32
      %dma_wait3A_129 = tpu.memref_slice %arg2[%dma_wait3A_127, %dma_wait3A_128] : memref<10000x128xf32, #tpu.memory_space<hbm>> -> memref<128x128xf32, #tpu.memory_space<hbm>>
      tpu.wait_dma2 semaphore(%arg13 : memref<!tpu.dma_semaphore, #tpu.memory_space<semaphore_mem>>) src(%dma_wait3A_129 : memref<128x128xf32, #tpu.memory_space<hbm>>) dst(%arg9 : memref<128x128xf32, #tpu.memory_space<vmem>>)
      %sub3A_130 = arith.constant 1 : i32
      %sub3A_131 = arith.subi %select_n3A, %sub3A_130 : i32
      %lt3A = arith.cmpi slt, %add3A_102, %sub3A_131 : i32
      %convert_element_type3A = arith.extui %lt3A : i1 to i32
      %cond3A = arith.constant 0 : i32
      %cond3A_132 = arith.cmpi ne, %convert_element_type3A, %cond3A : i32
      scf.if %cond3A_132 {
        %add3A_151 = arith.constant 2 : i32
        %add3A_152 = arith.addi %mul3A_104, %add3A_151 : i32
        %dma_start3A_153 = arith.constant 0 : i32
        %dma_start3A_154 = tpu.memref_slice %arg7[%add3A_152, %dma_start3A_153] : memref<56x128xi32, #tpu.memory_space<vmem>> -> memref<1x128xi32, #tpu.memory_space<vmem>>
        %dma_start3A_155 = tpu.memref_squeeze %dma_start3A_154 : memref<1x128xi32, #tpu.memory_space<vmem>> -> memref<128xi32, #tpu.memory_space<vmem>>
        %dma_start3A_156 = arith.constant 0 : i32
        %dma_start3A_157 = arith.constant 0 : i32
        %dma_start3A_158 = tpu.memref_slice %arg2[%dma_start3A_156, %dma_start3A_157] : memref<10000x128xf32, #tpu.memory_space<hbm>> -> memref<10000x128xf32, #tpu.memory_space<hbm>>
        tpu.enqueue_indirect_dma source(%dma_start3A_158 : memref<10000x128xf32, #tpu.memory_space<hbm>>) target(%arg9 : memref<128x128xf32, #tpu.memory_space<vmem>>) offsets(%dma_start3A_155 : memref<128xi32, #tpu.memory_space<vmem>>) semaphore(%arg12 : memref<!tpu.dma_semaphore, #tpu.memory_space<semaphore_mem>>)
      } else {
      }
      %dma_wait3A_133 = arith.constant 0 : i32
      %dma_wait3A_134 = arith.constant 0 : i32
      %dma_wait3A_135 = tpu.memref_slice %arg2[%dma_wait3A_133, %dma_wait3A_134] : memref<10000x128xf32, #tpu.memory_space<hbm>> -> memref<128x128xf32, #tpu.memory_space<hbm>>
      %dma_wait3A_136 = arith.constant 0 : i32
      %dma_wait3A_137 = arith.constant 0 : i32
      %dma_wait3A_138 = tpu.memref_slice %arg2[%dma_wait3A_136, %dma_wait3A_137] : memref<10000x128xf32, #tpu.memory_space<hbm>> -> memref<128x128xf32, #tpu.memory_space<hbm>>
      tpu.wait_dma2 semaphore(%arg12 : memref<!tpu.dma_semaphore, #tpu.memory_space<semaphore_mem>>) src(%dma_wait3A_138 : memref<128x128xf32, #tpu.memory_space<hbm>>) dst(%arg10 : memref<128x128xf32, #tpu.memory_space<vmem>>)
      %dma_start3A_139 = arith.constant 0 : i32
      %dma_start3A_140 = tpu.memref_slice %arg8[%add3A_106, %dma_start3A_139] : memref<56x128xi32, #tpu.memory_space<vmem>> -> memref<1x128xi32, #tpu.memory_space<vmem>>
      %dma_start3A_141 = tpu.memref_squeeze %dma_start3A_140 : memref<1x128xi32, #tpu.memory_space<vmem>> -> memref<128xi32, #tpu.memory_space<vmem>>
      %dma_start3A_142 = arith.constant 0 : i32
      %dma_start3A_143 = arith.constant 0 : i32
      %dma_start3A_144 = tpu.memref_slice %arg11[%dma_start3A_142, %dma_start3A_143] : memref<10240x128xf32, #tpu.memory_space<vmem_shared>> -> memref<10240x128xf32, #tpu.memory_space<vmem_shared>>
      tpu.enqueue_indirect_dma source(%arg10 : memref<128x128xf32, #tpu.memory_space<vmem>>) target(%dma_start3A_144 : memref<10240x128xf32, #tpu.memory_space<vmem_shared>>) offsets(%dma_start3A_141 : memref<128xi32, #tpu.memory_space<vmem>>) semaphore(%arg13 : memref<!tpu.dma_semaphore, #tpu.memory_space<semaphore_mem>>) {add = true}
      %dma_wait3A_145 = arith.constant 0 : i32
      %dma_wait3A_146 = arith.constant 0 : i32
      %dma_wait3A_147 = tpu.memref_slice %arg2[%dma_wait3A_145, %dma_wait3A_146] : memref<10000x128xf32, #tpu.memory_space<hbm>> -> memref<128x128xf32, #tpu.memory_space<hbm>>
      %dma_wait3A_148 = arith.constant 0 : i32
      %dma_wait3A_149 = arith.constant 0 : i32
      %dma_wait3A_150 = tpu.memref_slice %arg2[%dma_wait3A_148, %dma_wait3A_149] : memref<10000x128xf32, #tpu.memory_space<hbm>> -> memref<128x128xf32, #tpu.memory_space<hbm>>
      tpu.wait_dma2 semaphore(%arg13 : memref<!tpu.dma_semaphore, #tpu.memory_space<semaphore_mem>>) src(%dma_wait3A_150 : memref<128x128xf32, #tpu.memory_space<hbm>>) dst(%arg10 : memref<128x128xf32, #tpu.memory_space<vmem>>)
    }
    %barrier3A_95 = arith.constant 0 : index
    tpu.barrier barrier_id(%barrier3A_95)
    %mul3A_96 = arith.constant 640 : i32
    %mul3A_97 = arith.muli %arg1, %mul3A_96 : i32
    %mul3A_98 = arith.constant 640 : i32
    %mul3A_99 = arith.muli %arg1, %mul3A_98 : i32
    "tpu.region"() ({
      %run_scoped3A = tpu.sem_alloc : memref<!tpu.dma_semaphore, #tpu.memory_space<semaphore_mem>>
      %dma_start3A_100 = arith.constant 0 : i32
      %dma_start3A_101 = tpu.memref_slice %arg6[%arg0, %mul3A_99, %dma_start3A_100] : memref<2x10240x128xf32, #tpu.memory_space<hbm>> -> memref<1x640x128xf32, #tpu.memory_space<hbm>>
      %dma_start3A_102 = tpu.memref_squeeze %dma_start3A_101 : memref<1x640x128xf32, #tpu.memory_space<hbm>> -> memref<640x128xf32, #tpu.memory_space<hbm>>
      %dma_start3A_103 = arith.constant 0 : i32
      %dma_start3A_104 = tpu.memref_slice %arg11[%mul3A_97, %dma_start3A_103] : memref<10240x128xf32, #tpu.memory_space<vmem_shared>> -> memref<640x128xf32, #tpu.memory_space<vmem_shared>>
      tpu.enqueue_dma source(%dma_start3A_104 : memref<640x128xf32, #tpu.memory_space<vmem_shared>>) target(%dma_start3A_102 : memref<640x128xf32, #tpu.memory_space<hbm>>) target_semaphore(%run_scoped3A : memref<!tpu.dma_semaphore, #tpu.memory_space<semaphore_mem>>)
      %dma_wait3A = arith.constant 0 : i32
      %dma_wait3A_105 = tpu.memref_slice %arg6[%arg0, %mul3A_99, %dma_wait3A] : memref<2x10240x128xf32, #tpu.memory_space<hbm>> -> memref<1x640x128xf32, #tpu.memory_space<hbm>>
      %dma_wait3A_106 = tpu.memref_squeeze %dma_wait3A_105 : memref<1x640x128xf32, #tpu.memory_space<hbm>> -> memref<640x128xf32, #tpu.memory_space<hbm>>
      %dma_wait3A_107 = arith.constant 0 : i32
      %dma_wait3A_108 = tpu.memref_slice %arg11[%mul3A_97, %dma_wait3A_107] : memref<10240x128xf32, #tpu.memory_space<vmem_shared>> -> memref<640x128xf32, #tpu.memory_space<vmem_shared>>
      tpu.wait_dma2 semaphore(%run_scoped3A : memref<!tpu.dma_semaphore, #tpu.memory_space<semaphore_mem>>) src(%dma_wait3A_108 : memref<640x128xf32, #tpu.memory_space<vmem_shared>>) dst(%dma_wait3A_106 : memref<640x128xf32, #tpu.memory_space<hbm>>)
      tpu.yield
    }) : () -> ()
    return
  }
}

module attributes {stable_mosaic.version = 14 : i64} {
  func.func @_t1_body(%arg0: i32, %arg1: memref<1000x128xf32, #tpu.memory_space<vmem>>, %arg2: memref<2x1000x16xf32, #tpu.memory_space<vmem>>, %arg3: memref<128x256xf32, #tpu.memory_space<vmem>>, %arg4: memref<128x256xf32, #tpu.memory_space<vmem>>, %arg5: memref<1x256xf32, #tpu.memory_space<vmem>>, %arg6: memref<256x128xf32, #tpu.memory_space<vmem>>, %arg7: memref<1x128xf32, #tpu.memory_space<vmem>>, %arg8: memref<2x1000x128xf32, #tpu.memory_space<vmem>>, %arg9: memref<1000x128xf32, #tpu.memory_space<vmem>>, %arg10: memref<1x128xf32, #tpu.memory_space<vmem>>) attributes {dimension_semantics = [#tpu.dimension_semantics<arbitrary>], iteration_bounds = array<i64: 10>, scalar_prefetch = 0 : i64, scratch_operands = 0 : i64, tpu.core_type = #tpu.core_type<tc>, window_params = [{transform_indices = @transform_0, window_bounds = array<i64: 1000, 128>}, {transform_indices = @transform_1, window_bounds = array<i64: 2, 1000, 16>}, {pipeline_mode = #tpu.pipeline_mode<synchronous>, transform_indices = @transform_2, window_bounds = array<i64: 128, 256>}, {pipeline_mode = #tpu.pipeline_mode<synchronous>, transform_indices = @transform_3, window_bounds = array<i64: 128, 256>}, {pipeline_mode = #tpu.pipeline_mode<synchronous>, transform_indices = @transform_4, window_bounds = array<i64: 1, 256>}, {pipeline_mode = #tpu.pipeline_mode<synchronous>, transform_indices = @transform_5, window_bounds = array<i64: 256, 128>}, {pipeline_mode = #tpu.pipeline_mode<synchronous>, transform_indices = @transform_6, window_bounds = array<i64: 1, 128>}, {transform_indices = @transform_7, window_bounds = array<i64: 2, 1000, 128>}, {transform_indices = @transform_8, window_bounds = array<i64: 1000, 128>}, {pipeline_mode = #tpu.pipeline_mode<synchronous>, transform_indices = @transform_9, window_bounds = array<i64: 1, 128>}]} {
    %get3A = arith.constant 0 : index
    %get3A_0 = arith.constant 0 : index
    %get3A_1 = vector.load %arg1[%get3A, %get3A_0] : memref<1000x128xf32, #tpu.memory_space<vmem>>, vector<1000x128xf32>
    %get3A_2 = arith.constant 0 : index
    %get3A_3 = arith.constant 0 : index
    %get3A_4 = arith.constant 0 : index
    %get3A_5 = vector.load %arg2[%get3A_2, %get3A_3, %get3A_4] : memref<2x1000x16xf32, #tpu.memory_space<vmem>>, vector<1x1000x1xf32>
    %get3A_6 = vector.shape_cast %get3A_5 : vector<1x1000x1xf32> to vector<1000x1xf32>
    %get3A_7 = arith.constant 1 : index
    %get3A_8 = arith.constant 0 : index
    %get3A_9 = arith.constant 0 : index
    %get3A_10 = vector.load %arg2[%get3A_7, %get3A_8, %get3A_9] : memref<2x1000x16xf32, #tpu.memory_space<vmem>>, vector<1x1000x1xf32>
    %get3A_11 = vector.shape_cast %get3A_10 : vector<1x1000x1xf32> to vector<1000x1xf32>
    %add3A = arith.addf %get3A_6, %get3A_11 : vector<1000x1xf32>
    %add3A_12 = arith.constant 1.000000e+00 : f32
    %add3A_13 = vector.broadcast %add3A_12 : f32 to vector<1000x1xf32>
    %add3A_14 = arith.addf %add3A, %add3A_13 : vector<1000x1xf32>
    %rsqrt3A = math.rsqrt %add3A_14 : vector<1000x1xf32>
    %get3A_15 = arith.constant 0 : index
    %get3A_16 = arith.constant 0 : index
    %get3A_17 = vector.load %arg3[%get3A_15, %get3A_16] : memref<128x256xf32, #tpu.memory_space<vmem>>, vector<128x256xf32>
    %dot_general3A = arith.constant dense<0.000000e+00> : vector<1000x256xf32>
    %dot_general3A_18 = tpu.matmul %get3A_1, %get3A_17, %dot_general3A {dimension_numbers = #tpu.dot_dimension_numbers<[1], [0], [0], [1], [0, 0, 1, 1], [], []>, transpose_lhs_hint = false} : vector<1000x128xf32>, vector<128x256xf32>, vector<1000x256xf32> -> vector<1000x256xf32>
    %mul3A = vector.broadcast %rsqrt3A : vector<1000x1xf32> to vector<1000x256xf32>
    %mul3A_19 = arith.mulf %dot_general3A_18, %mul3A : vector<1000x256xf32>
    %slice3A = vector.extract_strided_slice %mul3A_19 {offsets = [0, 0], sizes = [1000, 128], strides = [1, 1]} : vector<1000x256xf32> to vector<1000x128xf32>
    %swap3A = arith.constant 0 : index
    %swap3A_20 = arith.constant 0 : index
    %swap3A_21 = arith.constant 0 : index
    %swap3A_22 = vector.load %arg8[%swap3A, %swap3A_20, %swap3A_21] : memref<2x1000x128xf32, #tpu.memory_space<vmem>>, vector<1x1000x128xf32>
    %swap3A_23 = vector.shape_cast %swap3A_22 : vector<1x1000x128xf32> to vector<1000x128xf32>
    %swap3A_24 = vector.shape_cast %slice3A : vector<1000x128xf32> to vector<1x1000x128xf32>
    tpu.vector_store %arg8[%swap3A, %swap3A_20, %swap3A_21], %swap3A_24 {strides = array<i32>} : memref<2x1000x128xf32, #tpu.memory_space<vmem>>, vector<1x1000x128xf32>,
    %slice3A_25 = vector.extract_strided_slice %mul3A_19 {offsets = [0, 128], sizes = [1000, 128], strides = [1, 1]} : vector<1000x256xf32> to vector<1000x128xf32>
    %swap3A_26 = arith.constant 1 : index
    %swap3A_27 = arith.constant 0 : index
    %swap3A_28 = arith.constant 0 : index
    %swap3A_29 = vector.load %arg8[%swap3A_26, %swap3A_27, %swap3A_28] : memref<2x1000x128xf32, #tpu.memory_space<vmem>>, vector<1x1000x128xf32>
    %swap3A_30 = vector.shape_cast %swap3A_29 : vector<1x1000x128xf32> to vector<1000x128xf32>
    %swap3A_31 = vector.shape_cast %slice3A_25 : vector<1000x128xf32> to vector<1x1000x128xf32>
    tpu.vector_store %arg8[%swap3A_26, %swap3A_27, %swap3A_28], %swap3A_31 {strides = array<i32>} : memref<2x1000x128xf32, #tpu.memory_space<vmem>>, vector<1x1000x128xf32>,
    %get3A_32 = arith.constant 0 : index
    %get3A_33 = arith.constant 0 : index
    %get3A_34 = vector.load %arg4[%get3A_32, %get3A_33] : memref<128x256xf32, #tpu.memory_space<vmem>>, vector<128x256xf32>
    %dot_general3A_35 = arith.constant dense<0.000000e+00> : vector<1000x256xf32>
    %dot_general3A_36 = tpu.matmul %get3A_1, %get3A_34, %dot_general3A_35 {dimension_numbers = #tpu.dot_dimension_numbers<[1], [0], [0], [1], [0, 0, 1, 1], [], []>, transpose_lhs_hint = false} : vector<1000x128xf32>, vector<128x256xf32>, vector<1000x256xf32> -> vector<1000x256xf32>
    %get3A_37 = arith.constant 0 : index
    %get3A_38 = arith.constant 0 : index
    %get3A_39 = vector.load %arg5[%get3A_37, %get3A_38] : memref<1x256xf32, #tpu.memory_space<vmem>>, vector<1x256xf32>
    %add3A_40 = vector.broadcast %get3A_39 : vector<1x256xf32> to vector<1000x256xf32>
    %add3A_41 = arith.addf %dot_general3A_36, %add3A_40 : vector<1000x256xf32>
    %max3A = arith.constant 0.000000e+00 : f32
    %max3A_42 = vector.broadcast %max3A : f32 to vector<1000x256xf32>
    %max3A_43 = arith.maximumf %add3A_41, %max3A_42 : vector<1000x256xf32>
    %get3A_44 = arith.constant 0 : index
    %get3A_45 = arith.constant 0 : index
    %get3A_46 = vector.load %arg6[%get3A_44, %get3A_45] : memref<256x128xf32, #tpu.memory_space<vmem>>, vector<256x128xf32>
    %dot_general3A_47 = arith.constant dense<0.000000e+00> : vector<1000x128xf32>
    %dot_general3A_48 = tpu.matmul %max3A_43, %get3A_46, %dot_general3A_47 {dimension_numbers = #tpu.dot_dimension_numbers<[1], [0], [0], [1], [0, 0, 1, 1], [], []>, transpose_lhs_hint = false} : vector<1000x256xf32>, vector<256x128xf32>, vector<1000x128xf32> -> vector<1000x128xf32>
    %get3A_49 = arith.constant 0 : index
    %get3A_50 = arith.constant 0 : index
    %get3A_51 = vector.load %arg7[%get3A_49, %get3A_50] : memref<1x128xf32, #tpu.memory_space<vmem>>, vector<1x128xf32>
    %add3A_52 = vector.broadcast %get3A_51 : vector<1x128xf32> to vector<1000x128xf32>
    %add3A_53 = arith.addf %dot_general3A_48, %add3A_52 : vector<1000x128xf32>
    %swap3A_54 = arith.constant 0 : index
    %swap3A_55 = arith.constant 0 : index
    %swap3A_56 = vector.load %arg9[%swap3A_54, %swap3A_55] : memref<1000x128xf32, #tpu.memory_space<vmem>>, vector<1000x128xf32>
    tpu.vector_store %arg9[%swap3A_54, %swap3A_55], %add3A_53 {strides = array<i32>} : memref<1000x128xf32, #tpu.memory_space<vmem>>, vector<1000x128xf32>,
    %reduce_sum3A = arith.constant dense<0.000000e+00> : vector<128xf32>
    %reduce_sum3A_57 = vector.multi_reduction <add>, %add3A_53, %reduce_sum3A [0] : vector<1000x128xf32> to vector<128xf32>
    %broadcast_in_dim3A = vector.shape_cast %reduce_sum3A_57 : vector<128xf32> to vector<1x128xf32>
    %eq3A = arith.constant 0 : i32
    %eq3A_58 = arith.cmpi eq, %arg0, %eq3A : i32
    %convert_element_type3A = arith.extui %eq3A_58 : i1 to i32
    %cond3A = arith.constant 0 : i32
    %cond3A_59 = arith.cmpi ne, %convert_element_type3A, %cond3A : i32
    scf.if %cond3A_59 {
      %swap3A_64 = arith.constant 0 : index
      %swap3A_65 = arith.constant 0 : index
      %swap3A_66 = vector.load %arg10[%swap3A_64, %swap3A_65] : memref<1x128xf32, #tpu.memory_space<vmem>>, vector<1x128xf32>
      tpu.vector_store %arg10[%swap3A_64, %swap3A_65], %broadcast_in_dim3A {strides = array<i32>} : memref<1x128xf32, #tpu.memory_space<vmem>>, vector<1x128xf32>,
    } else {
    }
    %ne3A = arith.constant 0 : i32
    %ne3A_60 = arith.cmpi ne, %arg0, %ne3A : i32
    %convert_element_type3A_61 = arith.extui %ne3A_60 : i1 to i32
    %cond3A_62 = arith.constant 0 : i32
    %cond3A_63 = arith.cmpi ne, %convert_element_type3A_61, %cond3A_62 : i32
    scf.if %cond3A_63 {
      %get3A_64 = arith.constant 0 : index
      %get3A_65 = arith.constant 0 : index
      %get3A_66 = vector.load %arg10[%get3A_64, %get3A_65] : memref<1x128xf32, #tpu.memory_space<vmem>>, vector<1x128xf32>
      %add3A_67 = arith.addf %get3A_66, %broadcast_in_dim3A : vector<1x128xf32>
      %swap3A_68 = arith.constant 0 : index
      %swap3A_69 = arith.constant 0 : index
      %swap3A_70 = vector.load %arg10[%swap3A_68, %swap3A_69] : memref<1x128xf32, #tpu.memory_space<vmem>>, vector<1x128xf32>
      tpu.vector_store %arg10[%swap3A_68, %swap3A_69], %add3A_67 {strides = array<i32>} : memref<1x128xf32, #tpu.memory_space<vmem>>, vector<1x128xf32>,
    } else {
    }
    return
  }
  func.func @transform_0(%arg0: i32) -> (i32, i32) {
    %c0_i32 = arith.constant 0 : i32
    %c0_i32_0 = arith.constant 0 : i32
    return %arg0, %c0_i32 : i32, i32
  }
  func.func @transform_1(%arg0: i32) -> (i32, i32, i32) {
    %c0_i32 = arith.constant 0 : i32
    %c0_i32_0 = arith.constant 0 : i32
    %c0_i32_1 = arith.constant 0 : i32
    return %c0_i32, %arg0, %c0_i32_0 : i32, i32, i32
  }
  func.func @transform_2(%arg0: i32) -> (i32, i32) {
    %c0_i32 = arith.constant 0 : i32
    %c0_i32_0 = arith.constant 0 : i32
    %c0_i32_1 = arith.constant 0 : i32
    return %c0_i32, %c0_i32_0 : i32, i32
  }
  func.func @transform_3(%arg0: i32) -> (i32, i32) {
    %c0_i32 = arith.constant 0 : i32
    %c0_i32_0 = arith.constant 0 : i32
    %c0_i32_1 = arith.constant 0 : i32
    return %c0_i32, %c0_i32_0 : i32, i32
  }
  func.func @transform_4(%arg0: i32) -> (i32, i32) {
    %c0_i32 = arith.constant 0 : i32
    %c0_i32_0 = arith.constant 0 : i32
    %c0_i32_1 = arith.constant 0 : i32
    return %c0_i32, %c0_i32_0 : i32, i32
  }
  func.func @transform_5(%arg0: i32) -> (i32, i32) {
    %c0_i32 = arith.constant 0 : i32
    %c0_i32_0 = arith.constant 0 : i32
    %c0_i32_1 = arith.constant 0 : i32
    return %c0_i32, %c0_i32_0 : i32, i32
  }
  func.func @transform_6(%arg0: i32) -> (i32, i32) {
    %c0_i32 = arith.constant 0 : i32
    %c0_i32_0 = arith.constant 0 : i32
    %c0_i32_1 = arith.constant 0 : i32
    return %c0_i32, %c0_i32_0 : i32, i32
  }
  func.func @transform_7(%arg0: i32) -> (i32, i32, i32) {
    %c0_i32 = arith.constant 0 : i32
    %c0_i32_0 = arith.constant 0 : i32
    %c0_i32_1 = arith.constant 0 : i32
    return %c0_i32, %arg0, %c0_i32_0 : i32, i32, i32
  }
  func.func @transform_8(%arg0: i32) -> (i32, i32) {
    %c0_i32 = arith.constant 0 : i32
    %c0_i32_0 = arith.constant 0 : i32
    return %arg0, %c0_i32 : i32, i32
  }
  func.func @transform_9(%arg0: i32) -> (i32, i32) {
    %c0_i32 = arith.constant 0 : i32
    %c0_i32_0 = arith.constant 0 : i32
    %c0_i32_1 = arith.constant 0 : i32
    return %c0_i32, %c0_i32_0 : i32, i32
  }
}

module attributes {stable_mosaic.version = 14 : i64} {
  func.func @_t2_body(%arg0: i32, %arg1: memref<2x1000x128xf32, #tpu.memory_space<vmem>>, %arg2: memref<2x1000x128xf32, #tpu.memory_space<vmem>>, %arg3: memref<2x1000x128xf32, #tpu.memory_space<vmem>>, %arg4: memref<2x1000x16xf32, #tpu.memory_space<vmem>>, %arg5: memref<1x256xf32, #tpu.memory_space<vmem>>, %arg6: memref<256x128xf32, #tpu.memory_space<vmem>>, %arg7: memref<1000x128xf32, #tpu.memory_space<vmem>>) attributes {dimension_semantics = [#tpu.dimension_semantics<arbitrary>], iteration_bounds = array<i64: 10>, scalar_prefetch = 0 : i64, scratch_operands = 0 : i64, tpu.core_type = #tpu.core_type<tc>, window_params = [{transform_indices = @transform_0, window_bounds = array<i64: 2, 1000, 128>}, {transform_indices = @transform_1, window_bounds = array<i64: 2, 1000, 128>}, {transform_indices = @transform_2, window_bounds = array<i64: 2, 1000, 128>}, {transform_indices = @transform_3, window_bounds = array<i64: 2, 1000, 16>}, {pipeline_mode = #tpu.pipeline_mode<synchronous>, transform_indices = @transform_4, window_bounds = array<i64: 1, 256>}, {pipeline_mode = #tpu.pipeline_mode<synchronous>, transform_indices = @transform_5, window_bounds = array<i64: 256, 128>}, {transform_indices = @transform_6, window_bounds = array<i64: 1000, 128>}]} {
    %get3A = arith.constant 0 : index
    %get3A_0 = arith.constant 0 : index
    %get3A_1 = arith.constant 0 : index
    %get3A_2 = vector.load %arg4[%get3A, %get3A_0, %get3A_1] : memref<2x1000x16xf32, #tpu.memory_space<vmem>>, vector<1x1000x1xf32>
    %get3A_3 = vector.shape_cast %get3A_2 : vector<1x1000x1xf32> to vector<1000x1xf32>
    %get3A_4 = arith.constant 1 : index
    %get3A_5 = arith.constant 0 : index
    %get3A_6 = arith.constant 0 : index
    %get3A_7 = vector.load %arg4[%get3A_4, %get3A_5, %get3A_6] : memref<2x1000x16xf32, #tpu.memory_space<vmem>>, vector<1x1000x1xf32>
    %get3A_8 = vector.shape_cast %get3A_7 : vector<1x1000x1xf32> to vector<1000x1xf32>
    %add3A = arith.addf %get3A_3, %get3A_8 : vector<1000x1xf32>
    %add3A_9 = arith.constant 1.000000e+00 : f32
    %add3A_10 = vector.broadcast %add3A_9 : f32 to vector<1000x1xf32>
    %add3A_11 = arith.addf %add3A, %add3A_10 : vector<1000x1xf32>
    %rsqrt3A = math.rsqrt %add3A_11 : vector<1000x1xf32>
    %get3A_12 = arith.constant 0 : index
    %get3A_13 = arith.constant 0 : index
    %get3A_14 = arith.constant 0 : index
    %get3A_15 = vector.load %arg2[%get3A_12, %get3A_13, %get3A_14] : memref<2x1000x128xf32, #tpu.memory_space<vmem>>, vector<1x1000x128xf32>
    %get3A_16 = vector.shape_cast %get3A_15 : vector<1x1000x128xf32> to vector<1000x128xf32>
    %get3A_17 = arith.constant 1 : index
    %get3A_18 = arith.constant 0 : index
    %get3A_19 = arith.constant 0 : index
    %get3A_20 = vector.load %arg2[%get3A_17, %get3A_18, %get3A_19] : memref<2x1000x128xf32, #tpu.memory_space<vmem>>, vector<1x1000x128xf32>
    %get3A_21 = vector.shape_cast %get3A_20 : vector<1x1000x128xf32> to vector<1000x128xf32>
    %add3A_22 = arith.addf %get3A_16, %get3A_21 : vector<1000x128xf32>
    %get3A_23 = arith.constant 0 : index
    %get3A_24 = arith.constant 0 : index
    %get3A_25 = arith.constant 0 : index
    %get3A_26 = vector.load %arg1[%get3A_23, %get3A_24, %get3A_25] : memref<2x1000x128xf32, #tpu.memory_space<vmem>>, vector<1x1000x128xf32>
    %get3A_27 = vector.shape_cast %get3A_26 : vector<1x1000x128xf32> to vector<1000x128xf32>
    %add3A_28 = arith.addf %add3A_22, %get3A_27 : vector<1000x128xf32>
    %get3A_29 = arith.constant 0 : index
    %get3A_30 = arith.constant 0 : index
    %get3A_31 = arith.constant 0 : index
    %get3A_32 = vector.load %arg3[%get3A_29, %get3A_30, %get3A_31] : memref<2x1000x128xf32, #tpu.memory_space<vmem>>, vector<1x1000x128xf32>
    %get3A_33 = vector.shape_cast %get3A_32 : vector<1x1000x128xf32> to vector<1000x128xf32>
    %get3A_34 = arith.constant 1 : index
    %get3A_35 = arith.constant 0 : index
    %get3A_36 = arith.constant 0 : index
    %get3A_37 = vector.load %arg3[%get3A_34, %get3A_35, %get3A_36] : memref<2x1000x128xf32, #tpu.memory_space<vmem>>, vector<1x1000x128xf32>
    %get3A_38 = vector.shape_cast %get3A_37 : vector<1x1000x128xf32> to vector<1000x128xf32>
    %add3A_39 = arith.addf %get3A_33, %get3A_38 : vector<1000x128xf32>
    %get3A_40 = arith.constant 1 : index
    %get3A_41 = arith.constant 0 : index
    %get3A_42 = arith.constant 0 : index
    %get3A_43 = vector.load %arg1[%get3A_40, %get3A_41, %get3A_42] : memref<2x1000x128xf32, #tpu.memory_space<vmem>>, vector<1x1000x128xf32>
    %get3A_44 = vector.shape_cast %get3A_43 : vector<1x1000x128xf32> to vector<1000x128xf32>
    %add3A_45 = arith.addf %add3A_39, %get3A_44 : vector<1000x128xf32>
    %concatenate3A = tpu.concatenate %add3A_28, %add3A_45 in 1 : vector<1000x128xf32>, vector<1000x128xf32> -> vector<1000x256xf32>
    %mul3A = vector.broadcast %rsqrt3A : vector<1000x1xf32> to vector<1000x256xf32>
    %mul3A_46 = arith.mulf %concatenate3A, %mul3A : vector<1000x256xf32>
    %get3A_47 = arith.constant 0 : index
    %get3A_48 = arith.constant 0 : index
    %get3A_49 = vector.load %arg5[%get3A_47, %get3A_48] : memref<1x256xf32, #tpu.memory_space<vmem>>, vector<1x256xf32>
    %add3A_50 = vector.broadcast %get3A_49 : vector<1x256xf32> to vector<1000x256xf32>
    %add3A_51 = arith.addf %mul3A_46, %add3A_50 : vector<1000x256xf32>
    %max3A = arith.constant 0.000000e+00 : f32
    %max3A_52 = vector.broadcast %max3A : f32 to vector<1000x256xf32>
    %max3A_53 = arith.maximumf %add3A_51, %max3A_52 : vector<1000x256xf32>
    %get3A_54 = arith.constant 0 : index
    %get3A_55 = arith.constant 0 : index
    %get3A_56 = vector.load %arg6[%get3A_54, %get3A_55] : memref<256x128xf32, #tpu.memory_space<vmem>>, vector<256x128xf32>
    %dot_general3A = arith.constant dense<0.000000e+00> : vector<1000x128xf32>
    %dot_general3A_57 = tpu.matmul %max3A_53, %get3A_56, %dot_general3A {dimension_numbers = #tpu.dot_dimension_numbers<[1], [0], [0], [1], [0, 0, 1, 1], [], []>, transpose_lhs_hint = false} : vector<1000x256xf32>, vector<256x128xf32>, vector<1000x128xf32> -> vector<1000x128xf32>
    %mul3A_58 = vector.broadcast %rsqrt3A : vector<1000x1xf32> to vector<1000x128xf32>
    %mul3A_59 = arith.mulf %dot_general3A_57, %mul3A_58 : vector<1000x128xf32>
    %swap3A = arith.constant 0 : index
    %swap3A_60 = arith.constant 0 : index
    %swap3A_61 = vector.load %arg7[%swap3A, %swap3A_60] : memref<1000x128xf32, #tpu.memory_space<vmem>>, vector<1000x128xf32>
    tpu.vector_store %arg7[%swap3A, %swap3A_60], %mul3A_59 {strides = array<i32>} : memref<1000x128xf32, #tpu.memory_space<vmem>>, vector<1000x128xf32>,
    return
  }
  func.func @transform_0(%arg0: i32) -> (i32, i32, i32) {
    %c0_i32 = arith.constant 0 : i32
    %c0_i32_0 = arith.constant 0 : i32
    %c0_i32_1 = arith.constant 0 : i32
    return %c0_i32, %arg0, %c0_i32_0 : i32, i32, i32
  }
  func.func @transform_1(%arg0: i32) -> (i32, i32, i32) {
    %c0_i32 = arith.constant 0 : i32
    %c0_i32_0 = arith.constant 0 : i32
    %c0_i32_1 = arith.constant 0 : i32
    return %c0_i32, %arg0, %c0_i32_0 : i32, i32, i32
  }
  func.func @transform_2(%arg0: i32) -> (i32, i32, i32) {
    %c0_i32 = arith.constant 0 : i32
    %c0_i32_0 = arith.constant 0 : i32
    %c0_i32_1 = arith.constant 0 : i32
    return %c0_i32, %arg0, %c0_i32_0 : i32, i32, i32
  }
  func.func @transform_3(%arg0: i32) -> (i32, i32, i32) {
    %c0_i32 = arith.constant 0 : i32
    %c0_i32_0 = arith.constant 0 : i32
    %c0_i32_1 = arith.constant 0 : i32
    return %c0_i32, %arg0, %c0_i32_0 : i32, i32, i32
  }
  func.func @transform_4(%arg0: i32) -> (i32, i32) {
    %c0_i32 = arith.constant 0 : i32
    %c0_i32_0 = arith.constant 0 : i32
    %c0_i32_1 = arith.constant 0 : i32
    return %c0_i32, %c0_i32_0 : i32, i32
  }
  func.func @transform_5(%arg0: i32) -> (i32, i32) {
    %c0_i32 = arith.constant 0 : i32
    %c0_i32_0 = arith.constant 0 : i32
    %c0_i32_1 = arith.constant 0 : i32
    return %c0_i32, %c0_i32_0 : i32, i32
  }
  func.func @transform_6(%arg0: i32) -> (i32, i32) {
    %c0_i32 = arith.constant 0 : i32
    %c0_i32_0 = arith.constant 0 : i32
    return %arg0, %c0_i32 : i32, i32
  }
}

module attributes {stable_mosaic.version = 14 : i64} {
  func.func @_t3_body(%arg0: i32, %arg1: memref<1000x128xf32, #tpu.memory_space<vmem>>, %arg2: memref<2x1000x128xf32, #tpu.memory_space<vmem>>, %arg3: memref<2x1000x16xf32, #tpu.memory_space<vmem>>, %arg4: memref<1x128xf32, #tpu.memory_space<vmem>>, %arg5: memref<1000x128xf32, #tpu.memory_space<vmem>>) attributes {dimension_semantics = [#tpu.dimension_semantics<arbitrary>], iteration_bounds = array<i64: 10>, scalar_prefetch = 0 : i64, scratch_operands = 0 : i64, tpu.core_type = #tpu.core_type<tc>, window_params = [{transform_indices = @transform_0, window_bounds = array<i64: 1000, 128>}, {transform_indices = @transform_1, window_bounds = array<i64: 2, 1000, 128>}, {transform_indices = @transform_2, window_bounds = array<i64: 2, 1000, 16>}, {pipeline_mode = #tpu.pipeline_mode<synchronous>, transform_indices = @transform_3, window_bounds = array<i64: 1, 128>}, {transform_indices = @transform_4, window_bounds = array<i64: 1000, 128>}]} {
    %get3A = arith.constant 0 : index
    %get3A_0 = arith.constant 0 : index
    %get3A_1 = arith.constant 0 : index
    %get3A_2 = vector.load %arg3[%get3A, %get3A_0, %get3A_1] : memref<2x1000x16xf32, #tpu.memory_space<vmem>>, vector<1x1000x1xf32>
    %get3A_3 = vector.shape_cast %get3A_2 : vector<1x1000x1xf32> to vector<1000x1xf32>
    %get3A_4 = arith.constant 1 : index
    %get3A_5 = arith.constant 0 : index
    %get3A_6 = arith.constant 0 : index
    %get3A_7 = vector.load %arg3[%get3A_4, %get3A_5, %get3A_6] : memref<2x1000x16xf32, #tpu.memory_space<vmem>>, vector<1x1000x1xf32>
    %get3A_8 = vector.shape_cast %get3A_7 : vector<1x1000x1xf32> to vector<1000x1xf32>
    %add3A = arith.addf %get3A_3, %get3A_8 : vector<1000x1xf32>
    %add3A_9 = arith.constant 1.000000e+00 : f32
    %add3A_10 = vector.broadcast %add3A_9 : f32 to vector<1000x1xf32>
    %add3A_11 = arith.addf %add3A, %add3A_10 : vector<1000x1xf32>
    %rsqrt3A = math.rsqrt %add3A_11 : vector<1000x1xf32>
    %get3A_12 = arith.constant 0 : index
    %get3A_13 = arith.constant 0 : index
    %get3A_14 = arith.constant 0 : index
    %get3A_15 = vector.load %arg2[%get3A_12, %get3A_13, %get3A_14] : memref<2x1000x128xf32, #tpu.memory_space<vmem>>, vector<1x1000x128xf32>
    %get3A_16 = vector.shape_cast %get3A_15 : vector<1x1000x128xf32> to vector<1000x128xf32>
    %get3A_17 = arith.constant 1 : index
    %get3A_18 = arith.constant 0 : index
    %get3A_19 = arith.constant 0 : index
    %get3A_20 = vector.load %arg2[%get3A_17, %get3A_18, %get3A_19] : memref<2x1000x128xf32, #tpu.memory_space<vmem>>, vector<1x1000x128xf32>
    %get3A_21 = vector.shape_cast %get3A_20 : vector<1x1000x128xf32> to vector<1000x128xf32>
    %add3A_22 = arith.addf %get3A_16, %get3A_21 : vector<1000x128xf32>
    %get3A_23 = arith.constant 0 : index
    %get3A_24 = arith.constant 0 : index
    %get3A_25 = vector.load %arg1[%get3A_23, %get3A_24] : memref<1000x128xf32, #tpu.memory_space<vmem>>, vector<1000x128xf32>
    %add3A_26 = arith.addf %add3A_22, %get3A_25 : vector<1000x128xf32>
    %mul3A = vector.broadcast %rsqrt3A : vector<1000x1xf32> to vector<1000x128xf32>
    %mul3A_27 = arith.mulf %add3A_26, %mul3A : vector<1000x128xf32>
    %get3A_28 = arith.constant 0 : index
    %get3A_29 = arith.constant 0 : index
    %get3A_30 = vector.load %arg4[%get3A_28, %get3A_29] : memref<1x128xf32, #tpu.memory_space<vmem>>, vector<1x128xf32>
    %add3A_31 = vector.broadcast %get3A_30 : vector<1x128xf32> to vector<1000x128xf32>
    %add3A_32 = arith.addf %mul3A_27, %add3A_31 : vector<1000x128xf32>
    %max3A = arith.constant 0.000000e+00 : f32
    %max3A_33 = vector.broadcast %max3A : f32 to vector<1000x128xf32>
    %max3A_34 = arith.maximumf %add3A_32, %max3A_33 : vector<1000x128xf32>
    %swap3A = arith.constant 0 : index
    %swap3A_35 = arith.constant 0 : index
    %swap3A_36 = vector.load %arg5[%swap3A, %swap3A_35] : memref<1000x128xf32, #tpu.memory_space<vmem>>, vector<1000x128xf32>
    tpu.vector_store %arg5[%swap3A, %swap3A_35], %max3A_34 {strides = array<i32>} : memref<1000x128xf32, #tpu.memory_space<vmem>>, vector<1000x128xf32>,
    return
  }
  func.func @transform_0(%arg0: i32) -> (i32, i32) {
    %c0_i32 = arith.constant 0 : i32
    %c0_i32_0 = arith.constant 0 : i32
    return %arg0, %c0_i32 : i32, i32
  }
  func.func @transform_1(%arg0: i32) -> (i32, i32, i32) {
    %c0_i32 = arith.constant 0 : i32
    %c0_i32_0 = arith.constant 0 : i32
    %c0_i32_1 = arith.constant 0 : i32
    return %c0_i32, %arg0, %c0_i32_0 : i32, i32, i32
  }
  func.func @transform_2(%arg0: i32) -> (i32, i32, i32) {
    %c0_i32 = arith.constant 0 : i32
    %c0_i32_0 = arith.constant 0 : i32
    %c0_i32_1 = arith.constant 0 : i32
    return %c0_i32, %arg0, %c0_i32_0 : i32, i32, i32
  }
  func.func @transform_3(%arg0: i32) -> (i32, i32) {
    %c0_i32 = arith.constant 0 : i32
    %c0_i32_0 = arith.constant 0 : i32
    %c0_i32_1 = arith.constant 0 : i32
    return %c0_i32, %c0_i32_0 : i32, i32
  }
  func.func @transform_4(%arg0: i32) -> (i32, i32) {
    %c0_i32 = arith.constant 0 : i32
    %c0_i32_0 = arith.constant 0 : i32
    return %arg0, %c0_i32 : i32, i32
  }
}

</mosaic_0001>

<sc_bundles>
// kernel: kernel.12.cloned.1.call-start
scs
__scs_entry_jumppad:
0x0: {  	(pc) =	sbr.rel $0x88, $3  }
0x1: {  	(tag) =	ssettag $0x0;
	lr =	simm.s32 $0x1  }
0x2: {  	[smem:$0x3F97] =	sst lr;
	_ =	strace $0xD0000000  }
0x3: {  	_ = 	snop  }
0x4: {  	_ = 	snop  }
0x5: {  	_ = 	snop  }
0x6: {  	_ = 	snop  }
0x7: {  	_ = 	snop  }
__scs_overlays_trampoline_lowered:
0x8: {  	[smem:$0x3FA6] =	sst s0  }
0x9: {  	[smem:$0x3FA7] =	sst s1  }
0xa: {  	[smem:$0x3FA8] =	sst s2  }
0xb: {  	[smem:$0x3FA9] =	sst s3  }
0xc: {  	[smem:$0x3FAA] =	sst s4  }
0xd: {  	[smem:$0x3FAB] =	sst s5  }
0xe: {  	[smem:$0x3FAC] =	sst s6  }
0xf: {  	[smem:$0x3FAD] =	sst s7  }
0x10: {  	[smem:$0x3FAE] =	sst s8  }
0x11: {  	[smem:$0x3FAF] =	sst s9;
	s0 =	simm.s32 @!p0 $0x0  }
0x12: {  	s1 =	sld [smem:$0x3F95];
	s0 =	simm.s32 @p0 $0x1  }
0x13: {  	[smem:$0x3FB0] =	sst s0;
	s0 =	simm.s32 @!p1 $0x0  }
0x14: {  	s2 =	sld [smem:$0x3F94];
	s0 =	simm.s32 @p1 $0x1  }
0x15: {  	[smem:$0x3FB1] =	sst s0;
	s0 =	simm.s32 @!p2 $0x0  }
0x16: {  	s3 =	sld [smem:$0x3FDB];
	s0 =	simm.s32 @p2 $0x1  }
0x17: {  	s4 =	simm.s32 $0x1BF5;
	[smem:$0x3FB3] =	sst s0  }
0x18: {  	s0 =	sld [smem:$0x3F96];
	_ =	swait.ge [sflag:s4], $0x0  }
0x19: {  	s7 =	sld [smem:$0x3F97]  }
0x1a: {  	s8 =	sadd.s32 $0xFFFFE003, lr  }
0x1b: {  	s9 =	sadd.s32 $0xFFFFFEF7, lr;
	s5 =	simm.s32 $0xFFFFFFFF;
	p2 =	slt.u32 s8, $0xFFFFF086  }
0x1c: {  	p1 =	slt.u32 s9, $0xF7A;
	s5 =	simm.s32 @!p2 $0x0  }
0x1d: {  	s5 =	simm.s32 @p1 $0x1;
	p0 =	seq.s32 s7, s2  }
0x1e: {  	s7 =	smul.u32 @!p0 $0xF7A, s2;
	p2 =	seq.s32 @!p0 s5, $0x0  }
0x1f: {  	s9 =	smul.u32 $0xF7A, s1;
	s8 =	simm.s32 @!p0 $0x1BF5;
	p2 =	por !p2, p0  }
0x20: {  	[sflag:s8] =	ssyncset.s32 @!p0 $0xFFFFF086;
	s6 =	sadd.s32 @!p0 s3, s7;
	s7 =	simm.s32 @!p0 $0x108  }
0x21: {  	s3 =	sadd.s32 s3, s9;
	s6 =	sadd.s32 @!p0 $0x88, s6;
	s7 =	simm.s32 @p2 $0x1082  }
0x22: {  	[simem:s7], [sflag:s8] =	dma.local @!p0 [hbm:s6], $0xF7A  }
0x23: {  	s9 =	sor.u32 $0xD0000000, s2;
	s6 =	simm.s32 $0x108;
	_ =	swait.ge @!p0 [sflag:s8], $0x0  }
0x24: {  	s3 =	sadd.s32 $0x88, s3;
	s6 =	simm.s32 @!p1 $0x1082;
	[sflag:s4] =	ssyncset.s32 $0xFFFFF086  }
0x25: {  	[simem:s6], [sflag:s4] =	dma.local [hbm:s3], $0xF7A  }
0x26: {  	[smem:$0x3F97] =	sst s1;
	(tag) =	ssettag s2;
	_ =	strace s9  }
0x27: {  	s1 =	sld [smem:$0x3FA7]  }
0x28: {  	s2 =	sld [smem:$0x3FA8]  }
0x29: {  	s4 =	sld [smem:$0x3FAA]  }
0x2a: {  	p0 =	seq.s32 s5, $0x0;
	s5 =	sld [smem:$0x3FAB]  }
0x2b: {  	s6 =	sld [smem:$0x3FAC]  }
0x2c: {  	s7 =	sld [smem:$0x3FAD]  }
0x2d: {  	s3 =	simm.s32 $0x108;
	s8 =	sld [smem:$0x3FAE]  }
0x2e: {  	s3 =	simm.s32 @!p0 $0x1082;
	s9 =	sld [smem:$0x3FAF]  }
0x2f: {  	lr =	sadd.s32 s0, s3;
	s0 =	sld [smem:$0x3FA6]  }
0x30: {  	s3 =	sld [smem:$0x3FA9]  }
0x31: {  	[smem:$0x3FB2] =	sst s10  }
0x32: {  	s10 =	sld [smem:$0x3FB0];
	_ =	sdelay $0x3  }
0x33: {  	p0 =	seq.s32 s10, $0x1;
	s10 =	sld [smem:$0x3FB2];
	_ =	sdelay $0x3  }
0x34: {  	[smem:$0x3FB2] =	sst s10  }
0x35: {  	s10 =	sld [smem:$0x3FB1];
	_ =	sdelay $0x3  }
0x36: {  	p1 =	seq.s32 s10, $0x1;
	s10 =	sld [smem:$0x3FB2];
	_ =	sdelay $0x3  }
0x37: {  	[smem:$0x3FB2] =	sst s10  }
0x38: {  	s10 =	sld [smem:$0x3FB3]  }
0x39: {  	_ = 	snop;
	(pc) =	sbr.ind lr, $3  }
0x3a: {  	_ = 	snop  }
0x3b: {  	_ = 	snop  }
0x3c: {  	p2 =	seq.s32 s10, $0x1;
	s10 =	sld [smem:$0x3FB2]  }
0x3d: {  	_ =	shalt  }
0x3e: {  	_ =	shalt  }
0x3f: {  	_ =	shalt  }
0x40: {  	_ =	shalt  }
0x41: {  	_ =	shalt  }
0x42: {  	_ =	shalt  }
0x43: {  	_ =	shalt  }
0x44: {  	_ =	shalt  }
0x45: {  	_ =	shalt  }
0x46: {  	_ =	shalt  }
0x47: {  	_ =	shalt  }
0x48: {  	_ =	shalt  }
0x49: {  	_ =	shalt  }
0x4a: {  	_ =	shalt  }
0x4b: {  	_ =	shalt  }
0x4c: {  	_ =	shalt  }
0x4d: {  	_ =	shalt  }
0x4e: {  	_ =	shalt  }
0x4f: {  	_ =	shalt  }
0x50: {  	_ =	shalt  }
0x51: {  	_ =	shalt  }
0x52: {  	_ =	shalt  }
0x53: {  	_ =	shalt  }
0x54: {  	_ =	shalt  }
0x55: {  	_ =	shalt  }
0x56: {  	_ =	shalt  }
0x57: {  	_ =	shalt  }
0x58: {  	_ =	shalt  }
0x59: {  	_ =	shalt  }
0x5a: {  	_ =	shalt  }
0x5b: {  	_ =	shalt  }
0x5c: {  	_ =	shalt  }
0x5d: {  	_ =	shalt  }
0x5e: {  	_ =	shalt  }
0x5f: {  	_ =	shalt  }
0x60: {  	_ =	shalt  }
0x61: {  	_ =	shalt  }
0x62: {  	_ =	shalt  }
0x63: {  	_ =	shalt  }
0x64: {  	_ =	shalt  }
0x65: {  	_ =	shalt  }
0x66: {  	_ =	shalt  }
0x67: {  	_ =	shalt  }
0x68: {  	_ =	shalt  }
0x69: {  	_ =	shalt  }
0x6a: {  	_ =	shalt  }
0x6b: {  	_ =	shalt  }
0x6c: {  	_ =	shalt  }
0x6d: {  	_ =	shalt  }
0x6e: {  	_ =	shalt  }
0x6f: {  	_ =	shalt  }
0x70: {  	_ =	shalt  }
0x71: {  	_ =	shalt  }
0x72: {  	_ =	shalt  }
0x73: {  	_ =	shalt  }
0x74: {  	_ =	shalt  }
0x75: {  	_ =	shalt  }
0x76: {  	_ =	shalt  }
0x77: {  	_ =	shalt  }
0x78: {  	_ =	shalt  }
0x79: {  	_ =	shalt  }
0x7a: {  	_ =	shalt  }
0x7b: {  	_ =	shalt  }
0x7c: {  	_ =	shalt  }
0x7d: {  	_ =	shalt  }
0x7e: {  	_ =	shalt  }
0x7f: {  	_ =	shalt  }
0x80: {  	_ =	shalt  }
0x81: {  	_ =	shalt  }
0x82: {  	_ =	shalt  }
0x83: {  	_ =	shalt  }
0x84: {  	_ =	shalt  }
0x85: {  	_ =	shalt  }
0x86: {  	_ =	shalt  }
0x87: {  	_ =	shalt  }
.Lfunc_end0:
.L_simem_size_0:
called_computation.1_lowered:
.L_overlay_start_0:
0x88: {  	s2 =	sld [smem:$0x3FD9]  }
0x89: {  	s3 =	sld [smem:$0x3FFE];
	_ =	sdelay $0x1  }
0x8a: {  	s1 =	srdreg.scid  }
0x8b: {  	s0 =	sand.u32 $0x1, s1  }
0x8c: {  	s15 =	sshll.u32 s0, $0xA;
	s2 =	sadd.s32 s3, s2  }
0x8d: {  	s2 =	sadd.s32 s2, s15  }
0x8e: {  	[smem:$0x3FBE] =	sst s2  }
0x8f: {  	_ = 	snop  }
0x90: {  	s2 =	sld [smem:$0x3FD0];
	_ =	sdelay $0x2  }
0x91: {  	s16 =	simm.s32 $0xB;
	s4 =	simm.s32 $0x10  }
0x92: {  	[smem:s4], [sflag:s16] =	dma.local [hbm:s2], $0x1  }
0x93: {  	_ =	swait.eq [sflag:s16], $0x1  }
0x94: {  	[sflag:s16] =	ssyncset.done $0x0  }
0x95: {  	[sflag:s16] =	ssyncadd.s32 $0xFFFFFFFF  }
0x96: {  	s17 =	sld [smem:$0x10];
	(tm) =	ssettm $0x1  }
0x97: {  	s18 =	sld [smem:$0x3FFB];
	_ =	sdelay $0x3  }
0x98: {  	_ =	strace s18  }
0x99: {  	s2 =	sld [smem:$0x3FFC];
	_ =	sdelay $0x3  }
0x9a: {  	_ =	strace s2  }
0x9b: {  	s2 =	sld [smem:$0x3FFD];
	_ =	sdelay $0x3  }
0x9c: {  	_ =	strace s2  }
0x9d: {  	_ =	strace $0x8FFFFFFF  }
0x9e: {  	s19 =	sld [smem:$0x3FDB];
	_ =	sdelay $0x1  }
0x9f: {  	s20 =	simm.s32 $_scs_section_size  }
0xa0: {  	s5 =	simm.s32 $_size__tile_overlayer_lowered;
	s6 =	simm.s32 $_tile_overlayer_lowered  }
0xa1: {  	s7 =	simm.s32 $0x1BFF;
	s21 =	sshll.u32 s6, $0x1;
	s4 =	sadd.s32 s20, s19  }
0xa2: {  	s22 =	simm.s32 $0x0;
	s5 =	sshll.u32 s5, $0x1;
	s6 =	sadd.s32 s21, s4  }
0xa3: {  	[timem:s22], [sflag:s7] =	dma.local [hbm:s6], s5  }
0xa4: {  	_ =	swait.ge [sflag:s7], s5  }
0xa5: {  	s5 =	ssub.s32 $0x0, s5;
	[sflag:s7] =	ssyncset.done $0x0  }
0xa6: {  	[sflag:s7] =	ssyncadd.s32 s5;
	_ =	sdelay $0x1  }
0xa7: {  	s23 =	simm.s32 $0x1B8B  }
0xa8: {  	_ =	swait.ge [sflag:s23], $0x1  }
0xa9: {  	[sflag:s23] =	ssyncset.done $0x0  }
0xaa: {  	[sflag:s23] =	ssyncadd.s32 $0xFFFFFFFF  }
0xab: {  	s5 =	sld [smem:$0x0]  }
0xac: {  	s6 =	sand.u32 $0xFFFFFFFE, s1  }
0xad: {  	p0 =	sne.s32 s1, s6  }
0xae: {  	s6 =	sshll.u32 @p0 s6, $0xE  }
0xaf: {  	s6 =	sadd.s32 @p0 $0x11B8D, s6;
	s7 =	sshll.u32 @p0 s5, $0x11  }
0xb0: {  	s6 =	sor.u32 @p0 s7, s6  }
0xb1: {  	[sflag:s6] =	ssyncadd.remote.s32 @p0 $0x1;
	_ =	sdelay $0x1  }
0xb2: {  	s6 =	simm.s32 @p0 $0x1B8D  }
0xb3: {  	_ =	swait.eq @p0 [sflag:s6], $0x1  }
0xb4: {  	[sflag:s6] =	ssyncadd.s32 @p0 $0xFFFFFFFF  }
0xb5: {  	s7 =	sshll.u32 @!p0 s1, $0xE  }
0xb6: {  	s7 =	sor.u32 @!p0 $0x4000, s7;
	s6 =	simm.s32 @!p0 $0x1B8D  }
0xb7: {  	s5 =	sshll.u32 @!p0 s5, $0x11;
	s7 =	sadd.s32 @!p0 $0x11B8D, s7;
	_ =	swait.eq @!p0 [sflag:s6], $0x1  }
0xb8: {  	s5 =	sor.u32 @!p0 s5, s7;
	[sflag:s6] =	ssyncadd.s32 @!p0 $0xFFFFFFFF  }
0xb9: {  	s25 =	simm.s32 $0x1B8E;
	s24 =	sld [smem:$0x3FFE];
	[sflag:s5] =	ssyncadd.remote.s32 @!p0 $0x1  }
0xba: {  	s26 =	simm.s32 $execute0_lowered;
	[smem:$0x3FD2] =	sst s25  }
0xbb: {  	s6 =	sshll.u32 s26, $0x1;
	_ =	strace $0x8000004C;
	[dreg:$0x1] =	wrdreg $0xFFFFFFFF  }
0xbc: {  	s28 =	simm.s32 $_size_execute0_lowered;
	s4 =	sadd.s32 s4, s6;
	[dreg:$0x0] =	wrdreg $0x0  }
0xbd: {  	s6 =	sshll.u32 s28, $0x1;
	[dreg:$0x2] =	wrdreg s4  }
0xbe: {  	[dreg:$0x3] =	wrdreg s6  }
0xbf: {  	[dreg:$0x4] =	wrdreg $0xC0  }
0xc0: {  	_ =	task [dreg:s22], $0x5FFFF  }
0xc1: {  	[dreg:$0x1] =	wrdreg $0xFFFFFFFF  }
0xc2: {  	[dreg:$0x0] =	wrdreg $0x60  }
0xc3: {  	[dreg:$0x2] =	wrdreg s17  }
0xc4: {  	[dreg:$0x3] =	wrdreg s24  }
0xc5: {  	[dreg:$0x4] =	wrdreg $0xB8000  }
0xc6: {  	[dreg:$0x5] =	wrdreg $0x9  }
0xc7: {  	_ =	task.clear_ibuf [dreg:s22], $0x6FFFF;
	_ =	strace $0x9000004C  }
0xc8: {  	s29 =	simm.s32 $0x9;
	_ =	strace $0x8000004E  }
0xc9: {  	_ =	swait.ge [sflag:s29], $0x1  }
0xca: {  	[sflag:s29] =	ssyncadd.s32 $0xFFFFFFFF  }
0xcb: {  	_ =	strace $0x9000004E  }
0xcc: {  	_ =	sfence  }
0xcd: {  	s30 =	sld [smem:$0x0];
	_ =	sdelay $0x2  }
0xce: {  	s31 =	sshll.u32 s1, $0xD;
	s1 =	sshrl.u32 s1, $0x2  }
0xcf: {  	s4 =	sand.u32 $0x4000, s31;
	s1 =	sadd.s32 s1, s30  }
0xd0: {  	s0 =	sor.u32 s4, s0;
	s1 =	sshll.u32 s1, $0x11  }
0xd1: {  	s0 =	sor.u32 s1, s0  }
0xd2: {  	s0 =	sadd.s32 $0x8F2B, s0  }
0xd3: {  	[sflag:s0] =	ssyncadd.remote.s32 $0x1  }
0xd4: {  	_ =	sfence.sel $0xFFFF  }
0xd5: {  	[dreg:$0x0] =	wrdreg $0xFFFFFFFF;
	(pc) =	sbr.abs _section_cstart, $3  }
0xd6: {  	[dreg:$0x1] =	wrdreg $0xFFFFFFFF  }
0xd7: {  	_ =	task.clear_ibuf [dreg:s22], $0x2FFFF;
	_ =	strace $0x9FFFFFFF  }
0xd8: {  	(tm) =	ssettm $0x7FFFFFFF  }
0xd9: {  	_ =	shalt  }
tec
execute0_lowered:
.L_overlay_start_1:
0x0: {  	(tag) =	ssettag $0x1  }
0x1: {  	s1 =	rddreg [dreg:$0x0]  }
0x2: {  	s0 =	rddreg [dreg:$0x1]  }
0x3: {  	s3 =	rddreg [dreg:$0x2]  }
0x4: {  	s2 =	srdreg.scid;
	s12 =	stileid.u32;
	s4 =	simm.s32 $0x0  }
0x5: {  	s28 =	simm.s32 $0x7800;
	s29 =	simm.s32 $0x1;
	s30 =	simm.s32 $0x2  }
0x6: {  	s31 =	simm.s32 $0x0;
	s2 =	sand.u32 $0x1, s2;
	s5 =	smul.u32 $0x14000, s12  }
0x7: {  	[smem:$0x7FF] =	sst s4;
	s11 =	sadd.s32 $0xD200, s0;
	s10 =	smul.u32 $0x50000, s12  }
0x8: {  	s13 =	sadd.s32 $0x3000, s0;
	s14 =	sadd.s32 $0x65600, s0;
	s18 =	smul.u32 $0xA0, s12  }
0x9: {  	s6 =	smul.u32 $0x140000, s2;
	_ =	strace $0x8000004D;
	s9 =	ssub.s32 $0x2, s2  }
0xa: {  	[dreg:$0x4] =	wrdreg s14;
	s21 =	smul.u32 $0x70, s2;
	s2 =	sshll.u32 s2, $0x5  }
0xb: {  	s16 =	sshrl.u32 s9, $0x1;
	s17 =	sshrl.u32 s10, $0x2;
	s2 =	sxor.u32 $0x38, s2  }
0xc: {  	s6 =	sadd.s32 s5, s6;
	s19 =	ssub.s32 s9, s16;
	s20 =	sadd.s32 s17, s3  }
0xd: {  	s12 =	sadd.s32 s21, s18;
	s6 =	sshrl.u32 s6, $0x3;
	s9 =	sadd.s32 $0x4000, s20  }
0xe: {  	s22 =	sadd.s32 $0x8000, s20;
	s23 =	sadd.s32 $0xC000, s20;
	s10 =	sadd.s32 $0x10000, s20  }
0xf: {  	s24 =	sshll.u32 s12, $0x4;
	s25 =	sadd.s32 s2, s12;
	[dreg:$0x5] =	wrdreg s9  }
0x10: {  	s2 =	sshrl.u32 s2, $0x1;
	s19 =	smax.u32 s19, $0x1;
	[dreg:$0x6] =	wrdreg s22  }
0x11: {  	s0 =	sadd.s32 s6, s0;
	s6 =	sadd.s32 s5, s3;
	[dreg:$0x7] =	wrdreg s23  }
0x12: {  	s12 =	sadd.s32 s11, s24;
	s17 =	sshll.u32 s25, $0x4;
	s14 =	sadd.s32 s13, s24  }
0x13: {  	s15 =	sadd.s32 $0xFFFFFFFF, s2;
	s23 =	ssub.s32 $0x1, s2;
	s24 =	simm.s32 $0x3800  }
0x14: {  	s25 =	simm.s32 $0x3;
	s16 =	sadd.s32 s11, s17;
	s26 =	sshll.u32 s15, $0x8  }
0x15: {  	s17 =	sadd.s32 s13, s17;
	s18 =	sadd.s32 $0xB5E00, s0;
	s20 =	sor.u32 $0x80, s26  }
0x16: {  	s21 =	sadd.s32 $0x1C00, s26;
	s22 =	sadd.s32 $0x1C80, s26;
	s26 =	simm.s32 $0x80  }
.LBB2_1:
0x17: {  	s0 =	rddreg [dreg:$0x4]  }
0x18: {  	[tilespmem:s24], [sflag:$0x3] =	stream.linear.gather [hbm4b:s0+s4], $0x4000, $0x38;
	[tilespmem:$0x1F800] =	vst v63  }
0x19: {  	_ =	swait.ge [sflag:s25], $0x4000  }
0x1a: {  	[sflag:s25] =	ssyncset.done $0x0  }
0x1b: {  	[sflag:s25] =	ssyncadd.s32 $0xFFFFC000  }
0x1c: {  	[spmem:s6] =	stream.linear.scatter [tilespmem:s24], [sflag:$0x3], $0x4000, $0x38;
	[tilespmem:$0x1F800] =	vst v63  }
0x1d: {  	_ =	swait.ge [sflag:s25], $0x4000  }
0x1e: {  	[sflag:s25] =	ssyncset.done $0x0  }
0x1f: {  	s9 =	rddreg [dreg:$0x5];
	[sflag:s25] =	ssyncadd.s32 $0xFFFFC000  }
0x20: {  	[spmem:s9] =	stream.linear.scatter [tilespmem:s24], [sflag:$0x3], $0x4000, $0x38;
	[tilespmem:$0x1F800] =	vst v63  }
0x21: {  	_ =	swait.ge [sflag:s25], $0x4000  }
0x22: {  	[sflag:s25] =	ssyncset.done $0x0  }
0x23: {  	s11 =	rddreg [dreg:$0x6];
	[sflag:s25] =	ssyncadd.s32 $0xFFFFC000  }
0x24: {  	[spmem:s11] =	stream.linear.scatter [tilespmem:s24], [sflag:$0x3], $0x4000, $0x38;
	[tilespmem:$0x1F800] =	vst v63  }
0x25: {  	_ =	swait.ge [sflag:s25], $0x4000  }
0x26: {  	[sflag:s25] =	ssyncset.done $0x0  }
0x27: {  	s13 =	rddreg [dreg:$0x7];
	[sflag:s25] =	ssyncadd.s32 $0xFFFFC000  }
0x28: {  	[spmem:s13] =	stream.linear.scatter [tilespmem:s24], [sflag:$0x3], $0x4000, $0x38;
	[tilespmem:$0x1F800] =	vst v63  }
0x29: {  	_ =	swait.ge [sflag:s25], $0x4000  }
0x2a: {  	[sflag:s25] =	ssyncset.done $0x0  }
0x2b: {  	[sflag:s25] =	ssyncadd.s32 $0xFFFFC000  }
0x2c: {  	[spmem:s10] =	stream.linear.scatter [tilespmem:s24], [sflag:$0x3], $0x4000, $0x38;
	[tilespmem:$0x1F800] =	vst v63  }
0x2d: {  	_ =	swait.ge [sflag:s25], $0x4000  }
0x2e: {  	[sflag:s25] =	ssyncset.done $0x0  }
0x2f: {  	[sflag:s25] =	ssyncadd.s32 $0xFFFFC000  }
0x30: {  	[tilespmem:s4], [sflag:$0x3] =	stream.linear.gather [hbm4b:s12+s4], $0x1C00, $0x38;
	[tilespmem:$0x1F800] =	vst v63  }
0x31: {  	_ =	swait.ge [sflag:s25], $0x1C00  }
0x32: {  	[sflag:s25] =	ssyncset.done $0x0  }
0x33: {  	p2 =	sne.s32 s15, $0x1;
	s0 =	simm.s32 $0x1C00;
	[sflag:s25] =	ssyncadd.s32 $0xFFFFE400  }
0x34: {  	[tilespmem:s0], [sflag:$0x3] =	stream.linear.gather [hbm4b:s14+s4], $0x1C00, $0x38;
	[tilespmem:$0x1F800] =	vst v63  }
.Ltmp0:
0x35: {  	_ =	swait.ge [sflag:s25], $0x1C00;
	(pc) =	sbr.rel @!p2 .LBB2_5-.Ltmp0, $4  }
0x36: {  	s2 =	simm.s32 $0x100;
	s5 =	simm.s32 $0x1;
	[sflag:s25] =	ssyncset.done $0x0  }
0x37: {  	p0 =	por $0x0, $0x0;
	p1 =	por $0x0, $0x0;
	[sflag:s25] =	ssyncadd.s32 $0xFFFFE400  }
0x38: {  	s11 =	simm.s32 $0x100;
	s13 =	simm.s32 $0x1C00;
	[bflag:$0x0] =	sbarrier.arrive $0xFFFF  }
0x39: {  	[tilespmem:s24], [sflag:$0x1] =	stream.indirect.gather [hbm4b:s1+s26], $0x80, s4, s26, $0xb8;
	[tilespmem:$0x1F800] =	vst v63  }
0x3a: {  	s5 =	simm.s32 $0x80  }
0x3b: {  	[tilespmem:s28], [sflag:$0x1] =	stream.indirect.gather [hbm4b:s1+s26], $0x80, s5, s26, $0xb8;
	[tilespmem:$0x1F800] =	vst v63  }
0x3c: {  	_ =	swait.ge [sflag:s29], $0x4000  }
0x3d: {  	[sflag:s29] =	ssyncset.done $0x0  }
0x3e: {  	[sflag:s29] =	ssyncadd.s32 $0xFFFFC000  }
0x3f: {  	[spmem:s3] =	stream.indirect.scatter.add.f32 [tilespmem:s24], [sflag:$0x2], $0x80, s0, s26, $0xb8;
	[tilespmem:$0x1F800] =	vst v63  }
0x40: {  	_ =	swait.ge [sflag:s30], $0x4000  }
0x41: {  	[sflag:s30] =	ssyncset.done $0x0  }
0x42: {  	[sflag:s30] =	ssyncadd.s32 $0xFFFFC000  }
0x43: {  	[tilespmem:s24], [sflag:$0x1] =	stream.indirect.gather [hbm4b:s1+s26], $0x80, s2, s26, $0xb8;
	[tilespmem:$0x1F800] =	vst v63  }
0x44: {  	p2 =	sne.s32 s15, $0x2;
	_ =	swait.ge [sflag:s29], $0x4000  }
.Ltmp1:
0x45: {  	[sflag:s29] =	ssyncset.done $0x0;
	(pc) =	sbr.rel @!p2 .LBB2_5-.Ltmp1, $4  }
0x46: {  	s13 =	simm.s32 $0x1C80;
	[sflag:s29] =	ssyncadd.s32 $0xFFFFC000  }
0x47: {  	[spmem:s3] =	stream.indirect.scatter.add.f32 [tilespmem:s28], [sflag:$0x2], $0x80, s13, s26, $0xb8;
	[tilespmem:$0x1F800] =	vst v63  }
0x48: {  	s11 =	simm.s32 $0x200;
	p1 =	por $0x1, $0x1;
	_ =	swait.ge [sflag:s30], $0x4000  }
0x49: {  	s5 =	simm.s32 $0x2;
	s13 =	simm.s32 $0x1D00;
	[sflag:s30] =	ssyncset.done $0x0  }
.LBB2_3:
0x4a: {  	s5 =	sadd.s32 $0x1, s5;
	s7 =	sadd.s32 $0xFFFFFF80, s11;
	[sflag:s30] =	ssyncadd.s32 $0xFFFFC000  }
0x4b: {  	[tilespmem:s28], [sflag:$0x1] =	stream.indirect.gather [hbm4b:s1+s26], $0x80, s7, s26, $0xb8;
	[tilespmem:$0x1F800] =	vst v63  }
0x4c: {  	p2 =	sne.s32 s15, s5;
	_ =	swait.ge [sflag:s29], $0x4000  }
0x4d: {  	[sflag:s29] =	ssyncset.done $0x0  }
0x4e: {  	[sflag:s29] =	ssyncadd.s32 $0xFFFFC000  }
0x4f: {  	[spmem:s3] =	stream.indirect.scatter.add.f32 [tilespmem:s24], [sflag:$0x2], $0x80, s13, s26, $0xb8;
	[tilespmem:$0x1F800] =	vst v63  }
0x50: {  	_ =	swait.ge [sflag:s30], $0x4000  }
0x51: {  	[sflag:s30] =	ssyncset.done $0x0  }
0x52: {  	[sflag:s30] =	ssyncadd.s32 $0xFFFFC000  }
0x53: {  	[tilespmem:s24], [sflag:$0x1] =	stream.indirect.gather [hbm4b:s1+s26], $0x80, s11, s26, $0xb8;
	[tilespmem:$0x1F800] =	vst v63  }
0x54: {  	_ =	swait.ge [sflag:s29], $0x4000  }
.Ltmp2:
0x55: {  	[sflag:s29] =	ssyncset.done $0x0;
	(pc) =	sbr.rel @p2 .LBB2_3-.Ltmp2, $4  }
0x56: {  	s7 =	sadd.s32 $0x80, s13;
	[sflag:s29] =	ssyncadd.s32 $0xFFFFC000  }
0x57: {  	[spmem:s3] =	stream.indirect.scatter.add.f32 [tilespmem:s28], [sflag:$0x2], $0x80, s7, s26, $0xb8;
	[tilespmem:$0x1F800] =	vst v63  }
0x58: {  	s8 =	sadd.s32 $0x100, s13;
	s7 =	sadd.s32 $0x100, s11;
	_ =	swait.ge [sflag:s30], $0x4000  }
0x59: {  	s13 =	smov.u32 s8;
	s11 =	smov.u32 s7;
	[sflag:s30] =	ssyncset.done $0x0  }
0x5a: {  	s11 =	smov.u32 s7;
	s13 =	smov.u32 s8  }
.LBB2_5:
0x5b: {  	s9 =	sadd.s32 $0xFFFFFF80, s11;
	[sflag:s30] =	ssyncadd.s32 @p1 $0xFFFFC000  }
0x5c: {  	[tilespmem:s28], [sflag:$0x1] =	stream.indirect.gather [hbm4b:s1+s26], $0x80, s9, s26, $0xb8;
	[tilespmem:$0x1F800] =	vst v63  }
0x5d: {  	_ =	swait.ge [sflag:s29], $0x4000  }
0x5e: {  	[sflag:s29] =	ssyncset.done $0x0  }
0x5f: {  	[sflag:s29] =	ssyncadd.s32 $0xFFFFC000  }
0x60: {  	[spmem:s3] =	stream.indirect.scatter.add.f32 [tilespmem:s24], [sflag:$0x2], $0x80, s13, s26, $0xb8;
	[tilespmem:$0x1F800] =	vst v63  }
0x61: {  	_ =	swait.ge [sflag:s30], $0x4000  }
0x62: {  	[sflag:s30] =	ssyncset.done $0x0  }
0x63: {  	[sflag:s30] =	ssyncadd.s32 $0xFFFFC000  }
0x64: {  	[tilespmem:s24], [sflag:$0x1] =	stream.indirect.gather [hbm4b:s1+s26], $0x80, s11, s26, $0xb8;
	[tilespmem:$0x1F800] =	vst v63  }
0x65: {  	_ =	swait.ge [sflag:s29], $0x4000  }
0x66: {  	[sflag:s29] =	ssyncset.done $0x0  }
0x67: {  	s9 =	sadd.s32 $0x80, s13;
	[sflag:s29] =	ssyncadd.s32 $0xFFFFC000  }
0x68: {  	[spmem:s3] =	stream.indirect.scatter.add.f32 [tilespmem:s28], [sflag:$0x2], $0x80, s9, s26, $0xb8;
	[tilespmem:$0x1F800] =	vst v63  }
0x69: {  	_ =	swait.ge [sflag:s30], $0x4000  }
0x6a: {  	[sflag:s30] =	ssyncset.done $0x0  }
0x6b: {  	s9 =	sadd.s32 $0x80, s7;
	[sflag:s30] =	ssyncadd.s32 $0xFFFFC000  }
0x6c: {  	[tilespmem:s28], [sflag:$0x1] =	stream.indirect.gather [hbm4b:s1+s26], $0x80, s9, s26, $0xb8;
	[tilespmem:$0x1F800] =	vst v63  }
0x6d: {  	_ =	swait.ge [sflag:s29], $0x4000  }
0x6e: {  	[sflag:s29] =	ssyncset.done $0x0  }
0x6f: {  	s13 =	sadd.s32 $0x100, s13;
	[sflag:s29] =	ssyncadd.s32 $0xFFFFC000  }
0x70: {  	[spmem:s3] =	stream.indirect.scatter.add.f32 [tilespmem:s24], [sflag:$0x2], $0x80, s13, s26, $0xb8;
	[tilespmem:$0x1F800] =	vst v63  }
0x71: {  	p1 =	sge.u32 s5, s15;
	_ =	swait.ge [sflag:s30], $0x4000  }
0x72: {  	s5 =	simm.s32 @!p1 $0x80;
	[sflag:s30] =	ssyncset.done $0x0  }
0x73: {  	s9 =	sadd.s32 $0x100, s11;
	s11 =	simm.s32 @!p1 $0x3800;
	[sflag:s30] =	ssyncadd.s32 $0xFFFFC000  }
0x74: {  	[tilespmem:s11], [sflag:$0x1] =	stream.indirect.gather @!p1 [hbm4b:s1+s5], $0x80, s9, s5, $0xb8;
	[tilespmem:$0x1F800] =	vst v63  }
0x75: {  	_ =	swait.ge [sflag:s29], $0x4000  }
0x76: {  	[sflag:s29] =	ssyncset.done $0x0  }
0x77: {  	s13 =	sadd.s32 $0x180, s8;
	[sflag:s29] =	ssyncadd.s32 $0xFFFFC000  }
0x78: {  	[spmem:s3] =	stream.indirect.scatter.add.f32 [tilespmem:s28], [sflag:$0x2], $0x80, s13, s26, $0xb8;
	[tilespmem:$0x1F800] =	vst v63  }
0x79: {  	_ =	swait.ge [sflag:s30], $0x4000  }
0x7a: {  	[sflag:s30] =	ssyncset.done $0x0  }
0x7b: {  	[sflag:s30] =	ssyncadd.s32 $0xFFFFC000  }
0x7c: {  	[tilespmem:s4], [sflag:$0x3] =	stream.linear.gather [hbm4b:s16+s4], $0x1C00, $0x38;
	[tilespmem:$0x1F800] =	vst v63  }
0x7d: {  	_ =	swait.ge [sflag:s25], $0x1C00  }
0x7e: {  	s5 =	sadd.s32 $0x1, s23;
	[sflag:s25] =	ssyncset.done $0x0  }
0x7f: {  	p1 =	seq.s32 s5, $0x0;
	[sflag:s25] =	ssyncadd.s32 $0xFFFFE400  }
0x80: {  	[tilespmem:s0], [sflag:$0x3] =	stream.linear.gather [hbm4b:s17+s4], $0x1C00, $0x38;
	[tilespmem:$0x1F800] =	vst v63  }
.Ltmp3:
0x81: {  	_ = 	snop;
	(pc) =	sbr.rel @p1 .LBB2_8-.Ltmp3, $4  }
0x82: {  	_ =	swait.ge [sflag:s25], $0x1C00  }
0x83: {  	[sflag:s25] =	ssyncset.done $0x0  }
0x84: {  	[sflag:s25] =	ssyncadd.s32 $0xFFFFE400  }
0x85: {  	[tilespmem:s24], [sflag:$0x1] =	stream.indirect.gather [hbm4b:s1+s26], $0x80, s4, s26, $0xb8;
	[tilespmem:$0x1F800] =	vst v63  }
0x86: {  	s9 =	simm.s32 $0x80  }
0x87: {  	[tilespmem:s28], [sflag:$0x1] =	stream.indirect.gather [hbm4b:s1+s26], $0x80, s9, s26, $0xb8;
	[tilespmem:$0x1F800] =	vst v63  }
0x88: {  	_ =	swait.ge [sflag:s29], $0x4000  }
0x89: {  	[sflag:s29] =	ssyncset.done $0x0  }
0x8a: {  	[sflag:s29] =	ssyncadd.s32 $0xFFFFC000  }
0x8b: {  	[spmem:s3] =	stream.indirect.scatter.add.f32 [tilespmem:s24], [sflag:$0x2], $0x80, s0, s26, $0xb8;
	[tilespmem:$0x1F800] =	vst v63  }
0x8c: {  	_ =	swait.ge [sflag:s30], $0x4000  }
0x8d: {  	[sflag:s30] =	ssyncset.done $0x0  }
0x8e: {  	s5 =	sadd.s32 $0x1, s5;
	[sflag:s30] =	ssyncadd.s32 $0xFFFFC000  }
0x8f: {  	[tilespmem:s24], [sflag:$0x1] =	stream.indirect.gather [hbm4b:s1+s26], $0x80, s2, s26, $0xb8;
	[tilespmem:$0x1F800] =	vst v63  }
0x90: {  	p1 =	seq.s32 s5, $0x0;
	_ =	swait.ge [sflag:s29], $0x4000  }
.Ltmp4:
0x91: {  	[sflag:s29] =	ssyncset.done $0x0;
	(pc) =	sbr.rel @p1 .LBB2_8-.Ltmp4, $4  }
0x92: {  	s13 =	simm.s32 $0x1C80;
	[sflag:s29] =	ssyncadd.s32 $0xFFFFC000  }
0x93: {  	[spmem:s3] =	stream.indirect.scatter.add.f32 [tilespmem:s28], [sflag:$0x2], $0x80, s13, s26, $0xb8;
	[tilespmem:$0x1F800] =	vst v63  }
0x94: {  	p0 =	por $0x1, $0x1;
	_ =	swait.ge [sflag:s30], $0x4000  }
0x95: {  	s0 =	simm.s32 $0x1D00;
	s2 =	simm.s32 $0x200;
	[sflag:s30] =	ssyncset.done $0x0  }
.LBB2_7:
0x96: {  	s5 =	sadd.s32 $0x1, s5;
	s9 =	sadd.s32 $0xFFFFFF80, s2;
	[sflag:s30] =	ssyncadd.s32 $0xFFFFC000  }
0x97: {  	[tilespmem:s28], [sflag:$0x1] =	stream.indirect.gather [hbm4b:s1+s26], $0x80, s9, s26, $0xb8;
	[tilespmem:$0x1F800] =	vst v63  }
0x98: {  	p1 =	seq.s32 s5, $0x0;
	_ =	swait.ge [sflag:s29], $0x4000  }
0x99: {  	[sflag:s29] =	ssyncset.done $0x0  }
0x9a: {  	[sflag:s29] =	ssyncadd.s32 $0xFFFFC000  }
0x9b: {  	[spmem:s3] =	stream.indirect.scatter.add.f32 [tilespmem:s24], [sflag:$0x2], $0x80, s0, s26, $0xb8;
	[tilespmem:$0x1F800] =	vst v63  }
0x9c: {  	_ =	swait.ge [sflag:s30], $0x4000  }
0x9d: {  	[sflag:s30] =	ssyncset.done $0x0  }
0x9e: {  	[sflag:s30] =	ssyncadd.s32 $0xFFFFC000  }
0x9f: {  	[tilespmem:s24], [sflag:$0x1] =	stream.indirect.gather [hbm4b:s1+s26], $0x80, s2, s26, $0xb8;
	[tilespmem:$0x1F800] =	vst v63  }
0xa0: {  	_ =	swait.ge [sflag:s29], $0x4000  }
.Ltmp5:
0xa1: {  	[sflag:s29] =	ssyncset.done $0x0;
	(pc) =	sbr.rel @!p1 .LBB2_7-.Ltmp5, $4  }
0xa2: {  	s9 =	sadd.s32 $0x80, s0;
	[sflag:s29] =	ssyncadd.s32 $0xFFFFC000  }
0xa3: {  	[spmem:s3] =	stream.indirect.scatter.add.f32 [tilespmem:s28], [sflag:$0x2], $0x80, s9, s26, $0xb8;
	[tilespmem:$0x1F800] =	vst v63  }
0xa4: {  	_ =	swait.ge [sflag:s30], $0x4000  }
0xa5: {  	s0 =	sadd.s32 $0x100, s0;
	s2 =	sadd.s32 $0x100, s2;
	[sflag:s30] =	ssyncset.done $0x0  }
.LBB2_8:
0xa6: {  	s5 =	sadd.s32 $0xFFFFFF80, s2;
	[sflag:s30] =	ssyncadd.s32 @p0 $0xFFFFC000  }
0xa7: {  	[tilespmem:s28], [sflag:$0x1] =	stream.indirect.gather [hbm4b:s1+s26], $0x80, s5, s26, $0xb8;
	[tilespmem:$0x1F800] =	vst v63  }
0xa8: {  	_ =	swait.ge [sflag:s29], $0x4000  }
0xa9: {  	[sflag:s29] =	ssyncset.done $0x0  }
0xaa: {  	[sflag:s29] =	ssyncadd.s32 $0xFFFFC000  }
0xab: {  	[spmem:s3] =	stream.indirect.scatter.add.f32 [tilespmem:s24], [sflag:$0x2], $0x80, s0, s26, $0xb8;
	[tilespmem:$0x1F800] =	vst v63  }
0xac: {  	_ =	swait.ge [sflag:s30], $0x4000  }
0xad: {  	[sflag:s30] =	ssyncset.done $0x0  }
0xae: {  	[sflag:s30] =	ssyncadd.s32 $0xFFFFC000  }
0xaf: {  	[tilespmem:s24], [sflag:$0x1] =	stream.indirect.gather [hbm4b:s1+s26], $0x80, s2, s26, $0xb8;
	[tilespmem:$0x1F800] =	vst v63  }
0xb0: {  	_ =	swait.ge [sflag:s29], $0x4000  }
0xb1: {  	[sflag:s29] =	ssyncset.done $0x0  }
0xb2: {  	s9 =	sadd.s32 $0x80, s0;
	[sflag:s29] =	ssyncadd.s32 $0xFFFFC000  }
0xb3: {  	[spmem:s3] =	stream.indirect.scatter.add.f32 [tilespmem:s28], [sflag:$0x2], $0x80, s9, s26, $0xb8;
	[tilespmem:$0x1F800] =	vst v63  }
0xb4: {  	_ =	swait.ge [sflag:s30], $0x4000  }
0xb5: {  	[sflag:s30] =	ssyncset.done $0x0  }
0xb6: {  	[sflag:s30] =	ssyncadd.s32 $0xFFFFC000  }
0xb7: {  	[tilespmem:s28], [sflag:$0x1] =	stream.indirect.gather [hbm4b:s1+s26], $0x80, s20, s26, $0xb8;
	[tilespmem:$0x1F800] =	vst v63  }
0xb8: {  	_ =	swait.ge [sflag:s29], $0x4000  }
0xb9: {  	[sflag:s29] =	ssyncset.done $0x0  }
0xba: {  	[sflag:s29] =	ssyncadd.s32 $0xFFFFC000  }
0xbb: {  	[spmem:s3] =	stream.indirect.scatter.add.f32 [tilespmem:s24], [sflag:$0x2], $0x80, s21, s26, $0xb8;
	[tilespmem:$0x1F800] =	vst v63  }
0xbc: {  	_ =	swait.ge [sflag:s30], $0x4000  }
0xbd: {  	[sflag:s30] =	ssyncset.done $0x0  }
0xbe: {  	[sflag:s30] =	ssyncadd.s32 $0xFFFFC000  }
0xbf: {  	_ =	swait.ge [sflag:s29], $0x4000  }
0xc0: {  	[sflag:s29] =	ssyncset.done $0x0  }
0xc1: {  	[sflag:s29] =	ssyncadd.s32 $0xFFFFC000  }
0xc2: {  	[spmem:s3] =	stream.indirect.scatter.add.f32 [tilespmem:s28], [sflag:$0x2], $0x80, s22, s26, $0xb8;
	[tilespmem:$0x1F800] =	vst v63  }
0xc3: {  	s11 =	stileid.u32;
	_ =	swait.ge [sflag:s30], $0x4000  }
0xc4: {  	s13 =	sshrl.u32 s6, $0x3;
	s31 =	sadd.s32 $0x1, s31;
	[sflag:s30] =	ssyncset.done $0x0  }
0xc5: {  	p0 =	sne.s32 s31, s19;
	s0 =	sshll.u32 s11, $0x6;
	[sflag:s30] =	ssyncadd.s32 $0xFFFFC000  }
.Ltmp6:
0xc6: {  	s0 =	sor.u32 $0x1C03, s0;
	[bflag:$0x0] =	sbarrier.arrive $0xFFFF;
	(pc) =	sbr.rel @p0 .LBB2_1-.Ltmp6, $4  }
0xc7: {  	[hbm:s18], [sflag:s0] =	dma.local [spmem:s13], $0x2800  }
0xc8: {  	_ =	swait.ge [sflag:s25], $0x2800  }
0xc9: {  	[sflag:s25] =	ssyncset.done $0x0  }
0xca: {  	[sflag:s25] =	ssyncadd.s32 $0xFFFFD800  }
0xcb: {  	_ =	sfence.sel $0x180000  }
0xcc: {  	[bflag:$0x0] =	sbarrier.arrive $0xFFFF  }
0xcd: {  	_ =	strace $0x9000004D  }
0xce: {  	s0 =	stileid.u32;
	[bflag:$0x2] =	sbarrier.arrive $0xFFFF  }
0xcf: {  	p0 =	sne.s32 s0, $0x0;
	s0 =	rddreg [dreg:$0x3]  }
0xd0: {  	s0 =	sadd.s32 @!p0 $0x100000, s0  }
0xd1: {  	[sflag:s0] =	ssyncadd.tile.s32 @!p0 $0x1;
	_ =	shalt  }
.Lfunc_end2:
_tile_overlayer_lowered:
.L_overlay_start_2:
0xd2: {  	(tag) =	ssettag $0x2  }
0xd3: {  	s0 =	rddreg [dreg:$0x0];
	s2 =	stileid.u32  }
0xd4: {  	s1 =	rddreg [dreg:$0x1];
	p0 =	sne.s32 s2, $0x0  }
0xd5: {  	s3 =	rddreg [dreg:$0x2];
	[bflag:$0x3] =	sbarrier.arrive $0xFFFF;
	s2 =	simm.s32 @!p0 $0x1C03  }
0xd6: {  	[timem:s3], [sflag:s2] =	dma.local @!p0 [hbm:s0], s1  }
0xd7: {  	s0 =	simm.s32 @!p0 $0x3  }
0xd8: {  	_ =	swait.ge @!p0 [sflag:s0], s1  }
0xd9: {  	s1 =	ssub.s32 @!p0 $0x0, s1;
	[sflag:s0] =	ssyncset.done @!p0 $0x0  }
0xda: {  	[sflag:s0] =	ssyncadd.s32 @!p0 s1  }
0xdb: {  	[bflag:$0x3] =	sbarrier.arrive $0xFFFF  }
0xdc: {  	_ =	shalt  }

// kernel: kernel.15.cloned.1.call-start
scs
__scs_entry_jumppad:
0x0: {  	(pc) =	sbr.rel $0x88, $3  }
0x1: {  	(tag) =	ssettag $0x0;
	lr =	simm.s32 $0x1  }
0x2: {  	[smem:$0x3F97] =	sst lr;
	_ =	strace $0xD0000000  }
0x3: {  	_ = 	snop  }
0x4: {  	_ = 	snop  }
0x5: {  	_ = 	snop  }
0x6: {  	_ = 	snop  }
0x7: {  	_ = 	snop  }
__scs_overlays_trampoline_lowered:
0x8: {  	[smem:$0x3FA6] =	sst s0  }
0x9: {  	[smem:$0x3FA7] =	sst s1  }
0xa: {  	[smem:$0x3FA8] =	sst s2  }
0xb: {  	[smem:$0x3FA9] =	sst s3  }
0xc: {  	[smem:$0x3FAA] =	sst s4  }
0xd: {  	[smem:$0x3FAB] =	sst s5  }
0xe: {  	[smem:$0x3FAC] =	sst s6  }
0xf: {  	[smem:$0x3FAD] =	sst s7  }
0x10: {  	[smem:$0x3FAE] =	sst s8  }
0x11: {  	[smem:$0x3FAF] =	sst s9;
	s0 =	simm.s32 @!p0 $0x0  }
0x12: {  	s1 =	sld [smem:$0x3F95];
	s0 =	simm.s32 @p0 $0x1  }
0x13: {  	[smem:$0x3FB0] =	sst s0;
	s0 =	simm.s32 @!p1 $0x0  }
0x14: {  	s2 =	sld [smem:$0x3F94];
	s0 =	simm.s32 @p1 $0x1  }
0x15: {  	[smem:$0x3FB1] =	sst s0;
	s0 =	simm.s32 @!p2 $0x0  }
0x16: {  	s3 =	sld [smem:$0x3FDB];
	s0 =	simm.s32 @p2 $0x1  }
0x17: {  	s4 =	simm.s32 $0x1BF5;
	[smem:$0x3FB3] =	sst s0  }
0x18: {  	s0 =	sld [smem:$0x3F96];
	_ =	swait.ge [sflag:s4], $0x0  }
0x19: {  	s7 =	sld [smem:$0x3F97]  }
0x1a: {  	s8 =	sadd.s32 $0xFFFFE003, lr  }
0x1b: {  	s9 =	sadd.s32 $0xFFFFFEF7, lr;
	s5 =	simm.s32 $0xFFFFFFFF;
	p2 =	slt.u32 s8, $0xFFFFF086  }
0x1c: {  	p1 =	slt.u32 s9, $0xF7A;
	s5 =	simm.s32 @!p2 $0x0  }
0x1d: {  	s5 =	simm.s32 @p1 $0x1;
	p0 =	seq.s32 s7, s2  }
0x1e: {  	s7 =	smul.u32 @!p0 $0xF7A, s2;
	p2 =	seq.s32 @!p0 s5, $0x0  }
0x1f: {  	s9 =	smul.u32 $0xF7A, s1;
	s8 =	simm.s32 @!p0 $0x1BF5;
	p2 =	por !p2, p0  }
0x20: {  	[sflag:s8] =	ssyncset.s32 @!p0 $0xFFFFF086;
	s6 =	sadd.s32 @!p0 s3, s7;
	s7 =	simm.s32 @!p0 $0x108  }
0x21: {  	s3 =	sadd.s32 s3, s9;
	s6 =	sadd.s32 @!p0 $0x88, s6;
	s7 =	simm.s32 @p2 $0x1082  }
0x22: {  	[simem:s7], [sflag:s8] =	dma.local @!p0 [hbm:s6], $0xF7A  }
0x23: {  	s9 =	sor.u32 $0xD0000000, s2;
	s6 =	simm.s32 $0x108;
	_ =	swait.ge @!p0 [sflag:s8], $0x0  }
0x24: {  	s3 =	sadd.s32 $0x88, s3;
	s6 =	simm.s32 @!p1 $0x1082;
	[sflag:s4] =	ssyncset.s32 $0xFFFFF086  }
0x25: {  	[simem:s6], [sflag:s4] =	dma.local [hbm:s3], $0xF7A  }
0x26: {  	[smem:$0x3F97] =	sst s1;
	(tag) =	ssettag s2;
	_ =	strace s9  }
0x27: {  	s1 =	sld [smem:$0x3FA7]  }
0x28: {  	s2 =	sld [smem:$0x3FA8]  }
0x29: {  	s4 =	sld [smem:$0x3FAA]  }
0x2a: {  	p0 =	seq.s32 s5, $0x0;
	s5 =	sld [smem:$0x3FAB]  }
0x2b: {  	s6 =	sld [smem:$0x3FAC]  }
0x2c: {  	s7 =	sld [smem:$0x3FAD]  }
0x2d: {  	s3 =	simm.s32 $0x108;
	s8 =	sld [smem:$0x3FAE]  }
0x2e: {  	s3 =	simm.s32 @!p0 $0x1082;
	s9 =	sld [smem:$0x3FAF]  }
0x2f: {  	lr =	sadd.s32 s0, s3;
	s0 =	sld [smem:$0x3FA6]  }
0x30: {  	s3 =	sld [smem:$0x3FA9]  }
0x31: {  	[smem:$0x3FB2] =	sst s10  }
0x32: {  	s10 =	sld [smem:$0x3FB0];
	_ =	sdelay $0x3  }
0x33: {  	p0 =	seq.s32 s10, $0x1;
	s10 =	sld [smem:$0x3FB2];
	_ =	sdelay $0x3  }
0x34: {  	[smem:$0x3FB2] =	sst s10  }
0x35: {  	s10 =	sld [smem:$0x3FB1];
	_ =	sdelay $0x3  }
0x36: {  	p1 =	seq.s32 s10, $0x1;
	s10 =	sld [smem:$0x3FB2];
	_ =	sdelay $0x3  }
0x37: {  	[smem:$0x3FB2] =	sst s10  }
0x38: {  	s10 =	sld [smem:$0x3FB3]  }
0x39: {  	_ = 	snop;
	(pc) =	sbr.ind lr, $3  }
0x3a: {  	_ = 	snop  }
0x3b: {  	_ = 	snop  }
0x3c: {  	p2 =	seq.s32 s10, $0x1;
	s10 =	sld [smem:$0x3FB2]  }
0x3d: {  	_ =	shalt  }
0x3e: {  	_ =	shalt  }
0x3f: {  	_ =	shalt  }
0x40: {  	_ =	shalt  }
0x41: {  	_ =	shalt  }
0x42: {  	_ =	shalt  }
0x43: {  	_ =	shalt  }
0x44: {  	_ =	shalt  }
0x45: {  	_ =	shalt  }
0x46: {  	_ =	shalt  }
0x47: {  	_ =	shalt  }
0x48: {  	_ =	shalt  }
0x49: {  	_ =	shalt  }
0x4a: {  	_ =	shalt  }
0x4b: {  	_ =	shalt  }
0x4c: {  	_ =	shalt  }
0x4d: {  	_ =	shalt  }
0x4e: {  	_ =	shalt  }
0x4f: {  	_ =	shalt  }
0x50: {  	_ =	shalt  }
0x51: {  	_ =	shalt  }
0x52: {  	_ =	shalt  }
0x53: {  	_ =	shalt  }
0x54: {  	_ =	shalt  }
0x55: {  	_ =	shalt  }
0x56: {  	_ =	shalt  }
0x57: {  	_ =	shalt  }
0x58: {  	_ =	shalt  }
0x59: {  	_ =	shalt  }
0x5a: {  	_ =	shalt  }
0x5b: {  	_ =	shalt  }
0x5c: {  	_ =	shalt  }
0x5d: {  	_ =	shalt  }
0x5e: {  	_ =	shalt  }
0x5f: {  	_ =	shalt  }
0x60: {  	_ =	shalt  }
0x61: {  	_ =	shalt  }
0x62: {  	_ =	shalt  }
0x63: {  	_ =	shalt  }
0x64: {  	_ =	shalt  }
0x65: {  	_ =	shalt  }
0x66: {  	_ =	shalt  }
0x67: {  	_ =	shalt  }
0x68: {  	_ =	shalt  }
0x69: {  	_ =	shalt  }
0x6a: {  	_ =	shalt  }
0x6b: {  	_ =	shalt  }
0x6c: {  	_ =	shalt  }
0x6d: {  	_ =	shalt  }
0x6e: {  	_ =	shalt  }
0x6f: {  	_ =	shalt  }
0x70: {  	_ =	shalt  }
0x71: {  	_ =	shalt  }
0x72: {  	_ =	shalt  }
0x73: {  	_ =	shalt  }
0x74: {  	_ =	shalt  }
0x75: {  	_ =	shalt  }
0x76: {  	_ =	shalt  }
0x77: {  	_ =	shalt  }
0x78: {  	_ =	shalt  }
0x79: {  	_ =	shalt  }
0x7a: {  	_ =	shalt  }
0x7b: {  	_ =	shalt  }
0x7c: {  	_ =	shalt  }
0x7d: {  	_ =	shalt  }
0x7e: {  	_ =	shalt  }
0x7f: {  	_ =	shalt  }
0x80: {  	_ =	shalt  }
0x81: {  	_ =	shalt  }
0x82: {  	_ =	shalt  }
0x83: {  	_ =	shalt  }
0x84: {  	_ =	shalt  }
0x85: {  	_ =	shalt  }
0x86: {  	_ =	shalt  }
0x87: {  	_ =	shalt  }
.Lfunc_end0:
.L_simem_size_0:
called_computation.2_lowered:
.L_overlay_start_0:
0x88: {  	s2 =	sld [smem:$0x3FD9]  }
0x89: {  	s3 =	sld [smem:$0x3FFE];
	_ =	sdelay $0x1  }
0x8a: {  	s1 =	srdreg.scid  }
0x8b: {  	s0 =	sand.u32 $0x1, s1  }
0x8c: {  	s14 =	sshll.u32 s0, $0xA;
	s2 =	sadd.s32 s3, s2  }
0x8d: {  	s2 =	sadd.s32 s2, s14  }
0x8e: {  	[smem:$0x3FBE] =	sst s2  }
0x8f: {  	_ = 	snop  }
0x90: {  	s2 =	sld [smem:$0x3FD0];
	_ =	sdelay $0x2  }
0x91: {  	s15 =	simm.s32 $0xB;
	s4 =	simm.s32 $0x10  }
0x92: {  	[smem:s4], [sflag:s15] =	dma.local [hbm:s2], $0x1  }
0x93: {  	_ =	swait.eq [sflag:s15], $0x1  }
0x94: {  	[sflag:s15] =	ssyncset.done $0x0  }
0x95: {  	[sflag:s15] =	ssyncadd.s32 $0xFFFFFFFF  }
0x96: {  	s16 =	sld [smem:$0x12];
	(tm) =	ssettm $0x1  }
0x97: {  	s17 =	sld [smem:$0x3FFB];
	_ =	sdelay $0x3  }
0x98: {  	_ =	strace s17  }
0x99: {  	s3 =	sld [smem:$0x3FFC];
	_ =	sdelay $0x3  }
0x9a: {  	_ =	strace s3  }
0x9b: {  	s3 =	sld [smem:$0x3FFD];
	_ =	sdelay $0x3  }
0x9c: {  	_ =	strace s3  }
0x9d: {  	_ =	strace $0x8FFFFFFF  }
0x9e: {  	s18 =	sld [smem:$0x3FDB];
	_ =	sdelay $0x1  }
0x9f: {  	s19 =	simm.s32 $_scs_section_size  }
0xa0: {  	s5 =	simm.s32 $_size__tile_overlayer_lowered;
	s6 =	simm.s32 $_tile_overlayer_lowered  }
0xa1: {  	s22 =	simm.s32 $0x1BFF;
	s21 =	sshll.u32 s6, $0x1;
	s3 =	sadd.s32 s19, s18  }
0xa2: {  	s7 =	simm.s32 $0x0;
	s20 =	sshll.u32 s5, $0x1;
	s5 =	sadd.s32 s21, s3  }
0xa3: {  	[timem:s7], [sflag:s22] =	dma.local [hbm:s5], s20  }
0xa4: {  	_ =	swait.ge [sflag:s22], s20  }
0xa5: {  	s4 =	ssub.s32 $0x0, s20;
	[sflag:s22] =	ssyncset.done $0x0  }
0xa6: {  	[sflag:s22] =	ssyncadd.s32 s4;
	_ =	sdelay $0x1  }
0xa7: {  	s23 =	simm.s32 $0x1B8B  }
0xa8: {  	_ =	swait.ge [sflag:s23], $0x1  }
0xa9: {  	[sflag:s23] =	ssyncset.done $0x0  }
0xaa: {  	s25 =	simm.s32 $0x1B8E;
	s24 =	sld [smem:$0x3FFE];
	[sflag:s23] =	ssyncadd.s32 $0xFFFFFFFF  }
0xab: {  	s26 =	simm.s32 $execute0_lowered;
	[smem:$0x3FD2] =	sst s25  }
0xac: {  	s5 =	sshll.u32 s26, $0x1;
	_ =	strace $0x80000049;
	[dreg:$0x1] =	wrdreg $0xFFFFFFFF  }
0xad: {  	s28 =	simm.s32 $_size_execute0_lowered;
	s3 =	sadd.s32 s3, s5;
	[dreg:$0x0] =	wrdreg $0x0  }
0xae: {  	s5 =	sshll.u32 s28, $0x1;
	[dreg:$0x2] =	wrdreg s3  }
0xaf: {  	[dreg:$0x3] =	wrdreg s5  }
0xb0: {  	[dreg:$0x4] =	wrdreg $0xC0  }
0xb1: {  	_ =	task [dreg:s7], $0x5FFFF  }
0xb2: {  	[dreg:$0x1] =	wrdreg $0xFFFFFFFF  }
0xb3: {  	[dreg:$0x0] =	wrdreg $0x60  }
0xb4: {  	[dreg:$0x2] =	wrdreg s16  }
0xb5: {  	[dreg:$0x3] =	wrdreg s24  }
0xb6: {  	[dreg:$0x4] =	wrdreg $0xB8000  }
0xb7: {  	[dreg:$0x5] =	wrdreg $0xA  }
0xb8: {  	_ =	task.clear_ibuf [dreg:s7], $0x6FFFF;
	_ =	strace $0x90000049  }
0xb9: {  	s29 =	simm.s32 $0xA;
	_ =	strace $0x8000004B  }
0xba: {  	_ =	swait.ge [sflag:s29], $0x1  }
0xbb: {  	[sflag:s29] =	ssyncadd.s32 $0xFFFFFFFF  }
0xbc: {  	_ =	strace $0x9000004B  }
0xbd: {  	_ =	sfence  }
0xbe: {  	s30 =	sld [smem:$0x0];
	_ =	sdelay $0x2  }
0xbf: {  	s31 =	sshll.u32 s1, $0xD;
	s1 =	sshrl.u32 s1, $0x2  }
0xc0: {  	s3 =	sand.u32 $0x4000, s31;
	s1 =	sadd.s32 s1, s30  }
0xc1: {  	s0 =	sor.u32 s3, s0;
	s1 =	sshll.u32 s1, $0x11  }
0xc2: {  	s0 =	sor.u32 s1, s0  }
0xc3: {  	s0 =	sadd.s32 $0x8F2B, s0  }
0xc4: {  	[sflag:s0] =	ssyncadd.remote.s32 $0x1  }
0xc5: {  	_ =	sfence.sel $0xFFFF  }
0xc6: {  	[dreg:$0x0] =	wrdreg $0xFFFFFFFF;
	(pc) =	sbr.abs _section_cstart, $3  }
0xc7: {  	[dreg:$0x1] =	wrdreg $0xFFFFFFFF  }
0xc8: {  	_ =	task.clear_ibuf [dreg:s7], $0x2FFFF;
	_ =	strace $0x9FFFFFFF  }
0xc9: {  	(tm) =	ssettm $0x7FFFFFFF  }
tec
execute0_lowered:
.L_overlay_start_1:
0x0: {  	(tag) =	ssettag $0x1  }
0x1: {  	s1 =	rddreg [dreg:$0x0]  }
0x2: {  	s0 =	rddreg [dreg:$0x1]  }
0x3: {  	s3 =	rddreg [dreg:$0x2]  }
0x4: {  	s2 =	srdreg.scid;
	s12 =	stileid.u32;
	s4 =	simm.s32 $0x0  }
0x5: {  	s28 =	simm.s32 $0x7800;
	s29 =	simm.s32 $0x1;
	s30 =	simm.s32 $0x2  }
0x6: {  	s31 =	simm.s32 $0x0;
	s2 =	sand.u32 $0x1, s2;
	s5 =	smul.u32 $0x14000, s12  }
0x7: {  	[smem:$0x7FF] =	sst s4;
	s11 =	sadd.s32 $0xD200, s0;
	s10 =	smul.u32 $0x50000, s12  }
0x8: {  	s13 =	sadd.s32 $0x3000, s0;
	s14 =	sadd.s32 $0x65600, s0;
	s18 =	smul.u32 $0xA0, s12  }
0x9: {  	s6 =	smul.u32 $0x140000, s2;
	_ =	strace $0x8000004A;
	s9 =	ssub.s32 $0x2, s2  }
0xa: {  	[dreg:$0x4] =	wrdreg s14;
	s21 =	smul.u32 $0x70, s2;
	s2 =	sshll.u32 s2, $0x5  }
0xb: {  	s16 =	sshrl.u32 s9, $0x1;
	s17 =	sshrl.u32 s10, $0x2;
	s2 =	sxor.u32 $0x38, s2  }
0xc: {  	s6 =	sadd.s32 s5, s6;
	s19 =	ssub.s32 s9, s16;
	s20 =	sadd.s32 s17, s3  }
0xd: {  	s12 =	sadd.s32 s21, s18;
	s6 =	sshrl.u32 s6, $0x3;
	s9 =	sadd.s32 $0x4000, s20  }
0xe: {  	s22 =	sadd.s32 $0x8000, s20;
	s23 =	sadd.s32 $0xC000, s20;
	s10 =	sadd.s32 $0x10000, s20  }
0xf: {  	s24 =	sshll.u32 s12, $0x4;
	s25 =	sadd.s32 s2, s12;
	[dreg:$0x5] =	wrdreg s9  }
0x10: {  	s2 =	sshrl.u32 s2, $0x1;
	s19 =	smax.u32 s19, $0x1;
	[dreg:$0x6] =	wrdreg s22  }
0x11: {  	s0 =	sadd.s32 s6, s0;
	s6 =	sadd.s32 s5, s3;
	[dreg:$0x7] =	wrdreg s23  }
0x12: {  	s12 =	sadd.s32 s11, s24;
	s17 =	sshll.u32 s25, $0x4;
	s14 =	sadd.s32 s13, s24  }
0x13: {  	s15 =	sadd.s32 $0xFFFFFFFF, s2;
	s23 =	ssub.s32 $0x1, s2;
	s24 =	simm.s32 $0x3800  }
0x14: {  	s25 =	simm.s32 $0x3;
	s16 =	sadd.s32 s11, s17;
	s26 =	sshll.u32 s15, $0x8  }
0x15: {  	s17 =	sadd.s32 s13, s17;
	s18 =	sadd.s32 $0x65E00, s0;
	s20 =	sor.u32 $0x80, s26  }
0x16: {  	s21 =	sadd.s32 $0x1C00, s26;
	s22 =	sadd.s32 $0x1C80, s26;
	s26 =	simm.s32 $0x80  }
.LBB2_1:
0x17: {  	s0 =	rddreg [dreg:$0x4]  }
0x18: {  	[tilespmem:s24], [sflag:$0x3] =	stream.linear.gather [hbm4b:s0+s4], $0x4000, $0x38;
	[tilespmem:$0x1F800] =	vst v63  }
0x19: {  	_ =	swait.ge [sflag:s25], $0x4000  }
0x1a: {  	[sflag:s25] =	ssyncset.done $0x0  }
0x1b: {  	[sflag:s25] =	ssyncadd.s32 $0xFFFFC000  }
0x1c: {  	[spmem:s6] =	stream.linear.scatter [tilespmem:s24], [sflag:$0x3], $0x4000, $0x38;
	[tilespmem:$0x1F800] =	vst v63  }
0x1d: {  	_ =	swait.ge [sflag:s25], $0x4000  }
0x1e: {  	[sflag:s25] =	ssyncset.done $0x0  }
0x1f: {  	s9 =	rddreg [dreg:$0x5];
	[sflag:s25] =	ssyncadd.s32 $0xFFFFC000  }
0x20: {  	[spmem:s9] =	stream.linear.scatter [tilespmem:s24], [sflag:$0x3], $0x4000, $0x38;
	[tilespmem:$0x1F800] =	vst v63  }
0x21: {  	_ =	swait.ge [sflag:s25], $0x4000  }
0x22: {  	[sflag:s25] =	ssyncset.done $0x0  }
0x23: {  	s11 =	rddreg [dreg:$0x6];
	[sflag:s25] =	ssyncadd.s32 $0xFFFFC000  }
0x24: {  	[spmem:s11] =	stream.linear.scatter [tilespmem:s24], [sflag:$0x3], $0x4000, $0x38;
	[tilespmem:$0x1F800] =	vst v63  }
0x25: {  	_ =	swait.ge [sflag:s25], $0x4000  }
0x26: {  	[sflag:s25] =	ssyncset.done $0x0  }
0x27: {  	s13 =	rddreg [dreg:$0x7];
	[sflag:s25] =	ssyncadd.s32 $0xFFFFC000  }
0x28: {  	[spmem:s13] =	stream.linear.scatter [tilespmem:s24], [sflag:$0x3], $0x4000, $0x38;
	[tilespmem:$0x1F800] =	vst v63  }
0x29: {  	_ =	swait.ge [sflag:s25], $0x4000  }
0x2a: {  	[sflag:s25] =	ssyncset.done $0x0  }
0x2b: {  	[sflag:s25] =	ssyncadd.s32 $0xFFFFC000  }
0x2c: {  	[spmem:s10] =	stream.linear.scatter [tilespmem:s24], [sflag:$0x3], $0x4000, $0x38;
	[tilespmem:$0x1F800] =	vst v63  }
0x2d: {  	_ =	swait.ge [sflag:s25], $0x4000  }
0x2e: {  	[sflag:s25] =	ssyncset.done $0x0  }
0x2f: {  	[sflag:s25] =	ssyncadd.s32 $0xFFFFC000  }
0x30: {  	[tilespmem:s4], [sflag:$0x3] =	stream.linear.gather [hbm4b:s12+s4], $0x1C00, $0x38;
	[tilespmem:$0x1F800] =	vst v63  }
0x31: {  	_ =	swait.ge [sflag:s25], $0x1C00  }
0x32: {  	[sflag:s25] =	ssyncset.done $0x0  }
0x33: {  	p2 =	sne.s32 s15, $0x1;
	s0 =	simm.s32 $0x1C00;
	[sflag:s25] =	ssyncadd.s32 $0xFFFFE400  }
0x34: {  	[tilespmem:s0], [sflag:$0x3] =	stream.linear.gather [hbm4b:s14+s4], $0x1C00, $0x38;
	[tilespmem:$0x1F800] =	vst v63  }
.Ltmp0:
0x35: {  	_ =	swait.ge [sflag:s25], $0x1C00;
	(pc) =	sbr.rel @!p2 .LBB2_5-.Ltmp0, $4  }
0x36: {  	s2 =	simm.s32 $0x100;
	s5 =	simm.s32 $0x1;
	[sflag:s25] =	ssyncset.done $0x0  }
0x37: {  	p0 =	por $0x0, $0x0;
	p1 =	por $0x0, $0x0;
	[sflag:s25] =	ssyncadd.s32 $0xFFFFE400  }
0x38: {  	s11 =	simm.s32 $0x100;
	s13 =	simm.s32 $0x1C00;
	[bflag:$0x0] =	sbarrier.arrive $0xFFFF  }
0x39: {  	[tilespmem:s24], [sflag:$0x1] =	stream.indirect.gather [hbm4b:s1+s26], $0x80, s4, s26, $0xb8;
	[tilespmem:$0x1F800] =	vst v63  }
0x3a: {  	s5 =	simm.s32 $0x80  }
0x3b: {  	[tilespmem:s28], [sflag:$0x1] =	stream.indirect.gather [hbm4b:s1+s26], $0x80, s5, s26, $0xb8;
	[tilespmem:$0x1F800] =	vst v63  }
0x3c: {  	_ =	swait.ge [sflag:s29], $0x4000  }
0x3d: {  	[sflag:s29] =	ssyncset.done $0x0  }
0x3e: {  	[sflag:s29] =	ssyncadd.s32 $0xFFFFC000  }
0x3f: {  	[spmem:s3] =	stream.indirect.scatter.add.f32 [tilespmem:s24], [sflag:$0x2], $0x80, s0, s26, $0xb8;
	[tilespmem:$0x1F800] =	vst v63  }
0x40: {  	_ =	swait.ge [sflag:s30], $0x4000  }
0x41: {  	[sflag:s30] =	ssyncset.done $0x0  }
0x42: {  	[sflag:s30] =	ssyncadd.s32 $0xFFFFC000  }
0x43: {  	[tilespmem:s24], [sflag:$0x1] =	stream.indirect.gather [hbm4b:s1+s26], $0x80, s2, s26, $0xb8;
	[tilespmem:$0x1F800] =	vst v63  }
0x44: {  	p2 =	sne.s32 s15, $0x2;
	_ =	swait.ge [sflag:s29], $0x4000  }
.Ltmp1:
0x45: {  	[sflag:s29] =	ssyncset.done $0x0;
	(pc) =	sbr.rel @!p2 .LBB2_5-.Ltmp1, $4  }
0x46: {  	s13 =	simm.s32 $0x1C80;
	[sflag:s29] =	ssyncadd.s32 $0xFFFFC000  }
0x47: {  	[spmem:s3] =	stream.indirect.scatter.add.f32 [tilespmem:s28], [sflag:$0x2], $0x80, s13, s26, $0xb8;
	[tilespmem:$0x1F800] =	vst v63  }
0x48: {  	s11 =	simm.s32 $0x200;
	p1 =	por $0x1, $0x1;
	_ =	swait.ge [sflag:s30], $0x4000  }
0x49: {  	s5 =	simm.s32 $0x2;
	s13 =	simm.s32 $0x1D00;
	[sflag:s30] =	ssyncset.done $0x0  }
.LBB2_3:
0x4a: {  	s5 =	sadd.s32 $0x1, s5;
	s7 =	sadd.s32 $0xFFFFFF80, s11;
	[sflag:s30] =	ssyncadd.s32 $0xFFFFC000  }
0x4b: {  	[tilespmem:s28], [sflag:$0x1] =	stream.indirect.gather [hbm4b:s1+s26], $0x80, s7, s26, $0xb8;
	[tilespmem:$0x1F800] =	vst v63  }
0x4c: {  	p2 =	sne.s32 s15, s5;
	_ =	swait.ge [sflag:s29], $0x4000  }
0x4d: {  	[sflag:s29] =	ssyncset.done $0x0  }
0x4e: {  	[sflag:s29] =	ssyncadd.s32 $0xFFFFC000  }
0x4f: {  	[spmem:s3] =	stream.indirect.scatter.add.f32 [tilespmem:s24], [sflag:$0x2], $0x80, s13, s26, $0xb8;
	[tilespmem:$0x1F800] =	vst v63  }
0x50: {  	_ =	swait.ge [sflag:s30], $0x4000  }
0x51: {  	[sflag:s30] =	ssyncset.done $0x0  }
0x52: {  	[sflag:s30] =	ssyncadd.s32 $0xFFFFC000  }
0x53: {  	[tilespmem:s24], [sflag:$0x1] =	stream.indirect.gather [hbm4b:s1+s26], $0x80, s11, s26, $0xb8;
	[tilespmem:$0x1F800] =	vst v63  }
0x54: {  	_ =	swait.ge [sflag:s29], $0x4000  }
.Ltmp2:
0x55: {  	[sflag:s29] =	ssyncset.done $0x0;
	(pc) =	sbr.rel @p2 .LBB2_3-.Ltmp2, $4  }
0x56: {  	s7 =	sadd.s32 $0x80, s13;
	[sflag:s29] =	ssyncadd.s32 $0xFFFFC000  }
0x57: {  	[spmem:s3] =	stream.indirect.scatter.add.f32 [tilespmem:s28], [sflag:$0x2], $0x80, s7, s26, $0xb8;
	[tilespmem:$0x1F800] =	vst v63  }
0x58: {  	s8 =	sadd.s32 $0x100, s13;
	s7 =	sadd.s32 $0x100, s11;
	_ =	swait.ge [sflag:s30], $0x4000  }
0x59: {  	s13 =	smov.u32 s8;
	s11 =	smov.u32 s7;
	[sflag:s30] =	ssyncset.done $0x0  }
0x5a: {  	s11 =	smov.u32 s7;
	s13 =	smov.u32 s8  }
.LBB2_5:
0x5b: {  	s9 =	sadd.s32 $0xFFFFFF80, s11;
	[sflag:s30] =	ssyncadd.s32 @p1 $0xFFFFC000  }
0x5c: {  	[tilespmem:s28], [sflag:$0x1] =	stream.indirect.gather [hbm4b:s1+s26], $0x80, s9, s26, $0xb8;
	[tilespmem:$0x1F800] =	vst v63  }
0x5d: {  	_ =	swait.ge [sflag:s29], $0x4000  }
0x5e: {  	[sflag:s29] =	ssyncset.done $0x0  }
0x5f: {  	[sflag:s29] =	ssyncadd.s32 $0xFFFFC000  }
0x60: {  	[spmem:s3] =	stream.indirect.scatter.add.f32 [tilespmem:s24], [sflag:$0x2], $0x80, s13, s26, $0xb8;
	[tilespmem:$0x1F800] =	vst v63  }
0x61: {  	_ =	swait.ge [sflag:s30], $0x4000  }
0x62: {  	[sflag:s30] =	ssyncset.done $0x0  }
0x63: {  	[sflag:s30] =	ssyncadd.s32 $0xFFFFC000  }
0x64: {  	[tilespmem:s24], [sflag:$0x1] =	stream.indirect.gather [hbm4b:s1+s26], $0x80, s11, s26, $0xb8;
	[tilespmem:$0x1F800] =	vst v63  }
0x65: {  	_ =	swait.ge [sflag:s29], $0x4000  }
0x66: {  	[sflag:s29] =	ssyncset.done $0x0  }
0x67: {  	s9 =	sadd.s32 $0x80, s13;
	[sflag:s29] =	ssyncadd.s32 $0xFFFFC000  }
0x68: {  	[spmem:s3] =	stream.indirect.scatter.add.f32 [tilespmem:s28], [sflag:$0x2], $0x80, s9, s26, $0xb8;
	[tilespmem:$0x1F800] =	vst v63  }
0x69: {  	_ =	swait.ge [sflag:s30], $0x4000  }
0x6a: {  	[sflag:s30] =	ssyncset.done $0x0  }
0x6b: {  	s9 =	sadd.s32 $0x80, s7;
	[sflag:s30] =	ssyncadd.s32 $0xFFFFC000  }
0x6c: {  	[tilespmem:s28], [sflag:$0x1] =	stream.indirect.gather [hbm4b:s1+s26], $0x80, s9, s26, $0xb8;
	[tilespmem:$0x1F800] =	vst v63  }
0x6d: {  	_ =	swait.ge [sflag:s29], $0x4000  }
0x6e: {  	[sflag:s29] =	ssyncset.done $0x0  }
0x6f: {  	s13 =	sadd.s32 $0x100, s13;
	[sflag:s29] =	ssyncadd.s32 $0xFFFFC000  }
0x70: {  	[spmem:s3] =	stream.indirect.scatter.add.f32 [tilespmem:s24], [sflag:$0x2], $0x80, s13, s26, $0xb8;
	[tilespmem:$0x1F800] =	vst v63  }
0x71: {  	p1 =	sge.u32 s5, s15;
	_ =	swait.ge [sflag:s30], $0x4000  }
0x72: {  	s5 =	simm.s32 @!p1 $0x80;
	[sflag:s30] =	ssyncset.done $0x0  }
0x73: {  	s9 =	sadd.s32 $0x100, s11;
	s11 =	simm.s32 @!p1 $0x3800;
	[sflag:s30] =	ssyncadd.s32 $0xFFFFC000  }
0x74: {  	[tilespmem:s11], [sflag:$0x1] =	stream.indirect.gather @!p1 [hbm4b:s1+s5], $0x80, s9, s5, $0xb8;
	[tilespmem:$0x1F800] =	vst v63  }
0x75: {  	_ =	swait.ge [sflag:s29], $0x4000  }
0x76: {  	[sflag:s29] =	ssyncset.done $0x0  }
0x77: {  	s13 =	sadd.s32 $0x180, s8;
	[sflag:s29] =	ssyncadd.s32 $0xFFFFC000  }
0x78: {  	[spmem:s3] =	stream.indirect.scatter.add.f32 [tilespmem:s28], [sflag:$0x2], $0x80, s13, s26, $0xb8;
	[tilespmem:$0x1F800] =	vst v63  }
0x79: {  	_ =	swait.ge [sflag:s30], $0x4000  }
0x7a: {  	[sflag:s30] =	ssyncset.done $0x0  }
0x7b: {  	[sflag:s30] =	ssyncadd.s32 $0xFFFFC000  }
0x7c: {  	[tilespmem:s4], [sflag:$0x3] =	stream.linear.gather [hbm4b:s16+s4], $0x1C00, $0x38;
	[tilespmem:$0x1F800] =	vst v63  }
0x7d: {  	_ =	swait.ge [sflag:s25], $0x1C00  }
0x7e: {  	s5 =	sadd.s32 $0x1, s23;
	[sflag:s25] =	ssyncset.done $0x0  }
0x7f: {  	p1 =	seq.s32 s5, $0x0;
	[sflag:s25] =	ssyncadd.s32 $0xFFFFE400  }
0x80: {  	[tilespmem:s0], [sflag:$0x3] =	stream.linear.gather [hbm4b:s17+s4], $0x1C00, $0x38;
	[tilespmem:$0x1F800] =	vst v63  }
.Ltmp3:
0x81: {  	_ = 	snop;
	(pc) =	sbr.rel @p1 .LBB2_8-.Ltmp3, $4  }
0x82: {  	_ =	swait.ge [sflag:s25], $0x1C00  }
0x83: {  	[sflag:s25] =	ssyncset.done $0x0  }
0x84: {  	[sflag:s25] =	ssyncadd.s32 $0xFFFFE400  }
0x85: {  	[tilespmem:s24], [sflag:$0x1] =	stream.indirect.gather [hbm4b:s1+s26], $0x80, s4, s26, $0xb8;
	[tilespmem:$0x1F800] =	vst v63  }
0x86: {  	s9 =	simm.s32 $0x80  }
0x87: {  	[tilespmem:s28], [sflag:$0x1] =	stream.indirect.gather [hbm4b:s1+s26], $0x80, s9, s26, $0xb8;
	[tilespmem:$0x1F800] =	vst v63  }
0x88: {  	_ =	swait.ge [sflag:s29], $0x4000  }
0x89: {  	[sflag:s29] =	ssyncset.done $0x0  }
0x8a: {  	[sflag:s29] =	ssyncadd.s32 $0xFFFFC000  }
0x8b: {  	[spmem:s3] =	stream.indirect.scatter.add.f32 [tilespmem:s24], [sflag:$0x2], $0x80, s0, s26, $0xb8;
	[tilespmem:$0x1F800] =	vst v63  }
0x8c: {  	_ =	swait.ge [sflag:s30], $0x4000  }
0x8d: {  	[sflag:s30] =	ssyncset.done $0x0  }
0x8e: {  	s5 =	sadd.s32 $0x1, s5;
	[sflag:s30] =	ssyncadd.s32 $0xFFFFC000  }
0x8f: {  	[tilespmem:s24], [sflag:$0x1] =	stream.indirect.gather [hbm4b:s1+s26], $0x80, s2, s26, $0xb8;
	[tilespmem:$0x1F800] =	vst v63  }
0x90: {  	p1 =	seq.s32 s5, $0x0;
	_ =	swait.ge [sflag:s29], $0x4000  }
.Ltmp4:
0x91: {  	[sflag:s29] =	ssyncset.done $0x0;
	(pc) =	sbr.rel @p1 .LBB2_8-.Ltmp4, $4  }
0x92: {  	s13 =	simm.s32 $0x1C80;
	[sflag:s29] =	ssyncadd.s32 $0xFFFFC000  }
0x93: {  	[spmem:s3] =	stream.indirect.scatter.add.f32 [tilespmem:s28], [sflag:$0x2], $0x80, s13, s26, $0xb8;
	[tilespmem:$0x1F800] =	vst v63  }
0x94: {  	p0 =	por $0x1, $0x1;
	_ =	swait.ge [sflag:s30], $0x4000  }
0x95: {  	s0 =	simm.s32 $0x1D00;
	s2 =	simm.s32 $0x200;
	[sflag:s30] =	ssyncset.done $0x0  }
.LBB2_7:
0x96: {  	s5 =	sadd.s32 $0x1, s5;
	s9 =	sadd.s32 $0xFFFFFF80, s2;
	[sflag:s30] =	ssyncadd.s32 $0xFFFFC000  }
0x97: {  	[tilespmem:s28], [sflag:$0x1] =	stream.indirect.gather [hbm4b:s1+s26], $0x80, s9, s26, $0xb8;
	[tilespmem:$0x1F800] =	vst v63  }
0x98: {  	p1 =	seq.s32 s5, $0x0;
	_ =	swait.ge [sflag:s29], $0x4000  }
0x99: {  	[sflag:s29] =	ssyncset.done $0x0  }
0x9a: {  	[sflag:s29] =	ssyncadd.s32 $0xFFFFC000  }
0x9b: {  	[spmem:s3] =	stream.indirect.scatter.add.f32 [tilespmem:s24], [sflag:$0x2], $0x80, s0, s26, $0xb8;
	[tilespmem:$0x1F800] =	vst v63  }
0x9c: {  	_ =	swait.ge [sflag:s30], $0x4000  }
0x9d: {  	[sflag:s30] =	ssyncset.done $0x0  }
0x9e: {  	[sflag:s30] =	ssyncadd.s32 $0xFFFFC000  }
0x9f: {  	[tilespmem:s24], [sflag:$0x1] =	stream.indirect.gather [hbm4b:s1+s26], $0x80, s2, s26, $0xb8;
	[tilespmem:$0x1F800] =	vst v63  }
0xa0: {  	_ =	swait.ge [sflag:s29], $0x4000  }
.Ltmp5:
0xa1: {  	[sflag:s29] =	ssyncset.done $0x0;
	(pc) =	sbr.rel @!p1 .LBB2_7-.Ltmp5, $4  }
0xa2: {  	s9 =	sadd.s32 $0x80, s0;
	[sflag:s29] =	ssyncadd.s32 $0xFFFFC000  }
0xa3: {  	[spmem:s3] =	stream.indirect.scatter.add.f32 [tilespmem:s28], [sflag:$0x2], $0x80, s9, s26, $0xb8;
	[tilespmem:$0x1F800] =	vst v63  }
0xa4: {  	_ =	swait.ge [sflag:s30], $0x4000  }
0xa5: {  	s0 =	sadd.s32 $0x100, s0;
	s2 =	sadd.s32 $0x100, s2;
	[sflag:s30] =	ssyncset.done $0x0  }
.LBB2_8:
0xa6: {  	s5 =	sadd.s32 $0xFFFFFF80, s2;
	[sflag:s30] =	ssyncadd.s32 @p0 $0xFFFFC000  }
0xa7: {  	[tilespmem:s28], [sflag:$0x1] =	stream.indirect.gather [hbm4b:s1+s26], $0x80, s5, s26, $0xb8;
	[tilespmem:$0x1F800] =	vst v63  }
0xa8: {  	_ =	swait.ge [sflag:s29], $0x4000  }
0xa9: {  	[sflag:s29] =	ssyncset.done $0x0  }
0xaa: {  	[sflag:s29] =	ssyncadd.s32 $0xFFFFC000  }
0xab: {  	[spmem:s3] =	stream.indirect.scatter.add.f32 [tilespmem:s24], [sflag:$0x2], $0x80, s0, s26, $0xb8;
	[tilespmem:$0x1F800] =	vst v63  }
0xac: {  	_ =	swait.ge [sflag:s30], $0x4000  }
0xad: {  	[sflag:s30] =	ssyncset.done $0x0  }
0xae: {  	[sflag:s30] =	ssyncadd.s32 $0xFFFFC000  }
0xaf: {  	[tilespmem:s24], [sflag:$0x1] =	stream.indirect.gather [hbm4b:s1+s26], $0x80, s2, s26, $0xb8;
	[tilespmem:$0x1F800] =	vst v63  }
0xb0: {  	_ =	swait.ge [sflag:s29], $0x4000  }
0xb1: {  	[sflag:s29] =	ssyncset.done $0x0  }
0xb2: {  	s9 =	sadd.s32 $0x80, s0;
	[sflag:s29] =	ssyncadd.s32 $0xFFFFC000  }
0xb3: {  	[spmem:s3] =	stream.indirect.scatter.add.f32 [tilespmem:s28], [sflag:$0x2], $0x80, s9, s26, $0xb8;
	[tilespmem:$0x1F800] =	vst v63  }
0xb4: {  	_ =	swait.ge [sflag:s30], $0x4000  }
0xb5: {  	[sflag:s30] =	ssyncset.done $0x0  }
0xb6: {  	[sflag:s30] =	ssyncadd.s32 $0xFFFFC000  }
0xb7: {  	[tilespmem:s28], [sflag:$0x1] =	stream.indirect.gather [hbm4b:s1+s26], $0x80, s20, s26, $0xb8;
	[tilespmem:$0x1F800] =	vst v63  }
0xb8: {  	_ =	swait.ge [sflag:s29], $0x4000  }
0xb9: {  	[sflag:s29] =	ssyncset.done $0x0  }
0xba: {  	[sflag:s29] =	ssyncadd.s32 $0xFFFFC000  }
0xbb: {  	[spmem:s3] =	stream.indirect.scatter.add.f32 [tilespmem:s24], [sflag:$0x2], $0x80, s21, s26, $0xb8;
	[tilespmem:$0x1F800] =	vst v63  }
0xbc: {  	_ =	swait.ge [sflag:s30], $0x4000  }
0xbd: {  	[sflag:s30] =	ssyncset.done $0x0  }
0xbe: {  	[sflag:s30] =	ssyncadd.s32 $0xFFFFC000  }
0xbf: {  	_ =	swait.ge [sflag:s29], $0x4000  }
0xc0: {  	[sflag:s29] =	ssyncset.done $0x0  }
0xc1: {  	[sflag:s29] =	ssyncadd.s32 $0xFFFFC000  }
0xc2: {  	[spmem:s3] =	stream.indirect.scatter.add.f32 [tilespmem:s28], [sflag:$0x2], $0x80, s22, s26, $0xb8;
	[tilespmem:$0x1F800] =	vst v63  }
0xc3: {  	s11 =	stileid.u32;
	_ =	swait.ge [sflag:s30], $0x4000  }
0xc4: {  	s13 =	sshrl.u32 s6, $0x3;
	s31 =	sadd.s32 $0x1, s31;
	[sflag:s30] =	ssyncset.done $0x0  }
0xc5: {  	p0 =	sne.s32 s31, s19;
	s0 =	sshll.u32 s11, $0x6;
	[sflag:s30] =	ssyncadd.s32 $0xFFFFC000  }
.Ltmp6:
0xc6: {  	s0 =	sor.u32 $0x1C03, s0;
	[bflag:$0x0] =	sbarrier.arrive $0xFFFF;
	(pc) =	sbr.rel @p0 .LBB2_1-.Ltmp6, $4  }
0xc7: {  	[hbm:s18], [sflag:s0] =	dma.local [spmem:s13], $0x2800  }
0xc8: {  	_ =	swait.ge [sflag:s25], $0x2800  }
0xc9: {  	[sflag:s25] =	ssyncset.done $0x0  }
0xca: {  	[sflag:s25] =	ssyncadd.s32 $0xFFFFD800  }
0xcb: {  	_ =	sfence.sel $0x180000  }
0xcc: {  	[bflag:$0x0] =	sbarrier.arrive $0xFFFF  }
0xcd: {  	_ =	strace $0x9000004A  }
0xce: {  	s0 =	stileid.u32;
	[bflag:$0x2] =	sbarrier.arrive $0xFFFF  }
0xcf: {  	p0 =	sne.s32 s0, $0x0;
	s0 =	rddreg [dreg:$0x3]  }
0xd0: {  	s0 =	sadd.s32 @!p0 $0x100000, s0  }
0xd1: {  	[sflag:s0] =	ssyncadd.tile.s32 @!p0 $0x1;
	_ =	shalt  }
.Lfunc_end2:
_tile_overlayer_lowered:
.L_overlay_start_2:
0xd2: {  	(tag) =	ssettag $0x2  }
0xd3: {  	s0 =	rddreg [dreg:$0x0];
	s2 =	stileid.u32  }
0xd4: {  	s1 =	rddreg [dreg:$0x1];
	p0 =	sne.s32 s2, $0x0  }
0xd5: {  	s3 =	rddreg [dreg:$0x2];
	[bflag:$0x3] =	sbarrier.arrive $0xFFFF;
	s2 =	simm.s32 @!p0 $0x1C03  }
0xd6: {  	[timem:s3], [sflag:s2] =	dma.local @!p0 [hbm:s0], s1  }
0xd7: {  	s0 =	simm.s32 @!p0 $0x3  }
0xd8: {  	_ =	swait.ge @!p0 [sflag:s0], s1  }
0xd9: {  	s1 =	ssub.s32 @!p0 $0x0, s1;
	[sflag:s0] =	ssyncset.done @!p0 $0x0  }
0xda: {  	[sflag:s0] =	ssyncadd.s32 @!p0 s1  }
0xdb: {  	[bflag:$0x3] =	sbarrier.arrive $0xFFFF  }
0xdc: {  	_ =	shalt  }

// kernel: kernel.18.cloned.1.call-start
scs
__scs_entry_jumppad:
0x0: {  	(pc) =	sbr.rel $0x88, $3  }
0x1: {  	(tag) =	ssettag $0x0;
	lr =	simm.s32 $0x1  }
0x2: {  	[smem:$0x3F97] =	sst lr;
	_ =	strace $0xD0000000  }
0x3: {  	_ = 	snop  }
0x4: {  	_ = 	snop  }
0x5: {  	_ = 	snop  }
0x6: {  	_ = 	snop  }
0x7: {  	_ = 	snop  }
__scs_overlays_trampoline_lowered:
0x8: {  	[smem:$0x3FA6] =	sst s0  }
0x9: {  	[smem:$0x3FA7] =	sst s1  }
0xa: {  	[smem:$0x3FA8] =	sst s2  }
0xb: {  	[smem:$0x3FA9] =	sst s3  }
0xc: {  	[smem:$0x3FAA] =	sst s4  }
0xd: {  	[smem:$0x3FAB] =	sst s5  }
0xe: {  	[smem:$0x3FAC] =	sst s6  }
0xf: {  	[smem:$0x3FAD] =	sst s7  }
0x10: {  	[smem:$0x3FAE] =	sst s8  }
0x11: {  	[smem:$0x3FAF] =	sst s9;
	s0 =	simm.s32 @!p0 $0x0  }
0x12: {  	s1 =	sld [smem:$0x3F95];
	s0 =	simm.s32 @p0 $0x1  }
0x13: {  	[smem:$0x3FB0] =	sst s0;
	s0 =	simm.s32 @!p1 $0x0  }
0x14: {  	s2 =	sld [smem:$0x3F94];
	s0 =	simm.s32 @p1 $0x1  }
0x15: {  	[smem:$0x3FB1] =	sst s0;
	s0 =	simm.s32 @!p2 $0x0  }
0x16: {  	s3 =	sld [smem:$0x3FDB];
	s0 =	simm.s32 @p2 $0x1  }
0x17: {  	s4 =	simm.s32 $0x1BF5;
	[smem:$0x3FB3] =	sst s0  }
0x18: {  	s0 =	sld [smem:$0x3F96];
	_ =	swait.ge [sflag:s4], $0x0  }
0x19: {  	s7 =	sld [smem:$0x3F97]  }
0x1a: {  	s8 =	sadd.s32 $0xFFFFE003, lr  }
0x1b: {  	s9 =	sadd.s32 $0xFFFFFEF7, lr;
	s5 =	simm.s32 $0xFFFFFFFF;
	p2 =	slt.u32 s8, $0xFFFFF086  }
0x1c: {  	p1 =	slt.u32 s9, $0xF7A;
	s5 =	simm.s32 @!p2 $0x0  }
0x1d: {  	s5 =	simm.s32 @p1 $0x1;
	p0 =	seq.s32 s7, s2  }
0x1e: {  	s7 =	smul.u32 @!p0 $0xF7A, s2;
	p2 =	seq.s32 @!p0 s5, $0x0  }
0x1f: {  	s9 =	smul.u32 $0xF7A, s1;
	s8 =	simm.s32 @!p0 $0x1BF5;
	p2 =	por !p2, p0  }
0x20: {  	[sflag:s8] =	ssyncset.s32 @!p0 $0xFFFFF086;
	s6 =	sadd.s32 @!p0 s3, s7;
	s7 =	simm.s32 @!p0 $0x108  }
0x21: {  	s3 =	sadd.s32 s3, s9;
	s6 =	sadd.s32 @!p0 $0x88, s6;
	s7 =	simm.s32 @p2 $0x1082  }
0x22: {  	[simem:s7], [sflag:s8] =	dma.local @!p0 [hbm:s6], $0xF7A  }
0x23: {  	s9 =	sor.u32 $0xD0000000, s2;
	s6 =	simm.s32 $0x108;
	_ =	swait.ge @!p0 [sflag:s8], $0x0  }
0x24: {  	s3 =	sadd.s32 $0x88, s3;
	s6 =	simm.s32 @!p1 $0x1082;
	[sflag:s4] =	ssyncset.s32 $0xFFFFF086  }
0x25: {  	[simem:s6], [sflag:s4] =	dma.local [hbm:s3], $0xF7A  }
0x26: {  	[smem:$0x3F97] =	sst s1;
	(tag) =	ssettag s2;
	_ =	strace s9  }
0x27: {  	s1 =	sld [smem:$0x3FA7]  }
0x28: {  	s2 =	sld [smem:$0x3FA8]  }
0x29: {  	s4 =	sld [smem:$0x3FAA]  }
0x2a: {  	p0 =	seq.s32 s5, $0x0;
	s5 =	sld [smem:$0x3FAB]  }
0x2b: {  	s6 =	sld [smem:$0x3FAC]  }
0x2c: {  	s7 =	sld [smem:$0x3FAD]  }
0x2d: {  	s3 =	simm.s32 $0x108;
	s8 =	sld [smem:$0x3FAE]  }
0x2e: {  	s3 =	simm.s32 @!p0 $0x1082;
	s9 =	sld [smem:$0x3FAF]  }
0x2f: {  	lr =	sadd.s32 s0, s3;
	s0 =	sld [smem:$0x3FA6]  }
0x30: {  	s3 =	sld [smem:$0x3FA9]  }
0x31: {  	[smem:$0x3FB2] =	sst s10  }
0x32: {  	s10 =	sld [smem:$0x3FB0];
	_ =	sdelay $0x3  }
0x33: {  	p0 =	seq.s32 s10, $0x1;
	s10 =	sld [smem:$0x3FB2];
	_ =	sdelay $0x3  }
0x34: {  	[smem:$0x3FB2] =	sst s10  }
0x35: {  	s10 =	sld [smem:$0x3FB1];
	_ =	sdelay $0x3  }
0x36: {  	p1 =	seq.s32 s10, $0x1;
	s10 =	sld [smem:$0x3FB2];
	_ =	sdelay $0x3  }
0x37: {  	[smem:$0x3FB2] =	sst s10  }
0x38: {  	s10 =	sld [smem:$0x3FB3]  }
0x39: {  	_ = 	snop;
	(pc) =	sbr.ind lr, $3  }
0x3a: {  	_ = 	snop  }
0x3b: {  	_ = 	snop  }
0x3c: {  	p2 =	seq.s32 s10, $0x1;
	s10 =	sld [smem:$0x3FB2]  }
0x3d: {  	_ =	shalt  }
0x3e: {  	_ =	shalt  }
0x3f: {  	_ =	shalt  }
0x40: {  	_ =	shalt  }
0x41: {  	_ =	shalt  }
0x42: {  	_ =	shalt  }
0x43: {  	_ =	shalt  }
0x44: {  	_ =	shalt  }
0x45: {  	_ =	shalt  }
0x46: {  	_ =	shalt  }
0x47: {  	_ =	shalt  }
0x48: {  	_ =	shalt  }
0x49: {  	_ =	shalt  }
0x4a: {  	_ =	shalt  }
0x4b: {  	_ =	shalt  }
0x4c: {  	_ =	shalt  }
0x4d: {  	_ =	shalt  }
0x4e: {  	_ =	shalt  }
0x4f: {  	_ =	shalt  }
0x50: {  	_ =	shalt  }
0x51: {  	_ =	shalt  }
0x52: {  	_ =	shalt  }
0x53: {  	_ =	shalt  }
0x54: {  	_ =	shalt  }
0x55: {  	_ =	shalt  }
0x56: {  	_ =	shalt  }
0x57: {  	_ =	shalt  }
0x58: {  	_ =	shalt  }
0x59: {  	_ =	shalt  }
0x5a: {  	_ =	shalt  }
0x5b: {  	_ =	shalt  }
0x5c: {  	_ =	shalt  }
0x5d: {  	_ =	shalt  }
0x5e: {  	_ =	shalt  }
0x5f: {  	_ =	shalt  }
0x60: {  	_ =	shalt  }
0x61: {  	_ =	shalt  }
0x62: {  	_ =	shalt  }
0x63: {  	_ =	shalt  }
0x64: {  	_ =	shalt  }
0x65: {  	_ =	shalt  }
0x66: {  	_ =	shalt  }
0x67: {  	_ =	shalt  }
0x68: {  	_ =	shalt  }
0x69: {  	_ =	shalt  }
0x6a: {  	_ =	shalt  }
0x6b: {  	_ =	shalt  }
0x6c: {  	_ =	shalt  }
0x6d: {  	_ =	shalt  }
0x6e: {  	_ =	shalt  }
0x6f: {  	_ =	shalt  }
0x70: {  	_ =	shalt  }
0x71: {  	_ =	shalt  }
0x72: {  	_ =	shalt  }
0x73: {  	_ =	shalt  }
0x74: {  	_ =	shalt  }
0x75: {  	_ =	shalt  }
0x76: {  	_ =	shalt  }
0x77: {  	_ =	shalt  }
0x78: {  	_ =	shalt  }
0x79: {  	_ =	shalt  }
0x7a: {  	_ =	shalt  }
0x7b: {  	_ =	shalt  }
0x7c: {  	_ =	shalt  }
0x7d: {  	_ =	shalt  }
0x7e: {  	_ =	shalt  }
0x7f: {  	_ =	shalt  }
0x80: {  	_ =	shalt  }
0x81: {  	_ =	shalt  }
0x82: {  	_ =	shalt  }
0x83: {  	_ =	shalt  }
0x84: {  	_ =	shalt  }
0x85: {  	_ =	shalt  }
0x86: {  	_ =	shalt  }
0x87: {  	_ =	shalt  }
.Lfunc_end0:
.L_simem_size_0:
called_computation.3_lowered:
.L_overlay_start_0:
0x88: {  	s2 =	sld [smem:$0x3FD9]  }
0x89: {  	s3 =	sld [smem:$0x3FFE];
	_ =	sdelay $0x1  }
0x8a: {  	s1 =	srdreg.scid  }
0x8b: {  	s0 =	sand.u32 $0x1, s1  }
0x8c: {  	s14 =	sshll.u32 s0, $0xA;
	s2 =	sadd.s32 s3, s2  }
0x8d: {  	s2 =	sadd.s32 s2, s14  }
0x8e: {  	[smem:$0x3FBE] =	sst s2  }
0x8f: {  	_ = 	snop  }
0x90: {  	s2 =	sld [smem:$0x3FD0];
	_ =	sdelay $0x2  }
0x91: {  	s15 =	simm.s32 $0xB;
	s4 =	simm.s32 $0x10  }
0x92: {  	[smem:s4], [sflag:s15] =	dma.local [hbm:s2], $0x1  }
0x93: {  	_ =	swait.eq [sflag:s15], $0x1  }
0x94: {  	[sflag:s15] =	ssyncset.done $0x0  }
0x95: {  	[sflag:s15] =	ssyncadd.s32 $0xFFFFFFFF  }
0x96: {  	s16 =	sld [smem:$0x12];
	(tm) =	ssettm $0x1  }
0x97: {  	s17 =	sld [smem:$0x3FFB];
	_ =	sdelay $0x3  }
0x98: {  	_ =	strace s17  }
0x99: {  	s3 =	sld [smem:$0x3FFC];
	_ =	sdelay $0x3  }
0x9a: {  	_ =	strace s3  }
0x9b: {  	s3 =	sld [smem:$0x3FFD];
	_ =	sdelay $0x3  }
0x9c: {  	_ =	strace s3  }
0x9d: {  	_ =	strace $0x8FFFFFFF  }
0x9e: {  	s18 =	sld [smem:$0x3FDB];
	_ =	sdelay $0x1  }
0x9f: {  	s19 =	simm.s32 $_scs_section_size  }
0xa0: {  	s5 =	simm.s32 $_size__tile_overlayer_lowered;
	s6 =	simm.s32 $_tile_overlayer_lowered  }
0xa1: {  	s22 =	simm.s32 $0x1BFF;
	s21 =	sshll.u32 s6, $0x1;
	s3 =	sadd.s32 s19, s18  }
0xa2: {  	s7 =	simm.s32 $0x0;
	s20 =	sshll.u32 s5, $0x1;
	s5 =	sadd.s32 s21, s3  }
0xa3: {  	[timem:s7], [sflag:s22] =	dma.local [hbm:s5], s20  }
0xa4: {  	_ =	swait.ge [sflag:s22], s20  }
0xa5: {  	s4 =	ssub.s32 $0x0, s20;
	[sflag:s22] =	ssyncset.done $0x0  }
0xa6: {  	[sflag:s22] =	ssyncadd.s32 s4;
	_ =	sdelay $0x1  }
0xa7: {  	s23 =	simm.s32 $0x1B8B  }
0xa8: {  	_ =	swait.ge [sflag:s23], $0x1  }
0xa9: {  	[sflag:s23] =	ssyncset.done $0x0  }
0xaa: {  	s25 =	simm.s32 $0x1B8E;
	s24 =	sld [smem:$0x3FFE];
	[sflag:s23] =	ssyncadd.s32 $0xFFFFFFFF  }
0xab: {  	s26 =	simm.s32 $execute0_lowered;
	[smem:$0x3FD2] =	sst s25  }
0xac: {  	s5 =	sshll.u32 s26, $0x1;
	_ =	strace $0x8000004F;
	[dreg:$0x1] =	wrdreg $0xFFFFFFFF  }
0xad: {  	s28 =	simm.s32 $_size_execute0_lowered;
	s3 =	sadd.s32 s3, s5;
	[dreg:$0x0] =	wrdreg $0x0  }
0xae: {  	s5 =	sshll.u32 s28, $0x1;
	[dreg:$0x2] =	wrdreg s3  }
0xaf: {  	[dreg:$0x3] =	wrdreg s5  }
0xb0: {  	[dreg:$0x4] =	wrdreg $0xC0  }
0xb1: {  	_ =	task [dreg:s7], $0x5FFFF  }
0xb2: {  	[dreg:$0x1] =	wrdreg $0xFFFFFFFF  }
0xb3: {  	[dreg:$0x0] =	wrdreg $0x60  }
0xb4: {  	[dreg:$0x2] =	wrdreg s16  }
0xb5: {  	[dreg:$0x3] =	wrdreg s24  }
0xb6: {  	[dreg:$0x4] =	wrdreg $0xB8000  }
0xb7: {  	[dreg:$0x5] =	wrdreg $0x9  }
0xb8: {  	_ =	task.clear_ibuf [dreg:s7], $0x6FFFF;
	_ =	strace $0x9000004F  }
0xb9: {  	s29 =	simm.s32 $0x9;
	_ =	strace $0x80000051  }
0xba: {  	_ =	swait.ge [sflag:s29], $0x1  }
0xbb: {  	[sflag:s29] =	ssyncadd.s32 $0xFFFFFFFF  }
0xbc: {  	_ =	strace $0x90000051  }
0xbd: {  	_ =	sfence  }
0xbe: {  	s30 =	sld [smem:$0x0];
	_ =	sdelay $0x2  }
0xbf: {  	s31 =	sshll.u32 s1, $0xD;
	s1 =	sshrl.u32 s1, $0x2  }
0xc0: {  	s3 =	sand.u32 $0x4000, s31;
	s1 =	sadd.s32 s1, s30  }
0xc1: {  	s0 =	sor.u32 s3, s0;
	s1 =	sshll.u32 s1, $0x11  }
0xc2: {  	s0 =	sor.u32 s1, s0  }
0xc3: {  	s0 =	sadd.s32 $0x8F2B, s0  }
0xc4: {  	[sflag:s0] =	ssyncadd.remote.s32 $0x1  }
0xc5: {  	_ =	sfence.sel $0xFFFF  }
0xc6: {  	[dreg:$0x0] =	wrdreg $0xFFFFFFFF;
	(pc) =	sbr.abs _section_cstart, $3  }
0xc7: {  	[dreg:$0x1] =	wrdreg $0xFFFFFFFF  }
0xc8: {  	_ =	task.clear_ibuf [dreg:s7], $0x2FFFF;
	_ =	strace $0x9FFFFFFF  }
0xc9: {  	(tm) =	ssettm $0x7FFFFFFF  }
tec
execute0_lowered:
.L_overlay_start_1:
0x0: {  	(tag) =	ssettag $0x1  }
0x1: {  	s1 =	rddreg [dreg:$0x0]  }
0x2: {  	s0 =	rddreg [dreg:$0x1]  }
0x3: {  	s3 =	rddreg [dreg:$0x2]  }
0x4: {  	s2 =	srdreg.scid;
	s12 =	stileid.u32;
	s4 =	simm.s32 $0x0  }
0x5: {  	s28 =	simm.s32 $0x7800;
	s29 =	simm.s32 $0x1;
	s30 =	simm.s32 $0x2  }
0x6: {  	s31 =	simm.s32 $0x0;
	s2 =	sand.u32 $0x1, s2;
	s5 =	smul.u32 $0x14000, s12  }
0x7: {  	[smem:$0x7FF] =	sst s4;
	s11 =	sadd.s32 $0xD200, s0;
	s10 =	smul.u32 $0x50000, s12  }
0x8: {  	s13 =	sadd.s32 $0x3000, s0;
	s14 =	sadd.s32 $0x65600, s0;
	s18 =	smul.u32 $0xA0, s12  }
0x9: {  	s6 =	smul.u32 $0x140000, s2;
	_ =	strace $0x80000050;
	s9 =	ssub.s32 $0x2, s2  }
0xa: {  	[dreg:$0x4] =	wrdreg s14;
	s21 =	smul.u32 $0x70, s2;
	s2 =	sshll.u32 s2, $0x5  }
0xb: {  	s16 =	sshrl.u32 s9, $0x1;
	s17 =	sshrl.u32 s10, $0x2;
	s2 =	sxor.u32 $0x38, s2  }
0xc: {  	s6 =	sadd.s32 s5, s6;
	s19 =	ssub.s32 s9, s16;
	s20 =	sadd.s32 s17, s3  }
0xd: {  	s12 =	sadd.s32 s21, s18;
	s6 =	sshrl.u32 s6, $0x3;
	s9 =	sadd.s32 $0x4000, s20  }
0xe: {  	s22 =	sadd.s32 $0x8000, s20;
	s23 =	sadd.s32 $0xC000, s20;
	s10 =	sadd.s32 $0x10000, s20  }
0xf: {  	s24 =	sshll.u32 s12, $0x4;
	s25 =	sadd.s32 s2, s12;
	[dreg:$0x5] =	wrdreg s9  }
0x10: {  	s2 =	sshrl.u32 s2, $0x1;
	s19 =	smax.u32 s19, $0x1;
	[dreg:$0x6] =	wrdreg s22  }
0x11: {  	s0 =	sadd.s32 s6, s0;
	s6 =	sadd.s32 s5, s3;
	[dreg:$0x7] =	wrdreg s23  }
0x12: {  	s12 =	sadd.s32 s11, s24;
	s17 =	sshll.u32 s25, $0x4;
	s14 =	sadd.s32 s13, s24  }
0x13: {  	s15 =	sadd.s32 $0xFFFFFFFF, s2;
	s23 =	ssub.s32 $0x1, s2;
	s24 =	simm.s32 $0x3800  }
0x14: {  	s25 =	simm.s32 $0x3;
	s16 =	sadd.s32 s11, s17;
	s26 =	sshll.u32 s15, $0x8  }
0x15: {  	s17 =	sadd.s32 s13, s17;
	s18 =	sadd.s32 $0x65E00, s0;
	s20 =	sor.u32 $0x80, s26  }
0x16: {  	s21 =	sadd.s32 $0x1C00, s26;
	s22 =	sadd.s32 $0x1C80, s26;
	s26 =	simm.s32 $0x80  }
.LBB2_1:
0x17: {  	s0 =	rddreg [dreg:$0x4]  }
0x18: {  	[tilespmem:s24], [sflag:$0x3] =	stream.linear.gather [hbm4b:s0+s4], $0x4000, $0x38;
	[tilespmem:$0x1F800] =	vst v63  }
0x19: {  	_ =	swait.ge [sflag:s25], $0x4000  }
0x1a: {  	[sflag:s25] =	ssyncset.done $0x0  }
0x1b: {  	[sflag:s25] =	ssyncadd.s32 $0xFFFFC000  }
0x1c: {  	[spmem:s6] =	stream.linear.scatter [tilespmem:s24], [sflag:$0x3], $0x4000, $0x38;
	[tilespmem:$0x1F800] =	vst v63  }
0x1d: {  	_ =	swait.ge [sflag:s25], $0x4000  }
0x1e: {  	[sflag:s25] =	ssyncset.done $0x0  }
0x1f: {  	s9 =	rddreg [dreg:$0x5];
	[sflag:s25] =	ssyncadd.s32 $0xFFFFC000  }
0x20: {  	[spmem:s9] =	stream.linear.scatter [tilespmem:s24], [sflag:$0x3], $0x4000, $0x38;
	[tilespmem:$0x1F800] =	vst v63  }
0x21: {  	_ =	swait.ge [sflag:s25], $0x4000  }
0x22: {  	[sflag:s25] =	ssyncset.done $0x0  }
0x23: {  	s11 =	rddreg [dreg:$0x6];
	[sflag:s25] =	ssyncadd.s32 $0xFFFFC000  }
0x24: {  	[spmem:s11] =	stream.linear.scatter [tilespmem:s24], [sflag:$0x3], $0x4000, $0x38;
	[tilespmem:$0x1F800] =	vst v63  }
0x25: {  	_ =	swait.ge [sflag:s25], $0x4000  }
0x26: {  	[sflag:s25] =	ssyncset.done $0x0  }
0x27: {  	s13 =	rddreg [dreg:$0x7];
	[sflag:s25] =	ssyncadd.s32 $0xFFFFC000  }
0x28: {  	[spmem:s13] =	stream.linear.scatter [tilespmem:s24], [sflag:$0x3], $0x4000, $0x38;
	[tilespmem:$0x1F800] =	vst v63  }
0x29: {  	_ =	swait.ge [sflag:s25], $0x4000  }
0x2a: {  	[sflag:s25] =	ssyncset.done $0x0  }
0x2b: {  	[sflag:s25] =	ssyncadd.s32 $0xFFFFC000  }
0x2c: {  	[spmem:s10] =	stream.linear.scatter [tilespmem:s24], [sflag:$0x3], $0x4000, $0x38;
	[tilespmem:$0x1F800] =	vst v63  }
0x2d: {  	_ =	swait.ge [sflag:s25], $0x4000  }
0x2e: {  	[sflag:s25] =	ssyncset.done $0x0  }
0x2f: {  	[sflag:s25] =	ssyncadd.s32 $0xFFFFC000  }
0x30: {  	[tilespmem:s4], [sflag:$0x3] =	stream.linear.gather [hbm4b:s12+s4], $0x1C00, $0x38;
	[tilespmem:$0x1F800] =	vst v63  }
0x31: {  	_ =	swait.ge [sflag:s25], $0x1C00  }
0x32: {  	[sflag:s25] =	ssyncset.done $0x0  }
0x33: {  	p2 =	sne.s32 s15, $0x1;
	s0 =	simm.s32 $0x1C00;
	[sflag:s25] =	ssyncadd.s32 $0xFFFFE400  }
0x34: {  	[tilespmem:s0], [sflag:$0x3] =	stream.linear.gather [hbm4b:s14+s4], $0x1C00, $0x38;
	[tilespmem:$0x1F800] =	vst v63  }
.Ltmp0:
0x35: {  	_ =	swait.ge [sflag:s25], $0x1C00;
	(pc) =	sbr.rel @!p2 .LBB2_5-.Ltmp0, $4  }
0x36: {  	s2 =	simm.s32 $0x100;
	s5 =	simm.s32 $0x1;
	[sflag:s25] =	ssyncset.done $0x0  }
0x37: {  	p0 =	por $0x0, $0x0;
	p1 =	por $0x0, $0x0;
	[sflag:s25] =	ssyncadd.s32 $0xFFFFE400  }
0x38: {  	s11 =	simm.s32 $0x100;
	s13 =	simm.s32 $0x1C00;
	[bflag:$0x0] =	sbarrier.arrive $0xFFFF  }
0x39: {  	[tilespmem:s24], [sflag:$0x1] =	stream.indirect.gather [hbm4b:s1+s26], $0x80, s4, s26, $0xb8;
	[tilespmem:$0x1F800] =	vst v63  }
0x3a: {  	s5 =	simm.s32 $0x80  }
0x3b: {  	[tilespmem:s28], [sflag:$0x1] =	stream.indirect.gather [hbm4b:s1+s26], $0x80, s5, s26, $0xb8;
	[tilespmem:$0x1F800] =	vst v63  }
0x3c: {  	_ =	swait.ge [sflag:s29], $0x4000  }
0x3d: {  	[sflag:s29] =	ssyncset.done $0x0  }
0x3e: {  	[sflag:s29] =	ssyncadd.s32 $0xFFFFC000  }
0x3f: {  	[spmem:s3] =	stream.indirect.scatter.add.f32 [tilespmem:s24], [sflag:$0x2], $0x80, s0, s26, $0xb8;
	[tilespmem:$0x1F800] =	vst v63  }
0x40: {  	_ =	swait.ge [sflag:s30], $0x4000  }
0x41: {  	[sflag:s30] =	ssyncset.done $0x0  }
0x42: {  	[sflag:s30] =	ssyncadd.s32 $0xFFFFC000  }
0x43: {  	[tilespmem:s24], [sflag:$0x1] =	stream.indirect.gather [hbm4b:s1+s26], $0x80, s2, s26, $0xb8;
	[tilespmem:$0x1F800] =	vst v63  }
0x44: {  	p2 =	sne.s32 s15, $0x2;
	_ =	swait.ge [sflag:s29], $0x4000  }
.Ltmp1:
0x45: {  	[sflag:s29] =	ssyncset.done $0x0;
	(pc) =	sbr.rel @!p2 .LBB2_5-.Ltmp1, $4  }
0x46: {  	s13 =	simm.s32 $0x1C80;
	[sflag:s29] =	ssyncadd.s32 $0xFFFFC000  }
0x47: {  	[spmem:s3] =	stream.indirect.scatter.add.f32 [tilespmem:s28], [sflag:$0x2], $0x80, s13, s26, $0xb8;
	[tilespmem:$0x1F800] =	vst v63  }
0x48: {  	s11 =	simm.s32 $0x200;
	p1 =	por $0x1, $0x1;
	_ =	swait.ge [sflag:s30], $0x4000  }
0x49: {  	s5 =	simm.s32 $0x2;
	s13 =	simm.s32 $0x1D00;
	[sflag:s30] =	ssyncset.done $0x0  }
.LBB2_3:
0x4a: {  	s5 =	sadd.s32 $0x1, s5;
	s7 =	sadd.s32 $0xFFFFFF80, s11;
	[sflag:s30] =	ssyncadd.s32 $0xFFFFC000  }
0x4b: {  	[tilespmem:s28], [sflag:$0x1] =	stream.indirect.gather [hbm4b:s1+s26], $0x80, s7, s26, $0xb8;
	[tilespmem:$0x1F800] =	vst v63  }
0x4c: {  	p2 =	sne.s32 s15, s5;
	_ =	swait.ge [sflag:s29], $0x4000  }
0x4d: {  	[sflag:s29] =	ssyncset.done $0x0  }
0x4e: {  	[sflag:s29] =	ssyncadd.s32 $0xFFFFC000  }
0x4f: {  	[spmem:s3] =	stream.indirect.scatter.add.f32 [tilespmem:s24], [sflag:$0x2], $0x80, s13, s26, $0xb8;
	[tilespmem:$0x1F800] =	vst v63  }
0x50: {  	_ =	swait.ge [sflag:s30], $0x4000  }
0x51: {  	[sflag:s30] =	ssyncset.done $0x0  }
0x52: {  	[sflag:s30] =	ssyncadd.s32 $0xFFFFC000  }
0x53: {  	[tilespmem:s24], [sflag:$0x1] =	stream.indirect.gather [hbm4b:s1+s26], $0x80, s11, s26, $0xb8;
	[tilespmem:$0x1F800] =	vst v63  }
0x54: {  	_ =	swait.ge [sflag:s29], $0x4000  }
.Ltmp2:
0x55: {  	[sflag:s29] =	ssyncset.done $0x0;
	(pc) =	sbr.rel @p2 .LBB2_3-.Ltmp2, $4  }
0x56: {  	s7 =	sadd.s32 $0x80, s13;
	[sflag:s29] =	ssyncadd.s32 $0xFFFFC000  }
0x57: {  	[spmem:s3] =	stream.indirect.scatter.add.f32 [tilespmem:s28], [sflag:$0x2], $0x80, s7, s26, $0xb8;
	[tilespmem:$0x1F800] =	vst v63  }
0x58: {  	s8 =	sadd.s32 $0x100, s13;
	s7 =	sadd.s32 $0x100, s11;
	_ =	swait.ge [sflag:s30], $0x4000  }
0x59: {  	s13 =	smov.u32 s8;
	s11 =	smov.u32 s7;
	[sflag:s30] =	ssyncset.done $0x0  }
0x5a: {  	s11 =	smov.u32 s7;
	s13 =	smov.u32 s8  }
.LBB2_5:
0x5b: {  	s9 =	sadd.s32 $0xFFFFFF80, s11;
	[sflag:s30] =	ssyncadd.s32 @p1 $0xFFFFC000  }
0x5c: {  	[tilespmem:s28], [sflag:$0x1] =	stream.indirect.gather [hbm4b:s1+s26], $0x80, s9, s26, $0xb8;
	[tilespmem:$0x1F800] =	vst v63  }
0x5d: {  	_ =	swait.ge [sflag:s29], $0x4000  }
0x5e: {  	[sflag:s29] =	ssyncset.done $0x0  }
0x5f: {  	[sflag:s29] =	ssyncadd.s32 $0xFFFFC000  }
0x60: {  	[spmem:s3] =	stream.indirect.scatter.add.f32 [tilespmem:s24], [sflag:$0x2], $0x80, s13, s26, $0xb8;
	[tilespmem:$0x1F800] =	vst v63  }
0x61: {  	_ =	swait.ge [sflag:s30], $0x4000  }
0x62: {  	[sflag:s30] =	ssyncset.done $0x0  }
0x63: {  	[sflag:s30] =	ssyncadd.s32 $0xFFFFC000  }
0x64: {  	[tilespmem:s24], [sflag:$0x1] =	stream.indirect.gather [hbm4b:s1+s26], $0x80, s11, s26, $0xb8;
	[tilespmem:$0x1F800] =	vst v63  }
0x65: {  	_ =	swait.ge [sflag:s29], $0x4000  }
0x66: {  	[sflag:s29] =	ssyncset.done $0x0  }
0x67: {  	s9 =	sadd.s32 $0x80, s13;
	[sflag:s29] =	ssyncadd.s32 $0xFFFFC000  }
0x68: {  	[spmem:s3] =	stream.indirect.scatter.add.f32 [tilespmem:s28], [sflag:$0x2], $0x80, s9, s26, $0xb8;
	[tilespmem:$0x1F800] =	vst v63  }
0x69: {  	_ =	swait.ge [sflag:s30], $0x4000  }
0x6a: {  	[sflag:s30] =	ssyncset.done $0x0  }
0x6b: {  	s9 =	sadd.s32 $0x80, s7;
	[sflag:s30] =	ssyncadd.s32 $0xFFFFC000  }
0x6c: {  	[tilespmem:s28], [sflag:$0x1] =	stream.indirect.gather [hbm4b:s1+s26], $0x80, s9, s26, $0xb8;
	[tilespmem:$0x1F800] =	vst v63  }
0x6d: {  	_ =	swait.ge [sflag:s29], $0x4000  }
0x6e: {  	[sflag:s29] =	ssyncset.done $0x0  }
0x6f: {  	s13 =	sadd.s32 $0x100, s13;
	[sflag:s29] =	ssyncadd.s32 $0xFFFFC000  }
0x70: {  	[spmem:s3] =	stream.indirect.scatter.add.f32 [tilespmem:s24], [sflag:$0x2], $0x80, s13, s26, $0xb8;
	[tilespmem:$0x1F800] =	vst v63  }
0x71: {  	p1 =	sge.u32 s5, s15;
	_ =	swait.ge [sflag:s30], $0x4000  }
0x72: {  	s5 =	simm.s32 @!p1 $0x80;
	[sflag:s30] =	ssyncset.done $0x0  }
0x73: {  	s9 =	sadd.s32 $0x100, s11;
	s11 =	simm.s32 @!p1 $0x3800;
	[sflag:s30] =	ssyncadd.s32 $0xFFFFC000  }
0x74: {  	[tilespmem:s11], [sflag:$0x1] =	stream.indirect.gather @!p1 [hbm4b:s1+s5], $0x80, s9, s5, $0xb8;
	[tilespmem:$0x1F800] =	vst v63  }
0x75: {  	_ =	swait.ge [sflag:s29], $0x4000  }
0x76: {  	[sflag:s29] =	ssyncset.done $0x0  }
0x77: {  	s13 =	sadd.s32 $0x180, s8;
	[sflag:s29] =	ssyncadd.s32 $0xFFFFC000  }
0x78: {  	[spmem:s3] =	stream.indirect.scatter.add.f32 [tilespmem:s28], [sflag:$0x2], $0x80, s13, s26, $0xb8;
	[tilespmem:$0x1F800] =	vst v63  }
0x79: {  	_ =	swait.ge [sflag:s30], $0x4000  }
0x7a: {  	[sflag:s30] =	ssyncset.done $0x0  }
0x7b: {  	[sflag:s30] =	ssyncadd.s32 $0xFFFFC000  }
0x7c: {  	[tilespmem:s4], [sflag:$0x3] =	stream.linear.gather [hbm4b:s16+s4], $0x1C00, $0x38;
	[tilespmem:$0x1F800] =	vst v63  }
0x7d: {  	_ =	swait.ge [sflag:s25], $0x1C00  }
0x7e: {  	s5 =	sadd.s32 $0x1, s23;
	[sflag:s25] =	ssyncset.done $0x0  }
0x7f: {  	p1 =	seq.s32 s5, $0x0;
	[sflag:s25] =	ssyncadd.s32 $0xFFFFE400  }
0x80: {  	[tilespmem:s0], [sflag:$0x3] =	stream.linear.gather [hbm4b:s17+s4], $0x1C00, $0x38;
	[tilespmem:$0x1F800] =	vst v63  }
.Ltmp3:
0x81: {  	_ = 	snop;
	(pc) =	sbr.rel @p1 .LBB2_8-.Ltmp3, $4  }
0x82: {  	_ =	swait.ge [sflag:s25], $0x1C00  }
0x83: {  	[sflag:s25] =	ssyncset.done $0x0  }
0x84: {  	[sflag:s25] =	ssyncadd.s32 $0xFFFFE400  }
0x85: {  	[tilespmem:s24], [sflag:$0x1] =	stream.indirect.gather [hbm4b:s1+s26], $0x80, s4, s26, $0xb8;
	[tilespmem:$0x1F800] =	vst v63  }
0x86: {  	s9 =	simm.s32 $0x80  }
0x87: {  	[tilespmem:s28], [sflag:$0x1] =	stream.indirect.gather [hbm4b:s1+s26], $0x80, s9, s26, $0xb8;
	[tilespmem:$0x1F800] =	vst v63  }
0x88: {  	_ =	swait.ge [sflag:s29], $0x4000  }
0x89: {  	[sflag:s29] =	ssyncset.done $0x0  }
0x8a: {  	[sflag:s29] =	ssyncadd.s32 $0xFFFFC000  }
0x8b: {  	[spmem:s3] =	stream.indirect.scatter.add.f32 [tilespmem:s24], [sflag:$0x2], $0x80, s0, s26, $0xb8;
	[tilespmem:$0x1F800] =	vst v63  }
0x8c: {  	_ =	swait.ge [sflag:s30], $0x4000  }
0x8d: {  	[sflag:s30] =	ssyncset.done $0x0  }
0x8e: {  	s5 =	sadd.s32 $0x1, s5;
	[sflag:s30] =	ssyncadd.s32 $0xFFFFC000  }
0x8f: {  	[tilespmem:s24], [sflag:$0x1] =	stream.indirect.gather [hbm4b:s1+s26], $0x80, s2, s26, $0xb8;
	[tilespmem:$0x1F800] =	vst v63  }
0x90: {  	p1 =	seq.s32 s5, $0x0;
	_ =	swait.ge [sflag:s29], $0x4000  }
.Ltmp4:
0x91: {  	[sflag:s29] =	ssyncset.done $0x0;
	(pc) =	sbr.rel @p1 .LBB2_8-.Ltmp4, $4  }
0x92: {  	s13 =	simm.s32 $0x1C80;
	[sflag:s29] =	ssyncadd.s32 $0xFFFFC000  }
0x93: {  	[spmem:s3] =	stream.indirect.scatter.add.f32 [tilespmem:s28], [sflag:$0x2], $0x80, s13, s26, $0xb8;
	[tilespmem:$0x1F800] =	vst v63  }
0x94: {  	p0 =	por $0x1, $0x1;
	_ =	swait.ge [sflag:s30], $0x4000  }
0x95: {  	s0 =	simm.s32 $0x1D00;
	s2 =	simm.s32 $0x200;
	[sflag:s30] =	ssyncset.done $0x0  }
.LBB2_7:
0x96: {  	s5 =	sadd.s32 $0x1, s5;
	s9 =	sadd.s32 $0xFFFFFF80, s2;
	[sflag:s30] =	ssyncadd.s32 $0xFFFFC000  }
0x97: {  	[tilespmem:s28], [sflag:$0x1] =	stream.indirect.gather [hbm4b:s1+s26], $0x80, s9, s26, $0xb8;
	[tilespmem:$0x1F800] =	vst v63  }
0x98: {  	p1 =	seq.s32 s5, $0x0;
	_ =	swait.ge [sflag:s29], $0x4000  }
0x99: {  	[sflag:s29] =	ssyncset.done $0x0  }
0x9a: {  	[sflag:s29] =	ssyncadd.s32 $0xFFFFC000  }
0x9b: {  	[spmem:s3] =	stream.indirect.scatter.add.f32 [tilespmem:s24], [sflag:$0x2], $0x80, s0, s26, $0xb8;
	[tilespmem:$0x1F800] =	vst v63  }
0x9c: {  	_ =	swait.ge [sflag:s30], $0x4000  }
0x9d: {  	[sflag:s30] =	ssyncset.done $0x0  }
0x9e: {  	[sflag:s30] =	ssyncadd.s32 $0xFFFFC000  }
0x9f: {  	[tilespmem:s24], [sflag:$0x1] =	stream.indirect.gather [hbm4b:s1+s26], $0x80, s2, s26, $0xb8;
	[tilespmem:$0x1F800] =	vst v63  }
0xa0: {  	_ =	swait.ge [sflag:s29], $0x4000  }
.Ltmp5:
0xa1: {  	[sflag:s29] =	ssyncset.done $0x0;
	(pc) =	sbr.rel @!p1 .LBB2_7-.Ltmp5, $4  }
0xa2: {  	s9 =	sadd.s32 $0x80, s0;
	[sflag:s29] =	ssyncadd.s32 $0xFFFFC000  }
0xa3: {  	[spmem:s3] =	stream.indirect.scatter.add.f32 [tilespmem:s28], [sflag:$0x2], $0x80, s9, s26, $0xb8;
	[tilespmem:$0x1F800] =	vst v63  }
0xa4: {  	_ =	swait.ge [sflag:s30], $0x4000  }
0xa5: {  	s0 =	sadd.s32 $0x100, s0;
	s2 =	sadd.s32 $0x100, s2;
	[sflag:s30] =	ssyncset.done $0x0  }
.LBB2_8:
0xa6: {  	s5 =	sadd.s32 $0xFFFFFF80, s2;
	[sflag:s30] =	ssyncadd.s32 @p0 $0xFFFFC000  }
0xa7: {  	[tilespmem:s28], [sflag:$0x1] =	stream.indirect.gather [hbm4b:s1+s26], $0x80, s5, s26, $0xb8;
	[tilespmem:$0x1F800] =	vst v63  }
0xa8: {  	_ =	swait.ge [sflag:s29], $0x4000  }
0xa9: {  	[sflag:s29] =	ssyncset.done $0x0  }
0xaa: {  	[sflag:s29] =	ssyncadd.s32 $0xFFFFC000  }
0xab: {  	[spmem:s3] =	stream.indirect.scatter.add.f32 [tilespmem:s24], [sflag:$0x2], $0x80, s0, s26, $0xb8;
	[tilespmem:$0x1F800] =	vst v63  }
0xac: {  	_ =	swait.ge [sflag:s30], $0x4000  }
0xad: {  	[sflag:s30] =	ssyncset.done $0x0  }
0xae: {  	[sflag:s30] =	ssyncadd.s32 $0xFFFFC000  }
0xaf: {  	[tilespmem:s24], [sflag:$0x1] =	stream.indirect.gather [hbm4b:s1+s26], $0x80, s2, s26, $0xb8;
	[tilespmem:$0x1F800] =	vst v63  }
0xb0: {  	_ =	swait.ge [sflag:s29], $0x4000  }
0xb1: {  	[sflag:s29] =	ssyncset.done $0x0  }
0xb2: {  	s9 =	sadd.s32 $0x80, s0;
	[sflag:s29] =	ssyncadd.s32 $0xFFFFC000  }
0xb3: {  	[spmem:s3] =	stream.indirect.scatter.add.f32 [tilespmem:s28], [sflag:$0x2], $0x80, s9, s26, $0xb8;
	[tilespmem:$0x1F800] =	vst v63  }
0xb4: {  	_ =	swait.ge [sflag:s30], $0x4000  }
0xb5: {  	[sflag:s30] =	ssyncset.done $0x0  }
0xb6: {  	[sflag:s30] =	ssyncadd.s32 $0xFFFFC000  }
0xb7: {  	[tilespmem:s28], [sflag:$0x1] =	stream.indirect.gather [hbm4b:s1+s26], $0x80, s20, s26, $0xb8;
	[tilespmem:$0x1F800] =	vst v63  }
0xb8: {  	_ =	swait.ge [sflag:s29], $0x4000  }
0xb9: {  	[sflag:s29] =	ssyncset.done $0x0  }
0xba: {  	[sflag:s29] =	ssyncadd.s32 $0xFFFFC000  }
0xbb: {  	[spmem:s3] =	stream.indirect.scatter.add.f32 [tilespmem:s24], [sflag:$0x2], $0x80, s21, s26, $0xb8;
	[tilespmem:$0x1F800] =	vst v63  }
0xbc: {  	_ =	swait.ge [sflag:s30], $0x4000  }
0xbd: {  	[sflag:s30] =	ssyncset.done $0x0  }
0xbe: {  	[sflag:s30] =	ssyncadd.s32 $0xFFFFC000  }
0xbf: {  	_ =	swait.ge [sflag:s29], $0x4000  }
0xc0: {  	[sflag:s29] =	ssyncset.done $0x0  }
0xc1: {  	[sflag:s29] =	ssyncadd.s32 $0xFFFFC000  }
0xc2: {  	[spmem:s3] =	stream.indirect.scatter.add.f32 [tilespmem:s28], [sflag:$0x2], $0x80, s22, s26, $0xb8;
	[tilespmem:$0x1F800] =	vst v63  }
0xc3: {  	s11 =	stileid.u32;
	_ =	swait.ge [sflag:s30], $0x4000  }
0xc4: {  	s13 =	sshrl.u32 s6, $0x3;
	s31 =	sadd.s32 $0x1, s31;
	[sflag:s30] =	ssyncset.done $0x0  }
0xc5: {  	p0 =	sne.s32 s31, s19;
	s0 =	sshll.u32 s11, $0x6;
	[sflag:s30] =	ssyncadd.s32 $0xFFFFC000  }
.Ltmp6:
0xc6: {  	s0 =	sor.u32 $0x1C03, s0;
	[bflag:$0x0] =	sbarrier.arrive $0xFFFF;
	(pc) =	sbr.rel @p0 .LBB2_1-.Ltmp6, $4  }
0xc7: {  	[hbm:s18], [sflag:s0] =	dma.local [spmem:s13], $0x2800  }
0xc8: {  	_ =	swait.ge [sflag:s25], $0x2800  }
0xc9: {  	[sflag:s25] =	ssyncset.done $0x0  }
0xca: {  	[sflag:s25] =	ssyncadd.s32 $0xFFFFD800  }
0xcb: {  	_ =	sfence.sel $0x180000  }
0xcc: {  	[bflag:$0x0] =	sbarrier.arrive $0xFFFF  }
0xcd: {  	_ =	strace $0x90000050  }
0xce: {  	s0 =	stileid.u32;
	[bflag:$0x2] =	sbarrier.arrive $0xFFFF  }
0xcf: {  	p0 =	sne.s32 s0, $0x0;
	s0 =	rddreg [dreg:$0x3]  }
0xd0: {  	s0 =	sadd.s32 @!p0 $0x100000, s0  }
0xd1: {  	[sflag:s0] =	ssyncadd.tile.s32 @!p0 $0x1;
	_ =	shalt  }
.Lfunc_end2:
_tile_overlayer_lowered:
.L_overlay_start_2:
0xd2: {  	(tag) =	ssettag $0x2  }
0xd3: {  	s0 =	rddreg [dreg:$0x0];
	s2 =	stileid.u32  }
0xd4: {  	s1 =	rddreg [dreg:$0x1];
	p0 =	sne.s32 s2, $0x0  }
0xd5: {  	s3 =	rddreg [dreg:$0x2];
	[bflag:$0x3] =	sbarrier.arrive $0xFFFF;
	s2 =	simm.s32 @!p0 $0x1C03  }
0xd6: {  	[timem:s3], [sflag:s2] =	dma.local @!p0 [hbm:s0], s1  }
0xd7: {  	s0 =	simm.s32 @!p0 $0x3  }
0xd8: {  	_ =	swait.ge @!p0 [sflag:s0], s1  }
0xd9: {  	s1 =	ssub.s32 @!p0 $0x0, s1;
	[sflag:s0] =	ssyncset.done @!p0 $0x0  }
0xda: {  	[sflag:s0] =	ssyncadd.s32 @!p0 s1  }
0xdb: {  	[bflag:$0x3] =	sbarrier.arrive $0xFFFF  }
0xdc: {  	_ =	shalt  }

// kernel: kernel.9.cloned.1.call-start
scs
__scs_entry_jumppad:
0x0: {  	(pc) =	sbr.rel $0x88, $3  }
0x1: {  	(tag) =	ssettag $0x0;
	lr =	simm.s32 $0x1  }
0x2: {  	[smem:$0x3F97] =	sst lr;
	_ =	strace $0xD0000000  }
0x3: {  	_ = 	snop  }
0x4: {  	_ = 	snop  }
0x5: {  	_ = 	snop  }
0x6: {  	_ = 	snop  }
0x7: {  	_ = 	snop  }
__scs_overlays_trampoline_lowered:
0x8: {  	[smem:$0x3FA6] =	sst s0  }
0x9: {  	[smem:$0x3FA7] =	sst s1  }
0xa: {  	[smem:$0x3FA8] =	sst s2  }
0xb: {  	[smem:$0x3FA9] =	sst s3  }
0xc: {  	[smem:$0x3FAA] =	sst s4  }
0xd: {  	[smem:$0x3FAB] =	sst s5  }
0xe: {  	[smem:$0x3FAC] =	sst s6  }
0xf: {  	[smem:$0x3FAD] =	sst s7  }
0x10: {  	[smem:$0x3FAE] =	sst s8  }
0x11: {  	[smem:$0x3FAF] =	sst s9;
	s0 =	simm.s32 @!p0 $0x0  }
0x12: {  	s1 =	sld [smem:$0x3F95];
	s0 =	simm.s32 @p0 $0x1  }
0x13: {  	[smem:$0x3FB0] =	sst s0;
	s0 =	simm.s32 @!p1 $0x0  }
0x14: {  	s2 =	sld [smem:$0x3F94];
	s0 =	simm.s32 @p1 $0x1  }
0x15: {  	[smem:$0x3FB1] =	sst s0;
	s0 =	simm.s32 @!p2 $0x0  }
0x16: {  	s3 =	sld [smem:$0x3FDB];
	s0 =	simm.s32 @p2 $0x1  }
0x17: {  	s4 =	simm.s32 $0x1BF5;
	[smem:$0x3FB3] =	sst s0  }
0x18: {  	s0 =	sld [smem:$0x3F96];
	_ =	swait.ge [sflag:s4], $0x0  }
0x19: {  	s7 =	sld [smem:$0x3F97]  }
0x1a: {  	s8 =	sadd.s32 $0xFFFFE003, lr  }
0x1b: {  	s9 =	sadd.s32 $0xFFFFFEF7, lr;
	s5 =	simm.s32 $0xFFFFFFFF;
	p2 =	slt.u32 s8, $0xFFFFF086  }
0x1c: {  	p1 =	slt.u32 s9, $0xF7A;
	s5 =	simm.s32 @!p2 $0x0  }
0x1d: {  	s5 =	simm.s32 @p1 $0x1;
	p0 =	seq.s32 s7, s2  }
0x1e: {  	s7 =	smul.u32 @!p0 $0xF7A, s2;
	p2 =	seq.s32 @!p0 s5, $0x0  }
0x1f: {  	s9 =	smul.u32 $0xF7A, s1;
	s8 =	simm.s32 @!p0 $0x1BF5;
	p2 =	por !p2, p0  }
0x20: {  	[sflag:s8] =	ssyncset.s32 @!p0 $0xFFFFF086;
	s6 =	sadd.s32 @!p0 s3, s7;
	s7 =	simm.s32 @!p0 $0x108  }
0x21: {  	s3 =	sadd.s32 s3, s9;
	s6 =	sadd.s32 @!p0 $0x88, s6;
	s7 =	simm.s32 @p2 $0x1082  }
0x22: {  	[simem:s7], [sflag:s8] =	dma.local @!p0 [hbm:s6], $0xF7A  }
0x23: {  	s9 =	sor.u32 $0xD0000000, s2;
	s6 =	simm.s32 $0x108;
	_ =	swait.ge @!p0 [sflag:s8], $0x0  }
0x24: {  	s3 =	sadd.s32 $0x88, s3;
	s6 =	simm.s32 @!p1 $0x1082;
	[sflag:s4] =	ssyncset.s32 $0xFFFFF086  }
0x25: {  	[simem:s6], [sflag:s4] =	dma.local [hbm:s3], $0xF7A  }
0x26: {  	[smem:$0x3F97] =	sst s1;
	(tag) =	ssettag s2;
	_ =	strace s9  }
0x27: {  	s1 =	sld [smem:$0x3FA7]  }
0x28: {  	s2 =	sld [smem:$0x3FA8]  }
0x29: {  	s4 =	sld [smem:$0x3FAA]  }
0x2a: {  	p0 =	seq.s32 s5, $0x0;
	s5 =	sld [smem:$0x3FAB]  }
0x2b: {  	s6 =	sld [smem:$0x3FAC]  }
0x2c: {  	s7 =	sld [smem:$0x3FAD]  }
0x2d: {  	s3 =	simm.s32 $0x108;
	s8 =	sld [smem:$0x3FAE]  }
0x2e: {  	s3 =	simm.s32 @!p0 $0x1082;
	s9 =	sld [smem:$0x3FAF]  }
0x2f: {  	lr =	sadd.s32 s0, s3;
	s0 =	sld [smem:$0x3FA6]  }
0x30: {  	s3 =	sld [smem:$0x3FA9]  }
0x31: {  	[smem:$0x3FB2] =	sst s10  }
0x32: {  	s10 =	sld [smem:$0x3FB0];
	_ =	sdelay $0x3  }
0x33: {  	p0 =	seq.s32 s10, $0x1;
	s10 =	sld [smem:$0x3FB2];
	_ =	sdelay $0x3  }
0x34: {  	[smem:$0x3FB2] =	sst s10  }
0x35: {  	s10 =	sld [smem:$0x3FB1];
	_ =	sdelay $0x3  }
0x36: {  	p1 =	seq.s32 s10, $0x1;
	s10 =	sld [smem:$0x3FB2];
	_ =	sdelay $0x3  }
0x37: {  	[smem:$0x3FB2] =	sst s10  }
0x38: {  	s10 =	sld [smem:$0x3FB3]  }
0x39: {  	_ = 	snop;
	(pc) =	sbr.ind lr, $3  }
0x3a: {  	_ = 	snop  }
0x3b: {  	_ = 	snop  }
0x3c: {  	p2 =	seq.s32 s10, $0x1;
	s10 =	sld [smem:$0x3FB2]  }
0x3d: {  	_ =	shalt  }
0x3e: {  	_ =	shalt  }
0x3f: {  	_ =	shalt  }
0x40: {  	_ =	shalt  }
0x41: {  	_ =	shalt  }
0x42: {  	_ =	shalt  }
0x43: {  	_ =	shalt  }
0x44: {  	_ =	shalt  }
0x45: {  	_ =	shalt  }
0x46: {  	_ =	shalt  }
0x47: {  	_ =	shalt  }
0x48: {  	_ =	shalt  }
0x49: {  	_ =	shalt  }
0x4a: {  	_ =	shalt  }
0x4b: {  	_ =	shalt  }
0x4c: {  	_ =	shalt  }
0x4d: {  	_ =	shalt  }
0x4e: {  	_ =	shalt  }
0x4f: {  	_ =	shalt  }
0x50: {  	_ =	shalt  }
0x51: {  	_ =	shalt  }
0x52: {  	_ =	shalt  }
0x53: {  	_ =	shalt  }
0x54: {  	_ =	shalt  }
0x55: {  	_ =	shalt  }
0x56: {  	_ =	shalt  }
0x57: {  	_ =	shalt  }
0x58: {  	_ =	shalt  }
0x59: {  	_ =	shalt  }
0x5a: {  	_ =	shalt  }
0x5b: {  	_ =	shalt  }
0x5c: {  	_ =	shalt  }
0x5d: {  	_ =	shalt  }
0x5e: {  	_ =	shalt  }
0x5f: {  	_ =	shalt  }
0x60: {  	_ =	shalt  }
0x61: {  	_ =	shalt  }
0x62: {  	_ =	shalt  }
0x63: {  	_ =	shalt  }
0x64: {  	_ =	shalt  }
0x65: {  	_ =	shalt  }
0x66: {  	_ =	shalt  }
0x67: {  	_ =	shalt  }
0x68: {  	_ =	shalt  }
0x69: {  	_ =	shalt  }
0x6a: {  	_ =	shalt  }
0x6b: {  	_ =	shalt  }
0x6c: {  	_ =	shalt  }
0x6d: {  	_ =	shalt  }
0x6e: {  	_ =	shalt  }
0x6f: {  	_ =	shalt  }
0x70: {  	_ =	shalt  }
0x71: {  	_ =	shalt  }
0x72: {  	_ =	shalt  }
0x73: {  	_ =	shalt  }
0x74: {  	_ =	shalt  }
0x75: {  	_ =	shalt  }
0x76: {  	_ =	shalt  }
0x77: {  	_ =	shalt  }
0x78: {  	_ =	shalt  }
0x79: {  	_ =	shalt  }
0x7a: {  	_ =	shalt  }
0x7b: {  	_ =	shalt  }
0x7c: {  	_ =	shalt  }
0x7d: {  	_ =	shalt  }
0x7e: {  	_ =	shalt  }
0x7f: {  	_ =	shalt  }
0x80: {  	_ =	shalt  }
0x81: {  	_ =	shalt  }
0x82: {  	_ =	shalt  }
0x83: {  	_ =	shalt  }
0x84: {  	_ =	shalt  }
0x85: {  	_ =	shalt  }
0x86: {  	_ =	shalt  }
0x87: {  	_ =	shalt  }
.Lfunc_end0:
.L_simem_size_0:
called_computation_lowered:
.L_overlay_start_0:
0x88: {  	s2 =	sld [smem:$0x3FD9]  }
0x89: {  	s3 =	sld [smem:$0x3FFE];
	_ =	sdelay $0x1  }
0x8a: {  	s1 =	srdreg.scid  }
0x8b: {  	s0 =	sand.u32 $0x1, s1  }
0x8c: {  	s14 =	sshll.u32 s0, $0xA;
	s2 =	sadd.s32 s3, s2  }
0x8d: {  	s2 =	sadd.s32 s2, s14  }
0x8e: {  	[smem:$0x3FBE] =	sst s2  }
0x8f: {  	_ = 	snop  }
0x90: {  	s2 =	sld [smem:$0x3FD0];
	_ =	sdelay $0x2  }
0x91: {  	s15 =	simm.s32 $0xB;
	s4 =	simm.s32 $0x10  }
0x92: {  	[smem:s4], [sflag:s15] =	dma.local [hbm:s2], $0x1  }
0x93: {  	_ =	swait.eq [sflag:s15], $0x1  }
0x94: {  	s16 =	sld [smem:$0x10];
	[sflag:s15] =	ssyncset.done $0x0  }
0x95: {  	s17 =	sld [smem:$0x11];
	[sflag:s15] =	ssyncadd.s32 $0xFFFFFFFF  }
0x96: {  	s18 =	sld [smem:$0x12];
	(tm) =	ssettm $0x1  }
0x97: {  	s5 =	sld [smem:$0x3FFB];
	_ =	sdelay $0x3  }
0x98: {  	_ =	strace s5  }
0x99: {  	s5 =	sld [smem:$0x3FFC];
	_ =	sdelay $0x3  }
0x9a: {  	_ =	strace s5  }
0x9b: {  	s5 =	sld [smem:$0x3FFD];
	_ =	sdelay $0x3  }
0x9c: {  	_ =	strace s5  }
0x9d: {  	_ =	strace $0x8FFFFFFF  }
0x9e: {  	s19 =	sld [smem:$0x3FDB];
	_ =	sdelay $0x1  }
0x9f: {  	s6 =	simm.s32 $_scs_section_size  }
0xa0: {  	s7 =	simm.s32 $_size__tile_overlayer_lowered;
	s8 =	simm.s32 $_tile_overlayer_lowered  }
0xa1: {  	s22 =	simm.s32 $0x1BFF;
	s21 =	sshll.u32 s8, $0x1;
	s5 =	sadd.s32 s6, s19  }
0xa2: {  	s9 =	simm.s32 $0x0;
	s20 =	sshll.u32 s7, $0x1;
	s7 =	sadd.s32 s21, s5  }
0xa3: {  	[timem:s9], [sflag:s22] =	dma.local [hbm:s7], s20  }
0xa4: {  	_ =	swait.ge [sflag:s22], s20  }
0xa5: {  	s6 =	ssub.s32 $0x0, s20;
	[sflag:s22] =	ssyncset.done $0x0  }
0xa6: {  	[sflag:s22] =	ssyncadd.s32 s6;
	_ =	sdelay $0x1  }
0xa7: {  	s23 =	simm.s32 $0x1B8B  }
0xa8: {  	_ =	swait.ge [sflag:s23], $0x1  }
0xa9: {  	[sflag:s23] =	ssyncset.done $0x0  }
0xaa: {  	s25 =	simm.s32 $0x1B8E;
	s24 =	sld [smem:$0x3FFE];
	[sflag:s23] =	ssyncadd.s32 $0xFFFFFFFF  }
0xab: {  	s26 =	simm.s32 $execute0_lowered;
	[smem:$0x3FD2] =	sst s25  }
0xac: {  	s7 =	sshll.u32 s26, $0x1;
	_ =	strace $0x80000046;
	[dreg:$0x1] =	wrdreg $0xFFFFFFFF  }
0xad: {  	s28 =	simm.s32 $_size_execute0_lowered;
	s5 =	sadd.s32 s5, s7;
	[dreg:$0x0] =	wrdreg $0x0  }
0xae: {  	s7 =	sshll.u32 s28, $0x1;
	[dreg:$0x2] =	wrdreg s5  }
0xaf: {  	[dreg:$0x3] =	wrdreg s7  }
0xb0: {  	[dreg:$0x4] =	wrdreg $0xC0  }
0xb1: {  	_ =	task [dreg:s9], $0x5FFFF  }
0xb2: {  	[dreg:$0x1] =	wrdreg $0xFFFFFFFF  }
0xb3: {  	[dreg:$0x0] =	wrdreg $0x60  }
0xb4: {  	[dreg:$0x2] =	wrdreg s24  }
0xb5: {  	[dreg:$0x3] =	wrdreg s17  }
0xb6: {  	[dreg:$0x4] =	wrdreg s16  }
0xb7: {  	[dreg:$0x5] =	wrdreg s18  }
0xb8: {  	[dreg:$0x6] =	wrdreg $0x40000  }
0xb9: {  	[dreg:$0x7] =	wrdreg $0x9  }
0xba: {  	_ =	task.clear_ibuf [dreg:s9], $0x8FFFF;
	_ =	strace $0x90000046  }
0xbb: {  	s29 =	simm.s32 $0x9;
	_ =	strace $0x80000048  }
0xbc: {  	_ =	swait.ge [sflag:s29], $0x1  }
0xbd: {  	[sflag:s29] =	ssyncadd.s32 $0xFFFFFFFF  }
0xbe: {  	_ =	strace $0x90000048  }
0xbf: {  	_ =	sfence  }
0xc0: {  	s30 =	sld [smem:$0x0];
	_ =	sdelay $0x2  }
0xc1: {  	s31 =	sshll.u32 s1, $0xD;
	s1 =	sshrl.u32 s1, $0x2  }
0xc2: {  	s3 =	sand.u32 $0x4000, s31;
	s1 =	sadd.s32 s1, s30  }
0xc3: {  	s0 =	sor.u32 s3, s0;
	s1 =	sshll.u32 s1, $0x11  }
0xc4: {  	s0 =	sor.u32 s1, s0  }
0xc5: {  	s0 =	sadd.s32 $0x8F2B, s0  }
0xc6: {  	[sflag:s0] =	ssyncadd.remote.s32 $0x1  }
0xc7: {  	_ =	sfence.sel $0xFFFF  }
0xc8: {  	[dreg:$0x0] =	wrdreg $0xFFFFFFFF;
	(pc) =	sbr.abs _section_cstart, $3  }
0xc9: {  	[dreg:$0x1] =	wrdreg $0xFFFFFFFF  }
0xca: {  	_ =	task.clear_ibuf [dreg:s9], $0x2FFFF;
	_ =	strace $0x9FFFFFFF  }
0xcb: {  	(tm) =	ssettm $0x7FFFFFFF  }
tec
execute0_lowered:
.L_overlay_start_1:
0x0: {  	(tag) =	ssettag $0x1  }
0x1: {  	s6 =	rddreg [dreg:$0x0]  }
0x2: {  	s1 =	rddreg [dreg:$0x1]  }
0x3: {  	s2 =	rddreg [dreg:$0x2]  }
0x4: {  	s9 =	rddreg [dreg:$0x3]  }
0x5: {  	s4 =	rddreg [dreg:$0x4]  }
0x6: {  	s0 =	rddreg [dreg:$0x5];
	s7 =	srdreg.scid  }
0x7: {  	s3 =	stileid.u32;
	s5 =	simm.s32 $0x0;
	s14 =	simm.s32 $0x80  }
0x8: {  	s15 =	simm.s32 $0x1;
	s16 =	simm.s32 $0x0;
	s28 =	smul.u32 $0xA00, s3  }
0x9: {  	s8 =	sand.u32 $0x1, s7;
	[smem:$0x7FF] =	sst s5;
	s12 =	smul.u32 $0x2800, s3  }
0xa: {  	s30 =	sshll.u32 s3, $0x6;
	s10 =	smul.u32 $0x700, s8;
	_ =	strace $0x80000047  }
0xb: {  	s11 =	ssub.s32 $0x2, s8;
	s13 =	smul.u32 $0x28000, s8;
	s8 =	sshll.u32 s8, $0x3  }
0xc: {  	s29 =	sshrl.u32 s11, $0x1;
	s31 =	sadd.s32 s12, s4;
	s8 =	sxor.u32 $0xE, s8  }
0xd: {  	s7 =	sadd.s32 s10, s28;
	s10 =	ssub.s32 s11, s29;
	s12 =	sadd.s32 s12, s13  }
0xe: {  	s11 =	sshrl.u32 s31, $0x3;
	s13 =	simm.s32 $0x3800;
	s7 =	sadd.s32 s7, s6  }
0xf: {  	s6 =	sor.u32 $0x1C02, s30;
	s12 =	sshrl.u32 s12, $0x3;
	s10 =	smax.u32 s10, $0x1  }
0x10: {  	s7 =	sadd.s32 $0x3000, s7;
	s9 =	sadd.s32 s9, s12;
	s12 =	simm.s32 $0x2  }
.LBB2_1:
0x11: {  	[spmem:s11], [sflag:s6] =	dma.local [hbm:s2], $0x500  }
0x12: {  	_ =	swait.ge [sflag:s12], $0x500  }
0x13: {  	[sflag:s12] =	ssyncset.done $0x0  }
0x14: {  	[sflag:s12] =	ssyncadd.s32 $0xFFFFFB00  }
0x15: {  	[tilespmem:s13], [sflag:$0x2] =	stream.linear.gather [hbm4b:s1+s5], $0x800, $0x38;
	[tilespmem:$0x6800] =	vst v63  }
0x16: {  	_ =	swait.ge [sflag:s12], $0x800  }
0x17: {  	[sflag:s12] =	ssyncset.done $0x0  }
0x18: {  	p1 =	sne.s32 s8, $0x1;
	[sflag:s12] =	ssyncadd.s32 $0xFFFFF800  }
0x19: {  	[tilespmem:s5], [sflag:$0x2] =	stream.linear.gather [hbm4b:s7+s5], $0x3800, $0x38;
	[tilespmem:$0x6800] =	vst v63  }
.Ltmp0:
0x1a: {  	_ =	swait.ge [sflag:s12], $0x3800;
	(pc) =	sbr.rel @!p1 .LBB2_4-.Ltmp0, $4  }
0x1b: {  	[sflag:s12] =	ssyncset.done $0x0  }
0x1c: {  	[sflag:s12] =	ssyncadd.s32 $0xFFFFC800  }
0x1d: {  	[bflag:$0x0] =	sbarrier.arrive $0xFFFF  }
0x1e: {  	s17 =	simm.s32 $0x380;
	s18 =	sadd.s32 $0xFFFFFFFF, s8;
	p0 =	por $0x0, $0x0  }
0x1f: {  	s19 =	simm.s32 $0x0  }
0x20: {  	[spmem:s4] =	stream.indirect.scatter.add.f32 [tilespmem:s13], [sflag:$0x1], $0x10, s19, s14, $0xb8;
	[tilespmem:$0x6800] =	vst v63  }
0x21: {  	s25 =	simm.s32 $0x80  }
0x22: {  	[spmem:s4] =	stream.indirect.scatter.add.f32 [tilespmem:s13], [sflag:$0x1], $0x10, s25, s14, $0xb8;
	[tilespmem:$0x6800] =	vst v63  }
0x23: {  	s26 =	simm.s32 $0x100  }
0x24: {  	[spmem:s4] =	stream.indirect.scatter.add.f32 [tilespmem:s13], [sflag:$0x1], $0x10, s26, s14, $0xb8;
	[tilespmem:$0x6800] =	vst v63  }
0x25: {  	s28 =	simm.s32 $0x180  }
0x26: {  	[spmem:s4] =	stream.indirect.scatter.add.f32 [tilespmem:s13], [sflag:$0x1], $0x10, s28, s14, $0xb8;
	[tilespmem:$0x6800] =	vst v63  }
0x27: {  	s29 =	simm.s32 $0x200  }
0x28: {  	[spmem:s4] =	stream.indirect.scatter.add.f32 [tilespmem:s13], [sflag:$0x1], $0x10, s29, s14, $0xb8;
	[tilespmem:$0x6800] =	vst v63  }
0x29: {  	s30 =	simm.s32 $0x280  }
0x2a: {  	[spmem:s4] =	stream.indirect.scatter.add.f32 [tilespmem:s13], [sflag:$0x1], $0x10, s30, s14, $0xb8;
	[tilespmem:$0x6800] =	vst v63  }
0x2b: {  	s31 =	simm.s32 $0x300  }
0x2c: {  	[spmem:s4] =	stream.indirect.scatter.add.f32 [tilespmem:s13], [sflag:$0x1], $0x10, s31, s14, $0xb8;
	[tilespmem:$0x6800] =	vst v63  }
0x2d: {  	_ = 	snop  }
0x2e: {  	[spmem:s4] =	stream.indirect.scatter.add.f32 [tilespmem:s13], [sflag:$0x1], $0x10, s17, s14, $0xb8;
	[tilespmem:$0x6800] =	vst v63  }
0x2f: {  	_ =	swait.ge [sflag:s15], $0x800  }
0x30: {  	[sflag:s15] =	ssyncset.done $0x0  }
0x31: {  	[sflag:s15] =	ssyncadd.s32 $0xFFFFF800  }
0x32: {  	_ =	swait.ge [sflag:s15], $0x800  }
0x33: {  	[sflag:s15] =	ssyncset.done $0x0  }
0x34: {  	[sflag:s15] =	ssyncadd.s32 $0xFFFFF800  }
0x35: {  	_ =	swait.ge [sflag:s15], $0x800  }
0x36: {  	[sflag:s15] =	ssyncset.done $0x0  }
0x37: {  	[sflag:s15] =	ssyncadd.s32 $0xFFFFF800  }
0x38: {  	_ =	swait.ge [sflag:s15], $0x800  }
0x39: {  	[sflag:s15] =	ssyncset.done $0x0  }
0x3a: {  	[sflag:s15] =	ssyncadd.s32 $0xFFFFF800  }
0x3b: {  	_ =	swait.ge [sflag:s15], $0x800  }
0x3c: {  	[sflag:s15] =	ssyncset.done $0x0  }
0x3d: {  	[sflag:s15] =	ssyncadd.s32 $0xFFFFF800  }
0x3e: {  	_ =	swait.ge [sflag:s15], $0x800  }
0x3f: {  	[sflag:s15] =	ssyncset.done $0x0  }
0x40: {  	p1 =	sne.s32 s18, $0x1;
	[sflag:s15] =	ssyncadd.s32 $0xFFFFF800  }
.Ltmp1:
0x41: {  	_ =	swait.ge [sflag:s15], $0x800;
	(pc) =	sbr.rel @!p1 .LBB2_4-.Ltmp1, $4  }
0x42: {  	[sflag:s15] =	ssyncset.done $0x0  }
0x43: {  	[sflag:s15] =	ssyncadd.s32 $0xFFFFF800  }
0x44: {  	s18 =	sadd.s32 $0xFFFFFFFF, s18;
	_ =	swait.ge [sflag:s15], $0x800  }
0x45: {  	p0 =	por $0x1, $0x1;
	s17 =	simm.s32 $0x780;
	[sflag:s15] =	ssyncset.done $0x0  }
.LBB2_3:
0x46: {  	p1 =	sne.s32 s18, $0x1;
	s19 =	sadd.s32 $0xFFFFFC80, s17;
	[sflag:s15] =	ssyncadd.s32 $0xFFFFF800  }
0x47: {  	[spmem:s4] =	stream.indirect.scatter.add.f32 [tilespmem:s13], [sflag:$0x1], $0x10, s19, s14, $0xb8;
	[tilespmem:$0x6800] =	vst v63  }
0x48: {  	s18 =	sadd.s32 $0xFFFFFFFF, s18;
	s19 =	sadd.s32 $0xFFFFFD00, s17  }
0x49: {  	[spmem:s4] =	stream.indirect.scatter.add.f32 [tilespmem:s13], [sflag:$0x1], $0x10, s19, s14, $0xb8;
	[tilespmem:$0x6800] =	vst v63  }
0x4a: {  	s19 =	sadd.s32 $0xFFFFFD80, s17  }
0x4b: {  	[spmem:s4] =	stream.indirect.scatter.add.f32 [tilespmem:s13], [sflag:$0x1], $0x10, s19, s14, $0xb8;
	[tilespmem:$0x6800] =	vst v63  }
0x4c: {  	s19 =	sadd.s32 $0xFFFFFE00, s17  }
0x4d: {  	[spmem:s4] =	stream.indirect.scatter.add.f32 [tilespmem:s13], [sflag:$0x1], $0x10, s19, s14, $0xb8;
	[tilespmem:$0x6800] =	vst v63  }
0x4e: {  	s19 =	sadd.s32 $0xFFFFFE80, s17  }
0x4f: {  	[spmem:s4] =	stream.indirect.scatter.add.f32 [tilespmem:s13], [sflag:$0x1], $0x10, s19, s14, $0xb8;
	[tilespmem:$0x6800] =	vst v63  }
0x50: {  	s19 =	sadd.s32 $0xFFFFFF00, s17  }
0x51: {  	[spmem:s4] =	stream.indirect.scatter.add.f32 [tilespmem:s13], [sflag:$0x1], $0x10, s19, s14, $0xb8;
	[tilespmem:$0x6800] =	vst v63  }
0x52: {  	s19 =	sadd.s32 $0xFFFFFF80, s17  }
0x53: {  	[spmem:s4] =	stream.indirect.scatter.add.f32 [tilespmem:s13], [sflag:$0x1], $0x10, s19, s14, $0xb8;
	[tilespmem:$0x6800] =	vst v63  }
0x54: {  	_ = 	snop  }
0x55: {  	[spmem:s4] =	stream.indirect.scatter.add.f32 [tilespmem:s13], [sflag:$0x1], $0x10, s17, s14, $0xb8;
	[tilespmem:$0x6800] =	vst v63  }
0x56: {  	_ =	swait.ge [sflag:s15], $0x800  }
0x57: {  	[sflag:s15] =	ssyncset.done $0x0  }
0x58: {  	[sflag:s15] =	ssyncadd.s32 $0xFFFFF800  }
0x59: {  	_ =	swait.ge [sflag:s15], $0x800  }
0x5a: {  	[sflag:s15] =	ssyncset.done $0x0  }
0x5b: {  	[sflag:s15] =	ssyncadd.s32 $0xFFFFF800  }
0x5c: {  	_ =	swait.ge [sflag:s15], $0x800  }
0x5d: {  	[sflag:s15] =	ssyncset.done $0x0  }
0x5e: {  	[sflag:s15] =	ssyncadd.s32 $0xFFFFF800  }
0x5f: {  	_ =	swait.ge [sflag:s15], $0x800  }
0x60: {  	[sflag:s15] =	ssyncset.done $0x0  }
0x61: {  	[sflag:s15] =	ssyncadd.s32 $0xFFFFF800  }
0x62: {  	_ =	swait.ge [sflag:s15], $0x800  }
0x63: {  	[sflag:s15] =	ssyncset.done $0x0  }
0x64: {  	[sflag:s15] =	ssyncadd.s32 $0xFFFFF800  }
0x65: {  	_ =	swait.ge [sflag:s15], $0x800  }
0x66: {  	[sflag:s15] =	ssyncset.done $0x0  }
0x67: {  	[sflag:s15] =	ssyncadd.s32 $0xFFFFF800  }
.Ltmp2:
0x68: {  	_ =	swait.ge [sflag:s15], $0x800;
	(pc) =	sbr.rel @p1 .LBB2_3-.Ltmp2, $4  }
0x69: {  	[sflag:s15] =	ssyncset.done $0x0  }
0x6a: {  	[sflag:s15] =	ssyncadd.s32 $0xFFFFF800  }
0x6b: {  	_ =	swait.ge [sflag:s15], $0x800  }
0x6c: {  	s17 =	sadd.s32 $0x400, s17;
	[sflag:s15] =	ssyncset.done $0x0  }
.LBB2_4:
0x6d: {  	s18 =	sadd.s32 $0xFFFFFC80, s17;
	[sflag:s15] =	ssyncadd.s32 @p0 $0xFFFFF800  }
0x6e: {  	[spmem:s4] =	stream.indirect.scatter.add.f32 [tilespmem:s13], [sflag:$0x1], $0x10, s18, s14, $0xb8;
	[tilespmem:$0x6800] =	vst v63  }
0x6f: {  	s25 =	sadd.s32 $0xFFFFFD00, s17  }
0x70: {  	[spmem:s4] =	stream.indirect.scatter.add.f32 [tilespmem:s13], [sflag:$0x1], $0x10, s25, s14, $0xb8;
	[tilespmem:$0x6800] =	vst v63  }
0x71: {  	s26 =	sadd.s32 $0xFFFFFD80, s17  }
0x72: {  	[spmem:s4] =	stream.indirect.scatter.add.f32 [tilespmem:s13], [sflag:$0x1], $0x10, s26, s14, $0xb8;
	[tilespmem:$0x6800] =	vst v63  }
0x73: {  	s28 =	sadd.s32 $0xFFFFFE00, s17  }
0x74: {  	[spmem:s4] =	stream.indirect.scatter.add.f32 [tilespmem:s13], [sflag:$0x1], $0x10, s28, s14, $0xb8;
	[tilespmem:$0x6800] =	vst v63  }
0x75: {  	s29 =	sadd.s32 $0xFFFFFE80, s17  }
0x76: {  	[spmem:s4] =	stream.indirect.scatter.add.f32 [tilespmem:s13], [sflag:$0x1], $0x10, s29, s14, $0xb8;
	[tilespmem:$0x6800] =	vst v63  }
0x77: {  	s30 =	sadd.s32 $0xFFFFFF00, s17  }
0x78: {  	[spmem:s4] =	stream.indirect.scatter.add.f32 [tilespmem:s13], [sflag:$0x1], $0x10, s30, s14, $0xb8;
	[tilespmem:$0x6800] =	vst v63  }
0x79: {  	s31 =	sadd.s32 $0xFFFFFF80, s17  }
0x7a: {  	[spmem:s4] =	stream.indirect.scatter.add.f32 [tilespmem:s13], [sflag:$0x1], $0x10, s31, s14, $0xb8;
	[tilespmem:$0x6800] =	vst v63  }
0x7b: {  	_ = 	snop  }
0x7c: {  	[spmem:s4] =	stream.indirect.scatter.add.f32 [tilespmem:s13], [sflag:$0x1], $0x10, s17, s14, $0xb8;
	[tilespmem:$0x6800] =	vst v63  }
0x7d: {  	_ =	swait.ge [sflag:s15], $0x800  }
0x7e: {  	[sflag:s15] =	ssyncset.done $0x0  }
0x7f: {  	[sflag:s15] =	ssyncadd.s32 $0xFFFFF800  }
0x80: {  	_ =	swait.ge [sflag:s15], $0x800  }
0x81: {  	[sflag:s15] =	ssyncset.done $0x0  }
0x82: {  	[sflag:s15] =	ssyncadd.s32 $0xFFFFF800  }
0x83: {  	_ =	swait.ge [sflag:s15], $0x800  }
0x84: {  	[sflag:s15] =	ssyncset.done $0x0  }
0x85: {  	[sflag:s15] =	ssyncadd.s32 $0xFFFFF800  }
0x86: {  	_ =	swait.ge [sflag:s15], $0x800  }
0x87: {  	[sflag:s15] =	ssyncset.done $0x0  }
0x88: {  	[sflag:s15] =	ssyncadd.s32 $0xFFFFF800  }
0x89: {  	_ =	swait.ge [sflag:s15], $0x800  }
0x8a: {  	[sflag:s15] =	ssyncset.done $0x0  }
0x8b: {  	[sflag:s15] =	ssyncadd.s32 $0xFFFFF800  }
0x8c: {  	_ =	swait.ge [sflag:s15], $0x800  }
0x8d: {  	[sflag:s15] =	ssyncset.done $0x0  }
0x8e: {  	[sflag:s15] =	ssyncadd.s32 $0xFFFFF800  }
0x8f: {  	_ =	swait.ge [sflag:s15], $0x800  }
0x90: {  	[sflag:s15] =	ssyncset.done $0x0  }
0x91: {  	[sflag:s15] =	ssyncadd.s32 $0xFFFFF800  }
0x92: {  	_ =	swait.ge [sflag:s15], $0x800  }
0x93: {  	s16 =	sadd.s32 $0x1, s16;
	[sflag:s15] =	ssyncset.done $0x0  }
0x94: {  	p0 =	sne.s32 s16, s10;
	[sflag:s15] =	ssyncadd.s32 $0xFFFFF800  }
.Ltmp3:
0x95: {  	[bflag:$0x0] =	sbarrier.arrive $0xFFFF;
	(pc) =	sbr.rel @p0 .LBB2_1-.Ltmp3, $4  }
0x96: {  	[hbm:s9], [sflag:s6] =	dma.local [spmem:s11], $0x500  }
0x97: {  	_ =	swait.ge [sflag:s12], $0x500  }
0x98: {  	[sflag:s12] =	ssyncset.done $0x0  }
0x99: {  	[sflag:s12] =	ssyncadd.s32 $0xFFFFFB00  }
0x9a: {  	_ =	sfence.sel $0x180000  }
0x9b: {  	[bflag:$0x0] =	sbarrier.arrive $0xFFFF  }
0x9c: {  	p0 =	sne.s32 s3, $0x0;
	_ =	strace $0x90000047  }
0x9d: {  	s0 =	sadd.s32 @!p0 $0x100000, s0;
	[bflag:$0x2] =	sbarrier.arrive $0xFFFF  }
0x9e: {  	[sflag:s0] =	ssyncadd.tile.s32 @!p0 $0x1;
	_ =	shalt  }
.Lfunc_end2:
_tile_overlayer_lowered:
.L_overlay_start_2:
0x9f: {  	(tag) =	ssettag $0x2  }
0xa0: {  	s0 =	rddreg [dreg:$0x0];
	s2 =	stileid.u32  }
0xa1: {  	s1 =	rddreg [dreg:$0x1];
	p0 =	sne.s32 s2, $0x0  }
0xa2: {  	s3 =	rddreg [dreg:$0x2];
	[bflag:$0x3] =	sbarrier.arrive $0xFFFF;
	s2 =	simm.s32 @!p0 $0x1C02  }
0xa3: {  	[timem:s3], [sflag:s2] =	dma.local @!p0 [hbm:s0], s1  }
0xa4: {  	s0 =	simm.s32 @!p0 $0x2  }
0xa5: {  	_ =	swait.ge @!p0 [sflag:s0], s1  }
0xa6: {  	s1 =	ssub.s32 @!p0 $0x0, s1;
	[sflag:s0] =	ssyncset.done @!p0 $0x0  }
0xa7: {  	[sflag:s0] =	ssyncadd.s32 @!p0 s1  }
0xa8: {  	[bflag:$0x3] =	sbarrier.arrive $0xFFFF  }
0xa9: {  	_ =	shalt  }

</sc_bundles>
